<compile_context>
chip_gen: v7x
topology: tpu7x:2x2x1
jax: 0.10.2.dev20260603
libtpu: 0.0.44.dev20260713+nightly
codegen_flags: <defaults>
</compile_context>

<pallas_src>
import functools

import jax
import jax.numpy as jnp
from jax import lax
from jax.experimental import pallas as pl
from jax.experimental.pallas import tpu as pltpu
from jax.experimental.pallas import tpu_sc as plsc

N_NODES = 10000
NODE_DIM = 128
N_EDGES = 320000
MAX_DEG = 512

NC = 2
NS = 16
NW = NC * NS

NPAD = 10240
CPT = NPAD // NS
ROWW = 100
NROWS = N_EDGES // ROWW
RPT = NROWS // NS
FIRE = 10

BLK = 80
NBLK = N_NODES // BLK
MAXB = (NBLK + NW - 1) // NW

_mesh = plsc.VectorSubcoreMesh(core_axis_name="c", subcore_axis_name="s")


@functools.partial(
    pl.kernel,
    out_type=(
        jax.ShapeDtypeStruct((NPAD,), jnp.int32),
        jax.ShapeDtypeStruct((NPAD,), jnp.int32),
    ),
    mesh=_mesh,
    scratch_types=[
        pltpu.VMEM((RPT, ROWW), jnp.int32),
        pltpu.VMEM((112,), jnp.int32),
        pltpu.VMEM((CPT,), jnp.int32),
        pltpu.VMEM_SHARED((NPAD,), jnp.int32),
        pltpu.SemaphoreType.DMA,
    ],
)
def _degrees(edge_hbm, dego_hbm, degi_hbm, idx_v, ones_v, buf_v, hist_sh, sem):
    c = lax.axis_index("c")
    s = lax.axis_index("s")
    for j in range(112 // 16):
        ones_v[pl.ds(j * 16, 16)] = jnp.full((16,), 1, jnp.int32)
    for j in range(CPT // 16):
        buf_v[pl.ds(j * 16, 16)] = jnp.zeros((16,), jnp.int32)
    pltpu.sync_copy(buf_v, hist_sh.at[pl.ds(s * CPT, CPT)])
    pltpu.sync_copy(edge_hbm.at[c, s], idx_v)
    plsc.subcore_barrier()

    def fire_drain(g, carry):
        hs = []
        for i in range(FIRE):
            j = g * FIRE + i
            hs.append(
                pltpu.async_copy(
                    ones_v.at[pl.ds(0, ROWW)],
                    hist_sh.at[idx_v.at[j]],
                    sem,
                    add=True,
                )
            )
        for h in hs:
            h.wait()
        return carry

    lax.fori_loop(0, RPT // FIRE, fire_drain, 0)
    plsc.subcore_barrier()

    pltpu.sync_copy(hist_sh.at[pl.ds(s * CPT, CPT)], buf_v)
    for j in range(CPT // 16):
        sl = pl.ds(j * 16, 16)
        buf_v[sl] = jnp.minimum(buf_v[sl], MAX_DEG - 1)

    @pl.when(c == 0)
    def _():
        pltpu.sync_copy(buf_v, dego_hbm.at[pl.ds(s * CPT, CPT)])

    @pl.when(c == 1)
    def _():
        pltpu.sync_copy(buf_v, degi_hbm.at[pl.ds(s * CPT, CPT)])


@functools.partial(
    pl.kernel,
    out_type=jax.ShapeDtypeStruct((N_NODES, NODE_DIM), jnp.float32),
    mesh=_mesh,
    scratch_types=[
        pltpu.VMEM((2, BLK), jnp.int32),
        pltpu.VMEM((2, BLK), jnp.int32),
        pltpu.VMEM((2, BLK, NODE_DIM), jnp.float32),
        pltpu.VMEM((2, BLK, NODE_DIM), jnp.float32),
        pltpu.VMEM((2, BLK, NODE_DIM), jnp.float32),
        pltpu.SemaphoreType.DMA,
        pltpu.SemaphoreType.DMA,
        pltpu.SemaphoreType.DMA,
        pltpu.SemaphoreType.DMA,
        pltpu.SemaphoreType.DMA,
        pltpu.SemaphoreType.DMA,
        pltpu.SemaphoreType.DMA,
        pltpu.SemaphoreType.DMA,
    ],
)
def _encode(x_hbm, dego_hbm, degi_hbm, zin_hbm, zout_hbm, out_hbm,
            degi_v, dego_v, acc_v, zi_v, zo_v,
            semd0, semd1, semx0, semx1, semg0, semg1, semw0, semw1):
    c = lax.axis_index("c")
    s = lax.axis_index("s")
    w = s * NC + c
    semd = (semd0, semd1)
    semx = (semx0, semx1)
    semg = (semg0, semg1)
    semw = (semw0, semw1)

    def issue_deg_x(k):
        p = k % 2
        b = k * NW + w

        @pl.when(b < NBLK)
        def _():
            base = b * BLK
            pltpu.async_copy(degi_hbm.at[pl.ds(base, BLK)], degi_v.at[p], semd[p])
            pltpu.async_copy(dego_hbm.at[pl.ds(base, BLK)], dego_v.at[p], semd[p])
            pltpu.async_copy(x_hbm.at[pl.ds(base, BLK), :], acc_v.at[p], semx[p])

    issue_deg_x(0)
    for k in range(MAXB):
        p = k % 2
        q = 1 - p
        b = k * NW + w

        @pl.when(b < NBLK)
        def _():
            base = b * BLK
            pltpu.make_async_copy(
                degi_hbm.at[pl.ds(base, BLK)], degi_v.at[p], semd[p]).wait()
            pltpu.make_async_copy(
                dego_hbm.at[pl.ds(base, BLK)], dego_v.at[p], semd[p]).wait()
            pltpu.async_copy(zin_hbm.at[degi_v.at[p]], zi_v.at[p], semg[p])
            pltpu.async_copy(zout_hbm.at[dego_v.at[p]], zo_v.at[p], semg[p])

        if k >= 1:
            bprev = (k - 1) * NW + w

            @pl.when(bprev < NBLK)
            def _():
                pltpu.make_async_copy(
                    acc_v.at[q], out_hbm.at[pl.ds(bprev * BLK, BLK), :],
                    semw[q]).wait()

        if k + 1 < MAXB:
            issue_deg_x(k + 1)

        @pl.when(b < NBLK)
        def _():
            base = b * BLK
            pltpu.make_async_copy(
                x_hbm.at[pl.ds(base, BLK), :], acc_v.at[p], semx[p]).wait()
            pltpu.make_async_copy(
                zin_hbm.at[degi_v.at[p]], zi_v.at[p], semg[p]).wait()
            pltpu.make_async_copy(
                zout_hbm.at[dego_v.at[p]], zo_v.at[p], semg[p]).wait()

            def row_add(r, carry):
                for jj in range(NODE_DIM // 16):
                    sl = pl.ds(jj * 16, 16)
                    acc_v[p, r, sl] = acc_v[p, r, sl] + zi_v[p, r, sl] + zo_v[p, r, sl]
                return carry

            lax.fori_loop(0, BLK, row_add, 0)
            pltpu.async_copy(acc_v.at[p], out_hbm.at[pl.ds(base, BLK), :], semw[p])

    blast = (MAXB - 1) * NW + w
    plast = (MAXB - 1) % 2

    @pl.when(blast < NBLK)
    def _():
        pltpu.make_async_copy(
            acc_v.at[plast], out_hbm.at[pl.ds(blast * BLK, BLK), :],
            semw[plast]).wait()


def kernel(x, edge_index, z_in, z_out):
    ei = edge_index.astype(jnp.int32).reshape(2, NS, RPT, ROWW)
    dego, degi = _degrees(ei)
    return _encode(x, dego, degi, z_in, z_out)

# --- scband reference (transcript-rebuilt; emitter-appended) ---
"""Pipeline reference for scband-centrality-encoding-24464133718313 (READ-ONLY COPY).

The authoritative reference and input builder live on the scoring server;
editing this copy changes nothing except your own understanding.
"""

import jax, jax.numpy as jnp
import numpy as np

MAX_IN_DEGREE = 512
MAX_OUT_DEGREE = 512
NODE_DIM = 128
N_NODES = 10000
N_EDGES = 320000


def setup_inputs(seed: int = 0) -> dict:
    key = jax.random.key(seed)
    k1, k2, k3, k4 = jax.random.split(key, 4)
    x = jax.random.normal(k1, (N_NODES, NODE_DIM), dtype=jnp.float32)
    edge_index = jax.random.randint(k2, (2, N_EDGES), 0, N_NODES, dtype=jnp.int64)
    z_in = jax.random.normal(k3, (MAX_IN_DEGREE, NODE_DIM), dtype=jnp.float32)
    z_out = jax.random.normal(k4, (MAX_OUT_DEGREE, NODE_DIM), dtype=jnp.float32)
    return {"x": x, "edge_index": edge_index, "z_in": z_in, "z_out": z_out}


def reference(x, edge_index, z_in, z_out):
    num_nodes = x.shape[0]
    # degree(index, num_nodes): scatter-add of ones (bincount)
    in_degree = jnp.bincount(edge_index[1], length=num_nodes).astype(jnp.int32)
    out_degree = jnp.bincount(edge_index[0], length=num_nodes).astype(jnp.int32)
    # decrease_to_max_value: clamp to max_degree - 1
    in_degree = jnp.minimum(in_degree, MAX_IN_DEGREE - 1)
    out_degree = jnp.minimum(out_degree, MAX_OUT_DEGREE - 1)
    # embedding gathers + add
    out = x + jnp.take(z_in, in_degree, axis=0) + jnp.take(z_out, out_degree, axis=0)
    return out

if __name__ == "__main__":
    import jax
    _d = setup_inputs()
    print(jax.jit(kernel)(*tuple(_d.values())))

</pallas_src>

<mosaic_0001>
#map = affine_map<(d0, d1) -> (0, 0, 0, 0)>
#map1 = affine_map<(d0, d1) -> (0)>
module attributes {stable_mosaic.version = 14 : i64} {
  func.func @_degrees(%arg0: i32, %arg1: i32, %arg2: memref<2x16x200x100xi32, #tpu.memory_space<hbm>>, %arg3: memref<10240xi32, #tpu.memory_space<hbm>>, %arg4: memref<10240xi32, #tpu.memory_space<hbm>>, %arg5: memref<200x100xi32, #tpu.memory_space<vmem>>, %arg6: memref<112xi32, #tpu.memory_space<vmem>>, %arg7: memref<640xi32, #tpu.memory_space<vmem>>, %arg8: memref<10240xi32, #tpu.memory_space<vmem_shared>>, %arg9: memref<!tpu.dma_semaphore, #tpu.memory_space<semaphore_mem>>) attributes {dimension_semantics = [#tpu.dimension_semantics<core_parallel>, #tpu.dimension_semantics<subcore_parallel>], iteration_bounds = array<i64: 2, 16>, scalar_prefetch = 0 : i64, scratch_operands = 5 : i64, tpu.core_type = #tpu.core_type<sc_vector_subcore>, window_params = [{transform_indices = #map}, {transform_indices = #map1}, {transform_indices = #map1}]} {
    %broadcast_in_dim3A = arith.constant 1 : i32
    %broadcast_in_dim3A_0 = vector.broadcast %broadcast_in_dim3A : i32 to vector<16xi32>
    %swap3A = arith.constant 0 : index
    %swap3A_1 = tpu.vector_load %arg6[%swap3A] {strides = array<i32>} : memref<112xi32, #tpu.memory_space<vmem>>, vector<16xi32>,
    %swap3A_2 = vector.shape_cast %swap3A_1 : vector<16xi32> to vector<16xi32>
    %swap3A_3 = vector.shape_cast %broadcast_in_dim3A_0 : vector<16xi32> to vector<16xi32>
    tpu.vector_store %arg6[%swap3A], %swap3A_3 {strides = array<i32>} : memref<112xi32, #tpu.memory_space<vmem>>, vector<16xi32>,
    %broadcast_in_dim3A_4 = arith.constant 1 : i32
    %broadcast_in_dim3A_5 = vector.broadcast %broadcast_in_dim3A_4 : i32 to vector<16xi32>
    %swap3A_6 = arith.constant 16 : index
    %swap3A_7 = tpu.vector_load %arg6[%swap3A_6] {strides = array<i32>} : memref<112xi32, #tpu.memory_space<vmem>>, vector<16xi32>,
    %swap3A_8 = vector.shape_cast %swap3A_7 : vector<16xi32> to vector<16xi32>
    %swap3A_9 = vector.shape_cast %broadcast_in_dim3A_5 : vector<16xi32> to vector<16xi32>
    tpu.vector_store %arg6[%swap3A_6], %swap3A_9 {strides = array<i32>} : memref<112xi32, #tpu.memory_space<vmem>>, vector<16xi32>,
    %broadcast_in_dim3A_10 = arith.constant 1 : i32
    %broadcast_in_dim3A_11 = vector.broadcast %broadcast_in_dim3A_10 : i32 to vector<16xi32>
    %swap3A_12 = arith.constant 32 : index
    %swap3A_13 = tpu.vector_load %arg6[%swap3A_12] {strides = array<i32>} : memref<112xi32, #tpu.memory_space<vmem>>, vector<16xi32>,
    %swap3A_14 = vector.shape_cast %swap3A_13 : vector<16xi32> to vector<16xi32>
    %swap3A_15 = vector.shape_cast %broadcast_in_dim3A_11 : vector<16xi32> to vector<16xi32>
    tpu.vector_store %arg6[%swap3A_12], %swap3A_15 {strides = array<i32>} : memref<112xi32, #tpu.memory_space<vmem>>, vector<16xi32>,
    %broadcast_in_dim3A_16 = arith.constant 1 : i32
    %broadcast_in_dim3A_17 = vector.broadcast %broadcast_in_dim3A_16 : i32 to vector<16xi32>
    %swap3A_18 = arith.constant 48 : index
    %swap3A_19 = tpu.vector_load %arg6[%swap3A_18] {strides = array<i32>} : memref<112xi32, #tpu.memory_space<vmem>>, vector<16xi32>,
    %swap3A_20 = vector.shape_cast %swap3A_19 : vector<16xi32> to vector<16xi32>
    %swap3A_21 = vector.shape_cast %broadcast_in_dim3A_17 : vector<16xi32> to vector<16xi32>
    tpu.vector_store %arg6[%swap3A_18], %swap3A_21 {strides = array<i32>} : memref<112xi32, #tpu.memory_space<vmem>>, vector<16xi32>,
    %broadcast_in_dim3A_22 = arith.constant 1 : i32
    %broadcast_in_dim3A_23 = vector.broadcast %broadcast_in_dim3A_22 : i32 to vector<16xi32>
    %swap3A_24 = arith.constant 64 : index
    %swap3A_25 = tpu.vector_load %arg6[%swap3A_24] {strides = array<i32>} : memref<112xi32, #tpu.memory_space<vmem>>, vector<16xi32>,
    %swap3A_26 = vector.shape_cast %swap3A_25 : vector<16xi32> to vector<16xi32>
    %swap3A_27 = vector.shape_cast %broadcast_in_dim3A_23 : vector<16xi32> to vector<16xi32>
    tpu.vector_store %arg6[%swap3A_24], %swap3A_27 {strides = array<i32>} : memref<112xi32, #tpu.memory_space<vmem>>, vector<16xi32>,
    %broadcast_in_dim3A_28 = arith.constant 1 : i32
    %broadcast_in_dim3A_29 = vector.broadcast %broadcast_in_dim3A_28 : i32 to vector<16xi32>
    %swap3A_30 = arith.constant 80 : index
    %swap3A_31 = tpu.vector_load %arg6[%swap3A_30] {strides = array<i32>} : memref<112xi32, #tpu.memory_space<vmem>>, vector<16xi32>,
    %swap3A_32 = vector.shape_cast %swap3A_31 : vector<16xi32> to vector<16xi32>
    %swap3A_33 = vector.shape_cast %broadcast_in_dim3A_29 : vector<16xi32> to vector<16xi32>
    tpu.vector_store %arg6[%swap3A_30], %swap3A_33 {strides = array<i32>} : memref<112xi32, #tpu.memory_space<vmem>>, vector<16xi32>,
    %broadcast_in_dim3A_34 = arith.constant 1 : i32
    %broadcast_in_dim3A_35 = vector.broadcast %broadcast_in_dim3A_34 : i32 to vector<16xi32>
    %swap3A_36 = arith.constant 96 : index
    %swap3A_37 = tpu.vector_load %arg6[%swap3A_36] {strides = array<i32>} : memref<112xi32, #tpu.memory_space<vmem>>, vector<16xi32>,
    %swap3A_38 = vector.shape_cast %swap3A_37 : vector<16xi32> to vector<16xi32>
    %swap3A_39 = vector.shape_cast %broadcast_in_dim3A_35 : vector<16xi32> to vector<16xi32>
    tpu.vector_store %arg6[%swap3A_36], %swap3A_39 {strides = array<i32>} : memref<112xi32, #tpu.memory_space<vmem>>, vector<16xi32>,
    %broadcast_in_dim3A_40 = arith.constant 0 : i32
    %broadcast_in_dim3A_41 = vector.broadcast %broadcast_in_dim3A_40 : i32 to vector<16xi32>
    %swap3A_42 = arith.constant 0 : index
    %swap3A_43 = tpu.vector_load %arg7[%swap3A_42] {strides = array<i32>} : memref<640xi32, #tpu.memory_space<vmem>>, vector<16xi32>,
    %swap3A_44 = vector.shape_cast %swap3A_43 : vector<16xi32> to vector<16xi32>
    %swap3A_45 = vector.shape_cast %broadcast_in_dim3A_41 : vector<16xi32> to vector<16xi32>
    tpu.vector_store %arg7[%swap3A_42], %swap3A_45 {strides = array<i32>} : memref<640xi32, #tpu.memory_space<vmem>>, vector<16xi32>,
    %broadcast_in_dim3A_46 = arith.constant 0 : i32
    %broadcast_in_dim3A_47 = vector.broadcast %broadcast_in_dim3A_46 : i32 to vector<16xi32>
    %swap3A_48 = arith.constant 16 : index
    %swap3A_49 = tpu.vector_load %arg7[%swap3A_48] {strides = array<i32>} : memref<640xi32, #tpu.memory_space<vmem>>, vector<16xi32>,
    %swap3A_50 = vector.shape_cast %swap3A_49 : vector<16xi32> to vector<16xi32>
    %swap3A_51 = vector.shape_cast %broadcast_in_dim3A_47 : vector<16xi32> to vector<16xi32>
    tpu.vector_store %arg7[%swap3A_48], %swap3A_51 {strides = array<i32>} : memref<640xi32, #tpu.memory_space<vmem>>, vector<16xi32>,
    %broadcast_in_dim3A_52 = arith.constant 0 : i32
    %broadcast_in_dim3A_53 = vector.broadcast %broadcast_in_dim3A_52 : i32 to vector<16xi32>
    %swap3A_54 = arith.constant 32 : index
    %swap3A_55 = tpu.vector_load %arg7[%swap3A_54] {strides = array<i32>} : memref<640xi32, #tpu.memory_space<vmem>>, vector<16xi32>,
    %swap3A_56 = vector.shape_cast %swap3A_55 : vector<16xi32> to vector<16xi32>
    %swap3A_57 = vector.shape_cast %broadcast_in_dim3A_53 : vector<16xi32> to vector<16xi32>
    tpu.vector_store %arg7[%swap3A_54], %swap3A_57 {strides = array<i32>} : memref<640xi32, #tpu.memory_space<vmem>>, vector<16xi32>,
    %broadcast_in_dim3A_58 = arith.constant 0 : i32
    %broadcast_in_dim3A_59 = vector.broadcast %broadcast_in_dim3A_58 : i32 to vector<16xi32>
    %swap3A_60 = arith.constant 48 : index
    %swap3A_61 = tpu.vector_load %arg7[%swap3A_60] {strides = array<i32>} : memref<640xi32, #tpu.memory_space<vmem>>, vector<16xi32>,
    %swap3A_62 = vector.shape_cast %swap3A_61 : vector<16xi32> to vector<16xi32>
    %swap3A_63 = vector.shape_cast %broadcast_in_dim3A_59 : vector<16xi32> to vector<16xi32>
    tpu.vector_store %arg7[%swap3A_60], %swap3A_63 {strides = array<i32>} : memref<640xi32, #tpu.memory_space<vmem>>, vector<16xi32>,
    %broadcast_in_dim3A_64 = arith.constant 0 : i32
    %broadcast_in_dim3A_65 = vector.broadcast %broadcast_in_dim3A_64 : i32 to vector<16xi32>
    %swap3A_66 = arith.constant 64 : index
    %swap3A_67 = tpu.vector_load %arg7[%swap3A_66] {strides = array<i32>} : memref<640xi32, #tpu.memory_space<vmem>>, vector<16xi32>,
    %swap3A_68 = vector.shape_cast %swap3A_67 : vector<16xi32> to vector<16xi32>
    %swap3A_69 = vector.shape_cast %broadcast_in_dim3A_65 : vector<16xi32> to vector<16xi32>
    tpu.vector_store %arg7[%swap3A_66], %swap3A_69 {strides = array<i32>} : memref<640xi32, #tpu.memory_space<vmem>>, vector<16xi32>,
    %broadcast_in_dim3A_70 = arith.constant 0 : i32
    %broadcast_in_dim3A_71 = vector.broadcast %broadcast_in_dim3A_70 : i32 to vector<16xi32>
    %swap3A_72 = arith.constant 80 : index
    %swap3A_73 = tpu.vector_load %arg7[%swap3A_72] {strides = array<i32>} : memref<640xi32, #tpu.memory_space<vmem>>, vector<16xi32>,
    %swap3A_74 = vector.shape_cast %swap3A_73 : vector<16xi32> to vector<16xi32>
    %swap3A_75 = vector.shape_cast %broadcast_in_dim3A_71 : vector<16xi32> to vector<16xi32>
    tpu.vector_store %arg7[%swap3A_72], %swap3A_75 {strides = array<i32>} : memref<640xi32, #tpu.memory_space<vmem>>, vector<16xi32>,
    %broadcast_in_dim3A_76 = arith.constant 0 : i32
    %broadcast_in_dim3A_77 = vector.broadcast %broadcast_in_dim3A_76 : i32 to vector<16xi32>
    %swap3A_78 = arith.constant 96 : index
    %swap3A_79 = tpu.vector_load %arg7[%swap3A_78] {strides = array<i32>} : memref<640xi32, #tpu.memory_space<vmem>>, vector<16xi32>,
    %swap3A_80 = vector.shape_cast %swap3A_79 : vector<16xi32> to vector<16xi32>
    %swap3A_81 = vector.shape_cast %broadcast_in_dim3A_77 : vector<16xi32> to vector<16xi32>
    tpu.vector_store %arg7[%swap3A_78], %swap3A_81 {strides = array<i32>} : memref<640xi32, #tpu.memory_space<vmem>>, vector<16xi32>,
    %broadcast_in_dim3A_82 = arith.constant 0 : i32
    %broadcast_in_dim3A_83 = vector.broadcast %broadcast_in_dim3A_82 : i32 to vector<16xi32>
    %swap3A_84 = arith.constant 112 : index
    %swap3A_85 = tpu.vector_load %arg7[%swap3A_84] {strides = array<i32>} : memref<640xi32, #tpu.memory_space<vmem>>, vector<16xi32>,
    %swap3A_86 = vector.shape_cast %swap3A_85 : vector<16xi32> to vector<16xi32>
    %swap3A_87 = vector.shape_cast %broadcast_in_dim3A_83 : vector<16xi32> to vector<16xi32>
    tpu.vector_store %arg7[%swap3A_84], %swap3A_87 {strides = array<i32>} : memref<640xi32, #tpu.memory_space<vmem>>, vector<16xi32>,
    %broadcast_in_dim3A_88 = arith.constant 0 : i32
    %broadcast_in_dim3A_89 = vector.broadcast %broadcast_in_dim3A_88 : i32 to vector<16xi32>
    %swap3A_90 = arith.constant 128 : index
    %swap3A_91 = tpu.vector_load %arg7[%swap3A_90] {strides = array<i32>} : memref<640xi32, #tpu.memory_space<vmem>>, vector<16xi32>,
    %swap3A_92 = vector.shape_cast %swap3A_91 : vector<16xi32> to vector<16xi32>
    %swap3A_93 = vector.shape_cast %broadcast_in_dim3A_89 : vector<16xi32> to vector<16xi32>
    tpu.vector_store %arg7[%swap3A_90], %swap3A_93 {strides = array<i32>} : memref<640xi32, #tpu.memory_space<vmem>>, vector<16xi32>,
    %broadcast_in_dim3A_94 = arith.constant 0 : i32
    %broadcast_in_dim3A_95 = vector.broadcast %broadcast_in_dim3A_94 : i32 to vector<16xi32>
    %swap3A_96 = arith.constant 144 : index
    %swap3A_97 = tpu.vector_load %arg7[%swap3A_96] {strides = array<i32>} : memref<640xi32, #tpu.memory_space<vmem>>, vector<16xi32>,
    %swap3A_98 = vector.shape_cast %swap3A_97 : vector<16xi32> to vector<16xi32>
    %swap3A_99 = vector.shape_cast %broadcast_in_dim3A_95 : vector<16xi32> to vector<16xi32>
    tpu.vector_store %arg7[%swap3A_96], %swap3A_99 {strides = array<i32>} : memref<640xi32, #tpu.memory_space<vmem>>, vector<16xi32>,
    %broadcast_in_dim3A_100 = arith.constant 0 : i32
    %broadcast_in_dim3A_101 = vector.broadcast %broadcast_in_dim3A_100 : i32 to vector<16xi32>
    %swap3A_102 = arith.constant 160 : index
    %swap3A_103 = tpu.vector_load %arg7[%swap3A_102] {strides = array<i32>} : memref<640xi32, #tpu.memory_space<vmem>>, vector<16xi32>,
    %swap3A_104 = vector.shape_cast %swap3A_103 : vector<16xi32> to vector<16xi32>
    %swap3A_105 = vector.shape_cast %broadcast_in_dim3A_101 : vector<16xi32> to vector<16xi32>
    tpu.vector_store %arg7[%swap3A_102], %swap3A_105 {strides = array<i32>} : memref<640xi32, #tpu.memory_space<vmem>>, vector<16xi32>,
    %broadcast_in_dim3A_106 = arith.constant 0 : i32
    %broadcast_in_dim3A_107 = vector.broadcast %broadcast_in_dim3A_106 : i32 to vector<16xi32>
    %swap3A_108 = arith.constant 176 : index
    %swap3A_109 = tpu.vector_load %arg7[%swap3A_108] {strides = array<i32>} : memref<640xi32, #tpu.memory_space<vmem>>, vector<16xi32>,
    %swap3A_110 = vector.shape_cast %swap3A_109 : vector<16xi32> to vector<16xi32>
    %swap3A_111 = vector.shape_cast %broadcast_in_dim3A_107 : vector<16xi32> to vector<16xi32>
    tpu.vector_store %arg7[%swap3A_108], %swap3A_111 {strides = array<i32>} : memref<640xi32, #tpu.memory_space<vmem>>, vector<16xi32>,
    %broadcast_in_dim3A_112 = arith.constant 0 : i32
    %broadcast_in_dim3A_113 = vector.broadcast %broadcast_in_dim3A_112 : i32 to vector<16xi32>
    %swap3A_114 = arith.constant 192 : index
    %swap3A_115 = tpu.vector_load %arg7[%swap3A_114] {strides = array<i32>} : memref<640xi32, #tpu.memory_space<vmem>>, vector<16xi32>,
    %swap3A_116 = vector.shape_cast %swap3A_115 : vector<16xi32> to vector<16xi32>
    %swap3A_117 = vector.shape_cast %broadcast_in_dim3A_113 : vector<16xi32> to vector<16xi32>
    tpu.vector_store %arg7[%swap3A_114], %swap3A_117 {strides = array<i32>} : memref<640xi32, #tpu.memory_space<vmem>>, vector<16xi32>,
    %broadcast_in_dim3A_118 = arith.constant 0 : i32
    %broadcast_in_dim3A_119 = vector.broadcast %broadcast_in_dim3A_118 : i32 to vector<16xi32>
    %swap3A_120 = arith.constant 208 : index
    %swap3A_121 = tpu.vector_load %arg7[%swap3A_120] {strides = array<i32>} : memref<640xi32, #tpu.memory_space<vmem>>, vector<16xi32>,
    %swap3A_122 = vector.shape_cast %swap3A_121 : vector<16xi32> to vector<16xi32>
    %swap3A_123 = vector.shape_cast %broadcast_in_dim3A_119 : vector<16xi32> to vector<16xi32>
    tpu.vector_store %arg7[%swap3A_120], %swap3A_123 {strides = array<i32>} : memref<640xi32, #tpu.memory_space<vmem>>, vector<16xi32>,
    %broadcast_in_dim3A_124 = arith.constant 0 : i32
    %broadcast_in_dim3A_125 = vector.broadcast %broadcast_in_dim3A_124 : i32 to vector<16xi32>
    %swap3A_126 = arith.constant 224 : index
    %swap3A_127 = tpu.vector_load %arg7[%swap3A_126] {strides = array<i32>} : memref<640xi32, #tpu.memory_space<vmem>>, vector<16xi32>,
    %swap3A_128 = vector.shape_cast %swap3A_127 : vector<16xi32> to vector<16xi32>
    %swap3A_129 = vector.shape_cast %broadcast_in_dim3A_125 : vector<16xi32> to vector<16xi32>
    tpu.vector_store %arg7[%swap3A_126], %swap3A_129 {strides = array<i32>} : memref<640xi32, #tpu.memory_space<vmem>>, vector<16xi32>,
    %broadcast_in_dim3A_130 = arith.constant 0 : i32
    %broadcast_in_dim3A_131 = vector.broadcast %broadcast_in_dim3A_130 : i32 to vector<16xi32>
    %swap3A_132 = arith.constant 240 : index
    %swap3A_133 = tpu.vector_load %arg7[%swap3A_132] {strides = array<i32>} : memref<640xi32, #tpu.memory_space<vmem>>, vector<16xi32>,
    %swap3A_134 = vector.shape_cast %swap3A_133 : vector<16xi32> to vector<16xi32>
    %swap3A_135 = vector.shape_cast %broadcast_in_dim3A_131 : vector<16xi32> to vector<16xi32>
    tpu.vector_store %arg7[%swap3A_132], %swap3A_135 {strides = array<i32>} : memref<640xi32, #tpu.memory_space<vmem>>, vector<16xi32>,
    %broadcast_in_dim3A_136 = arith.constant 0 : i32
    %broadcast_in_dim3A_137 = vector.broadcast %broadcast_in_dim3A_136 : i32 to vector<16xi32>
    %swap3A_138 = arith.constant 256 : index
    %swap3A_139 = tpu.vector_load %arg7[%swap3A_138] {strides = array<i32>} : memref<640xi32, #tpu.memory_space<vmem>>, vector<16xi32>,
    %swap3A_140 = vector.shape_cast %swap3A_139 : vector<16xi32> to vector<16xi32>
    %swap3A_141 = vector.shape_cast %broadcast_in_dim3A_137 : vector<16xi32> to vector<16xi32>
    tpu.vector_store %arg7[%swap3A_138], %swap3A_141 {strides = array<i32>} : memref<640xi32, #tpu.memory_space<vmem>>, vector<16xi32>,
    %broadcast_in_dim3A_142 = arith.constant 0 : i32
    %broadcast_in_dim3A_143 = vector.broadcast %broadcast_in_dim3A_142 : i32 to vector<16xi32>
    %swap3A_144 = arith.constant 272 : index
    %swap3A_145 = tpu.vector_load %arg7[%swap3A_144] {strides = array<i32>} : memref<640xi32, #tpu.memory_space<vmem>>, vector<16xi32>,
    %swap3A_146 = vector.shape_cast %swap3A_145 : vector<16xi32> to vector<16xi32>
    %swap3A_147 = vector.shape_cast %broadcast_in_dim3A_143 : vector<16xi32> to vector<16xi32>
    tpu.vector_store %arg7[%swap3A_144], %swap3A_147 {strides = array<i32>} : memref<640xi32, #tpu.memory_space<vmem>>, vector<16xi32>,
    %broadcast_in_dim3A_148 = arith.constant 0 : i32
    %broadcast_in_dim3A_149 = vector.broadcast %broadcast_in_dim3A_148 : i32 to vector<16xi32>
    %swap3A_150 = arith.constant 288 : index
    %swap3A_151 = tpu.vector_load %arg7[%swap3A_150] {strides = array<i32>} : memref<640xi32, #tpu.memory_space<vmem>>, vector<16xi32>,
    %swap3A_152 = vector.shape_cast %swap3A_151 : vector<16xi32> to vector<16xi32>
    %swap3A_153 = vector.shape_cast %broadcast_in_dim3A_149 : vector<16xi32> to vector<16xi32>
    tpu.vector_store %arg7[%swap3A_150], %swap3A_153 {strides = array<i32>} : memref<640xi32, #tpu.memory_space<vmem>>, vector<16xi32>,
    %broadcast_in_dim3A_154 = arith.constant 0 : i32
    %broadcast_in_dim3A_155 = vector.broadcast %broadcast_in_dim3A_154 : i32 to vector<16xi32>
    %swap3A_156 = arith.constant 304 : index
    %swap3A_157 = tpu.vector_load %arg7[%swap3A_156] {strides = array<i32>} : memref<640xi32, #tpu.memory_space<vmem>>, vector<16xi32>,
    %swap3A_158 = vector.shape_cast %swap3A_157 : vector<16xi32> to vector<16xi32>
    %swap3A_159 = vector.shape_cast %broadcast_in_dim3A_155 : vector<16xi32> to vector<16xi32>
    tpu.vector_store %arg7[%swap3A_156], %swap3A_159 {strides = array<i32>} : memref<640xi32, #tpu.memory_space<vmem>>, vector<16xi32>,
    %broadcast_in_dim3A_160 = arith.constant 0 : i32
    %broadcast_in_dim3A_161 = vector.broadcast %broadcast_in_dim3A_160 : i32 to vector<16xi32>
    %swap3A_162 = arith.constant 320 : index
    %swap3A_163 = tpu.vector_load %arg7[%swap3A_162] {strides = array<i32>} : memref<640xi32, #tpu.memory_space<vmem>>, vector<16xi32>,
    %swap3A_164 = vector.shape_cast %swap3A_163 : vector<16xi32> to vector<16xi32>
    %swap3A_165 = vector.shape_cast %broadcast_in_dim3A_161 : vector<16xi32> to vector<16xi32>
    tpu.vector_store %arg7[%swap3A_162], %swap3A_165 {strides = array<i32>} : memref<640xi32, #tpu.memory_space<vmem>>, vector<16xi32>,
    %broadcast_in_dim3A_166 = arith.constant 0 : i32
    %broadcast_in_dim3A_167 = vector.broadcast %broadcast_in_dim3A_166 : i32 to vector<16xi32>
    %swap3A_168 = arith.constant 336 : index
    %swap3A_169 = tpu.vector_load %arg7[%swap3A_168] {strides = array<i32>} : memref<640xi32, #tpu.memory_space<vmem>>, vector<16xi32>,
    %swap3A_170 = vector.shape_cast %swap3A_169 : vector<16xi32> to vector<16xi32>
    %swap3A_171 = vector.shape_cast %broadcast_in_dim3A_167 : vector<16xi32> to vector<16xi32>
    tpu.vector_store %arg7[%swap3A_168], %swap3A_171 {strides = array<i32>} : memref<640xi32, #tpu.memory_space<vmem>>, vector<16xi32>,
    %broadcast_in_dim3A_172 = arith.constant 0 : i32
    %broadcast_in_dim3A_173 = vector.broadcast %broadcast_in_dim3A_172 : i32 to vector<16xi32>
    %swap3A_174 = arith.constant 352 : index
    %swap3A_175 = tpu.vector_load %arg7[%swap3A_174] {strides = array<i32>} : memref<640xi32, #tpu.memory_space<vmem>>, vector<16xi32>,
    %swap3A_176 = vector.shape_cast %swap3A_175 : vector<16xi32> to vector<16xi32>
    %swap3A_177 = vector.shape_cast %broadcast_in_dim3A_173 : vector<16xi32> to vector<16xi32>
    tpu.vector_store %arg7[%swap3A_174], %swap3A_177 {strides = array<i32>} : memref<640xi32, #tpu.memory_space<vmem>>, vector<16xi32>,
    %broadcast_in_dim3A_178 = arith.constant 0 : i32
    %broadcast_in_dim3A_179 = vector.broadcast %broadcast_in_dim3A_178 : i32 to vector<16xi32>
    %swap3A_180 = arith.constant 368 : index
    %swap3A_181 = tpu.vector_load %arg7[%swap3A_180] {strides = array<i32>} : memref<640xi32, #tpu.memory_space<vmem>>, vector<16xi32>,
    %swap3A_182 = vector.shape_cast %swap3A_181 : vector<16xi32> to vector<16xi32>
    %swap3A_183 = vector.shape_cast %broadcast_in_dim3A_179 : vector<16xi32> to vector<16xi32>
    tpu.vector_store %arg7[%swap3A_180], %swap3A_183 {strides = array<i32>} : memref<640xi32, #tpu.memory_space<vmem>>, vector<16xi32>,
    %broadcast_in_dim3A_184 = arith.constant 0 : i32
    %broadcast_in_dim3A_185 = vector.broadcast %broadcast_in_dim3A_184 : i32 to vector<16xi32>
    %swap3A_186 = arith.constant 384 : index
    %swap3A_187 = tpu.vector_load %arg7[%swap3A_186] {strides = array<i32>} : memref<640xi32, #tpu.memory_space<vmem>>, vector<16xi32>,
    %swap3A_188 = vector.shape_cast %swap3A_187 : vector<16xi32> to vector<16xi32>
    %swap3A_189 = vector.shape_cast %broadcast_in_dim3A_185 : vector<16xi32> to vector<16xi32>
    tpu.vector_store %arg7[%swap3A_186], %swap3A_189 {strides = array<i32>} : memref<640xi32, #tpu.memory_space<vmem>>, vector<16xi32>,
    %broadcast_in_dim3A_190 = arith.constant 0 : i32
    %broadcast_in_dim3A_191 = vector.broadcast %broadcast_in_dim3A_190 : i32 to vector<16xi32>
    %swap3A_192 = arith.constant 400 : index
    %swap3A_193 = tpu.vector_load %arg7[%swap3A_192] {strides = array<i32>} : memref<640xi32, #tpu.memory_space<vmem>>, vector<16xi32>,
    %swap3A_194 = vector.shape_cast %swap3A_193 : vector<16xi32> to vector<16xi32>
    %swap3A_195 = vector.shape_cast %broadcast_in_dim3A_191 : vector<16xi32> to vector<16xi32>
    tpu.vector_store %arg7[%swap3A_192], %swap3A_195 {strides = array<i32>} : memref<640xi32, #tpu.memory_space<vmem>>, vector<16xi32>,
    %broadcast_in_dim3A_196 = arith.constant 0 : i32
    %broadcast_in_dim3A_197 = vector.broadcast %broadcast_in_dim3A_196 : i32 to vector<16xi32>
    %swap3A_198 = arith.constant 416 : index
    %swap3A_199 = tpu.vector_load %arg7[%swap3A_198] {strides = array<i32>} : memref<640xi32, #tpu.memory_space<vmem>>, vector<16xi32>,
    %swap3A_200 = vector.shape_cast %swap3A_199 : vector<16xi32> to vector<16xi32>
    %swap3A_201 = vector.shape_cast %broadcast_in_dim3A_197 : vector<16xi32> to vector<16xi32>
    tpu.vector_store %arg7[%swap3A_198], %swap3A_201 {strides = array<i32>} : memref<640xi32, #tpu.memory_space<vmem>>, vector<16xi32>,
    %broadcast_in_dim3A_202 = arith.constant 0 : i32
    %broadcast_in_dim3A_203 = vector.broadcast %broadcast_in_dim3A_202 : i32 to vector<16xi32>
    %swap3A_204 = arith.constant 432 : index
    %swap3A_205 = tpu.vector_load %arg7[%swap3A_204] {strides = array<i32>} : memref<640xi32, #tpu.memory_space<vmem>>, vector<16xi32>,
    %swap3A_206 = vector.shape_cast %swap3A_205 : vector<16xi32> to vector<16xi32>
    %swap3A_207 = vector.shape_cast %broadcast_in_dim3A_203 : vector<16xi32> to vector<16xi32>
    tpu.vector_store %arg7[%swap3A_204], %swap3A_207 {strides = array<i32>} : memref<640xi32, #tpu.memory_space<vmem>>, vector<16xi32>,
    %broadcast_in_dim3A_208 = arith.constant 0 : i32
    %broadcast_in_dim3A_209 = vector.broadcast %broadcast_in_dim3A_208 : i32 to vector<16xi32>
    %swap3A_210 = arith.constant 448 : index
    %swap3A_211 = tpu.vector_load %arg7[%swap3A_210] {strides = array<i32>} : memref<640xi32, #tpu.memory_space<vmem>>, vector<16xi32>,
    %swap3A_212 = vector.shape_cast %swap3A_211 : vector<16xi32> to vector<16xi32>
    %swap3A_213 = vector.shape_cast %broadcast_in_dim3A_209 : vector<16xi32> to vector<16xi32>
    tpu.vector_store %arg7[%swap3A_210], %swap3A_213 {strides = array<i32>} : memref<640xi32, #tpu.memory_space<vmem>>, vector<16xi32>,
    %broadcast_in_dim3A_214 = arith.constant 0 : i32
    %broadcast_in_dim3A_215 = vector.broadcast %broadcast_in_dim3A_214 : i32 to vector<16xi32>
    %swap3A_216 = arith.constant 464 : index
    %swap3A_217 = tpu.vector_load %arg7[%swap3A_216] {strides = array<i32>} : memref<640xi32, #tpu.memory_space<vmem>>, vector<16xi32>,
    %swap3A_218 = vector.shape_cast %swap3A_217 : vector<16xi32> to vector<16xi32>
    %swap3A_219 = vector.shape_cast %broadcast_in_dim3A_215 : vector<16xi32> to vector<16xi32>
    tpu.vector_store %arg7[%swap3A_216], %swap3A_219 {strides = array<i32>} : memref<640xi32, #tpu.memory_space<vmem>>, vector<16xi32>,
    %broadcast_in_dim3A_220 = arith.constant 0 : i32
    %broadcast_in_dim3A_221 = vector.broadcast %broadcast_in_dim3A_220 : i32 to vector<16xi32>
    %swap3A_222 = arith.constant 480 : index
    %swap3A_223 = tpu.vector_load %arg7[%swap3A_222] {strides = array<i32>} : memref<640xi32, #tpu.memory_space<vmem>>, vector<16xi32>,
    %swap3A_224 = vector.shape_cast %swap3A_223 : vector<16xi32> to vector<16xi32>
    %swap3A_225 = vector.shape_cast %broadcast_in_dim3A_221 : vector<16xi32> to vector<16xi32>
    tpu.vector_store %arg7[%swap3A_222], %swap3A_225 {strides = array<i32>} : memref<640xi32, #tpu.memory_space<vmem>>, vector<16xi32>,
    %broadcast_in_dim3A_226 = arith.constant 0 : i32
    %broadcast_in_dim3A_227 = vector.broadcast %broadcast_in_dim3A_226 : i32 to vector<16xi32>
    %swap3A_228 = arith.constant 496 : index
    %swap3A_229 = tpu.vector_load %arg7[%swap3A_228] {strides = array<i32>} : memref<640xi32, #tpu.memory_space<vmem>>, vector<16xi32>,
    %swap3A_230 = vector.shape_cast %swap3A_229 : vector<16xi32> to vector<16xi32>
    %swap3A_231 = vector.shape_cast %broadcast_in_dim3A_227 : vector<16xi32> to vector<16xi32>
    tpu.vector_store %arg7[%swap3A_228], %swap3A_231 {strides = array<i32>} : memref<640xi32, #tpu.memory_space<vmem>>, vector<16xi32>,
    %broadcast_in_dim3A_232 = arith.constant 0 : i32
    %broadcast_in_dim3A_233 = vector.broadcast %broadcast_in_dim3A_232 : i32 to vector<16xi32>
    %swap3A_234 = arith.constant 512 : index
    %swap3A_235 = tpu.vector_load %arg7[%swap3A_234] {strides = array<i32>} : memref<640xi32, #tpu.memory_space<vmem>>, vector<16xi32>,
    %swap3A_236 = vector.shape_cast %swap3A_235 : vector<16xi32> to vector<16xi32>
    %swap3A_237 = vector.shape_cast %broadcast_in_dim3A_233 : vector<16xi32> to vector<16xi32>
    tpu.vector_store %arg7[%swap3A_234], %swap3A_237 {strides = array<i32>} : memref<640xi32, #tpu.memory_space<vmem>>, vector<16xi32>,
    %broadcast_in_dim3A_238 = arith.constant 0 : i32
    %broadcast_in_dim3A_239 = vector.broadcast %broadcast_in_dim3A_238 : i32 to vector<16xi32>
    %swap3A_240 = arith.constant 528 : index
    %swap3A_241 = tpu.vector_load %arg7[%swap3A_240] {strides = array<i32>} : memref<640xi32, #tpu.memory_space<vmem>>, vector<16xi32>,
    %swap3A_242 = vector.shape_cast %swap3A_241 : vector<16xi32> to vector<16xi32>
    %swap3A_243 = vector.shape_cast %broadcast_in_dim3A_239 : vector<16xi32> to vector<16xi32>
    tpu.vector_store %arg7[%swap3A_240], %swap3A_243 {strides = array<i32>} : memref<640xi32, #tpu.memory_space<vmem>>, vector<16xi32>,
    %broadcast_in_dim3A_244 = arith.constant 0 : i32
    %broadcast_in_dim3A_245 = vector.broadcast %broadcast_in_dim3A_244 : i32 to vector<16xi32>
    %swap3A_246 = arith.constant 544 : index
    %swap3A_247 = tpu.vector_load %arg7[%swap3A_246] {strides = array<i32>} : memref<640xi32, #tpu.memory_space<vmem>>, vector<16xi32>,
    %swap3A_248 = vector.shape_cast %swap3A_247 : vector<16xi32> to vector<16xi32>
    %swap3A_249 = vector.shape_cast %broadcast_in_dim3A_245 : vector<16xi32> to vector<16xi32>
    tpu.vector_store %arg7[%swap3A_246], %swap3A_249 {strides = array<i32>} : memref<640xi32, #tpu.memory_space<vmem>>, vector<16xi32>,
    %broadcast_in_dim3A_250 = arith.constant 0 : i32
    %broadcast_in_dim3A_251 = vector.broadcast %broadcast_in_dim3A_250 : i32 to vector<16xi32>
    %swap3A_252 = arith.constant 560 : index
    %swap3A_253 = tpu.vector_load %arg7[%swap3A_252] {strides = array<i32>} : memref<640xi32, #tpu.memory_space<vmem>>, vector<16xi32>,
    %swap3A_254 = vector.shape_cast %swap3A_253 : vector<16xi32> to vector<16xi32>
    %swap3A_255 = vector.shape_cast %broadcast_in_dim3A_251 : vector<16xi32> to vector<16xi32>
    tpu.vector_store %arg7[%swap3A_252], %swap3A_255 {strides = array<i32>} : memref<640xi32, #tpu.memory_space<vmem>>, vector<16xi32>,
    %broadcast_in_dim3A_256 = arith.constant 0 : i32
    %broadcast_in_dim3A_257 = vector.broadcast %broadcast_in_dim3A_256 : i32 to vector<16xi32>
    %swap3A_258 = arith.constant 576 : index
    %swap3A_259 = tpu.vector_load %arg7[%swap3A_258] {strides = array<i32>} : memref<640xi32, #tpu.memory_space<vmem>>, vector<16xi32>,
    %swap3A_260 = vector.shape_cast %swap3A_259 : vector<16xi32> to vector<16xi32>
    %swap3A_261 = vector.shape_cast %broadcast_in_dim3A_257 : vector<16xi32> to vector<16xi32>
    tpu.vector_store %arg7[%swap3A_258], %swap3A_261 {strides = array<i32>} : memref<640xi32, #tpu.memory_space<vmem>>, vector<16xi32>,
    %broadcast_in_dim3A_262 = arith.constant 0 : i32
    %broadcast_in_dim3A_263 = vector.broadcast %broadcast_in_dim3A_262 : i32 to vector<16xi32>
    %swap3A_264 = arith.constant 592 : index
    %swap3A_265 = tpu.vector_load %arg7[%swap3A_264] {strides = array<i32>} : memref<640xi32, #tpu.memory_space<vmem>>, vector<16xi32>,
    %swap3A_266 = vector.shape_cast %swap3A_265 : vector<16xi32> to vector<16xi32>
    %swap3A_267 = vector.shape_cast %broadcast_in_dim3A_263 : vector<16xi32> to vector<16xi32>
    tpu.vector_store %arg7[%swap3A_264], %swap3A_267 {strides = array<i32>} : memref<640xi32, #tpu.memory_space<vmem>>, vector<16xi32>,
    %broadcast_in_dim3A_268 = arith.constant 0 : i32
    %broadcast_in_dim3A_269 = vector.broadcast %broadcast_in_dim3A_268 : i32 to vector<16xi32>
    %swap3A_270 = arith.constant 608 : index
    %swap3A_271 = tpu.vector_load %arg7[%swap3A_270] {strides = array<i32>} : memref<640xi32, #tpu.memory_space<vmem>>, vector<16xi32>,
    %swap3A_272 = vector.shape_cast %swap3A_271 : vector<16xi32> to vector<16xi32>
    %swap3A_273 = vector.shape_cast %broadcast_in_dim3A_269 : vector<16xi32> to vector<16xi32>
    tpu.vector_store %arg7[%swap3A_270], %swap3A_273 {strides = array<i32>} : memref<640xi32, #tpu.memory_space<vmem>>, vector<16xi32>,
    %broadcast_in_dim3A_274 = arith.constant 0 : i32
    %broadcast_in_dim3A_275 = vector.broadcast %broadcast_in_dim3A_274 : i32 to vector<16xi32>
    %swap3A_276 = arith.constant 624 : index
    %swap3A_277 = tpu.vector_load %arg7[%swap3A_276] {strides = array<i32>} : memref<640xi32, #tpu.memory_space<vmem>>, vector<16xi32>,
    %swap3A_278 = vector.shape_cast %swap3A_277 : vector<16xi32> to vector<16xi32>
    %swap3A_279 = vector.shape_cast %broadcast_in_dim3A_275 : vector<16xi32> to vector<16xi32>
    tpu.vector_store %arg7[%swap3A_276], %swap3A_279 {strides = array<i32>} : memref<640xi32, #tpu.memory_space<vmem>>, vector<16xi32>,
    %mul3A = arith.constant 640 : i32
    %mul3A_280 = arith.muli %arg1, %mul3A : i32
    "tpu.region"() ({
      %run_scoped3A = tpu.sem_alloc : memref<!tpu.dma_semaphore, #tpu.memory_space<semaphore_mem>>
      %dma_start3A = tpu.memref_slice %arg8[%mul3A_280] : memref<10240xi32, #tpu.memory_space<vmem_shared>> -> memref<640xi32, #tpu.memory_space<vmem_shared>>
      %dma_start3A_694 = tpu.memref_slice %arg8[%mul3A_280] : memref<10240xi32, #tpu.memory_space<vmem_shared>> -> memref<640xi32, #tpu.memory_space<vmem_shared>>
      tpu.enqueue_dma source(%arg7 : memref<640xi32, #tpu.memory_space<vmem>>) target(%dma_start3A_694 : memref<640xi32, #tpu.memory_space<vmem_shared>>) target_semaphore(%run_scoped3A : memref<!tpu.dma_semaphore, #tpu.memory_space<semaphore_mem>>)
      %dma_wait3A = tpu.memref_slice %arg8[%mul3A_280] : memref<10240xi32, #tpu.memory_space<vmem_shared>> -> memref<640xi32, #tpu.memory_space<vmem_shared>>
      %dma_wait3A_695 = tpu.memref_slice %arg8[%mul3A_280] : memref<10240xi32, #tpu.memory_space<vmem_shared>> -> memref<640xi32, #tpu.memory_space<vmem_shared>>
      tpu.wait_dma2 semaphore(%run_scoped3A : memref<!tpu.dma_semaphore, #tpu.memory_space<semaphore_mem>>) src(%arg7 : memref<640xi32, #tpu.memory_space<vmem>>) dst(%dma_wait3A_695 : memref<640xi32, #tpu.memory_space<vmem_shared>>)
      tpu.yield
    }) : () -> ()
    "tpu.region"() ({
      %run_scoped3A = tpu.sem_alloc : memref<!tpu.dma_semaphore, #tpu.memory_space<semaphore_mem>>
      %dma_start3A = arith.constant 0 : i32
      %dma_start3A_694 = arith.constant 0 : i32
      %dma_start3A_695 = tpu.memref_slice %arg2[%arg0, %arg1, %dma_start3A, %dma_start3A_694] : memref<2x16x200x100xi32, #tpu.memory_space<hbm>> -> memref<1x1x200x100xi32, #tpu.memory_space<hbm>>
      %dma_start3A_696 = tpu.memref_squeeze %dma_start3A_695 : memref<1x1x200x100xi32, #tpu.memory_space<hbm>> -> memref<200x100xi32, #tpu.memory_space<hbm>>
      %dma_start3A_697 = arith.constant 0 : i32
      %dma_start3A_698 = arith.constant 0 : i32
      %dma_start3A_699 = tpu.memref_slice %arg2[%arg0, %arg1, %dma_start3A_697, %dma_start3A_698] : memref<2x16x200x100xi32, #tpu.memory_space<hbm>> -> memref<1x1x200x100xi32, #tpu.memory_space<hbm>>
      %dma_start3A_700 = tpu.memref_squeeze %dma_start3A_699 : memref<1x1x200x100xi32, #tpu.memory_space<hbm>> -> memref<200x100xi32, #tpu.memory_space<hbm>>
      tpu.enqueue_dma source(%dma_start3A_700 : memref<200x100xi32, #tpu.memory_space<hbm>>) target(%arg5 : memref<200x100xi32, #tpu.memory_space<vmem>>) target_semaphore(%run_scoped3A : memref<!tpu.dma_semaphore, #tpu.memory_space<semaphore_mem>>)
      %dma_wait3A = arith.constant 0 : i32
      %dma_wait3A_701 = arith.constant 0 : i32
      %dma_wait3A_702 = tpu.memref_slice %arg2[%arg0, %arg1, %dma_wait3A, %dma_wait3A_701] : memref<2x16x200x100xi32, #tpu.memory_space<hbm>> -> memref<1x1x200x100xi32, #tpu.memory_space<hbm>>
      %dma_wait3A_703 = tpu.memref_squeeze %dma_wait3A_702 : memref<1x1x200x100xi32, #tpu.memory_space<hbm>> -> memref<200x100xi32, #tpu.memory_space<hbm>>
      %dma_wait3A_704 = arith.constant 0 : i32
      %dma_wait3A_705 = arith.constant 0 : i32
      %dma_wait3A_706 = tpu.memref_slice %arg2[%arg0, %arg1, %dma_wait3A_704, %dma_wait3A_705] : memref<2x16x200x100xi32, #tpu.memory_space<hbm>> -> memref<1x1x200x100xi32, #tpu.memory_space<hbm>>
      %dma_wait3A_707 = tpu.memref_squeeze %dma_wait3A_706 : memref<1x1x200x100xi32, #tpu.memory_space<hbm>> -> memref<200x100xi32, #tpu.memory_space<hbm>>
      tpu.wait_dma2 semaphore(%run_scoped3A : memref<!tpu.dma_semaphore, #tpu.memory_space<semaphore_mem>>) src(%dma_wait3A_707 : memref<200x100xi32, #tpu.memory_space<hbm>>) dst(%arg5 : memref<200x100xi32, #tpu.memory_space<vmem>>)
      tpu.yield
    }) : () -> ()
    %barrier3A = arith.constant 0 : index
    tpu.barrier barrier_id(%barrier3A)
    %scan3A = arith.constant 0 : i32
    %scan3A_281 = arith.constant 0 : i32
    %scan3A_282 = arith.constant 20 : i32
    %scan3A_283 = arith.addi %scan3A_281, %scan3A_282 : i32
    %scan3A_284 = arith.constant 1 : i32
    scf.for %scan3A_694 = %scan3A_281 to %scan3A_283 step %scan3A_284  : i32 {
      %mul3A_695 = arith.constant 10 : i32
      %mul3A_696 = arith.muli %scan3A_694, %mul3A_695 : i32
      %add3A = arith.constant 0 : i32
      %add3A_697 = arith.addi %mul3A_696, %add3A : i32
      %dma_start3A = arith.constant 0 : i32
      %dma_start3A_698 = tpu.memref_slice %arg6[%dma_start3A] : memref<112xi32, #tpu.memory_space<vmem>> -> memref<100xi32, #tpu.memory_space<vmem>>
      %dma_start3A_699 = arith.constant 0 : i32
      %dma_start3A_700 = tpu.memref_slice %arg5[%add3A_697, %dma_start3A_699] : memref<200x100xi32, #tpu.memory_space<vmem>> -> memref<1x100xi32, #tpu.memory_space<vmem>>
      %dma_start3A_701 = tpu.memref_squeeze %dma_start3A_700 : memref<1x100xi32, #tpu.memory_space<vmem>> -> memref<100xi32, #tpu.memory_space<vmem>>
      %dma_start3A_702 = arith.constant 0 : i32
      %dma_start3A_703 = tpu.memref_slice %arg8[%dma_start3A_702] : memref<10240xi32, #tpu.memory_space<vmem_shared>> -> memref<10240xi32, #tpu.memory_space<vmem_shared>>
      tpu.enqueue_indirect_dma source(%dma_start3A_698 : memref<100xi32, #tpu.memory_space<vmem>>) target(%dma_start3A_703 : memref<10240xi32, #tpu.memory_space<vmem_shared>>) offsets(%dma_start3A_701 : memref<100xi32, #tpu.memory_space<vmem>>) semaphore(%arg9 : memref<!tpu.dma_semaphore, #tpu.memory_space<semaphore_mem>>) {add = true}
      %mul3A_704 = arith.constant 10 : i32
      %mul3A_705 = arith.muli %scan3A_694, %mul3A_704 : i32
      %add3A_706 = arith.constant 1 : i32
      %add3A_707 = arith.addi %mul3A_705, %add3A_706 : i32
      %dma_start3A_708 = arith.constant 0 : i32
      %dma_start3A_709 = tpu.memref_slice %arg6[%dma_start3A_708] : memref<112xi32, #tpu.memory_space<vmem>> -> memref<100xi32, #tpu.memory_space<vmem>>
      %dma_start3A_710 = arith.constant 0 : i32
      %dma_start3A_711 = tpu.memref_slice %arg5[%add3A_707, %dma_start3A_710] : memref<200x100xi32, #tpu.memory_space<vmem>> -> memref<1x100xi32, #tpu.memory_space<vmem>>
      %dma_start3A_712 = tpu.memref_squeeze %dma_start3A_711 : memref<1x100xi32, #tpu.memory_space<vmem>> -> memref<100xi32, #tpu.memory_space<vmem>>
      %dma_start3A_713 = arith.constant 0 : i32
      %dma_start3A_714 = tpu.memref_slice %arg8[%dma_start3A_713] : memref<10240xi32, #tpu.memory_space<vmem_shared>> -> memref<10240xi32, #tpu.memory_space<vmem_shared>>
      tpu.enqueue_indirect_dma source(%dma_start3A_709 : memref<100xi32, #tpu.memory_space<vmem>>) target(%dma_start3A_714 : memref<10240xi32, #tpu.memory_space<vmem_shared>>) offsets(%dma_start3A_712 : memref<100xi32, #tpu.memory_space<vmem>>) semaphore(%arg9 : memref<!tpu.dma_semaphore, #tpu.memory_space<semaphore_mem>>) {add = true}
      %mul3A_715 = arith.constant 10 : i32
      %mul3A_716 = arith.muli %scan3A_694, %mul3A_715 : i32
      %add3A_717 = arith.constant 2 : i32
      %add3A_718 = arith.addi %mul3A_716, %add3A_717 : i32
      %dma_start3A_719 = arith.constant 0 : i32
      %dma_start3A_720 = tpu.memref_slice %arg6[%dma_start3A_719] : memref<112xi32, #tpu.memory_space<vmem>> -> memref<100xi32, #tpu.memory_space<vmem>>
      %dma_start3A_721 = arith.constant 0 : i32
      %dma_start3A_722 = tpu.memref_slice %arg5[%add3A_718, %dma_start3A_721] : memref<200x100xi32, #tpu.memory_space<vmem>> -> memref<1x100xi32, #tpu.memory_space<vmem>>
      %dma_start3A_723 = tpu.memref_squeeze %dma_start3A_722 : memref<1x100xi32, #tpu.memory_space<vmem>> -> memref<100xi32, #tpu.memory_space<vmem>>
      %dma_start3A_724 = arith.constant 0 : i32
      %dma_start3A_725 = tpu.memref_slice %arg8[%dma_start3A_724] : memref<10240xi32, #tpu.memory_space<vmem_shared>> -> memref<10240xi32, #tpu.memory_space<vmem_shared>>
      tpu.enqueue_indirect_dma source(%dma_start3A_720 : memref<100xi32, #tpu.memory_space<vmem>>) target(%dma_start3A_725 : memref<10240xi32, #tpu.memory_space<vmem_shared>>) offsets(%dma_start3A_723 : memref<100xi32, #tpu.memory_space<vmem>>) semaphore(%arg9 : memref<!tpu.dma_semaphore, #tpu.memory_space<semaphore_mem>>) {add = true}
      %mul3A_726 = arith.constant 10 : i32
      %mul3A_727 = arith.muli %scan3A_694, %mul3A_726 : i32
      %add3A_728 = arith.constant 3 : i32
      %add3A_729 = arith.addi %mul3A_727, %add3A_728 : i32
      %dma_start3A_730 = arith.constant 0 : i32
      %dma_start3A_731 = tpu.memref_slice %arg6[%dma_start3A_730] : memref<112xi32, #tpu.memory_space<vmem>> -> memref<100xi32, #tpu.memory_space<vmem>>
      %dma_start3A_732 = arith.constant 0 : i32
      %dma_start3A_733 = tpu.memref_slice %arg5[%add3A_729, %dma_start3A_732] : memref<200x100xi32, #tpu.memory_space<vmem>> -> memref<1x100xi32, #tpu.memory_space<vmem>>
      %dma_start3A_734 = tpu.memref_squeeze %dma_start3A_733 : memref<1x100xi32, #tpu.memory_space<vmem>> -> memref<100xi32, #tpu.memory_space<vmem>>
      %dma_start3A_735 = arith.constant 0 : i32
      %dma_start3A_736 = tpu.memref_slice %arg8[%dma_start3A_735] : memref<10240xi32, #tpu.memory_space<vmem_shared>> -> memref<10240xi32, #tpu.memory_space<vmem_shared>>
      tpu.enqueue_indirect_dma source(%dma_start3A_731 : memref<100xi32, #tpu.memory_space<vmem>>) target(%dma_start3A_736 : memref<10240xi32, #tpu.memory_space<vmem_shared>>) offsets(%dma_start3A_734 : memref<100xi32, #tpu.memory_space<vmem>>) semaphore(%arg9 : memref<!tpu.dma_semaphore, #tpu.memory_space<semaphore_mem>>) {add = true}
      %mul3A_737 = arith.constant 10 : i32
      %mul3A_738 = arith.muli %scan3A_694, %mul3A_737 : i32
      %add3A_739 = arith.constant 4 : i32
      %add3A_740 = arith.addi %mul3A_738, %add3A_739 : i32
      %dma_start3A_741 = arith.constant 0 : i32
      %dma_start3A_742 = tpu.memref_slice %arg6[%dma_start3A_741] : memref<112xi32, #tpu.memory_space<vmem>> -> memref<100xi32, #tpu.memory_space<vmem>>
      %dma_start3A_743 = arith.constant 0 : i32
      %dma_start3A_744 = tpu.memref_slice %arg5[%add3A_740, %dma_start3A_743] : memref<200x100xi32, #tpu.memory_space<vmem>> -> memref<1x100xi32, #tpu.memory_space<vmem>>
      %dma_start3A_745 = tpu.memref_squeeze %dma_start3A_744 : memref<1x100xi32, #tpu.memory_space<vmem>> -> memref<100xi32, #tpu.memory_space<vmem>>
      %dma_start3A_746 = arith.constant 0 : i32
      %dma_start3A_747 = tpu.memref_slice %arg8[%dma_start3A_746] : memref<10240xi32, #tpu.memory_space<vmem_shared>> -> memref<10240xi32, #tpu.memory_space<vmem_shared>>
      tpu.enqueue_indirect_dma source(%dma_start3A_742 : memref<100xi32, #tpu.memory_space<vmem>>) target(%dma_start3A_747 : memref<10240xi32, #tpu.memory_space<vmem_shared>>) offsets(%dma_start3A_745 : memref<100xi32, #tpu.memory_space<vmem>>) semaphore(%arg9 : memref<!tpu.dma_semaphore, #tpu.memory_space<semaphore_mem>>) {add = true}
      %mul3A_748 = arith.constant 10 : i32
      %mul3A_749 = arith.muli %scan3A_694, %mul3A_748 : i32
      %add3A_750 = arith.constant 5 : i32
      %add3A_751 = arith.addi %mul3A_749, %add3A_750 : i32
      %dma_start3A_752 = arith.constant 0 : i32
      %dma_start3A_753 = tpu.memref_slice %arg6[%dma_start3A_752] : memref<112xi32, #tpu.memory_space<vmem>> -> memref<100xi32, #tpu.memory_space<vmem>>
      %dma_start3A_754 = arith.constant 0 : i32
      %dma_start3A_755 = tpu.memref_slice %arg5[%add3A_751, %dma_start3A_754] : memref<200x100xi32, #tpu.memory_space<vmem>> -> memref<1x100xi32, #tpu.memory_space<vmem>>
      %dma_start3A_756 = tpu.memref_squeeze %dma_start3A_755 : memref<1x100xi32, #tpu.memory_space<vmem>> -> memref<100xi32, #tpu.memory_space<vmem>>
      %dma_start3A_757 = arith.constant 0 : i32
      %dma_start3A_758 = tpu.memref_slice %arg8[%dma_start3A_757] : memref<10240xi32, #tpu.memory_space<vmem_shared>> -> memref<10240xi32, #tpu.memory_space<vmem_shared>>
      tpu.enqueue_indirect_dma source(%dma_start3A_753 : memref<100xi32, #tpu.memory_space<vmem>>) target(%dma_start3A_758 : memref<10240xi32, #tpu.memory_space<vmem_shared>>) offsets(%dma_start3A_756 : memref<100xi32, #tpu.memory_space<vmem>>) semaphore(%arg9 : memref<!tpu.dma_semaphore, #tpu.memory_space<semaphore_mem>>) {add = true}
      %mul3A_759 = arith.constant 10 : i32
      %mul3A_760 = arith.muli %scan3A_694, %mul3A_759 : i32
      %add3A_761 = arith.constant 6 : i32
      %add3A_762 = arith.addi %mul3A_760, %add3A_761 : i32
      %dma_start3A_763 = arith.constant 0 : i32
      %dma_start3A_764 = tpu.memref_slice %arg6[%dma_start3A_763] : memref<112xi32, #tpu.memory_space<vmem>> -> memref<100xi32, #tpu.memory_space<vmem>>
      %dma_start3A_765 = arith.constant 0 : i32
      %dma_start3A_766 = tpu.memref_slice %arg5[%add3A_762, %dma_start3A_765] : memref<200x100xi32, #tpu.memory_space<vmem>> -> memref<1x100xi32, #tpu.memory_space<vmem>>
      %dma_start3A_767 = tpu.memref_squeeze %dma_start3A_766 : memref<1x100xi32, #tpu.memory_space<vmem>> -> memref<100xi32, #tpu.memory_space<vmem>>
      %dma_start3A_768 = arith.constant 0 : i32
      %dma_start3A_769 = tpu.memref_slice %arg8[%dma_start3A_768] : memref<10240xi32, #tpu.memory_space<vmem_shared>> -> memref<10240xi32, #tpu.memory_space<vmem_shared>>
      tpu.enqueue_indirect_dma source(%dma_start3A_764 : memref<100xi32, #tpu.memory_space<vmem>>) target(%dma_start3A_769 : memref<10240xi32, #tpu.memory_space<vmem_shared>>) offsets(%dma_start3A_767 : memref<100xi32, #tpu.memory_space<vmem>>) semaphore(%arg9 : memref<!tpu.dma_semaphore, #tpu.memory_space<semaphore_mem>>) {add = true}
      %mul3A_770 = arith.constant 10 : i32
      %mul3A_771 = arith.muli %scan3A_694, %mul3A_770 : i32
      %add3A_772 = arith.constant 7 : i32
      %add3A_773 = arith.addi %mul3A_771, %add3A_772 : i32
      %dma_start3A_774 = arith.constant 0 : i32
      %dma_start3A_775 = tpu.memref_slice %arg6[%dma_start3A_774] : memref<112xi32, #tpu.memory_space<vmem>> -> memref<100xi32, #tpu.memory_space<vmem>>
      %dma_start3A_776 = arith.constant 0 : i32
      %dma_start3A_777 = tpu.memref_slice %arg5[%add3A_773, %dma_start3A_776] : memref<200x100xi32, #tpu.memory_space<vmem>> -> memref<1x100xi32, #tpu.memory_space<vmem>>
      %dma_start3A_778 = tpu.memref_squeeze %dma_start3A_777 : memref<1x100xi32, #tpu.memory_space<vmem>> -> memref<100xi32, #tpu.memory_space<vmem>>
      %dma_start3A_779 = arith.constant 0 : i32
      %dma_start3A_780 = tpu.memref_slice %arg8[%dma_start3A_779] : memref<10240xi32, #tpu.memory_space<vmem_shared>> -> memref<10240xi32, #tpu.memory_space<vmem_shared>>
      tpu.enqueue_indirect_dma source(%dma_start3A_775 : memref<100xi32, #tpu.memory_space<vmem>>) target(%dma_start3A_780 : memref<10240xi32, #tpu.memory_space<vmem_shared>>) offsets(%dma_start3A_778 : memref<100xi32, #tpu.memory_space<vmem>>) semaphore(%arg9 : memref<!tpu.dma_semaphore, #tpu.memory_space<semaphore_mem>>) {add = true}
      %mul3A_781 = arith.constant 10 : i32
      %mul3A_782 = arith.muli %scan3A_694, %mul3A_781 : i32
      %add3A_783 = arith.constant 8 : i32
      %add3A_784 = arith.addi %mul3A_782, %add3A_783 : i32
      %dma_start3A_785 = arith.constant 0 : i32
      %dma_start3A_786 = tpu.memref_slice %arg6[%dma_start3A_785] : memref<112xi32, #tpu.memory_space<vmem>> -> memref<100xi32, #tpu.memory_space<vmem>>
      %dma_start3A_787 = arith.constant 0 : i32
      %dma_start3A_788 = tpu.memref_slice %arg5[%add3A_784, %dma_start3A_787] : memref<200x100xi32, #tpu.memory_space<vmem>> -> memref<1x100xi32, #tpu.memory_space<vmem>>
      %dma_start3A_789 = tpu.memref_squeeze %dma_start3A_788 : memref<1x100xi32, #tpu.memory_space<vmem>> -> memref<100xi32, #tpu.memory_space<vmem>>
      %dma_start3A_790 = arith.constant 0 : i32
      %dma_start3A_791 = tpu.memref_slice %arg8[%dma_start3A_790] : memref<10240xi32, #tpu.memory_space<vmem_shared>> -> memref<10240xi32, #tpu.memory_space<vmem_shared>>
      tpu.enqueue_indirect_dma source(%dma_start3A_786 : memref<100xi32, #tpu.memory_space<vmem>>) target(%dma_start3A_791 : memref<10240xi32, #tpu.memory_space<vmem_shared>>) offsets(%dma_start3A_789 : memref<100xi32, #tpu.memory_space<vmem>>) semaphore(%arg9 : memref<!tpu.dma_semaphore, #tpu.memory_space<semaphore_mem>>) {add = true}
      %mul3A_792 = arith.constant 10 : i32
      %mul3A_793 = arith.muli %scan3A_694, %mul3A_792 : i32
      %add3A_794 = arith.constant 9 : i32
      %add3A_795 = arith.addi %mul3A_793, %add3A_794 : i32
      %dma_start3A_796 = arith.constant 0 : i32
      %dma_start3A_797 = tpu.memref_slice %arg6[%dma_start3A_796] : memref<112xi32, #tpu.memory_space<vmem>> -> memref<100xi32, #tpu.memory_space<vmem>>
      %dma_start3A_798 = arith.constant 0 : i32
      %dma_start3A_799 = tpu.memref_slice %arg5[%add3A_795, %dma_start3A_798] : memref<200x100xi32, #tpu.memory_space<vmem>> -> memref<1x100xi32, #tpu.memory_space<vmem>>
      %dma_start3A_800 = tpu.memref_squeeze %dma_start3A_799 : memref<1x100xi32, #tpu.memory_space<vmem>> -> memref<100xi32, #tpu.memory_space<vmem>>
      %dma_start3A_801 = arith.constant 0 : i32
      %dma_start3A_802 = tpu.memref_slice %arg8[%dma_start3A_801] : memref<10240xi32, #tpu.memory_space<vmem_shared>> -> memref<10240xi32, #tpu.memory_space<vmem_shared>>
      tpu.enqueue_indirect_dma source(%dma_start3A_797 : memref<100xi32, #tpu.memory_space<vmem>>) target(%dma_start3A_802 : memref<10240xi32, #tpu.memory_space<vmem_shared>>) offsets(%dma_start3A_800 : memref<100xi32, #tpu.memory_space<vmem>>) semaphore(%arg9 : memref<!tpu.dma_semaphore, #tpu.memory_space<semaphore_mem>>) {add = true}
      %dma_wait3A = arith.constant 0 : i32
      %dma_wait3A_803 = tpu.memref_slice %arg6[%dma_wait3A] : memref<112xi32, #tpu.memory_space<vmem>> -> memref<100xi32, #tpu.memory_space<vmem>>
      %dma_wait3A_804 = arith.constant 0 : i32
      %dma_wait3A_805 = tpu.memref_slice %arg5[%add3A_697, %dma_wait3A_804] : memref<200x100xi32, #tpu.memory_space<vmem>> -> memref<1x100xi32, #tpu.memory_space<vmem>>
      %dma_wait3A_806 = tpu.memref_squeeze %dma_wait3A_805 : memref<1x100xi32, #tpu.memory_space<vmem>> -> memref<100xi32, #tpu.memory_space<vmem>>
      %dma_wait3A_807 = arith.constant 0 : i32
      %dma_wait3A_808 = tpu.memref_slice %arg8[%dma_wait3A_807] : memref<10240xi32, #tpu.memory_space<vmem_shared>> -> memref<10240xi32, #tpu.memory_space<vmem_shared>>
      tpu.wait_indirect_dma semaphore(%arg9 : memref<!tpu.dma_semaphore, #tpu.memory_space<semaphore_mem>>) src(%dma_wait3A_803 : memref<100xi32, #tpu.memory_space<vmem>>) dst(%dma_wait3A_808 : memref<10240xi32, #tpu.memory_space<vmem_shared>>)
      %dma_wait3A_809 = arith.constant 0 : i32
      %dma_wait3A_810 = tpu.memref_slice %arg6[%dma_wait3A_809] : memref<112xi32, #tpu.memory_space<vmem>> -> memref<100xi32, #tpu.memory_space<vmem>>
      %dma_wait3A_811 = arith.constant 0 : i32
      %dma_wait3A_812 = tpu.memref_slice %arg5[%add3A_707, %dma_wait3A_811] : memref<200x100xi32, #tpu.memory_space<vmem>> -> memref<1x100xi32, #tpu.memory_space<vmem>>
      %dma_wait3A_813 = tpu.memref_squeeze %dma_wait3A_812 : memref<1x100xi32, #tpu.memory_space<vmem>> -> memref<100xi32, #tpu.memory_space<vmem>>
      %dma_wait3A_814 = arith.constant 0 : i32
      %dma_wait3A_815 = tpu.memref_slice %arg8[%dma_wait3A_814] : memref<10240xi32, #tpu.memory_space<vmem_shared>> -> memref<10240xi32, #tpu.memory_space<vmem_shared>>
      tpu.wait_indirect_dma semaphore(%arg9 : memref<!tpu.dma_semaphore, #tpu.memory_space<semaphore_mem>>) src(%dma_wait3A_810 : memref<100xi32, #tpu.memory_space<vmem>>) dst(%dma_wait3A_815 : memref<10240xi32, #tpu.memory_space<vmem_shared>>)
      %dma_wait3A_816 = arith.constant 0 : i32
      %dma_wait3A_817 = tpu.memref_slice %arg6[%dma_wait3A_816] : memref<112xi32, #tpu.memory_space<vmem>> -> memref<100xi32, #tpu.memory_space<vmem>>
      %dma_wait3A_818 = arith.constant 0 : i32
      %dma_wait3A_819 = tpu.memref_slice %arg5[%add3A_718, %dma_wait3A_818] : memref<200x100xi32, #tpu.memory_space<vmem>> -> memref<1x100xi32, #tpu.memory_space<vmem>>
      %dma_wait3A_820 = tpu.memref_squeeze %dma_wait3A_819 : memref<1x100xi32, #tpu.memory_space<vmem>> -> memref<100xi32, #tpu.memory_space<vmem>>
      %dma_wait3A_821 = arith.constant 0 : i32
      %dma_wait3A_822 = tpu.memref_slice %arg8[%dma_wait3A_821] : memref<10240xi32, #tpu.memory_space<vmem_shared>> -> memref<10240xi32, #tpu.memory_space<vmem_shared>>
      tpu.wait_indirect_dma semaphore(%arg9 : memref<!tpu.dma_semaphore, #tpu.memory_space<semaphore_mem>>) src(%dma_wait3A_817 : memref<100xi32, #tpu.memory_space<vmem>>) dst(%dma_wait3A_822 : memref<10240xi32, #tpu.memory_space<vmem_shared>>)
      %dma_wait3A_823 = arith.constant 0 : i32
      %dma_wait3A_824 = tpu.memref_slice %arg6[%dma_wait3A_823] : memref<112xi32, #tpu.memory_space<vmem>> -> memref<100xi32, #tpu.memory_space<vmem>>
      %dma_wait3A_825 = arith.constant 0 : i32
      %dma_wait3A_826 = tpu.memref_slice %arg5[%add3A_729, %dma_wait3A_825] : memref<200x100xi32, #tpu.memory_space<vmem>> -> memref<1x100xi32, #tpu.memory_space<vmem>>
      %dma_wait3A_827 = tpu.memref_squeeze %dma_wait3A_826 : memref<1x100xi32, #tpu.memory_space<vmem>> -> memref<100xi32, #tpu.memory_space<vmem>>
      %dma_wait3A_828 = arith.constant 0 : i32
      %dma_wait3A_829 = tpu.memref_slice %arg8[%dma_wait3A_828] : memref<10240xi32, #tpu.memory_space<vmem_shared>> -> memref<10240xi32, #tpu.memory_space<vmem_shared>>
      tpu.wait_indirect_dma semaphore(%arg9 : memref<!tpu.dma_semaphore, #tpu.memory_space<semaphore_mem>>) src(%dma_wait3A_824 : memref<100xi32, #tpu.memory_space<vmem>>) dst(%dma_wait3A_829 : memref<10240xi32, #tpu.memory_space<vmem_shared>>)
      %dma_wait3A_830 = arith.constant 0 : i32
      %dma_wait3A_831 = tpu.memref_slice %arg6[%dma_wait3A_830] : memref<112xi32, #tpu.memory_space<vmem>> -> memref<100xi32, #tpu.memory_space<vmem>>
      %dma_wait3A_832 = arith.constant 0 : i32
      %dma_wait3A_833 = tpu.memref_slice %arg5[%add3A_740, %dma_wait3A_832] : memref<200x100xi32, #tpu.memory_space<vmem>> -> memref<1x100xi32, #tpu.memory_space<vmem>>
      %dma_wait3A_834 = tpu.memref_squeeze %dma_wait3A_833 : memref<1x100xi32, #tpu.memory_space<vmem>> -> memref<100xi32, #tpu.memory_space<vmem>>
      %dma_wait3A_835 = arith.constant 0 : i32
      %dma_wait3A_836 = tpu.memref_slice %arg8[%dma_wait3A_835] : memref<10240xi32, #tpu.memory_space<vmem_shared>> -> memref<10240xi32, #tpu.memory_space<vmem_shared>>
      tpu.wait_indirect_dma semaphore(%arg9 : memref<!tpu.dma_semaphore, #tpu.memory_space<semaphore_mem>>) src(%dma_wait3A_831 : memref<100xi32, #tpu.memory_space<vmem>>) dst(%dma_wait3A_836 : memref<10240xi32, #tpu.memory_space<vmem_shared>>)
      %dma_wait3A_837 = arith.constant 0 : i32
      %dma_wait3A_838 = tpu.memref_slice %arg6[%dma_wait3A_837] : memref<112xi32, #tpu.memory_space<vmem>> -> memref<100xi32, #tpu.memory_space<vmem>>
      %dma_wait3A_839 = arith.constant 0 : i32
      %dma_wait3A_840 = tpu.memref_slice %arg5[%add3A_751, %dma_wait3A_839] : memref<200x100xi32, #tpu.memory_space<vmem>> -> memref<1x100xi32, #tpu.memory_space<vmem>>
      %dma_wait3A_841 = tpu.memref_squeeze %dma_wait3A_840 : memref<1x100xi32, #tpu.memory_space<vmem>> -> memref<100xi32, #tpu.memory_space<vmem>>
      %dma_wait3A_842 = arith.constant 0 : i32
      %dma_wait3A_843 = tpu.memref_slice %arg8[%dma_wait3A_842] : memref<10240xi32, #tpu.memory_space<vmem_shared>> -> memref<10240xi32, #tpu.memory_space<vmem_shared>>
      tpu.wait_indirect_dma semaphore(%arg9 : memref<!tpu.dma_semaphore, #tpu.memory_space<semaphore_mem>>) src(%dma_wait3A_838 : memref<100xi32, #tpu.memory_space<vmem>>) dst(%dma_wait3A_843 : memref<10240xi32, #tpu.memory_space<vmem_shared>>)
      %dma_wait3A_844 = arith.constant 0 : i32
      %dma_wait3A_845 = tpu.memref_slice %arg6[%dma_wait3A_844] : memref<112xi32, #tpu.memory_space<vmem>> -> memref<100xi32, #tpu.memory_space<vmem>>
      %dma_wait3A_846 = arith.constant 0 : i32
      %dma_wait3A_847 = tpu.memref_slice %arg5[%add3A_762, %dma_wait3A_846] : memref<200x100xi32, #tpu.memory_space<vmem>> -> memref<1x100xi32, #tpu.memory_space<vmem>>
      %dma_wait3A_848 = tpu.memref_squeeze %dma_wait3A_847 : memref<1x100xi32, #tpu.memory_space<vmem>> -> memref<100xi32, #tpu.memory_space<vmem>>
      %dma_wait3A_849 = arith.constant 0 : i32
      %dma_wait3A_850 = tpu.memref_slice %arg8[%dma_wait3A_849] : memref<10240xi32, #tpu.memory_space<vmem_shared>> -> memref<10240xi32, #tpu.memory_space<vmem_shared>>
      tpu.wait_indirect_dma semaphore(%arg9 : memref<!tpu.dma_semaphore, #tpu.memory_space<semaphore_mem>>) src(%dma_wait3A_845 : memref<100xi32, #tpu.memory_space<vmem>>) dst(%dma_wait3A_850 : memref<10240xi32, #tpu.memory_space<vmem_shared>>)
      %dma_wait3A_851 = arith.constant 0 : i32
      %dma_wait3A_852 = tpu.memref_slice %arg6[%dma_wait3A_851] : memref<112xi32, #tpu.memory_space<vmem>> -> memref<100xi32, #tpu.memory_space<vmem>>
      %dma_wait3A_853 = arith.constant 0 : i32
      %dma_wait3A_854 = tpu.memref_slice %arg5[%add3A_773, %dma_wait3A_853] : memref<200x100xi32, #tpu.memory_space<vmem>> -> memref<1x100xi32, #tpu.memory_space<vmem>>
      %dma_wait3A_855 = tpu.memref_squeeze %dma_wait3A_854 : memref<1x100xi32, #tpu.memory_space<vmem>> -> memref<100xi32, #tpu.memory_space<vmem>>
      %dma_wait3A_856 = arith.constant 0 : i32
      %dma_wait3A_857 = tpu.memref_slice %arg8[%dma_wait3A_856] : memref<10240xi32, #tpu.memory_space<vmem_shared>> -> memref<10240xi32, #tpu.memory_space<vmem_shared>>
      tpu.wait_indirect_dma semaphore(%arg9 : memref<!tpu.dma_semaphore, #tpu.memory_space<semaphore_mem>>) src(%dma_wait3A_852 : memref<100xi32, #tpu.memory_space<vmem>>) dst(%dma_wait3A_857 : memref<10240xi32, #tpu.memory_space<vmem_shared>>)
      %dma_wait3A_858 = arith.constant 0 : i32
      %dma_wait3A_859 = tpu.memref_slice %arg6[%dma_wait3A_858] : memref<112xi32, #tpu.memory_space<vmem>> -> memref<100xi32, #tpu.memory_space<vmem>>
      %dma_wait3A_860 = arith.constant 0 : i32
      %dma_wait3A_861 = tpu.memref_slice %arg5[%add3A_784, %dma_wait3A_860] : memref<200x100xi32, #tpu.memory_space<vmem>> -> memref<1x100xi32, #tpu.memory_space<vmem>>
      %dma_wait3A_862 = tpu.memref_squeeze %dma_wait3A_861 : memref<1x100xi32, #tpu.memory_space<vmem>> -> memref<100xi32, #tpu.memory_space<vmem>>
      %dma_wait3A_863 = arith.constant 0 : i32
      %dma_wait3A_864 = tpu.memref_slice %arg8[%dma_wait3A_863] : memref<10240xi32, #tpu.memory_space<vmem_shared>> -> memref<10240xi32, #tpu.memory_space<vmem_shared>>
      tpu.wait_indirect_dma semaphore(%arg9 : memref<!tpu.dma_semaphore, #tpu.memory_space<semaphore_mem>>) src(%dma_wait3A_859 : memref<100xi32, #tpu.memory_space<vmem>>) dst(%dma_wait3A_864 : memref<10240xi32, #tpu.memory_space<vmem_shared>>)
      %dma_wait3A_865 = arith.constant 0 : i32
      %dma_wait3A_866 = tpu.memref_slice %arg6[%dma_wait3A_865] : memref<112xi32, #tpu.memory_space<vmem>> -> memref<100xi32, #tpu.memory_space<vmem>>
      %dma_wait3A_867 = arith.constant 0 : i32
      %dma_wait3A_868 = tpu.memref_slice %arg5[%add3A_795, %dma_wait3A_867] : memref<200x100xi32, #tpu.memory_space<vmem>> -> memref<1x100xi32, #tpu.memory_space<vmem>>
      %dma_wait3A_869 = tpu.memref_squeeze %dma_wait3A_868 : memref<1x100xi32, #tpu.memory_space<vmem>> -> memref<100xi32, #tpu.memory_space<vmem>>
      %dma_wait3A_870 = arith.constant 0 : i32
      %dma_wait3A_871 = tpu.memref_slice %arg8[%dma_wait3A_870] : memref<10240xi32, #tpu.memory_space<vmem_shared>> -> memref<10240xi32, #tpu.memory_space<vmem_shared>>
      tpu.wait_indirect_dma semaphore(%arg9 : memref<!tpu.dma_semaphore, #tpu.memory_space<semaphore_mem>>) src(%dma_wait3A_866 : memref<100xi32, #tpu.memory_space<vmem>>) dst(%dma_wait3A_871 : memref<10240xi32, #tpu.memory_space<vmem_shared>>)
    }
    %scan3A_285 = arith.constant 20 : i32
    %barrier3A_286 = arith.constant 0 : index
    tpu.barrier barrier_id(%barrier3A_286)
    %mul3A_287 = arith.constant 640 : i32
    %mul3A_288 = arith.muli %arg1, %mul3A_287 : i32
    "tpu.region"() ({
      %run_scoped3A = tpu.sem_alloc : memref<!tpu.dma_semaphore, #tpu.memory_space<semaphore_mem>>
      %dma_start3A = tpu.memref_slice %arg8[%mul3A_288] : memref<10240xi32, #tpu.memory_space<vmem_shared>> -> memref<640xi32, #tpu.memory_space<vmem_shared>>
      %dma_start3A_694 = tpu.memref_slice %arg8[%mul3A_288] : memref<10240xi32, #tpu.memory_space<vmem_shared>> -> memref<640xi32, #tpu.memory_space<vmem_shared>>
      tpu.enqueue_dma source(%dma_start3A_694 : memref<640xi32, #tpu.memory_space<vmem_shared>>) target(%arg7 : memref<640xi32, #tpu.memory_space<vmem>>) target_semaphore(%run_scoped3A : memref<!tpu.dma_semaphore, #tpu.memory_space<semaphore_mem>>)
      %dma_wait3A = tpu.memref_slice %arg8[%mul3A_288] : memref<10240xi32, #tpu.memory_space<vmem_shared>> -> memref<640xi32, #tpu.memory_space<vmem_shared>>
      %dma_wait3A_695 = tpu.memref_slice %arg8[%mul3A_288] : memref<10240xi32, #tpu.memory_space<vmem_shared>> -> memref<640xi32, #tpu.memory_space<vmem_shared>>
      tpu.wait_dma2 semaphore(%run_scoped3A : memref<!tpu.dma_semaphore, #tpu.memory_space<semaphore_mem>>) src(%dma_wait3A_695 : memref<640xi32, #tpu.memory_space<vmem_shared>>) dst(%arg7 : memref<640xi32, #tpu.memory_space<vmem>>)
      tpu.yield
    }) : () -> ()
    %get3A = arith.constant 0 : index
    %get3A_289 = tpu.vector_load %arg7[%get3A] {strides = array<i32>} : memref<640xi32, #tpu.memory_space<vmem>>, vector<16xi32>,
    %get3A_290 = vector.shape_cast %get3A_289 : vector<16xi32> to vector<16xi32>
    %min3A = arith.constant 511 : i32
    %min3A_291 = vector.broadcast %min3A : i32 to vector<16xi32>
    %min3A_292 = arith.minsi %get3A_290, %min3A_291 : vector<16xi32>
    %swap3A_293 = arith.constant 0 : index
    %swap3A_294 = tpu.vector_load %arg7[%swap3A_293] {strides = array<i32>} : memref<640xi32, #tpu.memory_space<vmem>>, vector<16xi32>,
    %swap3A_295 = vector.shape_cast %swap3A_294 : vector<16xi32> to vector<16xi32>
    %swap3A_296 = vector.shape_cast %min3A_292 : vector<16xi32> to vector<16xi32>
    tpu.vector_store %arg7[%swap3A_293], %swap3A_296 {strides = array<i32>} : memref<640xi32, #tpu.memory_space<vmem>>, vector<16xi32>,
    %get3A_297 = arith.constant 16 : index
    %get3A_298 = tpu.vector_load %arg7[%get3A_297] {strides = array<i32>} : memref<640xi32, #tpu.memory_space<vmem>>, vector<16xi32>,
    %get3A_299 = vector.shape_cast %get3A_298 : vector<16xi32> to vector<16xi32>
    %min3A_300 = arith.constant 511 : i32
    %min3A_301 = vector.broadcast %min3A_300 : i32 to vector<16xi32>
    %min3A_302 = arith.minsi %get3A_299, %min3A_301 : vector<16xi32>
    %swap3A_303 = arith.constant 16 : index
    %swap3A_304 = tpu.vector_load %arg7[%swap3A_303] {strides = array<i32>} : memref<640xi32, #tpu.memory_space<vmem>>, vector<16xi32>,
    %swap3A_305 = vector.shape_cast %swap3A_304 : vector<16xi32> to vector<16xi32>
    %swap3A_306 = vector.shape_cast %min3A_302 : vector<16xi32> to vector<16xi32>
    tpu.vector_store %arg7[%swap3A_303], %swap3A_306 {strides = array<i32>} : memref<640xi32, #tpu.memory_space<vmem>>, vector<16xi32>,
    %get3A_307 = arith.constant 32 : index
    %get3A_308 = tpu.vector_load %arg7[%get3A_307] {strides = array<i32>} : memref<640xi32, #tpu.memory_space<vmem>>, vector<16xi32>,
    %get3A_309 = vector.shape_cast %get3A_308 : vector<16xi32> to vector<16xi32>
    %min3A_310 = arith.constant 511 : i32
    %min3A_311 = vector.broadcast %min3A_310 : i32 to vector<16xi32>
    %min3A_312 = arith.minsi %get3A_309, %min3A_311 : vector<16xi32>
    %swap3A_313 = arith.constant 32 : index
    %swap3A_314 = tpu.vector_load %arg7[%swap3A_313] {strides = array<i32>} : memref<640xi32, #tpu.memory_space<vmem>>, vector<16xi32>,
    %swap3A_315 = vector.shape_cast %swap3A_314 : vector<16xi32> to vector<16xi32>
    %swap3A_316 = vector.shape_cast %min3A_312 : vector<16xi32> to vector<16xi32>
    tpu.vector_store %arg7[%swap3A_313], %swap3A_316 {strides = array<i32>} : memref<640xi32, #tpu.memory_space<vmem>>, vector<16xi32>,
    %get3A_317 = arith.constant 48 : index
    %get3A_318 = tpu.vector_load %arg7[%get3A_317] {strides = array<i32>} : memref<640xi32, #tpu.memory_space<vmem>>, vector<16xi32>,
    %get3A_319 = vector.shape_cast %get3A_318 : vector<16xi32> to vector<16xi32>
    %min3A_320 = arith.constant 511 : i32
    %min3A_321 = vector.broadcast %min3A_320 : i32 to vector<16xi32>
    %min3A_322 = arith.minsi %get3A_319, %min3A_321 : vector<16xi32>
    %swap3A_323 = arith.constant 48 : index
    %swap3A_324 = tpu.vector_load %arg7[%swap3A_323] {strides = array<i32>} : memref<640xi32, #tpu.memory_space<vmem>>, vector<16xi32>,
    %swap3A_325 = vector.shape_cast %swap3A_324 : vector<16xi32> to vector<16xi32>
    %swap3A_326 = vector.shape_cast %min3A_322 : vector<16xi32> to vector<16xi32>
    tpu.vector_store %arg7[%swap3A_323], %swap3A_326 {strides = array<i32>} : memref<640xi32, #tpu.memory_space<vmem>>, vector<16xi32>,
    %get3A_327 = arith.constant 64 : index
    %get3A_328 = tpu.vector_load %arg7[%get3A_327] {strides = array<i32>} : memref<640xi32, #tpu.memory_space<vmem>>, vector<16xi32>,
    %get3A_329 = vector.shape_cast %get3A_328 : vector<16xi32> to vector<16xi32>
    %min3A_330 = arith.constant 511 : i32
    %min3A_331 = vector.broadcast %min3A_330 : i32 to vector<16xi32>
    %min3A_332 = arith.minsi %get3A_329, %min3A_331 : vector<16xi32>
    %swap3A_333 = arith.constant 64 : index
    %swap3A_334 = tpu.vector_load %arg7[%swap3A_333] {strides = array<i32>} : memref<640xi32, #tpu.memory_space<vmem>>, vector<16xi32>,
    %swap3A_335 = vector.shape_cast %swap3A_334 : vector<16xi32> to vector<16xi32>
    %swap3A_336 = vector.shape_cast %min3A_332 : vector<16xi32> to vector<16xi32>
    tpu.vector_store %arg7[%swap3A_333], %swap3A_336 {strides = array<i32>} : memref<640xi32, #tpu.memory_space<vmem>>, vector<16xi32>,
    %get3A_337 = arith.constant 80 : index
    %get3A_338 = tpu.vector_load %arg7[%get3A_337] {strides = array<i32>} : memref<640xi32, #tpu.memory_space<vmem>>, vector<16xi32>,
    %get3A_339 = vector.shape_cast %get3A_338 : vector<16xi32> to vector<16xi32>
    %min3A_340 = arith.constant 511 : i32
    %min3A_341 = vector.broadcast %min3A_340 : i32 to vector<16xi32>
    %min3A_342 = arith.minsi %get3A_339, %min3A_341 : vector<16xi32>
    %swap3A_343 = arith.constant 80 : index
    %swap3A_344 = tpu.vector_load %arg7[%swap3A_343] {strides = array<i32>} : memref<640xi32, #tpu.memory_space<vmem>>, vector<16xi32>,
    %swap3A_345 = vector.shape_cast %swap3A_344 : vector<16xi32> to vector<16xi32>
    %swap3A_346 = vector.shape_cast %min3A_342 : vector<16xi32> to vector<16xi32>
    tpu.vector_store %arg7[%swap3A_343], %swap3A_346 {strides = array<i32>} : memref<640xi32, #tpu.memory_space<vmem>>, vector<16xi32>,
    %get3A_347 = arith.constant 96 : index
    %get3A_348 = tpu.vector_load %arg7[%get3A_347] {strides = array<i32>} : memref<640xi32, #tpu.memory_space<vmem>>, vector<16xi32>,
    %get3A_349 = vector.shape_cast %get3A_348 : vector<16xi32> to vector<16xi32>
    %min3A_350 = arith.constant 511 : i32
    %min3A_351 = vector.broadcast %min3A_350 : i32 to vector<16xi32>
    %min3A_352 = arith.minsi %get3A_349, %min3A_351 : vector<16xi32>
    %swap3A_353 = arith.constant 96 : index
    %swap3A_354 = tpu.vector_load %arg7[%swap3A_353] {strides = array<i32>} : memref<640xi32, #tpu.memory_space<vmem>>, vector<16xi32>,
    %swap3A_355 = vector.shape_cast %swap3A_354 : vector<16xi32> to vector<16xi32>
    %swap3A_356 = vector.shape_cast %min3A_352 : vector<16xi32> to vector<16xi32>
    tpu.vector_store %arg7[%swap3A_353], %swap3A_356 {strides = array<i32>} : memref<640xi32, #tpu.memory_space<vmem>>, vector<16xi32>,
    %get3A_357 = arith.constant 112 : index
    %get3A_358 = tpu.vector_load %arg7[%get3A_357] {strides = array<i32>} : memref<640xi32, #tpu.memory_space<vmem>>, vector<16xi32>,
    %get3A_359 = vector.shape_cast %get3A_358 : vector<16xi32> to vector<16xi32>
    %min3A_360 = arith.constant 511 : i32
    %min3A_361 = vector.broadcast %min3A_360 : i32 to vector<16xi32>
    %min3A_362 = arith.minsi %get3A_359, %min3A_361 : vector<16xi32>
    %swap3A_363 = arith.constant 112 : index
    %swap3A_364 = tpu.vector_load %arg7[%swap3A_363] {strides = array<i32>} : memref<640xi32, #tpu.memory_space<vmem>>, vector<16xi32>,
    %swap3A_365 = vector.shape_cast %swap3A_364 : vector<16xi32> to vector<16xi32>
    %swap3A_366 = vector.shape_cast %min3A_362 : vector<16xi32> to vector<16xi32>
    tpu.vector_store %arg7[%swap3A_363], %swap3A_366 {strides = array<i32>} : memref<640xi32, #tpu.memory_space<vmem>>, vector<16xi32>,
    %get3A_367 = arith.constant 128 : index
    %get3A_368 = tpu.vector_load %arg7[%get3A_367] {strides = array<i32>} : memref<640xi32, #tpu.memory_space<vmem>>, vector<16xi32>,
    %get3A_369 = vector.shape_cast %get3A_368 : vector<16xi32> to vector<16xi32>
    %min3A_370 = arith.constant 511 : i32
    %min3A_371 = vector.broadcast %min3A_370 : i32 to vector<16xi32>
    %min3A_372 = arith.minsi %get3A_369, %min3A_371 : vector<16xi32>
    %swap3A_373 = arith.constant 128 : index
    %swap3A_374 = tpu.vector_load %arg7[%swap3A_373] {strides = array<i32>} : memref<640xi32, #tpu.memory_space<vmem>>, vector<16xi32>,
    %swap3A_375 = vector.shape_cast %swap3A_374 : vector<16xi32> to vector<16xi32>
    %swap3A_376 = vector.shape_cast %min3A_372 : vector<16xi32> to vector<16xi32>
    tpu.vector_store %arg7[%swap3A_373], %swap3A_376 {strides = array<i32>} : memref<640xi32, #tpu.memory_space<vmem>>, vector<16xi32>,
    %get3A_377 = arith.constant 144 : index
    %get3A_378 = tpu.vector_load %arg7[%get3A_377] {strides = array<i32>} : memref<640xi32, #tpu.memory_space<vmem>>, vector<16xi32>,
    %get3A_379 = vector.shape_cast %get3A_378 : vector<16xi32> to vector<16xi32>
    %min3A_380 = arith.constant 511 : i32
    %min3A_381 = vector.broadcast %min3A_380 : i32 to vector<16xi32>
    %min3A_382 = arith.minsi %get3A_379, %min3A_381 : vector<16xi32>
    %swap3A_383 = arith.constant 144 : index
    %swap3A_384 = tpu.vector_load %arg7[%swap3A_383] {strides = array<i32>} : memref<640xi32, #tpu.memory_space<vmem>>, vector<16xi32>,
    %swap3A_385 = vector.shape_cast %swap3A_384 : vector<16xi32> to vector<16xi32>
    %swap3A_386 = vector.shape_cast %min3A_382 : vector<16xi32> to vector<16xi32>
    tpu.vector_store %arg7[%swap3A_383], %swap3A_386 {strides = array<i32>} : memref<640xi32, #tpu.memory_space<vmem>>, vector<16xi32>,
    %get3A_387 = arith.constant 160 : index
    %get3A_388 = tpu.vector_load %arg7[%get3A_387] {strides = array<i32>} : memref<640xi32, #tpu.memory_space<vmem>>, vector<16xi32>,
    %get3A_389 = vector.shape_cast %get3A_388 : vector<16xi32> to vector<16xi32>
    %min3A_390 = arith.constant 511 : i32
    %min3A_391 = vector.broadcast %min3A_390 : i32 to vector<16xi32>
    %min3A_392 = arith.minsi %get3A_389, %min3A_391 : vector<16xi32>
    %swap3A_393 = arith.constant 160 : index
    %swap3A_394 = tpu.vector_load %arg7[%swap3A_393] {strides = array<i32>} : memref<640xi32, #tpu.memory_space<vmem>>, vector<16xi32>,
    %swap3A_395 = vector.shape_cast %swap3A_394 : vector<16xi32> to vector<16xi32>
    %swap3A_396 = vector.shape_cast %min3A_392 : vector<16xi32> to vector<16xi32>
    tpu.vector_store %arg7[%swap3A_393], %swap3A_396 {strides = array<i32>} : memref<640xi32, #tpu.memory_space<vmem>>, vector<16xi32>,
    %get3A_397 = arith.constant 176 : index
    %get3A_398 = tpu.vector_load %arg7[%get3A_397] {strides = array<i32>} : memref<640xi32, #tpu.memory_space<vmem>>, vector<16xi32>,
    %get3A_399 = vector.shape_cast %get3A_398 : vector<16xi32> to vector<16xi32>
    %min3A_400 = arith.constant 511 : i32
    %min3A_401 = vector.broadcast %min3A_400 : i32 to vector<16xi32>
    %min3A_402 = arith.minsi %get3A_399, %min3A_401 : vector<16xi32>
    %swap3A_403 = arith.constant 176 : index
    %swap3A_404 = tpu.vector_load %arg7[%swap3A_403] {strides = array<i32>} : memref<640xi32, #tpu.memory_space<vmem>>, vector<16xi32>,
    %swap3A_405 = vector.shape_cast %swap3A_404 : vector<16xi32> to vector<16xi32>
    %swap3A_406 = vector.shape_cast %min3A_402 : vector<16xi32> to vector<16xi32>
    tpu.vector_store %arg7[%swap3A_403], %swap3A_406 {strides = array<i32>} : memref<640xi32, #tpu.memory_space<vmem>>, vector<16xi32>,
    %get3A_407 = arith.constant 192 : index
    %get3A_408 = tpu.vector_load %arg7[%get3A_407] {strides = array<i32>} : memref<640xi32, #tpu.memory_space<vmem>>, vector<16xi32>,
    %get3A_409 = vector.shape_cast %get3A_408 : vector<16xi32> to vector<16xi32>
    %min3A_410 = arith.constant 511 : i32
    %min3A_411 = vector.broadcast %min3A_410 : i32 to vector<16xi32>
    %min3A_412 = arith.minsi %get3A_409, %min3A_411 : vector<16xi32>
    %swap3A_413 = arith.constant 192 : index
    %swap3A_414 = tpu.vector_load %arg7[%swap3A_413] {strides = array<i32>} : memref<640xi32, #tpu.memory_space<vmem>>, vector<16xi32>,
    %swap3A_415 = vector.shape_cast %swap3A_414 : vector<16xi32> to vector<16xi32>
    %swap3A_416 = vector.shape_cast %min3A_412 : vector<16xi32> to vector<16xi32>
    tpu.vector_store %arg7[%swap3A_413], %swap3A_416 {strides = array<i32>} : memref<640xi32, #tpu.memory_space<vmem>>, vector<16xi32>,
    %get3A_417 = arith.constant 208 : index
    %get3A_418 = tpu.vector_load %arg7[%get3A_417] {strides = array<i32>} : memref<640xi32, #tpu.memory_space<vmem>>, vector<16xi32>,
    %get3A_419 = vector.shape_cast %get3A_418 : vector<16xi32> to vector<16xi32>
    %min3A_420 = arith.constant 511 : i32
    %min3A_421 = vector.broadcast %min3A_420 : i32 to vector<16xi32>
    %min3A_422 = arith.minsi %get3A_419, %min3A_421 : vector<16xi32>
    %swap3A_423 = arith.constant 208 : index
    %swap3A_424 = tpu.vector_load %arg7[%swap3A_423] {strides = array<i32>} : memref<640xi32, #tpu.memory_space<vmem>>, vector<16xi32>,
    %swap3A_425 = vector.shape_cast %swap3A_424 : vector<16xi32> to vector<16xi32>
    %swap3A_426 = vector.shape_cast %min3A_422 : vector<16xi32> to vector<16xi32>
    tpu.vector_store %arg7[%swap3A_423], %swap3A_426 {strides = array<i32>} : memref<640xi32, #tpu.memory_space<vmem>>, vector<16xi32>,
    %get3A_427 = arith.constant 224 : index
    %get3A_428 = tpu.vector_load %arg7[%get3A_427] {strides = array<i32>} : memref<640xi32, #tpu.memory_space<vmem>>, vector<16xi32>,
    %get3A_429 = vector.shape_cast %get3A_428 : vector<16xi32> to vector<16xi32>
    %min3A_430 = arith.constant 511 : i32
    %min3A_431 = vector.broadcast %min3A_430 : i32 to vector<16xi32>
    %min3A_432 = arith.minsi %get3A_429, %min3A_431 : vector<16xi32>
    %swap3A_433 = arith.constant 224 : index
    %swap3A_434 = tpu.vector_load %arg7[%swap3A_433] {strides = array<i32>} : memref<640xi32, #tpu.memory_space<vmem>>, vector<16xi32>,
    %swap3A_435 = vector.shape_cast %swap3A_434 : vector<16xi32> to vector<16xi32>
    %swap3A_436 = vector.shape_cast %min3A_432 : vector<16xi32> to vector<16xi32>
    tpu.vector_store %arg7[%swap3A_433], %swap3A_436 {strides = array<i32>} : memref<640xi32, #tpu.memory_space<vmem>>, vector<16xi32>,
    %get3A_437 = arith.constant 240 : index
    %get3A_438 = tpu.vector_load %arg7[%get3A_437] {strides = array<i32>} : memref<640xi32, #tpu.memory_space<vmem>>, vector<16xi32>,
    %get3A_439 = vector.shape_cast %get3A_438 : vector<16xi32> to vector<16xi32>
    %min3A_440 = arith.constant 511 : i32
    %min3A_441 = vector.broadcast %min3A_440 : i32 to vector<16xi32>
    %min3A_442 = arith.minsi %get3A_439, %min3A_441 : vector<16xi32>
    %swap3A_443 = arith.constant 240 : index
    %swap3A_444 = tpu.vector_load %arg7[%swap3A_443] {strides = array<i32>} : memref<640xi32, #tpu.memory_space<vmem>>, vector<16xi32>,
    %swap3A_445 = vector.shape_cast %swap3A_444 : vector<16xi32> to vector<16xi32>
    %swap3A_446 = vector.shape_cast %min3A_442 : vector<16xi32> to vector<16xi32>
    tpu.vector_store %arg7[%swap3A_443], %swap3A_446 {strides = array<i32>} : memref<640xi32, #tpu.memory_space<vmem>>, vector<16xi32>,
    %get3A_447 = arith.constant 256 : index
    %get3A_448 = tpu.vector_load %arg7[%get3A_447] {strides = array<i32>} : memref<640xi32, #tpu.memory_space<vmem>>, vector<16xi32>,
    %get3A_449 = vector.shape_cast %get3A_448 : vector<16xi32> to vector<16xi32>
    %min3A_450 = arith.constant 511 : i32
    %min3A_451 = vector.broadcast %min3A_450 : i32 to vector<16xi32>
    %min3A_452 = arith.minsi %get3A_449, %min3A_451 : vector<16xi32>
    %swap3A_453 = arith.constant 256 : index
    %swap3A_454 = tpu.vector_load %arg7[%swap3A_453] {strides = array<i32>} : memref<640xi32, #tpu.memory_space<vmem>>, vector<16xi32>,
    %swap3A_455 = vector.shape_cast %swap3A_454 : vector<16xi32> to vector<16xi32>
    %swap3A_456 = vector.shape_cast %min3A_452 : vector<16xi32> to vector<16xi32>
    tpu.vector_store %arg7[%swap3A_453], %swap3A_456 {strides = array<i32>} : memref<640xi32, #tpu.memory_space<vmem>>, vector<16xi32>,
    %get3A_457 = arith.constant 272 : index
    %get3A_458 = tpu.vector_load %arg7[%get3A_457] {strides = array<i32>} : memref<640xi32, #tpu.memory_space<vmem>>, vector<16xi32>,
    %get3A_459 = vector.shape_cast %get3A_458 : vector<16xi32> to vector<16xi32>
    %min3A_460 = arith.constant 511 : i32
    %min3A_461 = vector.broadcast %min3A_460 : i32 to vector<16xi32>
    %min3A_462 = arith.minsi %get3A_459, %min3A_461 : vector<16xi32>
    %swap3A_463 = arith.constant 272 : index
    %swap3A_464 = tpu.vector_load %arg7[%swap3A_463] {strides = array<i32>} : memref<640xi32, #tpu.memory_space<vmem>>, vector<16xi32>,
    %swap3A_465 = vector.shape_cast %swap3A_464 : vector<16xi32> to vector<16xi32>
    %swap3A_466 = vector.shape_cast %min3A_462 : vector<16xi32> to vector<16xi32>
    tpu.vector_store %arg7[%swap3A_463], %swap3A_466 {strides = array<i32>} : memref<640xi32, #tpu.memory_space<vmem>>, vector<16xi32>,
    %get3A_467 = arith.constant 288 : index
    %get3A_468 = tpu.vector_load %arg7[%get3A_467] {strides = array<i32>} : memref<640xi32, #tpu.memory_space<vmem>>, vector<16xi32>,
    %get3A_469 = vector.shape_cast %get3A_468 : vector<16xi32> to vector<16xi32>
    %min3A_470 = arith.constant 511 : i32
    %min3A_471 = vector.broadcast %min3A_470 : i32 to vector<16xi32>
    %min3A_472 = arith.minsi %get3A_469, %min3A_471 : vector<16xi32>
    %swap3A_473 = arith.constant 288 : index
    %swap3A_474 = tpu.vector_load %arg7[%swap3A_473] {strides = array<i32>} : memref<640xi32, #tpu.memory_space<vmem>>, vector<16xi32>,
    %swap3A_475 = vector.shape_cast %swap3A_474 : vector<16xi32> to vector<16xi32>
    %swap3A_476 = vector.shape_cast %min3A_472 : vector<16xi32> to vector<16xi32>
    tpu.vector_store %arg7[%swap3A_473], %swap3A_476 {strides = array<i32>} : memref<640xi32, #tpu.memory_space<vmem>>, vector<16xi32>,
    %get3A_477 = arith.constant 304 : index
    %get3A_478 = tpu.vector_load %arg7[%get3A_477] {strides = array<i32>} : memref<640xi32, #tpu.memory_space<vmem>>, vector<16xi32>,
    %get3A_479 = vector.shape_cast %get3A_478 : vector<16xi32> to vector<16xi32>
    %min3A_480 = arith.constant 511 : i32
    %min3A_481 = vector.broadcast %min3A_480 : i32 to vector<16xi32>
    %min3A_482 = arith.minsi %get3A_479, %min3A_481 : vector<16xi32>
    %swap3A_483 = arith.constant 304 : index
    %swap3A_484 = tpu.vector_load %arg7[%swap3A_483] {strides = array<i32>} : memref<640xi32, #tpu.memory_space<vmem>>, vector<16xi32>,
    %swap3A_485 = vector.shape_cast %swap3A_484 : vector<16xi32> to vector<16xi32>
    %swap3A_486 = vector.shape_cast %min3A_482 : vector<16xi32> to vector<16xi32>
    tpu.vector_store %arg7[%swap3A_483], %swap3A_486 {strides = array<i32>} : memref<640xi32, #tpu.memory_space<vmem>>, vector<16xi32>,
    %get3A_487 = arith.constant 320 : index
    %get3A_488 = tpu.vector_load %arg7[%get3A_487] {strides = array<i32>} : memref<640xi32, #tpu.memory_space<vmem>>, vector<16xi32>,
    %get3A_489 = vector.shape_cast %get3A_488 : vector<16xi32> to vector<16xi32>
    %min3A_490 = arith.constant 511 : i32
    %min3A_491 = vector.broadcast %min3A_490 : i32 to vector<16xi32>
    %min3A_492 = arith.minsi %get3A_489, %min3A_491 : vector<16xi32>
    %swap3A_493 = arith.constant 320 : index
    %swap3A_494 = tpu.vector_load %arg7[%swap3A_493] {strides = array<i32>} : memref<640xi32, #tpu.memory_space<vmem>>, vector<16xi32>,
    %swap3A_495 = vector.shape_cast %swap3A_494 : vector<16xi32> to vector<16xi32>
    %swap3A_496 = vector.shape_cast %min3A_492 : vector<16xi32> to vector<16xi32>
    tpu.vector_store %arg7[%swap3A_493], %swap3A_496 {strides = array<i32>} : memref<640xi32, #tpu.memory_space<vmem>>, vector<16xi32>,
    %get3A_497 = arith.constant 336 : index
    %get3A_498 = tpu.vector_load %arg7[%get3A_497] {strides = array<i32>} : memref<640xi32, #tpu.memory_space<vmem>>, vector<16xi32>,
    %get3A_499 = vector.shape_cast %get3A_498 : vector<16xi32> to vector<16xi32>
    %min3A_500 = arith.constant 511 : i32
    %min3A_501 = vector.broadcast %min3A_500 : i32 to vector<16xi32>
    %min3A_502 = arith.minsi %get3A_499, %min3A_501 : vector<16xi32>
    %swap3A_503 = arith.constant 336 : index
    %swap3A_504 = tpu.vector_load %arg7[%swap3A_503] {strides = array<i32>} : memref<640xi32, #tpu.memory_space<vmem>>, vector<16xi32>,
    %swap3A_505 = vector.shape_cast %swap3A_504 : vector<16xi32> to vector<16xi32>
    %swap3A_506 = vector.shape_cast %min3A_502 : vector<16xi32> to vector<16xi32>
    tpu.vector_store %arg7[%swap3A_503], %swap3A_506 {strides = array<i32>} : memref<640xi32, #tpu.memory_space<vmem>>, vector<16xi32>,
    %get3A_507 = arith.constant 352 : index
    %get3A_508 = tpu.vector_load %arg7[%get3A_507] {strides = array<i32>} : memref<640xi32, #tpu.memory_space<vmem>>, vector<16xi32>,
    %get3A_509 = vector.shape_cast %get3A_508 : vector<16xi32> to vector<16xi32>
    %min3A_510 = arith.constant 511 : i32
    %min3A_511 = vector.broadcast %min3A_510 : i32 to vector<16xi32>
    %min3A_512 = arith.minsi %get3A_509, %min3A_511 : vector<16xi32>
    %swap3A_513 = arith.constant 352 : index
    %swap3A_514 = tpu.vector_load %arg7[%swap3A_513] {strides = array<i32>} : memref<640xi32, #tpu.memory_space<vmem>>, vector<16xi32>,
    %swap3A_515 = vector.shape_cast %swap3A_514 : vector<16xi32> to vector<16xi32>
    %swap3A_516 = vector.shape_cast %min3A_512 : vector<16xi32> to vector<16xi32>
    tpu.vector_store %arg7[%swap3A_513], %swap3A_516 {strides = array<i32>} : memref<640xi32, #tpu.memory_space<vmem>>, vector<16xi32>,
    %get3A_517 = arith.constant 368 : index
    %get3A_518 = tpu.vector_load %arg7[%get3A_517] {strides = array<i32>} : memref<640xi32, #tpu.memory_space<vmem>>, vector<16xi32>,
    %get3A_519 = vector.shape_cast %get3A_518 : vector<16xi32> to vector<16xi32>
    %min3A_520 = arith.constant 511 : i32
    %min3A_521 = vector.broadcast %min3A_520 : i32 to vector<16xi32>
    %min3A_522 = arith.minsi %get3A_519, %min3A_521 : vector<16xi32>
    %swap3A_523 = arith.constant 368 : index
    %swap3A_524 = tpu.vector_load %arg7[%swap3A_523] {strides = array<i32>} : memref<640xi32, #tpu.memory_space<vmem>>, vector<16xi32>,
    %swap3A_525 = vector.shape_cast %swap3A_524 : vector<16xi32> to vector<16xi32>
    %swap3A_526 = vector.shape_cast %min3A_522 : vector<16xi32> to vector<16xi32>
    tpu.vector_store %arg7[%swap3A_523], %swap3A_526 {strides = array<i32>} : memref<640xi32, #tpu.memory_space<vmem>>, vector<16xi32>,
    %get3A_527 = arith.constant 384 : index
    %get3A_528 = tpu.vector_load %arg7[%get3A_527] {strides = array<i32>} : memref<640xi32, #tpu.memory_space<vmem>>, vector<16xi32>,
    %get3A_529 = vector.shape_cast %get3A_528 : vector<16xi32> to vector<16xi32>
    %min3A_530 = arith.constant 511 : i32
    %min3A_531 = vector.broadcast %min3A_530 : i32 to vector<16xi32>
    %min3A_532 = arith.minsi %get3A_529, %min3A_531 : vector<16xi32>
    %swap3A_533 = arith.constant 384 : index
    %swap3A_534 = tpu.vector_load %arg7[%swap3A_533] {strides = array<i32>} : memref<640xi32, #tpu.memory_space<vmem>>, vector<16xi32>,
    %swap3A_535 = vector.shape_cast %swap3A_534 : vector<16xi32> to vector<16xi32>
    %swap3A_536 = vector.shape_cast %min3A_532 : vector<16xi32> to vector<16xi32>
    tpu.vector_store %arg7[%swap3A_533], %swap3A_536 {strides = array<i32>} : memref<640xi32, #tpu.memory_space<vmem>>, vector<16xi32>,
    %get3A_537 = arith.constant 400 : index
    %get3A_538 = tpu.vector_load %arg7[%get3A_537] {strides = array<i32>} : memref<640xi32, #tpu.memory_space<vmem>>, vector<16xi32>,
    %get3A_539 = vector.shape_cast %get3A_538 : vector<16xi32> to vector<16xi32>
    %min3A_540 = arith.constant 511 : i32
    %min3A_541 = vector.broadcast %min3A_540 : i32 to vector<16xi32>
    %min3A_542 = arith.minsi %get3A_539, %min3A_541 : vector<16xi32>
    %swap3A_543 = arith.constant 400 : index
    %swap3A_544 = tpu.vector_load %arg7[%swap3A_543] {strides = array<i32>} : memref<640xi32, #tpu.memory_space<vmem>>, vector<16xi32>,
    %swap3A_545 = vector.shape_cast %swap3A_544 : vector<16xi32> to vector<16xi32>
    %swap3A_546 = vector.shape_cast %min3A_542 : vector<16xi32> to vector<16xi32>
    tpu.vector_store %arg7[%swap3A_543], %swap3A_546 {strides = array<i32>} : memref<640xi32, #tpu.memory_space<vmem>>, vector<16xi32>,
    %get3A_547 = arith.constant 416 : index
    %get3A_548 = tpu.vector_load %arg7[%get3A_547] {strides = array<i32>} : memref<640xi32, #tpu.memory_space<vmem>>, vector<16xi32>,
    %get3A_549 = vector.shape_cast %get3A_548 : vector<16xi32> to vector<16xi32>
    %min3A_550 = arith.constant 511 : i32
    %min3A_551 = vector.broadcast %min3A_550 : i32 to vector<16xi32>
    %min3A_552 = arith.minsi %get3A_549, %min3A_551 : vector<16xi32>
    %swap3A_553 = arith.constant 416 : index
    %swap3A_554 = tpu.vector_load %arg7[%swap3A_553] {strides = array<i32>} : memref<640xi32, #tpu.memory_space<vmem>>, vector<16xi32>,
    %swap3A_555 = vector.shape_cast %swap3A_554 : vector<16xi32> to vector<16xi32>
    %swap3A_556 = vector.shape_cast %min3A_552 : vector<16xi32> to vector<16xi32>
    tpu.vector_store %arg7[%swap3A_553], %swap3A_556 {strides = array<i32>} : memref<640xi32, #tpu.memory_space<vmem>>, vector<16xi32>,
    %get3A_557 = arith.constant 432 : index
    %get3A_558 = tpu.vector_load %arg7[%get3A_557] {strides = array<i32>} : memref<640xi32, #tpu.memory_space<vmem>>, vector<16xi32>,
    %get3A_559 = vector.shape_cast %get3A_558 : vector<16xi32> to vector<16xi32>
    %min3A_560 = arith.constant 511 : i32
    %min3A_561 = vector.broadcast %min3A_560 : i32 to vector<16xi32>
    %min3A_562 = arith.minsi %get3A_559, %min3A_561 : vector<16xi32>
    %swap3A_563 = arith.constant 432 : index
    %swap3A_564 = tpu.vector_load %arg7[%swap3A_563] {strides = array<i32>} : memref<640xi32, #tpu.memory_space<vmem>>, vector<16xi32>,
    %swap3A_565 = vector.shape_cast %swap3A_564 : vector<16xi32> to vector<16xi32>
    %swap3A_566 = vector.shape_cast %min3A_562 : vector<16xi32> to vector<16xi32>
    tpu.vector_store %arg7[%swap3A_563], %swap3A_566 {strides = array<i32>} : memref<640xi32, #tpu.memory_space<vmem>>, vector<16xi32>,
    %get3A_567 = arith.constant 448 : index
    %get3A_568 = tpu.vector_load %arg7[%get3A_567] {strides = array<i32>} : memref<640xi32, #tpu.memory_space<vmem>>, vector<16xi32>,
    %get3A_569 = vector.shape_cast %get3A_568 : vector<16xi32> to vector<16xi32>
    %min3A_570 = arith.constant 511 : i32
    %min3A_571 = vector.broadcast %min3A_570 : i32 to vector<16xi32>
    %min3A_572 = arith.minsi %get3A_569, %min3A_571 : vector<16xi32>
    %swap3A_573 = arith.constant 448 : index
    %swap3A_574 = tpu.vector_load %arg7[%swap3A_573] {strides = array<i32>} : memref<640xi32, #tpu.memory_space<vmem>>, vector<16xi32>,
    %swap3A_575 = vector.shape_cast %swap3A_574 : vector<16xi32> to vector<16xi32>
    %swap3A_576 = vector.shape_cast %min3A_572 : vector<16xi32> to vector<16xi32>
    tpu.vector_store %arg7[%swap3A_573], %swap3A_576 {strides = array<i32>} : memref<640xi32, #tpu.memory_space<vmem>>, vector<16xi32>,
    %get3A_577 = arith.constant 464 : index
    %get3A_578 = tpu.vector_load %arg7[%get3A_577] {strides = array<i32>} : memref<640xi32, #tpu.memory_space<vmem>>, vector<16xi32>,
    %get3A_579 = vector.shape_cast %get3A_578 : vector<16xi32> to vector<16xi32>
    %min3A_580 = arith.constant 511 : i32
    %min3A_581 = vector.broadcast %min3A_580 : i32 to vector<16xi32>
    %min3A_582 = arith.minsi %get3A_579, %min3A_581 : vector<16xi32>
    %swap3A_583 = arith.constant 464 : index
    %swap3A_584 = tpu.vector_load %arg7[%swap3A_583] {strides = array<i32>} : memref<640xi32, #tpu.memory_space<vmem>>, vector<16xi32>,
    %swap3A_585 = vector.shape_cast %swap3A_584 : vector<16xi32> to vector<16xi32>
    %swap3A_586 = vector.shape_cast %min3A_582 : vector<16xi32> to vector<16xi32>
    tpu.vector_store %arg7[%swap3A_583], %swap3A_586 {strides = array<i32>} : memref<640xi32, #tpu.memory_space<vmem>>, vector<16xi32>,
    %get3A_587 = arith.constant 480 : index
    %get3A_588 = tpu.vector_load %arg7[%get3A_587] {strides = array<i32>} : memref<640xi32, #tpu.memory_space<vmem>>, vector<16xi32>,
    %get3A_589 = vector.shape_cast %get3A_588 : vector<16xi32> to vector<16xi32>
    %min3A_590 = arith.constant 511 : i32
    %min3A_591 = vector.broadcast %min3A_590 : i32 to vector<16xi32>
    %min3A_592 = arith.minsi %get3A_589, %min3A_591 : vector<16xi32>
    %swap3A_593 = arith.constant 480 : index
    %swap3A_594 = tpu.vector_load %arg7[%swap3A_593] {strides = array<i32>} : memref<640xi32, #tpu.memory_space<vmem>>, vector<16xi32>,
    %swap3A_595 = vector.shape_cast %swap3A_594 : vector<16xi32> to vector<16xi32>
    %swap3A_596 = vector.shape_cast %min3A_592 : vector<16xi32> to vector<16xi32>
    tpu.vector_store %arg7[%swap3A_593], %swap3A_596 {strides = array<i32>} : memref<640xi32, #tpu.memory_space<vmem>>, vector<16xi32>,
    %get3A_597 = arith.constant 496 : index
    %get3A_598 = tpu.vector_load %arg7[%get3A_597] {strides = array<i32>} : memref<640xi32, #tpu.memory_space<vmem>>, vector<16xi32>,
    %get3A_599 = vector.shape_cast %get3A_598 : vector<16xi32> to vector<16xi32>
    %min3A_600 = arith.constant 511 : i32
    %min3A_601 = vector.broadcast %min3A_600 : i32 to vector<16xi32>
    %min3A_602 = arith.minsi %get3A_599, %min3A_601 : vector<16xi32>
    %swap3A_603 = arith.constant 496 : index
    %swap3A_604 = tpu.vector_load %arg7[%swap3A_603] {strides = array<i32>} : memref<640xi32, #tpu.memory_space<vmem>>, vector<16xi32>,
    %swap3A_605 = vector.shape_cast %swap3A_604 : vector<16xi32> to vector<16xi32>
    %swap3A_606 = vector.shape_cast %min3A_602 : vector<16xi32> to vector<16xi32>
    tpu.vector_store %arg7[%swap3A_603], %swap3A_606 {strides = array<i32>} : memref<640xi32, #tpu.memory_space<vmem>>, vector<16xi32>,
    %get3A_607 = arith.constant 512 : index
    %get3A_608 = tpu.vector_load %arg7[%get3A_607] {strides = array<i32>} : memref<640xi32, #tpu.memory_space<vmem>>, vector<16xi32>,
    %get3A_609 = vector.shape_cast %get3A_608 : vector<16xi32> to vector<16xi32>
    %min3A_610 = arith.constant 511 : i32
    %min3A_611 = vector.broadcast %min3A_610 : i32 to vector<16xi32>
    %min3A_612 = arith.minsi %get3A_609, %min3A_611 : vector<16xi32>
    %swap3A_613 = arith.constant 512 : index
    %swap3A_614 = tpu.vector_load %arg7[%swap3A_613] {strides = array<i32>} : memref<640xi32, #tpu.memory_space<vmem>>, vector<16xi32>,
    %swap3A_615 = vector.shape_cast %swap3A_614 : vector<16xi32> to vector<16xi32>
    %swap3A_616 = vector.shape_cast %min3A_612 : vector<16xi32> to vector<16xi32>
    tpu.vector_store %arg7[%swap3A_613], %swap3A_616 {strides = array<i32>} : memref<640xi32, #tpu.memory_space<vmem>>, vector<16xi32>,
    %get3A_617 = arith.constant 528 : index
    %get3A_618 = tpu.vector_load %arg7[%get3A_617] {strides = array<i32>} : memref<640xi32, #tpu.memory_space<vmem>>, vector<16xi32>,
    %get3A_619 = vector.shape_cast %get3A_618 : vector<16xi32> to vector<16xi32>
    %min3A_620 = arith.constant 511 : i32
    %min3A_621 = vector.broadcast %min3A_620 : i32 to vector<16xi32>
    %min3A_622 = arith.minsi %get3A_619, %min3A_621 : vector<16xi32>
    %swap3A_623 = arith.constant 528 : index
    %swap3A_624 = tpu.vector_load %arg7[%swap3A_623] {strides = array<i32>} : memref<640xi32, #tpu.memory_space<vmem>>, vector<16xi32>,
    %swap3A_625 = vector.shape_cast %swap3A_624 : vector<16xi32> to vector<16xi32>
    %swap3A_626 = vector.shape_cast %min3A_622 : vector<16xi32> to vector<16xi32>
    tpu.vector_store %arg7[%swap3A_623], %swap3A_626 {strides = array<i32>} : memref<640xi32, #tpu.memory_space<vmem>>, vector<16xi32>,
    %get3A_627 = arith.constant 544 : index
    %get3A_628 = tpu.vector_load %arg7[%get3A_627] {strides = array<i32>} : memref<640xi32, #tpu.memory_space<vmem>>, vector<16xi32>,
    %get3A_629 = vector.shape_cast %get3A_628 : vector<16xi32> to vector<16xi32>
    %min3A_630 = arith.constant 511 : i32
    %min3A_631 = vector.broadcast %min3A_630 : i32 to vector<16xi32>
    %min3A_632 = arith.minsi %get3A_629, %min3A_631 : vector<16xi32>
    %swap3A_633 = arith.constant 544 : index
    %swap3A_634 = tpu.vector_load %arg7[%swap3A_633] {strides = array<i32>} : memref<640xi32, #tpu.memory_space<vmem>>, vector<16xi32>,
    %swap3A_635 = vector.shape_cast %swap3A_634 : vector<16xi32> to vector<16xi32>
    %swap3A_636 = vector.shape_cast %min3A_632 : vector<16xi32> to vector<16xi32>
    tpu.vector_store %arg7[%swap3A_633], %swap3A_636 {strides = array<i32>} : memref<640xi32, #tpu.memory_space<vmem>>, vector<16xi32>,
    %get3A_637 = arith.constant 560 : index
    %get3A_638 = tpu.vector_load %arg7[%get3A_637] {strides = array<i32>} : memref<640xi32, #tpu.memory_space<vmem>>, vector<16xi32>,
    %get3A_639 = vector.shape_cast %get3A_638 : vector<16xi32> to vector<16xi32>
    %min3A_640 = arith.constant 511 : i32
    %min3A_641 = vector.broadcast %min3A_640 : i32 to vector<16xi32>
    %min3A_642 = arith.minsi %get3A_639, %min3A_641 : vector<16xi32>
    %swap3A_643 = arith.constant 560 : index
    %swap3A_644 = tpu.vector_load %arg7[%swap3A_643] {strides = array<i32>} : memref<640xi32, #tpu.memory_space<vmem>>, vector<16xi32>,
    %swap3A_645 = vector.shape_cast %swap3A_644 : vector<16xi32> to vector<16xi32>
    %swap3A_646 = vector.shape_cast %min3A_642 : vector<16xi32> to vector<16xi32>
    tpu.vector_store %arg7[%swap3A_643], %swap3A_646 {strides = array<i32>} : memref<640xi32, #tpu.memory_space<vmem>>, vector<16xi32>,
    %get3A_647 = arith.constant 576 : index
    %get3A_648 = tpu.vector_load %arg7[%get3A_647] {strides = array<i32>} : memref<640xi32, #tpu.memory_space<vmem>>, vector<16xi32>,
    %get3A_649 = vector.shape_cast %get3A_648 : vector<16xi32> to vector<16xi32>
    %min3A_650 = arith.constant 511 : i32
    %min3A_651 = vector.broadcast %min3A_650 : i32 to vector<16xi32>
    %min3A_652 = arith.minsi %get3A_649, %min3A_651 : vector<16xi32>
    %swap3A_653 = arith.constant 576 : index
    %swap3A_654 = tpu.vector_load %arg7[%swap3A_653] {strides = array<i32>} : memref<640xi32, #tpu.memory_space<vmem>>, vector<16xi32>,
    %swap3A_655 = vector.shape_cast %swap3A_654 : vector<16xi32> to vector<16xi32>
    %swap3A_656 = vector.shape_cast %min3A_652 : vector<16xi32> to vector<16xi32>
    tpu.vector_store %arg7[%swap3A_653], %swap3A_656 {strides = array<i32>} : memref<640xi32, #tpu.memory_space<vmem>>, vector<16xi32>,
    %get3A_657 = arith.constant 592 : index
    %get3A_658 = tpu.vector_load %arg7[%get3A_657] {strides = array<i32>} : memref<640xi32, #tpu.memory_space<vmem>>, vector<16xi32>,
    %get3A_659 = vector.shape_cast %get3A_658 : vector<16xi32> to vector<16xi32>
    %min3A_660 = arith.constant 511 : i32
    %min3A_661 = vector.broadcast %min3A_660 : i32 to vector<16xi32>
    %min3A_662 = arith.minsi %get3A_659, %min3A_661 : vector<16xi32>
    %swap3A_663 = arith.constant 592 : index
    %swap3A_664 = tpu.vector_load %arg7[%swap3A_663] {strides = array<i32>} : memref<640xi32, #tpu.memory_space<vmem>>, vector<16xi32>,
    %swap3A_665 = vector.shape_cast %swap3A_664 : vector<16xi32> to vector<16xi32>
    %swap3A_666 = vector.shape_cast %min3A_662 : vector<16xi32> to vector<16xi32>
    tpu.vector_store %arg7[%swap3A_663], %swap3A_666 {strides = array<i32>} : memref<640xi32, #tpu.memory_space<vmem>>, vector<16xi32>,
    %get3A_667 = arith.constant 608 : index
    %get3A_668 = tpu.vector_load %arg7[%get3A_667] {strides = array<i32>} : memref<640xi32, #tpu.memory_space<vmem>>, vector<16xi32>,
    %get3A_669 = vector.shape_cast %get3A_668 : vector<16xi32> to vector<16xi32>
    %min3A_670 = arith.constant 511 : i32
    %min3A_671 = vector.broadcast %min3A_670 : i32 to vector<16xi32>
    %min3A_672 = arith.minsi %get3A_669, %min3A_671 : vector<16xi32>
    %swap3A_673 = arith.constant 608 : index
    %swap3A_674 = tpu.vector_load %arg7[%swap3A_673] {strides = array<i32>} : memref<640xi32, #tpu.memory_space<vmem>>, vector<16xi32>,
    %swap3A_675 = vector.shape_cast %swap3A_674 : vector<16xi32> to vector<16xi32>
    %swap3A_676 = vector.shape_cast %min3A_672 : vector<16xi32> to vector<16xi32>
    tpu.vector_store %arg7[%swap3A_673], %swap3A_676 {strides = array<i32>} : memref<640xi32, #tpu.memory_space<vmem>>, vector<16xi32>,
    %get3A_677 = arith.constant 624 : index
    %get3A_678 = tpu.vector_load %arg7[%get3A_677] {strides = array<i32>} : memref<640xi32, #tpu.memory_space<vmem>>, vector<16xi32>,
    %get3A_679 = vector.shape_cast %get3A_678 : vector<16xi32> to vector<16xi32>
    %min3A_680 = arith.constant 511 : i32
    %min3A_681 = vector.broadcast %min3A_680 : i32 to vector<16xi32>
    %min3A_682 = arith.minsi %get3A_679, %min3A_681 : vector<16xi32>
    %swap3A_683 = arith.constant 624 : index
    %swap3A_684 = tpu.vector_load %arg7[%swap3A_683] {strides = array<i32>} : memref<640xi32, #tpu.memory_space<vmem>>, vector<16xi32>,
    %swap3A_685 = vector.shape_cast %swap3A_684 : vector<16xi32> to vector<16xi32>
    %swap3A_686 = vector.shape_cast %min3A_682 : vector<16xi32> to vector<16xi32>
    tpu.vector_store %arg7[%swap3A_683], %swap3A_686 {strides = array<i32>} : memref<640xi32, #tpu.memory_space<vmem>>, vector<16xi32>,
    %eq3A = arith.constant 0 : i32
    %eq3A_687 = arith.cmpi eq, %arg0, %eq3A : i32
    %convert_element_type3A = arith.extui %eq3A_687 : i1 to i32
    %cond3A = arith.constant 0 : i32
    %cond3A_688 = arith.cmpi ne, %convert_element_type3A, %cond3A : i32
    scf.if %cond3A_688 {
      %mul3A_694 = arith.constant 640 : i32
      %mul3A_695 = arith.muli %arg1, %mul3A_694 : i32
      "tpu.region"() ({
        %run_scoped3A = tpu.sem_alloc : memref<!tpu.dma_semaphore, #tpu.memory_space<semaphore_mem>>
        %dma_start3A = tpu.memref_slice %arg3[%mul3A_695] : memref<10240xi32, #tpu.memory_space<hbm>> -> memref<640xi32, #tpu.memory_space<hbm>>
        %dma_start3A_696 = tpu.memref_slice %arg3[%mul3A_695] : memref<10240xi32, #tpu.memory_space<hbm>> -> memref<640xi32, #tpu.memory_space<hbm>>
        tpu.enqueue_dma source(%arg7 : memref<640xi32, #tpu.memory_space<vmem>>) target(%dma_start3A_696 : memref<640xi32, #tpu.memory_space<hbm>>) target_semaphore(%run_scoped3A : memref<!tpu.dma_semaphore, #tpu.memory_space<semaphore_mem>>)
        %dma_wait3A = tpu.memref_slice %arg3[%mul3A_695] : memref<10240xi32, #tpu.memory_space<hbm>> -> memref<640xi32, #tpu.memory_space<hbm>>
        %dma_wait3A_697 = tpu.memref_slice %arg3[%mul3A_695] : memref<10240xi32, #tpu.memory_space<hbm>> -> memref<640xi32, #tpu.memory_space<hbm>>
        tpu.wait_dma2 semaphore(%run_scoped3A : memref<!tpu.dma_semaphore, #tpu.memory_space<semaphore_mem>>) src(%arg7 : memref<640xi32, #tpu.memory_space<vmem>>) dst(%dma_wait3A_697 : memref<640xi32, #tpu.memory_space<hbm>>)
        tpu.yield
      }) : () -> ()
    } else {
    }
    %eq3A_689 = arith.constant 1 : i32
    %eq3A_690 = arith.cmpi eq, %arg0, %eq3A_689 : i32
    %convert_element_type3A_691 = arith.extui %eq3A_690 : i1 to i32
    %cond3A_692 = arith.constant 0 : i32
    %cond3A_693 = arith.cmpi ne, %convert_element_type3A_691, %cond3A_692 : i32
    scf.if %cond3A_693 {
      %mul3A_694 = arith.constant 640 : i32
      %mul3A_695 = arith.muli %arg1, %mul3A_694 : i32
      "tpu.region"() ({
        %run_scoped3A = tpu.sem_alloc : memref<!tpu.dma_semaphore, #tpu.memory_space<semaphore_mem>>
        %dma_start3A = tpu.memref_slice %arg4[%mul3A_695] : memref<10240xi32, #tpu.memory_space<hbm>> -> memref<640xi32, #tpu.memory_space<hbm>>
        %dma_start3A_696 = tpu.memref_slice %arg4[%mul3A_695] : memref<10240xi32, #tpu.memory_space<hbm>> -> memref<640xi32, #tpu.memory_space<hbm>>
        tpu.enqueue_dma source(%arg7 : memref<640xi32, #tpu.memory_space<vmem>>) target(%dma_start3A_696 : memref<640xi32, #tpu.memory_space<hbm>>) target_semaphore(%run_scoped3A : memref<!tpu.dma_semaphore, #tpu.memory_space<semaphore_mem>>)
        %dma_wait3A = tpu.memref_slice %arg4[%mul3A_695] : memref<10240xi32, #tpu.memory_space<hbm>> -> memref<640xi32, #tpu.memory_space<hbm>>
        %dma_wait3A_697 = tpu.memref_slice %arg4[%mul3A_695] : memref<10240xi32, #tpu.memory_space<hbm>> -> memref<640xi32, #tpu.memory_space<hbm>>
        tpu.wait_dma2 semaphore(%run_scoped3A : memref<!tpu.dma_semaphore, #tpu.memory_space<semaphore_mem>>) src(%arg7 : memref<640xi32, #tpu.memory_space<vmem>>) dst(%dma_wait3A_697 : memref<640xi32, #tpu.memory_space<hbm>>)
        tpu.yield
      }) : () -> ()
    } else {
    }
    return
  }
}

#map = affine_map<(d0, d1) -> (0, 0)>
#map1 = affine_map<(d0, d1) -> (0)>
module attributes {stable_mosaic.version = 14 : i64} {
  func.func @_encode(%arg0: i32, %arg1: i32, %arg2: memref<10000x128xf32, #tpu.memory_space<hbm>>, %arg3: memref<10240xi32, #tpu.memory_space<hbm>>, %arg4: memref<10240xi32, #tpu.memory_space<hbm>>, %arg5: memref<512x128xf32, #tpu.memory_space<hbm>>, %arg6: memref<512x128xf32, #tpu.memory_space<hbm>>, %arg7: memref<10000x128xf32, #tpu.memory_space<hbm>>, %arg8: memref<2x80xi32, #tpu.memory_space<vmem>>, %arg9: memref<2x80xi32, #tpu.memory_space<vmem>>, %arg10: memref<2x80x128xf32, #tpu.memory_space<vmem>>, %arg11: memref<2x80x128xf32, #tpu.memory_space<vmem>>, %arg12: memref<2x80x128xf32, #tpu.memory_space<vmem>>, %arg13: memref<!tpu.dma_semaphore, #tpu.memory_space<semaphore_mem>>, %arg14: memref<!tpu.dma_semaphore, #tpu.memory_space<semaphore_mem>>, %arg15: memref<!tpu.dma_semaphore, #tpu.memory_space<semaphore_mem>>, %arg16: memref<!tpu.dma_semaphore, #tpu.memory_space<semaphore_mem>>, %arg17: memref<!tpu.dma_semaphore, #tpu.memory_space<semaphore_mem>>, %arg18: memref<!tpu.dma_semaphore, #tpu.memory_space<semaphore_mem>>, %arg19: memref<!tpu.dma_semaphore, #tpu.memory_space<semaphore_mem>>, %arg20: memref<!tpu.dma_semaphore, #tpu.memory_space<semaphore_mem>>) attributes {dimension_semantics = [#tpu.dimension_semantics<core_parallel>, #tpu.dimension_semantics<subcore_parallel>], iteration_bounds = array<i64: 2, 16>, scalar_prefetch = 0 : i64, scratch_operands = 13 : i64, tpu.core_type = #tpu.core_type<sc_vector_subcore>, window_params = [{transform_indices = #map}, {transform_indices = #map1}, {transform_indices = #map1}, {transform_indices = #map}, {transform_indices = #map}, {transform_indices = #map}]} {
    %mul3A = arith.constant 2 : i32
    %mul3A_0 = arith.muli %arg1, %mul3A : i32
    %add3A = arith.addi %mul3A_0, %arg0 : i32
    %add3A_1 = arith.constant 0 : i32
    %add3A_2 = arith.addi %add3A_1, %add3A : i32
    %lt3A = arith.constant 125 : i32
    %lt3A_3 = arith.cmpi slt, %add3A_2, %lt3A : i32
    %convert_element_type3A = arith.extui %lt3A_3 : i1 to i32
    %cond3A = arith.constant 0 : i32
    %cond3A_4 = arith.cmpi ne, %convert_element_type3A, %cond3A : i32
    scf.if %cond3A_4 {
      %mul3A_102 = arith.constant 80 : i32
      %mul3A_103 = arith.muli %add3A_2, %mul3A_102 : i32
      %dma_start3A = arith.constant 0 : i32
      %dma_start3A_104 = arith.constant 0 : i32
      %dma_start3A_105 = tpu.memref_slice %arg8[%dma_start3A, %dma_start3A_104] : memref<2x80xi32, #tpu.memory_space<vmem>> -> memref<1x80xi32, #tpu.memory_space<vmem>>
      %dma_start3A_106 = tpu.memref_squeeze %dma_start3A_105 : memref<1x80xi32, #tpu.memory_space<vmem>> -> memref<80xi32, #tpu.memory_space<vmem>>
      %dma_start3A_107 = tpu.memref_slice %arg4[%mul3A_103] : memref<10240xi32, #tpu.memory_space<hbm>> -> memref<80xi32, #tpu.memory_space<hbm>>
      %dma_start3A_108 = arith.constant 0 : i32
      %dma_start3A_109 = tpu.memref_slice %arg8[%dma_start3A, %dma_start3A_108] : memref<2x80xi32, #tpu.memory_space<vmem>> -> memref<1x80xi32, #tpu.memory_space<vmem>>
      %dma_start3A_110 = tpu.memref_squeeze %dma_start3A_109 : memref<1x80xi32, #tpu.memory_space<vmem>> -> memref<80xi32, #tpu.memory_space<vmem>>
      %dma_start3A_111 = tpu.memref_slice %arg4[%mul3A_103] : memref<10240xi32, #tpu.memory_space<hbm>> -> memref<80xi32, #tpu.memory_space<hbm>>
      tpu.enqueue_dma source(%dma_start3A_111 : memref<80xi32, #tpu.memory_space<hbm>>) target(%dma_start3A_110 : memref<80xi32, #tpu.memory_space<vmem>>) target_semaphore(%arg13 : memref<!tpu.dma_semaphore, #tpu.memory_space<semaphore_mem>>)
      %dma_start3A_112 = arith.constant 0 : i32
      %dma_start3A_113 = arith.constant 0 : i32
      %dma_start3A_114 = tpu.memref_slice %arg9[%dma_start3A_112, %dma_start3A_113] : memref<2x80xi32, #tpu.memory_space<vmem>> -> memref<1x80xi32, #tpu.memory_space<vmem>>
      %dma_start3A_115 = tpu.memref_squeeze %dma_start3A_114 : memref<1x80xi32, #tpu.memory_space<vmem>> -> memref<80xi32, #tpu.memory_space<vmem>>
      %dma_start3A_116 = tpu.memref_slice %arg3[%mul3A_103] : memref<10240xi32, #tpu.memory_space<hbm>> -> memref<80xi32, #tpu.memory_space<hbm>>
      %dma_start3A_117 = arith.constant 0 : i32
      %dma_start3A_118 = tpu.memref_slice %arg9[%dma_start3A_112, %dma_start3A_117] : memref<2x80xi32, #tpu.memory_space<vmem>> -> memref<1x80xi32, #tpu.memory_space<vmem>>
      %dma_start3A_119 = tpu.memref_squeeze %dma_start3A_118 : memref<1x80xi32, #tpu.memory_space<vmem>> -> memref<80xi32, #tpu.memory_space<vmem>>
      %dma_start3A_120 = tpu.memref_slice %arg3[%mul3A_103] : memref<10240xi32, #tpu.memory_space<hbm>> -> memref<80xi32, #tpu.memory_space<hbm>>
      tpu.enqueue_dma source(%dma_start3A_120 : memref<80xi32, #tpu.memory_space<hbm>>) target(%dma_start3A_119 : memref<80xi32, #tpu.memory_space<vmem>>) target_semaphore(%arg13 : memref<!tpu.dma_semaphore, #tpu.memory_space<semaphore_mem>>)
      %dma_start3A_121 = arith.constant 0 : i32
      %dma_start3A_122 = arith.constant 0 : i32
      %dma_start3A_123 = arith.constant 0 : i32
      %dma_start3A_124 = tpu.memref_slice %arg10[%dma_start3A_121, %dma_start3A_122, %dma_start3A_123] : memref<2x80x128xf32, #tpu.memory_space<vmem>> -> memref<1x80x128xf32, #tpu.memory_space<vmem>>
      %dma_start3A_125 = tpu.memref_squeeze %dma_start3A_124 : memref<1x80x128xf32, #tpu.memory_space<vmem>> -> memref<80x128xf32, #tpu.memory_space<vmem>>
      %dma_start3A_126 = arith.constant 0 : i32
      %dma_start3A_127 = tpu.memref_slice %arg2[%mul3A_103, %dma_start3A_126] : memref<10000x128xf32, #tpu.memory_space<hbm>> -> memref<80x128xf32, #tpu.memory_space<hbm>>
      %dma_start3A_128 = arith.constant 0 : i32
      %dma_start3A_129 = arith.constant 0 : i32
      %dma_start3A_130 = tpu.memref_slice %arg10[%dma_start3A_121, %dma_start3A_128, %dma_start3A_129] : memref<2x80x128xf32, #tpu.memory_space<vmem>> -> memref<1x80x128xf32, #tpu.memory_space<vmem>>
      %dma_start3A_131 = tpu.memref_squeeze %dma_start3A_130 : memref<1x80x128xf32, #tpu.memory_space<vmem>> -> memref<80x128xf32, #tpu.memory_space<vmem>>
      %dma_start3A_132 = arith.constant 0 : i32
      %dma_start3A_133 = tpu.memref_slice %arg2[%mul3A_103, %dma_start3A_132] : memref<10000x128xf32, #tpu.memory_space<hbm>> -> memref<80x128xf32, #tpu.memory_space<hbm>>
      tpu.enqueue_dma source(%dma_start3A_133 : memref<80x128xf32, #tpu.memory_space<hbm>>) target(%dma_start3A_131 : memref<80x128xf32, #tpu.memory_space<vmem>>) target_semaphore(%arg15 : memref<!tpu.dma_semaphore, #tpu.memory_space<semaphore_mem>>)
    } else {
    }
    %add3A_5 = arith.constant 0 : i32
    %add3A_6 = arith.addi %add3A_5, %add3A : i32
    %lt3A_7 = arith.constant 125 : i32
    %lt3A_8 = arith.cmpi slt, %add3A_6, %lt3A_7 : i32
    %convert_element_type3A_9 = arith.extui %lt3A_8 : i1 to i32
    %cond3A_10 = arith.constant 0 : i32
    %cond3A_11 = arith.cmpi ne, %convert_element_type3A_9, %cond3A_10 : i32
    scf.if %cond3A_11 {
      %mul3A_102 = arith.constant 80 : i32
      %mul3A_103 = arith.muli %add3A_6, %mul3A_102 : i32
      %dma_wait3A = arith.constant 0 : i32
      %dma_wait3A_104 = arith.constant 0 : i32
      %dma_wait3A_105 = tpu.memref_slice %arg8[%dma_wait3A, %dma_wait3A_104] : memref<2x80xi32, #tpu.memory_space<vmem>> -> memref<1x80xi32, #tpu.memory_space<vmem>>
      %dma_wait3A_106 = tpu.memref_squeeze %dma_wait3A_105 : memref<1x80xi32, #tpu.memory_space<vmem>> -> memref<80xi32, #tpu.memory_space<vmem>>
      %dma_wait3A_107 = tpu.memref_slice %arg4[%mul3A_103] : memref<10240xi32, #tpu.memory_space<hbm>> -> memref<80xi32, #tpu.memory_space<hbm>>
      %dma_wait3A_108 = arith.constant 0 : i32
      %dma_wait3A_109 = tpu.memref_slice %arg8[%dma_wait3A, %dma_wait3A_108] : memref<2x80xi32, #tpu.memory_space<vmem>> -> memref<1x80xi32, #tpu.memory_space<vmem>>
      %dma_wait3A_110 = tpu.memref_squeeze %dma_wait3A_109 : memref<1x80xi32, #tpu.memory_space<vmem>> -> memref<80xi32, #tpu.memory_space<vmem>>
      %dma_wait3A_111 = tpu.memref_slice %arg4[%mul3A_103] : memref<10240xi32, #tpu.memory_space<hbm>> -> memref<80xi32, #tpu.memory_space<hbm>>
      tpu.wait_dma2 semaphore(%arg13 : memref<!tpu.dma_semaphore, #tpu.memory_space<semaphore_mem>>) src(%dma_wait3A_111 : memref<80xi32, #tpu.memory_space<hbm>>) dst(%dma_wait3A_110 : memref<80xi32, #tpu.memory_space<vmem>>)
      %dma_wait3A_112 = arith.constant 0 : i32
      %dma_wait3A_113 = arith.constant 0 : i32
      %dma_wait3A_114 = tpu.memref_slice %arg9[%dma_wait3A_112, %dma_wait3A_113] : memref<2x80xi32, #tpu.memory_space<vmem>> -> memref<1x80xi32, #tpu.memory_space<vmem>>
      %dma_wait3A_115 = tpu.memref_squeeze %dma_wait3A_114 : memref<1x80xi32, #tpu.memory_space<vmem>> -> memref<80xi32, #tpu.memory_space<vmem>>
      %dma_wait3A_116 = tpu.memref_slice %arg3[%mul3A_103] : memref<10240xi32, #tpu.memory_space<hbm>> -> memref<80xi32, #tpu.memory_space<hbm>>
      %dma_wait3A_117 = arith.constant 0 : i32
      %dma_wait3A_118 = tpu.memref_slice %arg9[%dma_wait3A_112, %dma_wait3A_117] : memref<2x80xi32, #tpu.memory_space<vmem>> -> memref<1x80xi32, #tpu.memory_space<vmem>>
      %dma_wait3A_119 = tpu.memref_squeeze %dma_wait3A_118 : memref<1x80xi32, #tpu.memory_space<vmem>> -> memref<80xi32, #tpu.memory_space<vmem>>
      %dma_wait3A_120 = tpu.memref_slice %arg3[%mul3A_103] : memref<10240xi32, #tpu.memory_space<hbm>> -> memref<80xi32, #tpu.memory_space<hbm>>
      tpu.wait_dma2 semaphore(%arg13 : memref<!tpu.dma_semaphore, #tpu.memory_space<semaphore_mem>>) src(%dma_wait3A_120 : memref<80xi32, #tpu.memory_space<hbm>>) dst(%dma_wait3A_119 : memref<80xi32, #tpu.memory_space<vmem>>)
      %dma_start3A = arith.constant 0 : i32
      %dma_start3A_121 = arith.constant 0 : i32
      %dma_start3A_122 = arith.constant 0 : i32
      %dma_start3A_123 = arith.constant 0 : i32
      %dma_start3A_124 = tpu.memref_slice %arg11[%dma_start3A_121, %dma_start3A_122, %dma_start3A_123] : memref<2x80x128xf32, #tpu.memory_space<vmem>> -> memref<1x80x128xf32, #tpu.memory_space<vmem>>
      %dma_start3A_125 = tpu.memref_squeeze %dma_start3A_124 : memref<1x80x128xf32, #tpu.memory_space<vmem>> -> memref<80x128xf32, #tpu.memory_space<vmem>>
      %dma_start3A_126 = arith.constant 0 : i32
      %dma_start3A_127 = tpu.memref_slice %arg8[%dma_start3A, %dma_start3A_126] : memref<2x80xi32, #tpu.memory_space<vmem>> -> memref<1x80xi32, #tpu.memory_space<vmem>>
      %dma_start3A_128 = tpu.memref_squeeze %dma_start3A_127 : memref<1x80xi32, #tpu.memory_space<vmem>> -> memref<80xi32, #tpu.memory_space<vmem>>
      %dma_start3A_129 = arith.constant 0 : i32
      %dma_start3A_130 = arith.constant 0 : i32
      %dma_start3A_131 = tpu.memref_slice %arg5[%dma_start3A_129, %dma_start3A_130] : memref<512x128xf32, #tpu.memory_space<hbm>> -> memref<512x128xf32, #tpu.memory_space<hbm>>
      tpu.enqueue_indirect_dma source(%dma_start3A_131 : memref<512x128xf32, #tpu.memory_space<hbm>>) target(%dma_start3A_125 : memref<80x128xf32, #tpu.memory_space<vmem>>) offsets(%dma_start3A_128 : memref<80xi32, #tpu.memory_space<vmem>>) semaphore(%arg17 : memref<!tpu.dma_semaphore, #tpu.memory_space<semaphore_mem>>)
      %dma_start3A_132 = arith.constant 0 : i32
      %dma_start3A_133 = arith.constant 0 : i32
      %dma_start3A_134 = arith.constant 0 : i32
      %dma_start3A_135 = arith.constant 0 : i32
      %dma_start3A_136 = tpu.memref_slice %arg12[%dma_start3A_133, %dma_start3A_134, %dma_start3A_135] : memref<2x80x128xf32, #tpu.memory_space<vmem>> -> memref<1x80x128xf32, #tpu.memory_space<vmem>>
      %dma_start3A_137 = tpu.memref_squeeze %dma_start3A_136 : memref<1x80x128xf32, #tpu.memory_space<vmem>> -> memref<80x128xf32, #tpu.memory_space<vmem>>
      %dma_start3A_138 = arith.constant 0 : i32
      %dma_start3A_139 = tpu.memref_slice %arg9[%dma_start3A_132, %dma_start3A_138] : memref<2x80xi32, #tpu.memory_space<vmem>> -> memref<1x80xi32, #tpu.memory_space<vmem>>
      %dma_start3A_140 = tpu.memref_squeeze %dma_start3A_139 : memref<1x80xi32, #tpu.memory_space<vmem>> -> memref<80xi32, #tpu.memory_space<vmem>>
      %dma_start3A_141 = arith.constant 0 : i32
      %dma_start3A_142 = arith.constant 0 : i32
      %dma_start3A_143 = tpu.memref_slice %arg6[%dma_start3A_141, %dma_start3A_142] : memref<512x128xf32, #tpu.memory_space<hbm>> -> memref<512x128xf32, #tpu.memory_space<hbm>>
      tpu.enqueue_indirect_dma source(%dma_start3A_143 : memref<512x128xf32, #tpu.memory_space<hbm>>) target(%dma_start3A_137 : memref<80x128xf32, #tpu.memory_space<vmem>>) offsets(%dma_start3A_140 : memref<80xi32, #tpu.memory_space<vmem>>) semaphore(%arg17 : memref<!tpu.dma_semaphore, #tpu.memory_space<semaphore_mem>>)
    } else {
    }
    %add3A_12 = arith.constant 32 : i32
    %add3A_13 = arith.addi %add3A_12, %add3A : i32
    %lt3A_14 = arith.constant 125 : i32
    %lt3A_15 = arith.cmpi slt, %add3A_13, %lt3A_14 : i32
    %convert_element_type3A_16 = arith.extui %lt3A_15 : i1 to i32
    %cond3A_17 = arith.constant 0 : i32
    %cond3A_18 = arith.cmpi ne, %convert_element_type3A_16, %cond3A_17 : i32
    scf.if %cond3A_18 {
      %mul3A_102 = arith.constant 80 : i32
      %mul3A_103 = arith.muli %add3A_13, %mul3A_102 : i32
      %dma_start3A = arith.constant 1 : i32
      %dma_start3A_104 = arith.constant 0 : i32
      %dma_start3A_105 = tpu.memref_slice %arg8[%dma_start3A, %dma_start3A_104] : memref<2x80xi32, #tpu.memory_space<vmem>> -> memref<1x80xi32, #tpu.memory_space<vmem>>
      %dma_start3A_106 = tpu.memref_squeeze %dma_start3A_105 : memref<1x80xi32, #tpu.memory_space<vmem>> -> memref<80xi32, #tpu.memory_space<vmem>>
      %dma_start3A_107 = tpu.memref_slice %arg4[%mul3A_103] : memref<10240xi32, #tpu.memory_space<hbm>> -> memref<80xi32, #tpu.memory_space<hbm>>
      %dma_start3A_108 = arith.constant 0 : i32
      %dma_start3A_109 = tpu.memref_slice %arg8[%dma_start3A, %dma_start3A_108] : memref<2x80xi32, #tpu.memory_space<vmem>> -> memref<1x80xi32, #tpu.memory_space<vmem>>
      %dma_start3A_110 = tpu.memref_squeeze %dma_start3A_109 : memref<1x80xi32, #tpu.memory_space<vmem>> -> memref<80xi32, #tpu.memory_space<vmem>>
      %dma_start3A_111 = tpu.memref_slice %arg4[%mul3A_103] : memref<10240xi32, #tpu.memory_space<hbm>> -> memref<80xi32, #tpu.memory_space<hbm>>
      tpu.enqueue_dma source(%dma_start3A_111 : memref<80xi32, #tpu.memory_space<hbm>>) target(%dma_start3A_110 : memref<80xi32, #tpu.memory_space<vmem>>) target_semaphore(%arg14 : memref<!tpu.dma_semaphore, #tpu.memory_space<semaphore_mem>>)
      %dma_start3A_112 = arith.constant 1 : i32
      %dma_start3A_113 = arith.constant 0 : i32
      %dma_start3A_114 = tpu.memref_slice %arg9[%dma_start3A_112, %dma_start3A_113] : memref<2x80xi32, #tpu.memory_space<vmem>> -> memref<1x80xi32, #tpu.memory_space<vmem>>
      %dma_start3A_115 = tpu.memref_squeeze %dma_start3A_114 : memref<1x80xi32, #tpu.memory_space<vmem>> -> memref<80xi32, #tpu.memory_space<vmem>>
      %dma_start3A_116 = tpu.memref_slice %arg3[%mul3A_103] : memref<10240xi32, #tpu.memory_space<hbm>> -> memref<80xi32, #tpu.memory_space<hbm>>
      %dma_start3A_117 = arith.constant 0 : i32
      %dma_start3A_118 = tpu.memref_slice %arg9[%dma_start3A_112, %dma_start3A_117] : memref<2x80xi32, #tpu.memory_space<vmem>> -> memref<1x80xi32, #tpu.memory_space<vmem>>
      %dma_start3A_119 = tpu.memref_squeeze %dma_start3A_118 : memref<1x80xi32, #tpu.memory_space<vmem>> -> memref<80xi32, #tpu.memory_space<vmem>>
      %dma_start3A_120 = tpu.memref_slice %arg3[%mul3A_103] : memref<10240xi32, #tpu.memory_space<hbm>> -> memref<80xi32, #tpu.memory_space<hbm>>
      tpu.enqueue_dma source(%dma_start3A_120 : memref<80xi32, #tpu.memory_space<hbm>>) target(%dma_start3A_119 : memref<80xi32, #tpu.memory_space<vmem>>) target_semaphore(%arg14 : memref<!tpu.dma_semaphore, #tpu.memory_space<semaphore_mem>>)
      %dma_start3A_121 = arith.constant 1 : i32
      %dma_start3A_122 = arith.constant 0 : i32
      %dma_start3A_123 = arith.constant 0 : i32
      %dma_start3A_124 = tpu.memref_slice %arg10[%dma_start3A_121, %dma_start3A_122, %dma_start3A_123] : memref<2x80x128xf32, #tpu.memory_space<vmem>> -> memref<1x80x128xf32, #tpu.memory_space<vmem>>
      %dma_start3A_125 = tpu.memref_squeeze %dma_start3A_124 : memref<1x80x128xf32, #tpu.memory_space<vmem>> -> memref<80x128xf32, #tpu.memory_space<vmem>>
      %dma_start3A_126 = arith.constant 0 : i32
      %dma_start3A_127 = tpu.memref_slice %arg2[%mul3A_103, %dma_start3A_126] : memref<10000x128xf32, #tpu.memory_space<hbm>> -> memref<80x128xf32, #tpu.memory_space<hbm>>
      %dma_start3A_128 = arith.constant 0 : i32
      %dma_start3A_129 = arith.constant 0 : i32
      %dma_start3A_130 = tpu.memref_slice %arg10[%dma_start3A_121, %dma_start3A_128, %dma_start3A_129] : memref<2x80x128xf32, #tpu.memory_space<vmem>> -> memref<1x80x128xf32, #tpu.memory_space<vmem>>
      %dma_start3A_131 = tpu.memref_squeeze %dma_start3A_130 : memref<1x80x128xf32, #tpu.memory_space<vmem>> -> memref<80x128xf32, #tpu.memory_space<vmem>>
      %dma_start3A_132 = arith.constant 0 : i32
      %dma_start3A_133 = tpu.memref_slice %arg2[%mul3A_103, %dma_start3A_132] : memref<10000x128xf32, #tpu.memory_space<hbm>> -> memref<80x128xf32, #tpu.memory_space<hbm>>
      tpu.enqueue_dma source(%dma_start3A_133 : memref<80x128xf32, #tpu.memory_space<hbm>>) target(%dma_start3A_131 : memref<80x128xf32, #tpu.memory_space<vmem>>) target_semaphore(%arg16 : memref<!tpu.dma_semaphore, #tpu.memory_space<semaphore_mem>>)
    } else {
    }
    %lt3A_19 = arith.constant 125 : i32
    %lt3A_20 = arith.cmpi slt, %add3A_6, %lt3A_19 : i32
    %convert_element_type3A_21 = arith.extui %lt3A_20 : i1 to i32
    %cond3A_22 = arith.constant 0 : i32
    %cond3A_23 = arith.cmpi ne, %convert_element_type3A_21, %cond3A_22 : i32
    scf.if %cond3A_23 {
      %mul3A_102 = arith.constant 80 : i32
      %mul3A_103 = arith.muli %add3A_6, %mul3A_102 : i32
      %dma_wait3A = arith.constant 0 : i32
      %dma_wait3A_104 = arith.constant 0 : i32
      %dma_wait3A_105 = arith.constant 0 : i32
      %dma_wait3A_106 = tpu.memref_slice %arg10[%dma_wait3A, %dma_wait3A_104, %dma_wait3A_105] : memref<2x80x128xf32, #tpu.memory_space<vmem>> -> memref<1x80x128xf32, #tpu.memory_space<vmem>>
      %dma_wait3A_107 = tpu.memref_squeeze %dma_wait3A_106 : memref<1x80x128xf32, #tpu.memory_space<vmem>> -> memref<80x128xf32, #tpu.memory_space<vmem>>
      %dma_wait3A_108 = arith.constant 0 : i32
      %dma_wait3A_109 = tpu.memref_slice %arg2[%mul3A_103, %dma_wait3A_108] : memref<10000x128xf32, #tpu.memory_space<hbm>> -> memref<80x128xf32, #tpu.memory_space<hbm>>
      %dma_wait3A_110 = arith.constant 0 : i32
      %dma_wait3A_111 = arith.constant 0 : i32
      %dma_wait3A_112 = tpu.memref_slice %arg10[%dma_wait3A, %dma_wait3A_110, %dma_wait3A_111] : memref<2x80x128xf32, #tpu.memory_space<vmem>> -> memref<1x80x128xf32, #tpu.memory_space<vmem>>
      %dma_wait3A_113 = tpu.memref_squeeze %dma_wait3A_112 : memref<1x80x128xf32, #tpu.memory_space<vmem>> -> memref<80x128xf32, #tpu.memory_space<vmem>>
      %dma_wait3A_114 = arith.constant 0 : i32
      %dma_wait3A_115 = tpu.memref_slice %arg2[%mul3A_103, %dma_wait3A_114] : memref<10000x128xf32, #tpu.memory_space<hbm>> -> memref<80x128xf32, #tpu.memory_space<hbm>>
      tpu.wait_dma2 semaphore(%arg15 : memref<!tpu.dma_semaphore, #tpu.memory_space<semaphore_mem>>) src(%dma_wait3A_115 : memref<80x128xf32, #tpu.memory_space<hbm>>) dst(%dma_wait3A_113 : memref<80x128xf32, #tpu.memory_space<vmem>>)
      %dma_wait3A_116 = arith.constant 0 : i32
      %dma_wait3A_117 = arith.constant 0 : i32
      %dma_wait3A_118 = arith.constant 0 : i32
      %dma_wait3A_119 = arith.constant 0 : i32
      %dma_wait3A_120 = tpu.memref_slice %arg11[%dma_wait3A_117, %dma_wait3A_118, %dma_wait3A_119] : memref<2x80x128xf32, #tpu.memory_space<vmem>> -> memref<1x80x128xf32, #tpu.memory_space<vmem>>
      %dma_wait3A_121 = tpu.memref_squeeze %dma_wait3A_120 : memref<1x80x128xf32, #tpu.memory_space<vmem>> -> memref<80x128xf32, #tpu.memory_space<vmem>>
      %dma_wait3A_122 = arith.constant 0 : i32
      %dma_wait3A_123 = tpu.memref_slice %arg8[%dma_wait3A_116, %dma_wait3A_122] : memref<2x80xi32, #tpu.memory_space<vmem>> -> memref<1x80xi32, #tpu.memory_space<vmem>>
      %dma_wait3A_124 = tpu.memref_squeeze %dma_wait3A_123 : memref<1x80xi32, #tpu.memory_space<vmem>> -> memref<80xi32, #tpu.memory_space<vmem>>
      %dma_wait3A_125 = arith.constant 0 : i32
      %dma_wait3A_126 = arith.constant 0 : i32
      %dma_wait3A_127 = tpu.memref_slice %arg5[%dma_wait3A_125, %dma_wait3A_126] : memref<512x128xf32, #tpu.memory_space<hbm>> -> memref<512x128xf32, #tpu.memory_space<hbm>>
      tpu.wait_indirect_dma semaphore(%arg17 : memref<!tpu.dma_semaphore, #tpu.memory_space<semaphore_mem>>) src(%dma_wait3A_127 : memref<512x128xf32, #tpu.memory_space<hbm>>) dst(%dma_wait3A_121 : memref<80x128xf32, #tpu.memory_space<vmem>>)
      %dma_wait3A_128 = arith.constant 0 : i32
      %dma_wait3A_129 = arith.constant 0 : i32
      %dma_wait3A_130 = arith.constant 0 : i32
      %dma_wait3A_131 = arith.constant 0 : i32
      %dma_wait3A_132 = tpu.memref_slice %arg12[%dma_wait3A_129, %dma_wait3A_130, %dma_wait3A_131] : memref<2x80x128xf32, #tpu.memory_space<vmem>> -> memref<1x80x128xf32, #tpu.memory_space<vmem>>
      %dma_wait3A_133 = tpu.memref_squeeze %dma_wait3A_132 : memref<1x80x128xf32, #tpu.memory_space<vmem>> -> memref<80x128xf32, #tpu.memory_space<vmem>>
      %dma_wait3A_134 = arith.constant 0 : i32
      %dma_wait3A_135 = tpu.memref_slice %arg9[%dma_wait3A_128, %dma_wait3A_134] : memref<2x80xi32, #tpu.memory_space<vmem>> -> memref<1x80xi32, #tpu.memory_space<vmem>>
      %dma_wait3A_136 = tpu.memref_squeeze %dma_wait3A_135 : memref<1x80xi32, #tpu.memory_space<vmem>> -> memref<80xi32, #tpu.memory_space<vmem>>
      %dma_wait3A_137 = arith.constant 0 : i32
      %dma_wait3A_138 = arith.constant 0 : i32
      %dma_wait3A_139 = tpu.memref_slice %arg6[%dma_wait3A_137, %dma_wait3A_138] : memref<512x128xf32, #tpu.memory_space<hbm>> -> memref<512x128xf32, #tpu.memory_space<hbm>>
      tpu.wait_indirect_dma semaphore(%arg17 : memref<!tpu.dma_semaphore, #tpu.memory_space<semaphore_mem>>) src(%dma_wait3A_139 : memref<512x128xf32, #tpu.memory_space<hbm>>) dst(%dma_wait3A_133 : memref<80x128xf32, #tpu.memory_space<vmem>>)
      %scan3A = arith.constant 0 : i32
      %scan3A_140 = arith.constant 0 : i32
      %scan3A_141 = arith.constant 80 : i32
      %scan3A_142 = arith.addi %scan3A_140, %scan3A_141 : i32
      %scan3A_143 = arith.constant 1 : i32
      scf.for %scan3A_157 = %scan3A_140 to %scan3A_142 step %scan3A_143  : i32 {
        %get3A = arith.constant 0 : i32
        %get3A_158 = arith.index_cast %get3A : i32 to index
        %get3A_159 = arith.index_cast %scan3A_157 : i32 to index
        %get3A_160 = arith.constant 0 : index
        %get3A_161 = tpu.vector_load %arg10[%get3A_158, %get3A_159, %get3A_160] {strides = array<i32>} : memref<2x80x128xf32, #tpu.memory_space<vmem>>, vector<1x1x16xf32>,
        %get3A_162 = vector.shape_cast %get3A_161 : vector<1x1x16xf32> to vector<16xf32>
        %get3A_163 = arith.constant 0 : i32
        %get3A_164 = arith.index_cast %get3A_163 : i32 to index
        %get3A_165 = arith.index_cast %scan3A_157 : i32 to index
        %get3A_166 = arith.constant 0 : index
        %get3A_167 = tpu.vector_load %arg11[%get3A_164, %get3A_165, %get3A_166] {strides = array<i32>} : memref<2x80x128xf32, #tpu.memory_space<vmem>>, vector<1x1x16xf32>,
        %get3A_168 = vector.shape_cast %get3A_167 : vector<1x1x16xf32> to vector<16xf32>
        %add3A_169 = arith.addf %get3A_162, %get3A_168 : vector<16xf32>
        %get3A_170 = arith.constant 0 : i32
        %get3A_171 = arith.index_cast %get3A_170 : i32 to index
        %get3A_172 = arith.index_cast %scan3A_157 : i32 to index
        %get3A_173 = arith.constant 0 : index
        %get3A_174 = tpu.vector_load %arg12[%get3A_171, %get3A_172, %get3A_173] {strides = array<i32>} : memref<2x80x128xf32, #tpu.memory_space<vmem>>, vector<1x1x16xf32>,
        %get3A_175 = vector.shape_cast %get3A_174 : vector<1x1x16xf32> to vector<16xf32>
        %add3A_176 = arith.addf %add3A_169, %get3A_175 : vector<16xf32>
        %swap3A = arith.constant 0 : i32
        %swap3A_177 = arith.index_cast %swap3A : i32 to index
        %swap3A_178 = arith.index_cast %scan3A_157 : i32 to index
        %swap3A_179 = arith.constant 0 : index
        %swap3A_180 = tpu.vector_load %arg10[%swap3A_177, %swap3A_178, %swap3A_179] {strides = array<i32>} : memref<2x80x128xf32, #tpu.memory_space<vmem>>, vector<1x1x16xf32>,
        %swap3A_181 = vector.shape_cast %swap3A_180 : vector<1x1x16xf32> to vector<16xf32>
        %swap3A_182 = vector.shape_cast %add3A_176 : vector<16xf32> to vector<1x1x16xf32>
        tpu.vector_store %arg10[%swap3A_177, %swap3A_178, %swap3A_179], %swap3A_182 {strides = array<i32>} : memref<2x80x128xf32, #tpu.memory_space<vmem>>, vector<1x1x16xf32>,
        %get3A_183 = arith.constant 0 : i32
        %get3A_184 = arith.index_cast %get3A_183 : i32 to index
        %get3A_185 = arith.index_cast %scan3A_157 : i32 to index
        %get3A_186 = arith.constant 16 : index
        %get3A_187 = tpu.vector_load %arg10[%get3A_184, %get3A_185, %get3A_186] {strides = array<i32>} : memref<2x80x128xf32, #tpu.memory_space<vmem>>, vector<1x1x16xf32>,
        %get3A_188 = vector.shape_cast %get3A_187 : vector<1x1x16xf32> to vector<16xf32>
        %get3A_189 = arith.constant 0 : i32
        %get3A_190 = arith.index_cast %get3A_189 : i32 to index
        %get3A_191 = arith.index_cast %scan3A_157 : i32 to index
        %get3A_192 = arith.constant 16 : index
        %get3A_193 = tpu.vector_load %arg11[%get3A_190, %get3A_191, %get3A_192] {strides = array<i32>} : memref<2x80x128xf32, #tpu.memory_space<vmem>>, vector<1x1x16xf32>,
        %get3A_194 = vector.shape_cast %get3A_193 : vector<1x1x16xf32> to vector<16xf32>
        %add3A_195 = arith.addf %get3A_188, %get3A_194 : vector<16xf32>
        %get3A_196 = arith.constant 0 : i32
        %get3A_197 = arith.index_cast %get3A_196 : i32 to index
        %get3A_198 = arith.index_cast %scan3A_157 : i32 to index
        %get3A_199 = arith.constant 16 : index
        %get3A_200 = tpu.vector_load %arg12[%get3A_197, %get3A_198, %get3A_199] {strides = array<i32>} : memref<2x80x128xf32, #tpu.memory_space<vmem>>, vector<1x1x16xf32>,
        %get3A_201 = vector.shape_cast %get3A_200 : vector<1x1x16xf32> to vector<16xf32>
        %add3A_202 = arith.addf %add3A_195, %get3A_201 : vector<16xf32>
        %swap3A_203 = arith.constant 0 : i32
        %swap3A_204 = arith.index_cast %swap3A_203 : i32 to index
        %swap3A_205 = arith.index_cast %scan3A_157 : i32 to index
        %swap3A_206 = arith.constant 16 : index
        %swap3A_207 = tpu.vector_load %arg10[%swap3A_204, %swap3A_205, %swap3A_206] {strides = array<i32>} : memref<2x80x128xf32, #tpu.memory_space<vmem>>, vector<1x1x16xf32>,
        %swap3A_208 = vector.shape_cast %swap3A_207 : vector<1x1x16xf32> to vector<16xf32>
        %swap3A_209 = vector.shape_cast %add3A_202 : vector<16xf32> to vector<1x1x16xf32>
        tpu.vector_store %arg10[%swap3A_204, %swap3A_205, %swap3A_206], %swap3A_209 {strides = array<i32>} : memref<2x80x128xf32, #tpu.memory_space<vmem>>, vector<1x1x16xf32>,
        %get3A_210 = arith.constant 0 : i32
        %get3A_211 = arith.index_cast %get3A_210 : i32 to index
        %get3A_212 = arith.index_cast %scan3A_157 : i32 to index
        %get3A_213 = arith.constant 32 : index
        %get3A_214 = tpu.vector_load %arg10[%get3A_211, %get3A_212, %get3A_213] {strides = array<i32>} : memref<2x80x128xf32, #tpu.memory_space<vmem>>, vector<1x1x16xf32>,
        %get3A_215 = vector.shape_cast %get3A_214 : vector<1x1x16xf32> to vector<16xf32>
        %get3A_216 = arith.constant 0 : i32
        %get3A_217 = arith.index_cast %get3A_216 : i32 to index
        %get3A_218 = arith.index_cast %scan3A_157 : i32 to index
        %get3A_219 = arith.constant 32 : index
        %get3A_220 = tpu.vector_load %arg11[%get3A_217, %get3A_218, %get3A_219] {strides = array<i32>} : memref<2x80x128xf32, #tpu.memory_space<vmem>>, vector<1x1x16xf32>,
        %get3A_221 = vector.shape_cast %get3A_220 : vector<1x1x16xf32> to vector<16xf32>
        %add3A_222 = arith.addf %get3A_215, %get3A_221 : vector<16xf32>
        %get3A_223 = arith.constant 0 : i32
        %get3A_224 = arith.index_cast %get3A_223 : i32 to index
        %get3A_225 = arith.index_cast %scan3A_157 : i32 to index
        %get3A_226 = arith.constant 32 : index
        %get3A_227 = tpu.vector_load %arg12[%get3A_224, %get3A_225, %get3A_226] {strides = array<i32>} : memref<2x80x128xf32, #tpu.memory_space<vmem>>, vector<1x1x16xf32>,
        %get3A_228 = vector.shape_cast %get3A_227 : vector<1x1x16xf32> to vector<16xf32>
        %add3A_229 = arith.addf %add3A_222, %get3A_228 : vector<16xf32>
        %swap3A_230 = arith.constant 0 : i32
        %swap3A_231 = arith.index_cast %swap3A_230 : i32 to index
        %swap3A_232 = arith.index_cast %scan3A_157 : i32 to index
        %swap3A_233 = arith.constant 32 : index
        %swap3A_234 = tpu.vector_load %arg10[%swap3A_231, %swap3A_232, %swap3A_233] {strides = array<i32>} : memref<2x80x128xf32, #tpu.memory_space<vmem>>, vector<1x1x16xf32>,
        %swap3A_235 = vector.shape_cast %swap3A_234 : vector<1x1x16xf32> to vector<16xf32>
        %swap3A_236 = vector.shape_cast %add3A_229 : vector<16xf32> to vector<1x1x16xf32>
        tpu.vector_store %arg10[%swap3A_231, %swap3A_232, %swap3A_233], %swap3A_236 {strides = array<i32>} : memref<2x80x128xf32, #tpu.memory_space<vmem>>, vector<1x1x16xf32>,
        %get3A_237 = arith.constant 0 : i32
        %get3A_238 = arith.index_cast %get3A_237 : i32 to index
        %get3A_239 = arith.index_cast %scan3A_157 : i32 to index
        %get3A_240 = arith.constant 48 : index
        %get3A_241 = tpu.vector_load %arg10[%get3A_238, %get3A_239, %get3A_240] {strides = array<i32>} : memref<2x80x128xf32, #tpu.memory_space<vmem>>, vector<1x1x16xf32>,
        %get3A_242 = vector.shape_cast %get3A_241 : vector<1x1x16xf32> to vector<16xf32>
        %get3A_243 = arith.constant 0 : i32
        %get3A_244 = arith.index_cast %get3A_243 : i32 to index
        %get3A_245 = arith.index_cast %scan3A_157 : i32 to index
        %get3A_246 = arith.constant 48 : index
        %get3A_247 = tpu.vector_load %arg11[%get3A_244, %get3A_245, %get3A_246] {strides = array<i32>} : memref<2x80x128xf32, #tpu.memory_space<vmem>>, vector<1x1x16xf32>,
        %get3A_248 = vector.shape_cast %get3A_247 : vector<1x1x16xf32> to vector<16xf32>
        %add3A_249 = arith.addf %get3A_242, %get3A_248 : vector<16xf32>
        %get3A_250 = arith.constant 0 : i32
        %get3A_251 = arith.index_cast %get3A_250 : i32 to index
        %get3A_252 = arith.index_cast %scan3A_157 : i32 to index
        %get3A_253 = arith.constant 48 : index
        %get3A_254 = tpu.vector_load %arg12[%get3A_251, %get3A_252, %get3A_253] {strides = array<i32>} : memref<2x80x128xf32, #tpu.memory_space<vmem>>, vector<1x1x16xf32>,
        %get3A_255 = vector.shape_cast %get3A_254 : vector<1x1x16xf32> to vector<16xf32>
        %add3A_256 = arith.addf %add3A_249, %get3A_255 : vector<16xf32>
        %swap3A_257 = arith.constant 0 : i32
        %swap3A_258 = arith.index_cast %swap3A_257 : i32 to index
        %swap3A_259 = arith.index_cast %scan3A_157 : i32 to index
        %swap3A_260 = arith.constant 48 : index
        %swap3A_261 = tpu.vector_load %arg10[%swap3A_258, %swap3A_259, %swap3A_260] {strides = array<i32>} : memref<2x80x128xf32, #tpu.memory_space<vmem>>, vector<1x1x16xf32>,
        %swap3A_262 = vector.shape_cast %swap3A_261 : vector<1x1x16xf32> to vector<16xf32>
        %swap3A_263 = vector.shape_cast %add3A_256 : vector<16xf32> to vector<1x1x16xf32>
        tpu.vector_store %arg10[%swap3A_258, %swap3A_259, %swap3A_260], %swap3A_263 {strides = array<i32>} : memref<2x80x128xf32, #tpu.memory_space<vmem>>, vector<1x1x16xf32>,
        %get3A_264 = arith.constant 0 : i32
        %get3A_265 = arith.index_cast %get3A_264 : i32 to index
        %get3A_266 = arith.index_cast %scan3A_157 : i32 to index
        %get3A_267 = arith.constant 64 : index
        %get3A_268 = tpu.vector_load %arg10[%get3A_265, %get3A_266, %get3A_267] {strides = array<i32>} : memref<2x80x128xf32, #tpu.memory_space<vmem>>, vector<1x1x16xf32>,
        %get3A_269 = vector.shape_cast %get3A_268 : vector<1x1x16xf32> to vector<16xf32>
        %get3A_270 = arith.constant 0 : i32
        %get3A_271 = arith.index_cast %get3A_270 : i32 to index
        %get3A_272 = arith.index_cast %scan3A_157 : i32 to index
        %get3A_273 = arith.constant 64 : index
        %get3A_274 = tpu.vector_load %arg11[%get3A_271, %get3A_272, %get3A_273] {strides = array<i32>} : memref<2x80x128xf32, #tpu.memory_space<vmem>>, vector<1x1x16xf32>,
        %get3A_275 = vector.shape_cast %get3A_274 : vector<1x1x16xf32> to vector<16xf32>
        %add3A_276 = arith.addf %get3A_269, %get3A_275 : vector<16xf32>
        %get3A_277 = arith.constant 0 : i32
        %get3A_278 = arith.index_cast %get3A_277 : i32 to index
        %get3A_279 = arith.index_cast %scan3A_157 : i32 to index
        %get3A_280 = arith.constant 64 : index
        %get3A_281 = tpu.vector_load %arg12[%get3A_278, %get3A_279, %get3A_280] {strides = array<i32>} : memref<2x80x128xf32, #tpu.memory_space<vmem>>, vector<1x1x16xf32>,
        %get3A_282 = vector.shape_cast %get3A_281 : vector<1x1x16xf32> to vector<16xf32>
        %add3A_283 = arith.addf %add3A_276, %get3A_282 : vector<16xf32>
        %swap3A_284 = arith.constant 0 : i32
        %swap3A_285 = arith.index_cast %swap3A_284 : i32 to index
        %swap3A_286 = arith.index_cast %scan3A_157 : i32 to index
        %swap3A_287 = arith.constant 64 : index
        %swap3A_288 = tpu.vector_load %arg10[%swap3A_285, %swap3A_286, %swap3A_287] {strides = array<i32>} : memref<2x80x128xf32, #tpu.memory_space<vmem>>, vector<1x1x16xf32>,
        %swap3A_289 = vector.shape_cast %swap3A_288 : vector<1x1x16xf32> to vector<16xf32>
        %swap3A_290 = vector.shape_cast %add3A_283 : vector<16xf32> to vector<1x1x16xf32>
        tpu.vector_store %arg10[%swap3A_285, %swap3A_286, %swap3A_287], %swap3A_290 {strides = array<i32>} : memref<2x80x128xf32, #tpu.memory_space<vmem>>, vector<1x1x16xf32>,
        %get3A_291 = arith.constant 0 : i32
        %get3A_292 = arith.index_cast %get3A_291 : i32 to index
        %get3A_293 = arith.index_cast %scan3A_157 : i32 to index
        %get3A_294 = arith.constant 80 : index
        %get3A_295 = tpu.vector_load %arg10[%get3A_292, %get3A_293, %get3A_294] {strides = array<i32>} : memref<2x80x128xf32, #tpu.memory_space<vmem>>, vector<1x1x16xf32>,
        %get3A_296 = vector.shape_cast %get3A_295 : vector<1x1x16xf32> to vector<16xf32>
        %get3A_297 = arith.constant 0 : i32
        %get3A_298 = arith.index_cast %get3A_297 : i32 to index
        %get3A_299 = arith.index_cast %scan3A_157 : i32 to index
        %get3A_300 = arith.constant 80 : index
        %get3A_301 = tpu.vector_load %arg11[%get3A_298, %get3A_299, %get3A_300] {strides = array<i32>} : memref<2x80x128xf32, #tpu.memory_space<vmem>>, vector<1x1x16xf32>,
        %get3A_302 = vector.shape_cast %get3A_301 : vector<1x1x16xf32> to vector<16xf32>
        %add3A_303 = arith.addf %get3A_296, %get3A_302 : vector<16xf32>
        %get3A_304 = arith.constant 0 : i32
        %get3A_305 = arith.index_cast %get3A_304 : i32 to index
        %get3A_306 = arith.index_cast %scan3A_157 : i32 to index
        %get3A_307 = arith.constant 80 : index
        %get3A_308 = tpu.vector_load %arg12[%get3A_305, %get3A_306, %get3A_307] {strides = array<i32>} : memref<2x80x128xf32, #tpu.memory_space<vmem>>, vector<1x1x16xf32>,
        %get3A_309 = vector.shape_cast %get3A_308 : vector<1x1x16xf32> to vector<16xf32>
        %add3A_310 = arith.addf %add3A_303, %get3A_309 : vector<16xf32>
        %swap3A_311 = arith.constant 0 : i32
        %swap3A_312 = arith.index_cast %swap3A_311 : i32 to index
        %swap3A_313 = arith.index_cast %scan3A_157 : i32 to index
        %swap3A_314 = arith.constant 80 : index
        %swap3A_315 = tpu.vector_load %arg10[%swap3A_312, %swap3A_313, %swap3A_314] {strides = array<i32>} : memref<2x80x128xf32, #tpu.memory_space<vmem>>, vector<1x1x16xf32>,
        %swap3A_316 = vector.shape_cast %swap3A_315 : vector<1x1x16xf32> to vector<16xf32>
        %swap3A_317 = vector.shape_cast %add3A_310 : vector<16xf32> to vector<1x1x16xf32>
        tpu.vector_store %arg10[%swap3A_312, %swap3A_313, %swap3A_314], %swap3A_317 {strides = array<i32>} : memref<2x80x128xf32, #tpu.memory_space<vmem>>, vector<1x1x16xf32>,
        %get3A_318 = arith.constant 0 : i32
        %get3A_319 = arith.index_cast %get3A_318 : i32 to index
        %get3A_320 = arith.index_cast %scan3A_157 : i32 to index
        %get3A_321 = arith.constant 96 : index
        %get3A_322 = tpu.vector_load %arg10[%get3A_319, %get3A_320, %get3A_321] {strides = array<i32>} : memref<2x80x128xf32, #tpu.memory_space<vmem>>, vector<1x1x16xf32>,
        %get3A_323 = vector.shape_cast %get3A_322 : vector<1x1x16xf32> to vector<16xf32>
        %get3A_324 = arith.constant 0 : i32
        %get3A_325 = arith.index_cast %get3A_324 : i32 to index
        %get3A_326 = arith.index_cast %scan3A_157 : i32 to index
        %get3A_327 = arith.constant 96 : index
        %get3A_328 = tpu.vector_load %arg11[%get3A_325, %get3A_326, %get3A_327] {strides = array<i32>} : memref<2x80x128xf32, #tpu.memory_space<vmem>>, vector<1x1x16xf32>,
        %get3A_329 = vector.shape_cast %get3A_328 : vector<1x1x16xf32> to vector<16xf32>
        %add3A_330 = arith.addf %get3A_323, %get3A_329 : vector<16xf32>
        %get3A_331 = arith.constant 0 : i32
        %get3A_332 = arith.index_cast %get3A_331 : i32 to index
        %get3A_333 = arith.index_cast %scan3A_157 : i32 to index
        %get3A_334 = arith.constant 96 : index
        %get3A_335 = tpu.vector_load %arg12[%get3A_332, %get3A_333, %get3A_334] {strides = array<i32>} : memref<2x80x128xf32, #tpu.memory_space<vmem>>, vector<1x1x16xf32>,
        %get3A_336 = vector.shape_cast %get3A_335 : vector<1x1x16xf32> to vector<16xf32>
        %add3A_337 = arith.addf %add3A_330, %get3A_336 : vector<16xf32>
        %swap3A_338 = arith.constant 0 : i32
        %swap3A_339 = arith.index_cast %swap3A_338 : i32 to index
        %swap3A_340 = arith.index_cast %scan3A_157 : i32 to index
        %swap3A_341 = arith.constant 96 : index
        %swap3A_342 = tpu.vector_load %arg10[%swap3A_339, %swap3A_340, %swap3A_341] {strides = array<i32>} : memref<2x80x128xf32, #tpu.memory_space<vmem>>, vector<1x1x16xf32>,
        %swap3A_343 = vector.shape_cast %swap3A_342 : vector<1x1x16xf32> to vector<16xf32>
        %swap3A_344 = vector.shape_cast %add3A_337 : vector<16xf32> to vector<1x1x16xf32>
        tpu.vector_store %arg10[%swap3A_339, %swap3A_340, %swap3A_341], %swap3A_344 {strides = array<i32>} : memref<2x80x128xf32, #tpu.memory_space<vmem>>, vector<1x1x16xf32>,
        %get3A_345 = arith.constant 0 : i32
        %get3A_346 = arith.index_cast %get3A_345 : i32 to index
        %get3A_347 = arith.index_cast %scan3A_157 : i32 to index
        %get3A_348 = arith.constant 112 : index
        %get3A_349 = tpu.vector_load %arg10[%get3A_346, %get3A_347, %get3A_348] {strides = array<i32>} : memref<2x80x128xf32, #tpu.memory_space<vmem>>, vector<1x1x16xf32>,
        %get3A_350 = vector.shape_cast %get3A_349 : vector<1x1x16xf32> to vector<16xf32>
        %get3A_351 = arith.constant 0 : i32
        %get3A_352 = arith.index_cast %get3A_351 : i32 to index
        %get3A_353 = arith.index_cast %scan3A_157 : i32 to index
        %get3A_354 = arith.constant 112 : index
        %get3A_355 = tpu.vector_load %arg11[%get3A_352, %get3A_353, %get3A_354] {strides = array<i32>} : memref<2x80x128xf32, #tpu.memory_space<vmem>>, vector<1x1x16xf32>,
        %get3A_356 = vector.shape_cast %get3A_355 : vector<1x1x16xf32> to vector<16xf32>
        %add3A_357 = arith.addf %get3A_350, %get3A_356 : vector<16xf32>
        %get3A_358 = arith.constant 0 : i32
        %get3A_359 = arith.index_cast %get3A_358 : i32 to index
        %get3A_360 = arith.index_cast %scan3A_157 : i32 to index
        %get3A_361 = arith.constant 112 : index
        %get3A_362 = tpu.vector_load %arg12[%get3A_359, %get3A_360, %get3A_361] {strides = array<i32>} : memref<2x80x128xf32, #tpu.memory_space<vmem>>, vector<1x1x16xf32>,
        %get3A_363 = vector.shape_cast %get3A_362 : vector<1x1x16xf32> to vector<16xf32>
        %add3A_364 = arith.addf %add3A_357, %get3A_363 : vector<16xf32>
        %swap3A_365 = arith.constant 0 : i32
        %swap3A_366 = arith.index_cast %swap3A_365 : i32 to index
        %swap3A_367 = arith.index_cast %scan3A_157 : i32 to index
        %swap3A_368 = arith.constant 112 : index
        %swap3A_369 = tpu.vector_load %arg10[%swap3A_366, %swap3A_367, %swap3A_368] {strides = array<i32>} : memref<2x80x128xf32, #tpu.memory_space<vmem>>, vector<1x1x16xf32>,
        %swap3A_370 = vector.shape_cast %swap3A_369 : vector<1x1x16xf32> to vector<16xf32>
        %swap3A_371 = vector.shape_cast %add3A_364 : vector<16xf32> to vector<1x1x16xf32>
        tpu.vector_store %arg10[%swap3A_366, %swap3A_367, %swap3A_368], %swap3A_371 {strides = array<i32>} : memref<2x80x128xf32, #tpu.memory_space<vmem>>, vector<1x1x16xf32>,
      }
      %scan3A_144 = arith.constant 80 : i32
      %dma_start3A = arith.constant 0 : i32
      %dma_start3A_145 = arith.constant 0 : i32
      %dma_start3A_146 = arith.constant 0 : i32
      %dma_start3A_147 = tpu.memref_slice %arg10[%dma_start3A, %dma_start3A_145, %dma_start3A_146] : memref<2x80x128xf32, #tpu.memory_space<vmem>> -> memref<1x80x128xf32, #tpu.memory_space<vmem>>
      %dma_start3A_148 = tpu.memref_squeeze %dma_start3A_147 : memref<1x80x128xf32, #tpu.memory_space<vmem>> -> memref<80x128xf32, #tpu.memory_space<vmem>>
      %dma_start3A_149 = arith.constant 0 : i32
      %dma_start3A_150 = tpu.memref_slice %arg7[%mul3A_103, %dma_start3A_149] : memref<10000x128xf32, #tpu.memory_space<hbm>> -> memref<80x128xf32, #tpu.memory_space<hbm>>
      %dma_start3A_151 = arith.constant 0 : i32
      %dma_start3A_152 = tpu.memref_slice %arg7[%mul3A_103, %dma_start3A_151] : memref<10000x128xf32, #tpu.memory_space<hbm>> -> memref<80x128xf32, #tpu.memory_space<hbm>>
      %dma_start3A_153 = arith.constant 0 : i32
      %dma_start3A_154 = arith.constant 0 : i32
      %dma_start3A_155 = tpu.memref_slice %arg10[%dma_start3A, %dma_start3A_153, %dma_start3A_154] : memref<2x80x128xf32, #tpu.memory_space<vmem>> -> memref<1x80x128xf32, #tpu.memory_space<vmem>>
      %dma_start3A_156 = tpu.memref_squeeze %dma_start3A_155 : memref<1x80x128xf32, #tpu.memory_space<vmem>> -> memref<80x128xf32, #tpu.memory_space<vmem>>
      tpu.enqueue_dma source(%dma_start3A_156 : memref<80x128xf32, #tpu.memory_space<vmem>>) target(%dma_start3A_152 : memref<80x128xf32, #tpu.memory_space<hbm>>) target_semaphore(%arg19 : memref<!tpu.dma_semaphore, #tpu.memory_space<semaphore_mem>>)
    } else {
    }
    %add3A_24 = arith.constant 32 : i32
    %add3A_25 = arith.addi %add3A_24, %add3A : i32
    %lt3A_26 = arith.constant 125 : i32
    %lt3A_27 = arith.cmpi slt, %add3A_25, %lt3A_26 : i32
    %convert_element_type3A_28 = arith.extui %lt3A_27 : i1 to i32
    %cond3A_29 = arith.constant 0 : i32
    %cond3A_30 = arith.cmpi ne, %convert_element_type3A_28, %cond3A_29 : i32
    scf.if %cond3A_30 {
      %mul3A_102 = arith.constant 80 : i32
      %mul3A_103 = arith.muli %add3A_25, %mul3A_102 : i32
      %dma_wait3A = arith.constant 1 : i32
      %dma_wait3A_104 = arith.constant 0 : i32
      %dma_wait3A_105 = tpu.memref_slice %arg8[%dma_wait3A, %dma_wait3A_104] : memref<2x80xi32, #tpu.memory_space<vmem>> -> memref<1x80xi32, #tpu.memory_space<vmem>>
      %dma_wait3A_106 = tpu.memref_squeeze %dma_wait3A_105 : memref<1x80xi32, #tpu.memory_space<vmem>> -> memref<80xi32, #tpu.memory_space<vmem>>
      %dma_wait3A_107 = tpu.memref_slice %arg4[%mul3A_103] : memref<10240xi32, #tpu.memory_space<hbm>> -> memref<80xi32, #tpu.memory_space<hbm>>
      %dma_wait3A_108 = arith.constant 0 : i32
      %dma_wait3A_109 = tpu.memref_slice %arg8[%dma_wait3A, %dma_wait3A_108] : memref<2x80xi32, #tpu.memory_space<vmem>> -> memref<1x80xi32, #tpu.memory_space<vmem>>
      %dma_wait3A_110 = tpu.memref_squeeze %dma_wait3A_109 : memref<1x80xi32, #tpu.memory_space<vmem>> -> memref<80xi32, #tpu.memory_space<vmem>>
      %dma_wait3A_111 = tpu.memref_slice %arg4[%mul3A_103] : memref<10240xi32, #tpu.memory_space<hbm>> -> memref<80xi32, #tpu.memory_space<hbm>>
      tpu.wait_dma2 semaphore(%arg14 : memref<!tpu.dma_semaphore, #tpu.memory_space<semaphore_mem>>) src(%dma_wait3A_111 : memref<80xi32, #tpu.memory_space<hbm>>) dst(%dma_wait3A_110 : memref<80xi32, #tpu.memory_space<vmem>>)
      %dma_wait3A_112 = arith.constant 1 : i32
      %dma_wait3A_113 = arith.constant 0 : i32
      %dma_wait3A_114 = tpu.memref_slice %arg9[%dma_wait3A_112, %dma_wait3A_113] : memref<2x80xi32, #tpu.memory_space<vmem>> -> memref<1x80xi32, #tpu.memory_space<vmem>>
      %dma_wait3A_115 = tpu.memref_squeeze %dma_wait3A_114 : memref<1x80xi32, #tpu.memory_space<vmem>> -> memref<80xi32, #tpu.memory_space<vmem>>
      %dma_wait3A_116 = tpu.memref_slice %arg3[%mul3A_103] : memref<10240xi32, #tpu.memory_space<hbm>> -> memref<80xi32, #tpu.memory_space<hbm>>
      %dma_wait3A_117 = arith.constant 0 : i32
      %dma_wait3A_118 = tpu.memref_slice %arg9[%dma_wait3A_112, %dma_wait3A_117] : memref<2x80xi32, #tpu.memory_space<vmem>> -> memref<1x80xi32, #tpu.memory_space<vmem>>
      %dma_wait3A_119 = tpu.memref_squeeze %dma_wait3A_118 : memref<1x80xi32, #tpu.memory_space<vmem>> -> memref<80xi32, #tpu.memory_space<vmem>>
      %dma_wait3A_120 = tpu.memref_slice %arg3[%mul3A_103] : memref<10240xi32, #tpu.memory_space<hbm>> -> memref<80xi32, #tpu.memory_space<hbm>>
      tpu.wait_dma2 semaphore(%arg14 : memref<!tpu.dma_semaphore, #tpu.memory_space<semaphore_mem>>) src(%dma_wait3A_120 : memref<80xi32, #tpu.memory_space<hbm>>) dst(%dma_wait3A_119 : memref<80xi32, #tpu.memory_space<vmem>>)
      %dma_start3A = arith.constant 1 : i32
      %dma_start3A_121 = arith.constant 1 : i32
      %dma_start3A_122 = arith.constant 0 : i32
      %dma_start3A_123 = arith.constant 0 : i32
      %dma_start3A_124 = tpu.memref_slice %arg11[%dma_start3A_121, %dma_start3A_122, %dma_start3A_123] : memref<2x80x128xf32, #tpu.memory_space<vmem>> -> memref<1x80x128xf32, #tpu.memory_space<vmem>>
      %dma_start3A_125 = tpu.memref_squeeze %dma_start3A_124 : memref<1x80x128xf32, #tpu.memory_space<vmem>> -> memref<80x128xf32, #tpu.memory_space<vmem>>
      %dma_start3A_126 = arith.constant 0 : i32
      %dma_start3A_127 = tpu.memref_slice %arg8[%dma_start3A, %dma_start3A_126] : memref<2x80xi32, #tpu.memory_space<vmem>> -> memref<1x80xi32, #tpu.memory_space<vmem>>
      %dma_start3A_128 = tpu.memref_squeeze %dma_start3A_127 : memref<1x80xi32, #tpu.memory_space<vmem>> -> memref<80xi32, #tpu.memory_space<vmem>>
      %dma_start3A_129 = arith.constant 0 : i32
      %dma_start3A_130 = arith.constant 0 : i32
      %dma_start3A_131 = tpu.memref_slice %arg5[%dma_start3A_129, %dma_start3A_130] : memref<512x128xf32, #tpu.memory_space<hbm>> -> memref<512x128xf32, #tpu.memory_space<hbm>>
      tpu.enqueue_indirect_dma source(%dma_start3A_131 : memref<512x128xf32, #tpu.memory_space<hbm>>) target(%dma_start3A_125 : memref<80x128xf32, #tpu.memory_space<vmem>>) offsets(%dma_start3A_128 : memref<80xi32, #tpu.memory_space<vmem>>) semaphore(%arg18 : memref<!tpu.dma_semaphore, #tpu.memory_space<semaphore_mem>>)
      %dma_start3A_132 = arith.constant 1 : i32
      %dma_start3A_133 = arith.constant 1 : i32
      %dma_start3A_134 = arith.constant 0 : i32
      %dma_start3A_135 = arith.constant 0 : i32
      %dma_start3A_136 = tpu.memref_slice %arg12[%dma_start3A_133, %dma_start3A_134, %dma_start3A_135] : memref<2x80x128xf32, #tpu.memory_space<vmem>> -> memref<1x80x128xf32, #tpu.memory_space<vmem>>
      %dma_start3A_137 = tpu.memref_squeeze %dma_start3A_136 : memref<1x80x128xf32, #tpu.memory_space<vmem>> -> memref<80x128xf32, #tpu.memory_space<vmem>>
      %dma_start3A_138 = arith.constant 0 : i32
      %dma_start3A_139 = tpu.memref_slice %arg9[%dma_start3A_132, %dma_start3A_138] : memref<2x80xi32, #tpu.memory_space<vmem>> -> memref<1x80xi32, #tpu.memory_space<vmem>>
      %dma_start3A_140 = tpu.memref_squeeze %dma_start3A_139 : memref<1x80xi32, #tpu.memory_space<vmem>> -> memref<80xi32, #tpu.memory_space<vmem>>
      %dma_start3A_141 = arith.constant 0 : i32
      %dma_start3A_142 = arith.constant 0 : i32
      %dma_start3A_143 = tpu.memref_slice %arg6[%dma_start3A_141, %dma_start3A_142] : memref<512x128xf32, #tpu.memory_space<hbm>> -> memref<512x128xf32, #tpu.memory_space<hbm>>
      tpu.enqueue_indirect_dma source(%dma_start3A_143 : memref<512x128xf32, #tpu.memory_space<hbm>>) target(%dma_start3A_137 : memref<80x128xf32, #tpu.memory_space<vmem>>) offsets(%dma_start3A_140 : memref<80xi32, #tpu.memory_space<vmem>>) semaphore(%arg18 : memref<!tpu.dma_semaphore, #tpu.memory_space<semaphore_mem>>)
    } else {
    }
    %add3A_31 = arith.constant 0 : i32
    %add3A_32 = arith.addi %add3A_31, %add3A : i32
    %lt3A_33 = arith.constant 125 : i32
    %lt3A_34 = arith.cmpi slt, %add3A_32, %lt3A_33 : i32
    %convert_element_type3A_35 = arith.extui %lt3A_34 : i1 to i32
    %cond3A_36 = arith.constant 0 : i32
    %cond3A_37 = arith.cmpi ne, %convert_element_type3A_35, %cond3A_36 : i32
    scf.if %cond3A_37 {
      %mul3A_102 = arith.constant 80 : i32
      %mul3A_103 = arith.muli %add3A_32, %mul3A_102 : i32
      %dma_wait3A = arith.constant 0 : i32
      %dma_wait3A_104 = arith.constant 0 : i32
      %dma_wait3A_105 = arith.constant 0 : i32
      %dma_wait3A_106 = tpu.memref_slice %arg10[%dma_wait3A, %dma_wait3A_104, %dma_wait3A_105] : memref<2x80x128xf32, #tpu.memory_space<vmem>> -> memref<1x80x128xf32, #tpu.memory_space<vmem>>
      %dma_wait3A_107 = tpu.memref_squeeze %dma_wait3A_106 : memref<1x80x128xf32, #tpu.memory_space<vmem>> -> memref<80x128xf32, #tpu.memory_space<vmem>>
      %dma_wait3A_108 = arith.constant 0 : i32
      %dma_wait3A_109 = tpu.memref_slice %arg7[%mul3A_103, %dma_wait3A_108] : memref<10000x128xf32, #tpu.memory_space<hbm>> -> memref<80x128xf32, #tpu.memory_space<hbm>>
      %dma_wait3A_110 = arith.constant 0 : i32
      %dma_wait3A_111 = tpu.memref_slice %arg7[%mul3A_103, %dma_wait3A_110] : memref<10000x128xf32, #tpu.memory_space<hbm>> -> memref<80x128xf32, #tpu.memory_space<hbm>>
      %dma_wait3A_112 = arith.constant 0 : i32
      %dma_wait3A_113 = arith.constant 0 : i32
      %dma_wait3A_114 = tpu.memref_slice %arg10[%dma_wait3A, %dma_wait3A_112, %dma_wait3A_113] : memref<2x80x128xf32, #tpu.memory_space<vmem>> -> memref<1x80x128xf32, #tpu.memory_space<vmem>>
      %dma_wait3A_115 = tpu.memref_squeeze %dma_wait3A_114 : memref<1x80x128xf32, #tpu.memory_space<vmem>> -> memref<80x128xf32, #tpu.memory_space<vmem>>
      tpu.wait_dma2 semaphore(%arg19 : memref<!tpu.dma_semaphore, #tpu.memory_space<semaphore_mem>>) src(%dma_wait3A_115 : memref<80x128xf32, #tpu.memory_space<vmem>>) dst(%dma_wait3A_111 : memref<80x128xf32, #tpu.memory_space<hbm>>)
    } else {
    }
    %add3A_38 = arith.constant 64 : i32
    %add3A_39 = arith.addi %add3A_38, %add3A : i32
    %lt3A_40 = arith.constant 125 : i32
    %lt3A_41 = arith.cmpi slt, %add3A_39, %lt3A_40 : i32
    %convert_element_type3A_42 = arith.extui %lt3A_41 : i1 to i32
    %cond3A_43 = arith.constant 0 : i32
    %cond3A_44 = arith.cmpi ne, %convert_element_type3A_42, %cond3A_43 : i32
    scf.if %cond3A_44 {
      %mul3A_102 = arith.constant 80 : i32
      %mul3A_103 = arith.muli %add3A_39, %mul3A_102 : i32
      %dma_start3A = arith.constant 0 : i32
      %dma_start3A_104 = arith.constant 0 : i32
      %dma_start3A_105 = tpu.memref_slice %arg8[%dma_start3A, %dma_start3A_104] : memref<2x80xi32, #tpu.memory_space<vmem>> -> memref<1x80xi32, #tpu.memory_space<vmem>>
      %dma_start3A_106 = tpu.memref_squeeze %dma_start3A_105 : memref<1x80xi32, #tpu.memory_space<vmem>> -> memref<80xi32, #tpu.memory_space<vmem>>
      %dma_start3A_107 = tpu.memref_slice %arg4[%mul3A_103] : memref<10240xi32, #tpu.memory_space<hbm>> -> memref<80xi32, #tpu.memory_space<hbm>>
      %dma_start3A_108 = arith.constant 0 : i32
      %dma_start3A_109 = tpu.memref_slice %arg8[%dma_start3A, %dma_start3A_108] : memref<2x80xi32, #tpu.memory_space<vmem>> -> memref<1x80xi32, #tpu.memory_space<vmem>>
      %dma_start3A_110 = tpu.memref_squeeze %dma_start3A_109 : memref<1x80xi32, #tpu.memory_space<vmem>> -> memref<80xi32, #tpu.memory_space<vmem>>
      %dma_start3A_111 = tpu.memref_slice %arg4[%mul3A_103] : memref<10240xi32, #tpu.memory_space<hbm>> -> memref<80xi32, #tpu.memory_space<hbm>>
      tpu.enqueue_dma source(%dma_start3A_111 : memref<80xi32, #tpu.memory_space<hbm>>) target(%dma_start3A_110 : memref<80xi32, #tpu.memory_space<vmem>>) target_semaphore(%arg13 : memref<!tpu.dma_semaphore, #tpu.memory_space<semaphore_mem>>)
      %dma_start3A_112 = arith.constant 0 : i32
      %dma_start3A_113 = arith.constant 0 : i32
      %dma_start3A_114 = tpu.memref_slice %arg9[%dma_start3A_112, %dma_start3A_113] : memref<2x80xi32, #tpu.memory_space<vmem>> -> memref<1x80xi32, #tpu.memory_space<vmem>>
      %dma_start3A_115 = tpu.memref_squeeze %dma_start3A_114 : memref<1x80xi32, #tpu.memory_space<vmem>> -> memref<80xi32, #tpu.memory_space<vmem>>
      %dma_start3A_116 = tpu.memref_slice %arg3[%mul3A_103] : memref<10240xi32, #tpu.memory_space<hbm>> -> memref<80xi32, #tpu.memory_space<hbm>>
      %dma_start3A_117 = arith.constant 0 : i32
      %dma_start3A_118 = tpu.memref_slice %arg9[%dma_start3A_112, %dma_start3A_117] : memref<2x80xi32, #tpu.memory_space<vmem>> -> memref<1x80xi32, #tpu.memory_space<vmem>>
      %dma_start3A_119 = tpu.memref_squeeze %dma_start3A_118 : memref<1x80xi32, #tpu.memory_space<vmem>> -> memref<80xi32, #tpu.memory_space<vmem>>
      %dma_start3A_120 = tpu.memref_slice %arg3[%mul3A_103] : memref<10240xi32, #tpu.memory_space<hbm>> -> memref<80xi32, #tpu.memory_space<hbm>>
      tpu.enqueue_dma source(%dma_start3A_120 : memref<80xi32, #tpu.memory_space<hbm>>) target(%dma_start3A_119 : memref<80xi32, #tpu.memory_space<vmem>>) target_semaphore(%arg13 : memref<!tpu.dma_semaphore, #tpu.memory_space<semaphore_mem>>)
      %dma_start3A_121 = arith.constant 0 : i32
      %dma_start3A_122 = arith.constant 0 : i32
      %dma_start3A_123 = arith.constant 0 : i32
      %dma_start3A_124 = tpu.memref_slice %arg10[%dma_start3A_121, %dma_start3A_122, %dma_start3A_123] : memref<2x80x128xf32, #tpu.memory_space<vmem>> -> memref<1x80x128xf32, #tpu.memory_space<vmem>>
      %dma_start3A_125 = tpu.memref_squeeze %dma_start3A_124 : memref<1x80x128xf32, #tpu.memory_space<vmem>> -> memref<80x128xf32, #tpu.memory_space<vmem>>
      %dma_start3A_126 = arith.constant 0 : i32
      %dma_start3A_127 = tpu.memref_slice %arg2[%mul3A_103, %dma_start3A_126] : memref<10000x128xf32, #tpu.memory_space<hbm>> -> memref<80x128xf32, #tpu.memory_space<hbm>>
      %dma_start3A_128 = arith.constant 0 : i32
      %dma_start3A_129 = arith.constant 0 : i32
      %dma_start3A_130 = tpu.memref_slice %arg10[%dma_start3A_121, %dma_start3A_128, %dma_start3A_129] : memref<2x80x128xf32, #tpu.memory_space<vmem>> -> memref<1x80x128xf32, #tpu.memory_space<vmem>>
      %dma_start3A_131 = tpu.memref_squeeze %dma_start3A_130 : memref<1x80x128xf32, #tpu.memory_space<vmem>> -> memref<80x128xf32, #tpu.memory_space<vmem>>
      %dma_start3A_132 = arith.constant 0 : i32
      %dma_start3A_133 = tpu.memref_slice %arg2[%mul3A_103, %dma_start3A_132] : memref<10000x128xf32, #tpu.memory_space<hbm>> -> memref<80x128xf32, #tpu.memory_space<hbm>>
      tpu.enqueue_dma source(%dma_start3A_133 : memref<80x128xf32, #tpu.memory_space<hbm>>) target(%dma_start3A_131 : memref<80x128xf32, #tpu.memory_space<vmem>>) target_semaphore(%arg15 : memref<!tpu.dma_semaphore, #tpu.memory_space<semaphore_mem>>)
    } else {
    }
    %lt3A_45 = arith.constant 125 : i32
    %lt3A_46 = arith.cmpi slt, %add3A_25, %lt3A_45 : i32
    %convert_element_type3A_47 = arith.extui %lt3A_46 : i1 to i32
    %cond3A_48 = arith.constant 0 : i32
    %cond3A_49 = arith.cmpi ne, %convert_element_type3A_47, %cond3A_48 : i32
    scf.if %cond3A_49 {
      %mul3A_102 = arith.constant 80 : i32
      %mul3A_103 = arith.muli %add3A_25, %mul3A_102 : i32
      %dma_wait3A = arith.constant 1 : i32
      %dma_wait3A_104 = arith.constant 0 : i32
      %dma_wait3A_105 = arith.constant 0 : i32
      %dma_wait3A_106 = tpu.memref_slice %arg10[%dma_wait3A, %dma_wait3A_104, %dma_wait3A_105] : memref<2x80x128xf32, #tpu.memory_space<vmem>> -> memref<1x80x128xf32, #tpu.memory_space<vmem>>
      %dma_wait3A_107 = tpu.memref_squeeze %dma_wait3A_106 : memref<1x80x128xf32, #tpu.memory_space<vmem>> -> memref<80x128xf32, #tpu.memory_space<vmem>>
      %dma_wait3A_108 = arith.constant 0 : i32
      %dma_wait3A_109 = tpu.memref_slice %arg2[%mul3A_103, %dma_wait3A_108] : memref<10000x128xf32, #tpu.memory_space<hbm>> -> memref<80x128xf32, #tpu.memory_space<hbm>>
      %dma_wait3A_110 = arith.constant 0 : i32
      %dma_wait3A_111 = arith.constant 0 : i32
      %dma_wait3A_112 = tpu.memref_slice %arg10[%dma_wait3A, %dma_wait3A_110, %dma_wait3A_111] : memref<2x80x128xf32, #tpu.memory_space<vmem>> -> memref<1x80x128xf32, #tpu.memory_space<vmem>>
      %dma_wait3A_113 = tpu.memref_squeeze %dma_wait3A_112 : memref<1x80x128xf32, #tpu.memory_space<vmem>> -> memref<80x128xf32, #tpu.memory_space<vmem>>
      %dma_wait3A_114 = arith.constant 0 : i32
      %dma_wait3A_115 = tpu.memref_slice %arg2[%mul3A_103, %dma_wait3A_114] : memref<10000x128xf32, #tpu.memory_space<hbm>> -> memref<80x128xf32, #tpu.memory_space<hbm>>
      tpu.wait_dma2 semaphore(%arg16 : memref<!tpu.dma_semaphore, #tpu.memory_space<semaphore_mem>>) src(%dma_wait3A_115 : memref<80x128xf32, #tpu.memory_space<hbm>>) dst(%dma_wait3A_113 : memref<80x128xf32, #tpu.memory_space<vmem>>)
      %dma_wait3A_116 = arith.constant 1 : i32
      %dma_wait3A_117 = arith.constant 1 : i32
      %dma_wait3A_118 = arith.constant 0 : i32
      %dma_wait3A_119 = arith.constant 0 : i32
      %dma_wait3A_120 = tpu.memref_slice %arg11[%dma_wait3A_117, %dma_wait3A_118, %dma_wait3A_119] : memref<2x80x128xf32, #tpu.memory_space<vmem>> -> memref<1x80x128xf32, #tpu.memory_space<vmem>>
      %dma_wait3A_121 = tpu.memref_squeeze %dma_wait3A_120 : memref<1x80x128xf32, #tpu.memory_space<vmem>> -> memref<80x128xf32, #tpu.memory_space<vmem>>
      %dma_wait3A_122 = arith.constant 0 : i32
      %dma_wait3A_123 = tpu.memref_slice %arg8[%dma_wait3A_116, %dma_wait3A_122] : memref<2x80xi32, #tpu.memory_space<vmem>> -> memref<1x80xi32, #tpu.memory_space<vmem>>
      %dma_wait3A_124 = tpu.memref_squeeze %dma_wait3A_123 : memref<1x80xi32, #tpu.memory_space<vmem>> -> memref<80xi32, #tpu.memory_space<vmem>>
      %dma_wait3A_125 = arith.constant 0 : i32
      %dma_wait3A_126 = arith.constant 0 : i32
      %dma_wait3A_127 = tpu.memref_slice %arg5[%dma_wait3A_125, %dma_wait3A_126] : memref<512x128xf32, #tpu.memory_space<hbm>> -> memref<512x128xf32, #tpu.memory_space<hbm>>
      tpu.wait_indirect_dma semaphore(%arg18 : memref<!tpu.dma_semaphore, #tpu.memory_space<semaphore_mem>>) src(%dma_wait3A_127 : memref<512x128xf32, #tpu.memory_space<hbm>>) dst(%dma_wait3A_121 : memref<80x128xf32, #tpu.memory_space<vmem>>)
      %dma_wait3A_128 = arith.constant 1 : i32
      %dma_wait3A_129 = arith.constant 1 : i32
      %dma_wait3A_130 = arith.constant 0 : i32
      %dma_wait3A_131 = arith.constant 0 : i32
      %dma_wait3A_132 = tpu.memref_slice %arg12[%dma_wait3A_129, %dma_wait3A_130, %dma_wait3A_131] : memref<2x80x128xf32, #tpu.memory_space<vmem>> -> memref<1x80x128xf32, #tpu.memory_space<vmem>>
      %dma_wait3A_133 = tpu.memref_squeeze %dma_wait3A_132 : memref<1x80x128xf32, #tpu.memory_space<vmem>> -> memref<80x128xf32, #tpu.memory_space<vmem>>
      %dma_wait3A_134 = arith.constant 0 : i32
      %dma_wait3A_135 = tpu.memref_slice %arg9[%dma_wait3A_128, %dma_wait3A_134] : memref<2x80xi32, #tpu.memory_space<vmem>> -> memref<1x80xi32, #tpu.memory_space<vmem>>
      %dma_wait3A_136 = tpu.memref_squeeze %dma_wait3A_135 : memref<1x80xi32, #tpu.memory_space<vmem>> -> memref<80xi32, #tpu.memory_space<vmem>>
      %dma_wait3A_137 = arith.constant 0 : i32
      %dma_wait3A_138 = arith.constant 0 : i32
      %dma_wait3A_139 = tpu.memref_slice %arg6[%dma_wait3A_137, %dma_wait3A_138] : memref<512x128xf32, #tpu.memory_space<hbm>> -> memref<512x128xf32, #tpu.memory_space<hbm>>
      tpu.wait_indirect_dma semaphore(%arg18 : memref<!tpu.dma_semaphore, #tpu.memory_space<semaphore_mem>>) src(%dma_wait3A_139 : memref<512x128xf32, #tpu.memory_space<hbm>>) dst(%dma_wait3A_133 : memref<80x128xf32, #tpu.memory_space<vmem>>)
      %scan3A = arith.constant 0 : i32
      %scan3A_140 = arith.constant 0 : i32
      %scan3A_141 = arith.constant 80 : i32
      %scan3A_142 = arith.addi %scan3A_140, %scan3A_141 : i32
      %scan3A_143 = arith.constant 1 : i32
      scf.for %scan3A_157 = %scan3A_140 to %scan3A_142 step %scan3A_143  : i32 {
        %get3A = arith.constant 1 : i32
        %get3A_158 = arith.index_cast %get3A : i32 to index
        %get3A_159 = arith.index_cast %scan3A_157 : i32 to index
        %get3A_160 = arith.constant 0 : index
        %get3A_161 = tpu.vector_load %arg10[%get3A_158, %get3A_159, %get3A_160] {strides = array<i32>} : memref<2x80x128xf32, #tpu.memory_space<vmem>>, vector<1x1x16xf32>,
        %get3A_162 = vector.shape_cast %get3A_161 : vector<1x1x16xf32> to vector<16xf32>
        %get3A_163 = arith.constant 1 : i32
        %get3A_164 = arith.index_cast %get3A_163 : i32 to index
        %get3A_165 = arith.index_cast %scan3A_157 : i32 to index
        %get3A_166 = arith.constant 0 : index
        %get3A_167 = tpu.vector_load %arg11[%get3A_164, %get3A_165, %get3A_166] {strides = array<i32>} : memref<2x80x128xf32, #tpu.memory_space<vmem>>, vector<1x1x16xf32>,
        %get3A_168 = vector.shape_cast %get3A_167 : vector<1x1x16xf32> to vector<16xf32>
        %add3A_169 = arith.addf %get3A_162, %get3A_168 : vector<16xf32>
        %get3A_170 = arith.constant 1 : i32
        %get3A_171 = arith.index_cast %get3A_170 : i32 to index
        %get3A_172 = arith.index_cast %scan3A_157 : i32 to index
        %get3A_173 = arith.constant 0 : index
        %get3A_174 = tpu.vector_load %arg12[%get3A_171, %get3A_172, %get3A_173] {strides = array<i32>} : memref<2x80x128xf32, #tpu.memory_space<vmem>>, vector<1x1x16xf32>,
        %get3A_175 = vector.shape_cast %get3A_174 : vector<1x1x16xf32> to vector<16xf32>
        %add3A_176 = arith.addf %add3A_169, %get3A_175 : vector<16xf32>
        %swap3A = arith.constant 1 : i32
        %swap3A_177 = arith.index_cast %swap3A : i32 to index
        %swap3A_178 = arith.index_cast %scan3A_157 : i32 to index
        %swap3A_179 = arith.constant 0 : index
        %swap3A_180 = tpu.vector_load %arg10[%swap3A_177, %swap3A_178, %swap3A_179] {strides = array<i32>} : memref<2x80x128xf32, #tpu.memory_space<vmem>>, vector<1x1x16xf32>,
        %swap3A_181 = vector.shape_cast %swap3A_180 : vector<1x1x16xf32> to vector<16xf32>
        %swap3A_182 = vector.shape_cast %add3A_176 : vector<16xf32> to vector<1x1x16xf32>
        tpu.vector_store %arg10[%swap3A_177, %swap3A_178, %swap3A_179], %swap3A_182 {strides = array<i32>} : memref<2x80x128xf32, #tpu.memory_space<vmem>>, vector<1x1x16xf32>,
        %get3A_183 = arith.constant 1 : i32
        %get3A_184 = arith.index_cast %get3A_183 : i32 to index
        %get3A_185 = arith.index_cast %scan3A_157 : i32 to index
        %get3A_186 = arith.constant 16 : index
        %get3A_187 = tpu.vector_load %arg10[%get3A_184, %get3A_185, %get3A_186] {strides = array<i32>} : memref<2x80x128xf32, #tpu.memory_space<vmem>>, vector<1x1x16xf32>,
        %get3A_188 = vector.shape_cast %get3A_187 : vector<1x1x16xf32> to vector<16xf32>
        %get3A_189 = arith.constant 1 : i32
        %get3A_190 = arith.index_cast %get3A_189 : i32 to index
        %get3A_191 = arith.index_cast %scan3A_157 : i32 to index
        %get3A_192 = arith.constant 16 : index
        %get3A_193 = tpu.vector_load %arg11[%get3A_190, %get3A_191, %get3A_192] {strides = array<i32>} : memref<2x80x128xf32, #tpu.memory_space<vmem>>, vector<1x1x16xf32>,
        %get3A_194 = vector.shape_cast %get3A_193 : vector<1x1x16xf32> to vector<16xf32>
        %add3A_195 = arith.addf %get3A_188, %get3A_194 : vector<16xf32>
        %get3A_196 = arith.constant 1 : i32
        %get3A_197 = arith.index_cast %get3A_196 : i32 to index
        %get3A_198 = arith.index_cast %scan3A_157 : i32 to index
        %get3A_199 = arith.constant 16 : index
        %get3A_200 = tpu.vector_load %arg12[%get3A_197, %get3A_198, %get3A_199] {strides = array<i32>} : memref<2x80x128xf32, #tpu.memory_space<vmem>>, vector<1x1x16xf32>,
        %get3A_201 = vector.shape_cast %get3A_200 : vector<1x1x16xf32> to vector<16xf32>
        %add3A_202 = arith.addf %add3A_195, %get3A_201 : vector<16xf32>
        %swap3A_203 = arith.constant 1 : i32
        %swap3A_204 = arith.index_cast %swap3A_203 : i32 to index
        %swap3A_205 = arith.index_cast %scan3A_157 : i32 to index
        %swap3A_206 = arith.constant 16 : index
        %swap3A_207 = tpu.vector_load %arg10[%swap3A_204, %swap3A_205, %swap3A_206] {strides = array<i32>} : memref<2x80x128xf32, #tpu.memory_space<vmem>>, vector<1x1x16xf32>,
        %swap3A_208 = vector.shape_cast %swap3A_207 : vector<1x1x16xf32> to vector<16xf32>
        %swap3A_209 = vector.shape_cast %add3A_202 : vector<16xf32> to vector<1x1x16xf32>
        tpu.vector_store %arg10[%swap3A_204, %swap3A_205, %swap3A_206], %swap3A_209 {strides = array<i32>} : memref<2x80x128xf32, #tpu.memory_space<vmem>>, vector<1x1x16xf32>,
        %get3A_210 = arith.constant 1 : i32
        %get3A_211 = arith.index_cast %get3A_210 : i32 to index
        %get3A_212 = arith.index_cast %scan3A_157 : i32 to index
        %get3A_213 = arith.constant 32 : index
        %get3A_214 = tpu.vector_load %arg10[%get3A_211, %get3A_212, %get3A_213] {strides = array<i32>} : memref<2x80x128xf32, #tpu.memory_space<vmem>>, vector<1x1x16xf32>,
        %get3A_215 = vector.shape_cast %get3A_214 : vector<1x1x16xf32> to vector<16xf32>
        %get3A_216 = arith.constant 1 : i32
        %get3A_217 = arith.index_cast %get3A_216 : i32 to index
        %get3A_218 = arith.index_cast %scan3A_157 : i32 to index
        %get3A_219 = arith.constant 32 : index
        %get3A_220 = tpu.vector_load %arg11[%get3A_217, %get3A_218, %get3A_219] {strides = array<i32>} : memref<2x80x128xf32, #tpu.memory_space<vmem>>, vector<1x1x16xf32>,
        %get3A_221 = vector.shape_cast %get3A_220 : vector<1x1x16xf32> to vector<16xf32>
        %add3A_222 = arith.addf %get3A_215, %get3A_221 : vector<16xf32>
        %get3A_223 = arith.constant 1 : i32
        %get3A_224 = arith.index_cast %get3A_223 : i32 to index
        %get3A_225 = arith.index_cast %scan3A_157 : i32 to index
        %get3A_226 = arith.constant 32 : index
        %get3A_227 = tpu.vector_load %arg12[%get3A_224, %get3A_225, %get3A_226] {strides = array<i32>} : memref<2x80x128xf32, #tpu.memory_space<vmem>>, vector<1x1x16xf32>,
        %get3A_228 = vector.shape_cast %get3A_227 : vector<1x1x16xf32> to vector<16xf32>
        %add3A_229 = arith.addf %add3A_222, %get3A_228 : vector<16xf32>
        %swap3A_230 = arith.constant 1 : i32
        %swap3A_231 = arith.index_cast %swap3A_230 : i32 to index
        %swap3A_232 = arith.index_cast %scan3A_157 : i32 to index
        %swap3A_233 = arith.constant 32 : index
        %swap3A_234 = tpu.vector_load %arg10[%swap3A_231, %swap3A_232, %swap3A_233] {strides = array<i32>} : memref<2x80x128xf32, #tpu.memory_space<vmem>>, vector<1x1x16xf32>,
        %swap3A_235 = vector.shape_cast %swap3A_234 : vector<1x1x16xf32> to vector<16xf32>
        %swap3A_236 = vector.shape_cast %add3A_229 : vector<16xf32> to vector<1x1x16xf32>
        tpu.vector_store %arg10[%swap3A_231, %swap3A_232, %swap3A_233], %swap3A_236 {strides = array<i32>} : memref<2x80x128xf32, #tpu.memory_space<vmem>>, vector<1x1x16xf32>,
        %get3A_237 = arith.constant 1 : i32
        %get3A_238 = arith.index_cast %get3A_237 : i32 to index
        %get3A_239 = arith.index_cast %scan3A_157 : i32 to index
        %get3A_240 = arith.constant 48 : index
        %get3A_241 = tpu.vector_load %arg10[%get3A_238, %get3A_239, %get3A_240] {strides = array<i32>} : memref<2x80x128xf32, #tpu.memory_space<vmem>>, vector<1x1x16xf32>,
        %get3A_242 = vector.shape_cast %get3A_241 : vector<1x1x16xf32> to vector<16xf32>
        %get3A_243 = arith.constant 1 : i32
        %get3A_244 = arith.index_cast %get3A_243 : i32 to index
        %get3A_245 = arith.index_cast %scan3A_157 : i32 to index
        %get3A_246 = arith.constant 48 : index
        %get3A_247 = tpu.vector_load %arg11[%get3A_244, %get3A_245, %get3A_246] {strides = array<i32>} : memref<2x80x128xf32, #tpu.memory_space<vmem>>, vector<1x1x16xf32>,
        %get3A_248 = vector.shape_cast %get3A_247 : vector<1x1x16xf32> to vector<16xf32>
        %add3A_249 = arith.addf %get3A_242, %get3A_248 : vector<16xf32>
        %get3A_250 = arith.constant 1 : i32
        %get3A_251 = arith.index_cast %get3A_250 : i32 to index
        %get3A_252 = arith.index_cast %scan3A_157 : i32 to index
        %get3A_253 = arith.constant 48 : index
        %get3A_254 = tpu.vector_load %arg12[%get3A_251, %get3A_252, %get3A_253] {strides = array<i32>} : memref<2x80x128xf32, #tpu.memory_space<vmem>>, vector<1x1x16xf32>,
        %get3A_255 = vector.shape_cast %get3A_254 : vector<1x1x16xf32> to vector<16xf32>
        %add3A_256 = arith.addf %add3A_249, %get3A_255 : vector<16xf32>
        %swap3A_257 = arith.constant 1 : i32
        %swap3A_258 = arith.index_cast %swap3A_257 : i32 to index
        %swap3A_259 = arith.index_cast %scan3A_157 : i32 to index
        %swap3A_260 = arith.constant 48 : index
        %swap3A_261 = tpu.vector_load %arg10[%swap3A_258, %swap3A_259, %swap3A_260] {strides = array<i32>} : memref<2x80x128xf32, #tpu.memory_space<vmem>>, vector<1x1x16xf32>,
        %swap3A_262 = vector.shape_cast %swap3A_261 : vector<1x1x16xf32> to vector<16xf32>
        %swap3A_263 = vector.shape_cast %add3A_256 : vector<16xf32> to vector<1x1x16xf32>
        tpu.vector_store %arg10[%swap3A_258, %swap3A_259, %swap3A_260], %swap3A_263 {strides = array<i32>} : memref<2x80x128xf32, #tpu.memory_space<vmem>>, vector<1x1x16xf32>,
        %get3A_264 = arith.constant 1 : i32
        %get3A_265 = arith.index_cast %get3A_264 : i32 to index
        %get3A_266 = arith.index_cast %scan3A_157 : i32 to index
        %get3A_267 = arith.constant 64 : index
        %get3A_268 = tpu.vector_load %arg10[%get3A_265, %get3A_266, %get3A_267] {strides = array<i32>} : memref<2x80x128xf32, #tpu.memory_space<vmem>>, vector<1x1x16xf32>,
        %get3A_269 = vector.shape_cast %get3A_268 : vector<1x1x16xf32> to vector<16xf32>
        %get3A_270 = arith.constant 1 : i32
        %get3A_271 = arith.index_cast %get3A_270 : i32 to index
        %get3A_272 = arith.index_cast %scan3A_157 : i32 to index
        %get3A_273 = arith.constant 64 : index
        %get3A_274 = tpu.vector_load %arg11[%get3A_271, %get3A_272, %get3A_273] {strides = array<i32>} : memref<2x80x128xf32, #tpu.memory_space<vmem>>, vector<1x1x16xf32>,
        %get3A_275 = vector.shape_cast %get3A_274 : vector<1x1x16xf32> to vector<16xf32>
        %add3A_276 = arith.addf %get3A_269, %get3A_275 : vector<16xf32>
        %get3A_277 = arith.constant 1 : i32
        %get3A_278 = arith.index_cast %get3A_277 : i32 to index
        %get3A_279 = arith.index_cast %scan3A_157 : i32 to index
        %get3A_280 = arith.constant 64 : index
        %get3A_281 = tpu.vector_load %arg12[%get3A_278, %get3A_279, %get3A_280] {strides = array<i32>} : memref<2x80x128xf32, #tpu.memory_space<vmem>>, vector<1x1x16xf32>,
        %get3A_282 = vector.shape_cast %get3A_281 : vector<1x1x16xf32> to vector<16xf32>
        %add3A_283 = arith.addf %add3A_276, %get3A_282 : vector<16xf32>
        %swap3A_284 = arith.constant 1 : i32
        %swap3A_285 = arith.index_cast %swap3A_284 : i32 to index
        %swap3A_286 = arith.index_cast %scan3A_157 : i32 to index
        %swap3A_287 = arith.constant 64 : index
        %swap3A_288 = tpu.vector_load %arg10[%swap3A_285, %swap3A_286, %swap3A_287] {strides = array<i32>} : memref<2x80x128xf32, #tpu.memory_space<vmem>>, vector<1x1x16xf32>,
        %swap3A_289 = vector.shape_cast %swap3A_288 : vector<1x1x16xf32> to vector<16xf32>
        %swap3A_290 = vector.shape_cast %add3A_283 : vector<16xf32> to vector<1x1x16xf32>
        tpu.vector_store %arg10[%swap3A_285, %swap3A_286, %swap3A_287], %swap3A_290 {strides = array<i32>} : memref<2x80x128xf32, #tpu.memory_space<vmem>>, vector<1x1x16xf32>,
        %get3A_291 = arith.constant 1 : i32
        %get3A_292 = arith.index_cast %get3A_291 : i32 to index
        %get3A_293 = arith.index_cast %scan3A_157 : i32 to index
        %get3A_294 = arith.constant 80 : index
        %get3A_295 = tpu.vector_load %arg10[%get3A_292, %get3A_293, %get3A_294] {strides = array<i32>} : memref<2x80x128xf32, #tpu.memory_space<vmem>>, vector<1x1x16xf32>,
        %get3A_296 = vector.shape_cast %get3A_295 : vector<1x1x16xf32> to vector<16xf32>
        %get3A_297 = arith.constant 1 : i32
        %get3A_298 = arith.index_cast %get3A_297 : i32 to index
        %get3A_299 = arith.index_cast %scan3A_157 : i32 to index
        %get3A_300 = arith.constant 80 : index
        %get3A_301 = tpu.vector_load %arg11[%get3A_298, %get3A_299, %get3A_300] {strides = array<i32>} : memref<2x80x128xf32, #tpu.memory_space<vmem>>, vector<1x1x16xf32>,
        %get3A_302 = vector.shape_cast %get3A_301 : vector<1x1x16xf32> to vector<16xf32>
        %add3A_303 = arith.addf %get3A_296, %get3A_302 : vector<16xf32>
        %get3A_304 = arith.constant 1 : i32
        %get3A_305 = arith.index_cast %get3A_304 : i32 to index
        %get3A_306 = arith.index_cast %scan3A_157 : i32 to index
        %get3A_307 = arith.constant 80 : index
        %get3A_308 = tpu.vector_load %arg12[%get3A_305, %get3A_306, %get3A_307] {strides = array<i32>} : memref<2x80x128xf32, #tpu.memory_space<vmem>>, vector<1x1x16xf32>,
        %get3A_309 = vector.shape_cast %get3A_308 : vector<1x1x16xf32> to vector<16xf32>
        %add3A_310 = arith.addf %add3A_303, %get3A_309 : vector<16xf32>
        %swap3A_311 = arith.constant 1 : i32
        %swap3A_312 = arith.index_cast %swap3A_311 : i32 to index
        %swap3A_313 = arith.index_cast %scan3A_157 : i32 to index
        %swap3A_314 = arith.constant 80 : index
        %swap3A_315 = tpu.vector_load %arg10[%swap3A_312, %swap3A_313, %swap3A_314] {strides = array<i32>} : memref<2x80x128xf32, #tpu.memory_space<vmem>>, vector<1x1x16xf32>,
        %swap3A_316 = vector.shape_cast %swap3A_315 : vector<1x1x16xf32> to vector<16xf32>
        %swap3A_317 = vector.shape_cast %add3A_310 : vector<16xf32> to vector<1x1x16xf32>
        tpu.vector_store %arg10[%swap3A_312, %swap3A_313, %swap3A_314], %swap3A_317 {strides = array<i32>} : memref<2x80x128xf32, #tpu.memory_space<vmem>>, vector<1x1x16xf32>,
        %get3A_318 = arith.constant 1 : i32
        %get3A_319 = arith.index_cast %get3A_318 : i32 to index
        %get3A_320 = arith.index_cast %scan3A_157 : i32 to index
        %get3A_321 = arith.constant 96 : index
        %get3A_322 = tpu.vector_load %arg10[%get3A_319, %get3A_320, %get3A_321] {strides = array<i32>} : memref<2x80x128xf32, #tpu.memory_space<vmem>>, vector<1x1x16xf32>,
        %get3A_323 = vector.shape_cast %get3A_322 : vector<1x1x16xf32> to vector<16xf32>
        %get3A_324 = arith.constant 1 : i32
        %get3A_325 = arith.index_cast %get3A_324 : i32 to index
        %get3A_326 = arith.index_cast %scan3A_157 : i32 to index
        %get3A_327 = arith.constant 96 : index
        %get3A_328 = tpu.vector_load %arg11[%get3A_325, %get3A_326, %get3A_327] {strides = array<i32>} : memref<2x80x128xf32, #tpu.memory_space<vmem>>, vector<1x1x16xf32>,
        %get3A_329 = vector.shape_cast %get3A_328 : vector<1x1x16xf32> to vector<16xf32>
        %add3A_330 = arith.addf %get3A_323, %get3A_329 : vector<16xf32>
        %get3A_331 = arith.constant 1 : i32
        %get3A_332 = arith.index_cast %get3A_331 : i32 to index
        %get3A_333 = arith.index_cast %scan3A_157 : i32 to index
        %get3A_334 = arith.constant 96 : index
        %get3A_335 = tpu.vector_load %arg12[%get3A_332, %get3A_333, %get3A_334] {strides = array<i32>} : memref<2x80x128xf32, #tpu.memory_space<vmem>>, vector<1x1x16xf32>,
        %get3A_336 = vector.shape_cast %get3A_335 : vector<1x1x16xf32> to vector<16xf32>
        %add3A_337 = arith.addf %add3A_330, %get3A_336 : vector<16xf32>
        %swap3A_338 = arith.constant 1 : i32
        %swap3A_339 = arith.index_cast %swap3A_338 : i32 to index
        %swap3A_340 = arith.index_cast %scan3A_157 : i32 to index
        %swap3A_341 = arith.constant 96 : index
        %swap3A_342 = tpu.vector_load %arg10[%swap3A_339, %swap3A_340, %swap3A_341] {strides = array<i32>} : memref<2x80x128xf32, #tpu.memory_space<vmem>>, vector<1x1x16xf32>,
        %swap3A_343 = vector.shape_cast %swap3A_342 : vector<1x1x16xf32> to vector<16xf32>
        %swap3A_344 = vector.shape_cast %add3A_337 : vector<16xf32> to vector<1x1x16xf32>
        tpu.vector_store %arg10[%swap3A_339, %swap3A_340, %swap3A_341], %swap3A_344 {strides = array<i32>} : memref<2x80x128xf32, #tpu.memory_space<vmem>>, vector<1x1x16xf32>,
        %get3A_345 = arith.constant 1 : i32
        %get3A_346 = arith.index_cast %get3A_345 : i32 to index
        %get3A_347 = arith.index_cast %scan3A_157 : i32 to index
        %get3A_348 = arith.constant 112 : index
        %get3A_349 = tpu.vector_load %arg10[%get3A_346, %get3A_347, %get3A_348] {strides = array<i32>} : memref<2x80x128xf32, #tpu.memory_space<vmem>>, vector<1x1x16xf32>,
        %get3A_350 = vector.shape_cast %get3A_349 : vector<1x1x16xf32> to vector<16xf32>
        %get3A_351 = arith.constant 1 : i32
        %get3A_352 = arith.index_cast %get3A_351 : i32 to index
        %get3A_353 = arith.index_cast %scan3A_157 : i32 to index
        %get3A_354 = arith.constant 112 : index
        %get3A_355 = tpu.vector_load %arg11[%get3A_352, %get3A_353, %get3A_354] {strides = array<i32>} : memref<2x80x128xf32, #tpu.memory_space<vmem>>, vector<1x1x16xf32>,
        %get3A_356 = vector.shape_cast %get3A_355 : vector<1x1x16xf32> to vector<16xf32>
        %add3A_357 = arith.addf %get3A_350, %get3A_356 : vector<16xf32>
        %get3A_358 = arith.constant 1 : i32
        %get3A_359 = arith.index_cast %get3A_358 : i32 to index
        %get3A_360 = arith.index_cast %scan3A_157 : i32 to index
        %get3A_361 = arith.constant 112 : index
        %get3A_362 = tpu.vector_load %arg12[%get3A_359, %get3A_360, %get3A_361] {strides = array<i32>} : memref<2x80x128xf32, #tpu.memory_space<vmem>>, vector<1x1x16xf32>,
        %get3A_363 = vector.shape_cast %get3A_362 : vector<1x1x16xf32> to vector<16xf32>
        %add3A_364 = arith.addf %add3A_357, %get3A_363 : vector<16xf32>
        %swap3A_365 = arith.constant 1 : i32
        %swap3A_366 = arith.index_cast %swap3A_365 : i32 to index
        %swap3A_367 = arith.index_cast %scan3A_157 : i32 to index
        %swap3A_368 = arith.constant 112 : index
        %swap3A_369 = tpu.vector_load %arg10[%swap3A_366, %swap3A_367, %swap3A_368] {strides = array<i32>} : memref<2x80x128xf32, #tpu.memory_space<vmem>>, vector<1x1x16xf32>,
        %swap3A_370 = vector.shape_cast %swap3A_369 : vector<1x1x16xf32> to vector<16xf32>
        %swap3A_371 = vector.shape_cast %add3A_364 : vector<16xf32> to vector<1x1x16xf32>
        tpu.vector_store %arg10[%swap3A_366, %swap3A_367, %swap3A_368], %swap3A_371 {strides = array<i32>} : memref<2x80x128xf32, #tpu.memory_space<vmem>>, vector<1x1x16xf32>,
      }
      %scan3A_144 = arith.constant 80 : i32
      %dma_start3A = arith.constant 1 : i32
      %dma_start3A_145 = arith.constant 0 : i32
      %dma_start3A_146 = arith.constant 0 : i32
      %dma_start3A_147 = tpu.memref_slice %arg10[%dma_start3A, %dma_start3A_145, %dma_start3A_146] : memref<2x80x128xf32, #tpu.memory_space<vmem>> -> memref<1x80x128xf32, #tpu.memory_space<vmem>>
      %dma_start3A_148 = tpu.memref_squeeze %dma_start3A_147 : memref<1x80x128xf32, #tpu.memory_space<vmem>> -> memref<80x128xf32, #tpu.memory_space<vmem>>
      %dma_start3A_149 = arith.constant 0 : i32
      %dma_start3A_150 = tpu.memref_slice %arg7[%mul3A_103, %dma_start3A_149] : memref<10000x128xf32, #tpu.memory_space<hbm>> -> memref<80x128xf32, #tpu.memory_space<hbm>>
      %dma_start3A_151 = arith.constant 0 : i32
      %dma_start3A_152 = tpu.memref_slice %arg7[%mul3A_103, %dma_start3A_151] : memref<10000x128xf32, #tpu.memory_space<hbm>> -> memref<80x128xf32, #tpu.memory_space<hbm>>
      %dma_start3A_153 = arith.constant 0 : i32
      %dma_start3A_154 = arith.constant 0 : i32
      %dma_start3A_155 = tpu.memref_slice %arg10[%dma_start3A, %dma_start3A_153, %dma_start3A_154] : memref<2x80x128xf32, #tpu.memory_space<vmem>> -> memref<1x80x128xf32, #tpu.memory_space<vmem>>
      %dma_start3A_156 = tpu.memref_squeeze %dma_start3A_155 : memref<1x80x128xf32, #tpu.memory_space<vmem>> -> memref<80x128xf32, #tpu.memory_space<vmem>>
      tpu.enqueue_dma source(%dma_start3A_156 : memref<80x128xf32, #tpu.memory_space<vmem>>) target(%dma_start3A_152 : memref<80x128xf32, #tpu.memory_space<hbm>>) target_semaphore(%arg20 : memref<!tpu.dma_semaphore, #tpu.memory_space<semaphore_mem>>)
    } else {
    }
    %add3A_50 = arith.constant 64 : i32
    %add3A_51 = arith.addi %add3A_50, %add3A : i32
    %lt3A_52 = arith.constant 125 : i32
    %lt3A_53 = arith.cmpi slt, %add3A_51, %lt3A_52 : i32
    %convert_element_type3A_54 = arith.extui %lt3A_53 : i1 to i32
    %cond3A_55 = arith.constant 0 : i32
    %cond3A_56 = arith.cmpi ne, %convert_element_type3A_54, %cond3A_55 : i32
    scf.if %cond3A_56 {
      %mul3A_102 = arith.constant 80 : i32
      %mul3A_103 = arith.muli %add3A_51, %mul3A_102 : i32
      %dma_wait3A = arith.constant 0 : i32
      %dma_wait3A_104 = arith.constant 0 : i32
      %dma_wait3A_105 = tpu.memref_slice %arg8[%dma_wait3A, %dma_wait3A_104] : memref<2x80xi32, #tpu.memory_space<vmem>> -> memref<1x80xi32, #tpu.memory_space<vmem>>
      %dma_wait3A_106 = tpu.memref_squeeze %dma_wait3A_105 : memref<1x80xi32, #tpu.memory_space<vmem>> -> memref<80xi32, #tpu.memory_space<vmem>>
      %dma_wait3A_107 = tpu.memref_slice %arg4[%mul3A_103] : memref<10240xi32, #tpu.memory_space<hbm>> -> memref<80xi32, #tpu.memory_space<hbm>>
      %dma_wait3A_108 = arith.constant 0 : i32
      %dma_wait3A_109 = tpu.memref_slice %arg8[%dma_wait3A, %dma_wait3A_108] : memref<2x80xi32, #tpu.memory_space<vmem>> -> memref<1x80xi32, #tpu.memory_space<vmem>>
      %dma_wait3A_110 = tpu.memref_squeeze %dma_wait3A_109 : memref<1x80xi32, #tpu.memory_space<vmem>> -> memref<80xi32, #tpu.memory_space<vmem>>
      %dma_wait3A_111 = tpu.memref_slice %arg4[%mul3A_103] : memref<10240xi32, #tpu.memory_space<hbm>> -> memref<80xi32, #tpu.memory_space<hbm>>
      tpu.wait_dma2 semaphore(%arg13 : memref<!tpu.dma_semaphore, #tpu.memory_space<semaphore_mem>>) src(%dma_wait3A_111 : memref<80xi32, #tpu.memory_space<hbm>>) dst(%dma_wait3A_110 : memref<80xi32, #tpu.memory_space<vmem>>)
      %dma_wait3A_112 = arith.constant 0 : i32
      %dma_wait3A_113 = arith.constant 0 : i32
      %dma_wait3A_114 = tpu.memref_slice %arg9[%dma_wait3A_112, %dma_wait3A_113] : memref<2x80xi32, #tpu.memory_space<vmem>> -> memref<1x80xi32, #tpu.memory_space<vmem>>
      %dma_wait3A_115 = tpu.memref_squeeze %dma_wait3A_114 : memref<1x80xi32, #tpu.memory_space<vmem>> -> memref<80xi32, #tpu.memory_space<vmem>>
      %dma_wait3A_116 = tpu.memref_slice %arg3[%mul3A_103] : memref<10240xi32, #tpu.memory_space<hbm>> -> memref<80xi32, #tpu.memory_space<hbm>>
      %dma_wait3A_117 = arith.constant 0 : i32
      %dma_wait3A_118 = tpu.memref_slice %arg9[%dma_wait3A_112, %dma_wait3A_117] : memref<2x80xi32, #tpu.memory_space<vmem>> -> memref<1x80xi32, #tpu.memory_space<vmem>>
      %dma_wait3A_119 = tpu.memref_squeeze %dma_wait3A_118 : memref<1x80xi32, #tpu.memory_space<vmem>> -> memref<80xi32, #tpu.memory_space<vmem>>
      %dma_wait3A_120 = tpu.memref_slice %arg3[%mul3A_103] : memref<10240xi32, #tpu.memory_space<hbm>> -> memref<80xi32, #tpu.memory_space<hbm>>
      tpu.wait_dma2 semaphore(%arg13 : memref<!tpu.dma_semaphore, #tpu.memory_space<semaphore_mem>>) src(%dma_wait3A_120 : memref<80xi32, #tpu.memory_space<hbm>>) dst(%dma_wait3A_119 : memref<80xi32, #tpu.memory_space<vmem>>)
      %dma_start3A = arith.constant 0 : i32
      %dma_start3A_121 = arith.constant 0 : i32
      %dma_start3A_122 = arith.constant 0 : i32
      %dma_start3A_123 = arith.constant 0 : i32
      %dma_start3A_124 = tpu.memref_slice %arg11[%dma_start3A_121, %dma_start3A_122, %dma_start3A_123] : memref<2x80x128xf32, #tpu.memory_space<vmem>> -> memref<1x80x128xf32, #tpu.memory_space<vmem>>
      %dma_start3A_125 = tpu.memref_squeeze %dma_start3A_124 : memref<1x80x128xf32, #tpu.memory_space<vmem>> -> memref<80x128xf32, #tpu.memory_space<vmem>>
      %dma_start3A_126 = arith.constant 0 : i32
      %dma_start3A_127 = tpu.memref_slice %arg8[%dma_start3A, %dma_start3A_126] : memref<2x80xi32, #tpu.memory_space<vmem>> -> memref<1x80xi32, #tpu.memory_space<vmem>>
      %dma_start3A_128 = tpu.memref_squeeze %dma_start3A_127 : memref<1x80xi32, #tpu.memory_space<vmem>> -> memref<80xi32, #tpu.memory_space<vmem>>
      %dma_start3A_129 = arith.constant 0 : i32
      %dma_start3A_130 = arith.constant 0 : i32
      %dma_start3A_131 = tpu.memref_slice %arg5[%dma_start3A_129, %dma_start3A_130] : memref<512x128xf32, #tpu.memory_space<hbm>> -> memref<512x128xf32, #tpu.memory_space<hbm>>
      tpu.enqueue_indirect_dma source(%dma_start3A_131 : memref<512x128xf32, #tpu.memory_space<hbm>>) target(%dma_start3A_125 : memref<80x128xf32, #tpu.memory_space<vmem>>) offsets(%dma_start3A_128 : memref<80xi32, #tpu.memory_space<vmem>>) semaphore(%arg17 : memref<!tpu.dma_semaphore, #tpu.memory_space<semaphore_mem>>)
      %dma_start3A_132 = arith.constant 0 : i32
      %dma_start3A_133 = arith.constant 0 : i32
      %dma_start3A_134 = arith.constant 0 : i32
      %dma_start3A_135 = arith.constant 0 : i32
      %dma_start3A_136 = tpu.memref_slice %arg12[%dma_start3A_133, %dma_start3A_134, %dma_start3A_135] : memref<2x80x128xf32, #tpu.memory_space<vmem>> -> memref<1x80x128xf32, #tpu.memory_space<vmem>>
      %dma_start3A_137 = tpu.memref_squeeze %dma_start3A_136 : memref<1x80x128xf32, #tpu.memory_space<vmem>> -> memref<80x128xf32, #tpu.memory_space<vmem>>
      %dma_start3A_138 = arith.constant 0 : i32
      %dma_start3A_139 = tpu.memref_slice %arg9[%dma_start3A_132, %dma_start3A_138] : memref<2x80xi32, #tpu.memory_space<vmem>> -> memref<1x80xi32, #tpu.memory_space<vmem>>
      %dma_start3A_140 = tpu.memref_squeeze %dma_start3A_139 : memref<1x80xi32, #tpu.memory_space<vmem>> -> memref<80xi32, #tpu.memory_space<vmem>>
      %dma_start3A_141 = arith.constant 0 : i32
      %dma_start3A_142 = arith.constant 0 : i32
      %dma_start3A_143 = tpu.memref_slice %arg6[%dma_start3A_141, %dma_start3A_142] : memref<512x128xf32, #tpu.memory_space<hbm>> -> memref<512x128xf32, #tpu.memory_space<hbm>>
      tpu.enqueue_indirect_dma source(%dma_start3A_143 : memref<512x128xf32, #tpu.memory_space<hbm>>) target(%dma_start3A_137 : memref<80x128xf32, #tpu.memory_space<vmem>>) offsets(%dma_start3A_140 : memref<80xi32, #tpu.memory_space<vmem>>) semaphore(%arg17 : memref<!tpu.dma_semaphore, #tpu.memory_space<semaphore_mem>>)
    } else {
    }
    %add3A_57 = arith.constant 32 : i32
    %add3A_58 = arith.addi %add3A_57, %add3A : i32
    %lt3A_59 = arith.constant 125 : i32
    %lt3A_60 = arith.cmpi slt, %add3A_58, %lt3A_59 : i32
    %convert_element_type3A_61 = arith.extui %lt3A_60 : i1 to i32
    %cond3A_62 = arith.constant 0 : i32
    %cond3A_63 = arith.cmpi ne, %convert_element_type3A_61, %cond3A_62 : i32
    scf.if %cond3A_63 {
      %mul3A_102 = arith.constant 80 : i32
      %mul3A_103 = arith.muli %add3A_58, %mul3A_102 : i32
      %dma_wait3A = arith.constant 1 : i32
      %dma_wait3A_104 = arith.constant 0 : i32
      %dma_wait3A_105 = arith.constant 0 : i32
      %dma_wait3A_106 = tpu.memref_slice %arg10[%dma_wait3A, %dma_wait3A_104, %dma_wait3A_105] : memref<2x80x128xf32, #tpu.memory_space<vmem>> -> memref<1x80x128xf32, #tpu.memory_space<vmem>>
      %dma_wait3A_107 = tpu.memref_squeeze %dma_wait3A_106 : memref<1x80x128xf32, #tpu.memory_space<vmem>> -> memref<80x128xf32, #tpu.memory_space<vmem>>
      %dma_wait3A_108 = arith.constant 0 : i32
      %dma_wait3A_109 = tpu.memref_slice %arg7[%mul3A_103, %dma_wait3A_108] : memref<10000x128xf32, #tpu.memory_space<hbm>> -> memref<80x128xf32, #tpu.memory_space<hbm>>
      %dma_wait3A_110 = arith.constant 0 : i32
      %dma_wait3A_111 = tpu.memref_slice %arg7[%mul3A_103, %dma_wait3A_110] : memref<10000x128xf32, #tpu.memory_space<hbm>> -> memref<80x128xf32, #tpu.memory_space<hbm>>
      %dma_wait3A_112 = arith.constant 0 : i32
      %dma_wait3A_113 = arith.constant 0 : i32
      %dma_wait3A_114 = tpu.memref_slice %arg10[%dma_wait3A, %dma_wait3A_112, %dma_wait3A_113] : memref<2x80x128xf32, #tpu.memory_space<vmem>> -> memref<1x80x128xf32, #tpu.memory_space<vmem>>
      %dma_wait3A_115 = tpu.memref_squeeze %dma_wait3A_114 : memref<1x80x128xf32, #tpu.memory_space<vmem>> -> memref<80x128xf32, #tpu.memory_space<vmem>>
      tpu.wait_dma2 semaphore(%arg20 : memref<!tpu.dma_semaphore, #tpu.memory_space<semaphore_mem>>) src(%dma_wait3A_115 : memref<80x128xf32, #tpu.memory_space<vmem>>) dst(%dma_wait3A_111 : memref<80x128xf32, #tpu.memory_space<hbm>>)
    } else {
    }
    %add3A_64 = arith.constant 96 : i32
    %add3A_65 = arith.addi %add3A_64, %add3A : i32
    %lt3A_66 = arith.constant 125 : i32
    %lt3A_67 = arith.cmpi slt, %add3A_65, %lt3A_66 : i32
    %convert_element_type3A_68 = arith.extui %lt3A_67 : i1 to i32
    %cond3A_69 = arith.constant 0 : i32
    %cond3A_70 = arith.cmpi ne, %convert_element_type3A_68, %cond3A_69 : i32
    scf.if %cond3A_70 {
      %mul3A_102 = arith.constant 80 : i32
      %mul3A_103 = arith.muli %add3A_65, %mul3A_102 : i32
      %dma_start3A = arith.constant 1 : i32
      %dma_start3A_104 = arith.constant 0 : i32
      %dma_start3A_105 = tpu.memref_slice %arg8[%dma_start3A, %dma_start3A_104] : memref<2x80xi32, #tpu.memory_space<vmem>> -> memref<1x80xi32, #tpu.memory_space<vmem>>
      %dma_start3A_106 = tpu.memref_squeeze %dma_start3A_105 : memref<1x80xi32, #tpu.memory_space<vmem>> -> memref<80xi32, #tpu.memory_space<vmem>>
      %dma_start3A_107 = tpu.memref_slice %arg4[%mul3A_103] : memref<10240xi32, #tpu.memory_space<hbm>> -> memref<80xi32, #tpu.memory_space<hbm>>
      %dma_start3A_108 = arith.constant 0 : i32
      %dma_start3A_109 = tpu.memref_slice %arg8[%dma_start3A, %dma_start3A_108] : memref<2x80xi32, #tpu.memory_space<vmem>> -> memref<1x80xi32, #tpu.memory_space<vmem>>
      %dma_start3A_110 = tpu.memref_squeeze %dma_start3A_109 : memref<1x80xi32, #tpu.memory_space<vmem>> -> memref<80xi32, #tpu.memory_space<vmem>>
      %dma_start3A_111 = tpu.memref_slice %arg4[%mul3A_103] : memref<10240xi32, #tpu.memory_space<hbm>> -> memref<80xi32, #tpu.memory_space<hbm>>
      tpu.enqueue_dma source(%dma_start3A_111 : memref<80xi32, #tpu.memory_space<hbm>>) target(%dma_start3A_110 : memref<80xi32, #tpu.memory_space<vmem>>) target_semaphore(%arg14 : memref<!tpu.dma_semaphore, #tpu.memory_space<semaphore_mem>>)
      %dma_start3A_112 = arith.constant 1 : i32
      %dma_start3A_113 = arith.constant 0 : i32
      %dma_start3A_114 = tpu.memref_slice %arg9[%dma_start3A_112, %dma_start3A_113] : memref<2x80xi32, #tpu.memory_space<vmem>> -> memref<1x80xi32, #tpu.memory_space<vmem>>
      %dma_start3A_115 = tpu.memref_squeeze %dma_start3A_114 : memref<1x80xi32, #tpu.memory_space<vmem>> -> memref<80xi32, #tpu.memory_space<vmem>>
      %dma_start3A_116 = tpu.memref_slice %arg3[%mul3A_103] : memref<10240xi32, #tpu.memory_space<hbm>> -> memref<80xi32, #tpu.memory_space<hbm>>
      %dma_start3A_117 = arith.constant 0 : i32
      %dma_start3A_118 = tpu.memref_slice %arg9[%dma_start3A_112, %dma_start3A_117] : memref<2x80xi32, #tpu.memory_space<vmem>> -> memref<1x80xi32, #tpu.memory_space<vmem>>
      %dma_start3A_119 = tpu.memref_squeeze %dma_start3A_118 : memref<1x80xi32, #tpu.memory_space<vmem>> -> memref<80xi32, #tpu.memory_space<vmem>>
      %dma_start3A_120 = tpu.memref_slice %arg3[%mul3A_103] : memref<10240xi32, #tpu.memory_space<hbm>> -> memref<80xi32, #tpu.memory_space<hbm>>
      tpu.enqueue_dma source(%dma_start3A_120 : memref<80xi32, #tpu.memory_space<hbm>>) target(%dma_start3A_119 : memref<80xi32, #tpu.memory_space<vmem>>) target_semaphore(%arg14 : memref<!tpu.dma_semaphore, #tpu.memory_space<semaphore_mem>>)
      %dma_start3A_121 = arith.constant 1 : i32
      %dma_start3A_122 = arith.constant 0 : i32
      %dma_start3A_123 = arith.constant 0 : i32
      %dma_start3A_124 = tpu.memref_slice %arg10[%dma_start3A_121, %dma_start3A_122, %dma_start3A_123] : memref<2x80x128xf32, #tpu.memory_space<vmem>> -> memref<1x80x128xf32, #tpu.memory_space<vmem>>
      %dma_start3A_125 = tpu.memref_squeeze %dma_start3A_124 : memref<1x80x128xf32, #tpu.memory_space<vmem>> -> memref<80x128xf32, #tpu.memory_space<vmem>>
      %dma_start3A_126 = arith.constant 0 : i32
      %dma_start3A_127 = tpu.memref_slice %arg2[%mul3A_103, %dma_start3A_126] : memref<10000x128xf32, #tpu.memory_space<hbm>> -> memref<80x128xf32, #tpu.memory_space<hbm>>
      %dma_start3A_128 = arith.constant 0 : i32
      %dma_start3A_129 = arith.constant 0 : i32
      %dma_start3A_130 = tpu.memref_slice %arg10[%dma_start3A_121, %dma_start3A_128, %dma_start3A_129] : memref<2x80x128xf32, #tpu.memory_space<vmem>> -> memref<1x80x128xf32, #tpu.memory_space<vmem>>
      %dma_start3A_131 = tpu.memref_squeeze %dma_start3A_130 : memref<1x80x128xf32, #tpu.memory_space<vmem>> -> memref<80x128xf32, #tpu.memory_space<vmem>>
      %dma_start3A_132 = arith.constant 0 : i32
      %dma_start3A_133 = tpu.memref_slice %arg2[%mul3A_103, %dma_start3A_132] : memref<10000x128xf32, #tpu.memory_space<hbm>> -> memref<80x128xf32, #tpu.memory_space<hbm>>
      tpu.enqueue_dma source(%dma_start3A_133 : memref<80x128xf32, #tpu.memory_space<hbm>>) target(%dma_start3A_131 : memref<80x128xf32, #tpu.memory_space<vmem>>) target_semaphore(%arg16 : memref<!tpu.dma_semaphore, #tpu.memory_space<semaphore_mem>>)
    } else {
    }
    %lt3A_71 = arith.constant 125 : i32
    %lt3A_72 = arith.cmpi slt, %add3A_51, %lt3A_71 : i32
    %convert_element_type3A_73 = arith.extui %lt3A_72 : i1 to i32
    %cond3A_74 = arith.constant 0 : i32
    %cond3A_75 = arith.cmpi ne, %convert_element_type3A_73, %cond3A_74 : i32
    scf.if %cond3A_75 {
      %mul3A_102 = arith.constant 80 : i32
      %mul3A_103 = arith.muli %add3A_51, %mul3A_102 : i32
      %dma_wait3A = arith.constant 0 : i32
      %dma_wait3A_104 = arith.constant 0 : i32
      %dma_wait3A_105 = arith.constant 0 : i32
      %dma_wait3A_106 = tpu.memref_slice %arg10[%dma_wait3A, %dma_wait3A_104, %dma_wait3A_105] : memref<2x80x128xf32, #tpu.memory_space<vmem>> -> memref<1x80x128xf32, #tpu.memory_space<vmem>>
      %dma_wait3A_107 = tpu.memref_squeeze %dma_wait3A_106 : memref<1x80x128xf32, #tpu.memory_space<vmem>> -> memref<80x128xf32, #tpu.memory_space<vmem>>
      %dma_wait3A_108 = arith.constant 0 : i32
      %dma_wait3A_109 = tpu.memref_slice %arg2[%mul3A_103, %dma_wait3A_108] : memref<10000x128xf32, #tpu.memory_space<hbm>> -> memref<80x128xf32, #tpu.memory_space<hbm>>
      %dma_wait3A_110 = arith.constant 0 : i32
      %dma_wait3A_111 = arith.constant 0 : i32
      %dma_wait3A_112 = tpu.memref_slice %arg10[%dma_wait3A, %dma_wait3A_110, %dma_wait3A_111] : memref<2x80x128xf32, #tpu.memory_space<vmem>> -> memref<1x80x128xf32, #tpu.memory_space<vmem>>
      %dma_wait3A_113 = tpu.memref_squeeze %dma_wait3A_112 : memref<1x80x128xf32, #tpu.memory_space<vmem>> -> memref<80x128xf32, #tpu.memory_space<vmem>>
      %dma_wait3A_114 = arith.constant 0 : i32
      %dma_wait3A_115 = tpu.memref_slice %arg2[%mul3A_103, %dma_wait3A_114] : memref<10000x128xf32, #tpu.memory_space<hbm>> -> memref<80x128xf32, #tpu.memory_space<hbm>>
      tpu.wait_dma2 semaphore(%arg15 : memref<!tpu.dma_semaphore, #tpu.memory_space<semaphore_mem>>) src(%dma_wait3A_115 : memref<80x128xf32, #tpu.memory_space<hbm>>) dst(%dma_wait3A_113 : memref<80x128xf32, #tpu.memory_space<vmem>>)
      %dma_wait3A_116 = arith.constant 0 : i32
      %dma_wait3A_117 = arith.constant 0 : i32
      %dma_wait3A_118 = arith.constant 0 : i32
      %dma_wait3A_119 = arith.constant 0 : i32
      %dma_wait3A_120 = tpu.memref_slice %arg11[%dma_wait3A_117, %dma_wait3A_118, %dma_wait3A_119] : memref<2x80x128xf32, #tpu.memory_space<vmem>> -> memref<1x80x128xf32, #tpu.memory_space<vmem>>
      %dma_wait3A_121 = tpu.memref_squeeze %dma_wait3A_120 : memref<1x80x128xf32, #tpu.memory_space<vmem>> -> memref<80x128xf32, #tpu.memory_space<vmem>>
      %dma_wait3A_122 = arith.constant 0 : i32
      %dma_wait3A_123 = tpu.memref_slice %arg8[%dma_wait3A_116, %dma_wait3A_122] : memref<2x80xi32, #tpu.memory_space<vmem>> -> memref<1x80xi32, #tpu.memory_space<vmem>>
      %dma_wait3A_124 = tpu.memref_squeeze %dma_wait3A_123 : memref<1x80xi32, #tpu.memory_space<vmem>> -> memref<80xi32, #tpu.memory_space<vmem>>
      %dma_wait3A_125 = arith.constant 0 : i32
      %dma_wait3A_126 = arith.constant 0 : i32
      %dma_wait3A_127 = tpu.memref_slice %arg5[%dma_wait3A_125, %dma_wait3A_126] : memref<512x128xf32, #tpu.memory_space<hbm>> -> memref<512x128xf32, #tpu.memory_space<hbm>>
      tpu.wait_indirect_dma semaphore(%arg17 : memref<!tpu.dma_semaphore, #tpu.memory_space<semaphore_mem>>) src(%dma_wait3A_127 : memref<512x128xf32, #tpu.memory_space<hbm>>) dst(%dma_wait3A_121 : memref<80x128xf32, #tpu.memory_space<vmem>>)
      %dma_wait3A_128 = arith.constant 0 : i32
      %dma_wait3A_129 = arith.constant 0 : i32
      %dma_wait3A_130 = arith.constant 0 : i32
      %dma_wait3A_131 = arith.constant 0 : i32
      %dma_wait3A_132 = tpu.memref_slice %arg12[%dma_wait3A_129, %dma_wait3A_130, %dma_wait3A_131] : memref<2x80x128xf32, #tpu.memory_space<vmem>> -> memref<1x80x128xf32, #tpu.memory_space<vmem>>
      %dma_wait3A_133 = tpu.memref_squeeze %dma_wait3A_132 : memref<1x80x128xf32, #tpu.memory_space<vmem>> -> memref<80x128xf32, #tpu.memory_space<vmem>>
      %dma_wait3A_134 = arith.constant 0 : i32
      %dma_wait3A_135 = tpu.memref_slice %arg9[%dma_wait3A_128, %dma_wait3A_134] : memref<2x80xi32, #tpu.memory_space<vmem>> -> memref<1x80xi32, #tpu.memory_space<vmem>>
      %dma_wait3A_136 = tpu.memref_squeeze %dma_wait3A_135 : memref<1x80xi32, #tpu.memory_space<vmem>> -> memref<80xi32, #tpu.memory_space<vmem>>
      %dma_wait3A_137 = arith.constant 0 : i32
      %dma_wait3A_138 = arith.constant 0 : i32
      %dma_wait3A_139 = tpu.memref_slice %arg6[%dma_wait3A_137, %dma_wait3A_138] : memref<512x128xf32, #tpu.memory_space<hbm>> -> memref<512x128xf32, #tpu.memory_space<hbm>>
      tpu.wait_indirect_dma semaphore(%arg17 : memref<!tpu.dma_semaphore, #tpu.memory_space<semaphore_mem>>) src(%dma_wait3A_139 : memref<512x128xf32, #tpu.memory_space<hbm>>) dst(%dma_wait3A_133 : memref<80x128xf32, #tpu.memory_space<vmem>>)
      %scan3A = arith.constant 0 : i32
      %scan3A_140 = arith.constant 0 : i32
      %scan3A_141 = arith.constant 80 : i32
      %scan3A_142 = arith.addi %scan3A_140, %scan3A_141 : i32
      %scan3A_143 = arith.constant 1 : i32
      scf.for %scan3A_157 = %scan3A_140 to %scan3A_142 step %scan3A_143  : i32 {
        %get3A = arith.constant 0 : i32
        %get3A_158 = arith.index_cast %get3A : i32 to index
        %get3A_159 = arith.index_cast %scan3A_157 : i32 to index
        %get3A_160 = arith.constant 0 : index
        %get3A_161 = tpu.vector_load %arg10[%get3A_158, %get3A_159, %get3A_160] {strides = array<i32>} : memref<2x80x128xf32, #tpu.memory_space<vmem>>, vector<1x1x16xf32>,
        %get3A_162 = vector.shape_cast %get3A_161 : vector<1x1x16xf32> to vector<16xf32>
        %get3A_163 = arith.constant 0 : i32
        %get3A_164 = arith.index_cast %get3A_163 : i32 to index
        %get3A_165 = arith.index_cast %scan3A_157 : i32 to index
        %get3A_166 = arith.constant 0 : index
        %get3A_167 = tpu.vector_load %arg11[%get3A_164, %get3A_165, %get3A_166] {strides = array<i32>} : memref<2x80x128xf32, #tpu.memory_space<vmem>>, vector<1x1x16xf32>,
        %get3A_168 = vector.shape_cast %get3A_167 : vector<1x1x16xf32> to vector<16xf32>
        %add3A_169 = arith.addf %get3A_162, %get3A_168 : vector<16xf32>
        %get3A_170 = arith.constant 0 : i32
        %get3A_171 = arith.index_cast %get3A_170 : i32 to index
        %get3A_172 = arith.index_cast %scan3A_157 : i32 to index
        %get3A_173 = arith.constant 0 : index
        %get3A_174 = tpu.vector_load %arg12[%get3A_171, %get3A_172, %get3A_173] {strides = array<i32>} : memref<2x80x128xf32, #tpu.memory_space<vmem>>, vector<1x1x16xf32>,
        %get3A_175 = vector.shape_cast %get3A_174 : vector<1x1x16xf32> to vector<16xf32>
        %add3A_176 = arith.addf %add3A_169, %get3A_175 : vector<16xf32>
        %swap3A = arith.constant 0 : i32
        %swap3A_177 = arith.index_cast %swap3A : i32 to index
        %swap3A_178 = arith.index_cast %scan3A_157 : i32 to index
        %swap3A_179 = arith.constant 0 : index
        %swap3A_180 = tpu.vector_load %arg10[%swap3A_177, %swap3A_178, %swap3A_179] {strides = array<i32>} : memref<2x80x128xf32, #tpu.memory_space<vmem>>, vector<1x1x16xf32>,
        %swap3A_181 = vector.shape_cast %swap3A_180 : vector<1x1x16xf32> to vector<16xf32>
        %swap3A_182 = vector.shape_cast %add3A_176 : vector<16xf32> to vector<1x1x16xf32>
        tpu.vector_store %arg10[%swap3A_177, %swap3A_178, %swap3A_179], %swap3A_182 {strides = array<i32>} : memref<2x80x128xf32, #tpu.memory_space<vmem>>, vector<1x1x16xf32>,
        %get3A_183 = arith.constant 0 : i32
        %get3A_184 = arith.index_cast %get3A_183 : i32 to index
        %get3A_185 = arith.index_cast %scan3A_157 : i32 to index
        %get3A_186 = arith.constant 16 : index
        %get3A_187 = tpu.vector_load %arg10[%get3A_184, %get3A_185, %get3A_186] {strides = array<i32>} : memref<2x80x128xf32, #tpu.memory_space<vmem>>, vector<1x1x16xf32>,
        %get3A_188 = vector.shape_cast %get3A_187 : vector<1x1x16xf32> to vector<16xf32>
        %get3A_189 = arith.constant 0 : i32
        %get3A_190 = arith.index_cast %get3A_189 : i32 to index
        %get3A_191 = arith.index_cast %scan3A_157 : i32 to index
        %get3A_192 = arith.constant 16 : index
        %get3A_193 = tpu.vector_load %arg11[%get3A_190, %get3A_191, %get3A_192] {strides = array<i32>} : memref<2x80x128xf32, #tpu.memory_space<vmem>>, vector<1x1x16xf32>,
        %get3A_194 = vector.shape_cast %get3A_193 : vector<1x1x16xf32> to vector<16xf32>
        %add3A_195 = arith.addf %get3A_188, %get3A_194 : vector<16xf32>
        %get3A_196 = arith.constant 0 : i32
        %get3A_197 = arith.index_cast %get3A_196 : i32 to index
        %get3A_198 = arith.index_cast %scan3A_157 : i32 to index
        %get3A_199 = arith.constant 16 : index
        %get3A_200 = tpu.vector_load %arg12[%get3A_197, %get3A_198, %get3A_199] {strides = array<i32>} : memref<2x80x128xf32, #tpu.memory_space<vmem>>, vector<1x1x16xf32>,
        %get3A_201 = vector.shape_cast %get3A_200 : vector<1x1x16xf32> to vector<16xf32>
        %add3A_202 = arith.addf %add3A_195, %get3A_201 : vector<16xf32>
        %swap3A_203 = arith.constant 0 : i32
        %swap3A_204 = arith.index_cast %swap3A_203 : i32 to index
        %swap3A_205 = arith.index_cast %scan3A_157 : i32 to index
        %swap3A_206 = arith.constant 16 : index
        %swap3A_207 = tpu.vector_load %arg10[%swap3A_204, %swap3A_205, %swap3A_206] {strides = array<i32>} : memref<2x80x128xf32, #tpu.memory_space<vmem>>, vector<1x1x16xf32>,
        %swap3A_208 = vector.shape_cast %swap3A_207 : vector<1x1x16xf32> to vector<16xf32>
        %swap3A_209 = vector.shape_cast %add3A_202 : vector<16xf32> to vector<1x1x16xf32>
        tpu.vector_store %arg10[%swap3A_204, %swap3A_205, %swap3A_206], %swap3A_209 {strides = array<i32>} : memref<2x80x128xf32, #tpu.memory_space<vmem>>, vector<1x1x16xf32>,
        %get3A_210 = arith.constant 0 : i32
        %get3A_211 = arith.index_cast %get3A_210 : i32 to index
        %get3A_212 = arith.index_cast %scan3A_157 : i32 to index
        %get3A_213 = arith.constant 32 : index
        %get3A_214 = tpu.vector_load %arg10[%get3A_211, %get3A_212, %get3A_213] {strides = array<i32>} : memref<2x80x128xf32, #tpu.memory_space<vmem>>, vector<1x1x16xf32>,
        %get3A_215 = vector.shape_cast %get3A_214 : vector<1x1x16xf32> to vector<16xf32>
        %get3A_216 = arith.constant 0 : i32
        %get3A_217 = arith.index_cast %get3A_216 : i32 to index
        %get3A_218 = arith.index_cast %scan3A_157 : i32 to index
        %get3A_219 = arith.constant 32 : index
        %get3A_220 = tpu.vector_load %arg11[%get3A_217, %get3A_218, %get3A_219] {strides = array<i32>} : memref<2x80x128xf32, #tpu.memory_space<vmem>>, vector<1x1x16xf32>,
        %get3A_221 = vector.shape_cast %get3A_220 : vector<1x1x16xf32> to vector<16xf32>
        %add3A_222 = arith.addf %get3A_215, %get3A_221 : vector<16xf32>
        %get3A_223 = arith.constant 0 : i32
        %get3A_224 = arith.index_cast %get3A_223 : i32 to index
        %get3A_225 = arith.index_cast %scan3A_157 : i32 to index
        %get3A_226 = arith.constant 32 : index
        %get3A_227 = tpu.vector_load %arg12[%get3A_224, %get3A_225, %get3A_226] {strides = array<i32>} : memref<2x80x128xf32, #tpu.memory_space<vmem>>, vector<1x1x16xf32>,
        %get3A_228 = vector.shape_cast %get3A_227 : vector<1x1x16xf32> to vector<16xf32>
        %add3A_229 = arith.addf %add3A_222, %get3A_228 : vector<16xf32>
        %swap3A_230 = arith.constant 0 : i32
        %swap3A_231 = arith.index_cast %swap3A_230 : i32 to index
        %swap3A_232 = arith.index_cast %scan3A_157 : i32 to index
        %swap3A_233 = arith.constant 32 : index
        %swap3A_234 = tpu.vector_load %arg10[%swap3A_231, %swap3A_232, %swap3A_233] {strides = array<i32>} : memref<2x80x128xf32, #tpu.memory_space<vmem>>, vector<1x1x16xf32>,
        %swap3A_235 = vector.shape_cast %swap3A_234 : vector<1x1x16xf32> to vector<16xf32>
        %swap3A_236 = vector.shape_cast %add3A_229 : vector<16xf32> to vector<1x1x16xf32>
        tpu.vector_store %arg10[%swap3A_231, %swap3A_232, %swap3A_233], %swap3A_236 {strides = array<i32>} : memref<2x80x128xf32, #tpu.memory_space<vmem>>, vector<1x1x16xf32>,
        %get3A_237 = arith.constant 0 : i32
        %get3A_238 = arith.index_cast %get3A_237 : i32 to index
        %get3A_239 = arith.index_cast %scan3A_157 : i32 to index
        %get3A_240 = arith.constant 48 : index
        %get3A_241 = tpu.vector_load %arg10[%get3A_238, %get3A_239, %get3A_240] {strides = array<i32>} : memref<2x80x128xf32, #tpu.memory_space<vmem>>, vector<1x1x16xf32>,
        %get3A_242 = vector.shape_cast %get3A_241 : vector<1x1x16xf32> to vector<16xf32>
        %get3A_243 = arith.constant 0 : i32
        %get3A_244 = arith.index_cast %get3A_243 : i32 to index
        %get3A_245 = arith.index_cast %scan3A_157 : i32 to index
        %get3A_246 = arith.constant 48 : index
        %get3A_247 = tpu.vector_load %arg11[%get3A_244, %get3A_245, %get3A_246] {strides = array<i32>} : memref<2x80x128xf32, #tpu.memory_space<vmem>>, vector<1x1x16xf32>,
        %get3A_248 = vector.shape_cast %get3A_247 : vector<1x1x16xf32> to vector<16xf32>
        %add3A_249 = arith.addf %get3A_242, %get3A_248 : vector<16xf32>
        %get3A_250 = arith.constant 0 : i32
        %get3A_251 = arith.index_cast %get3A_250 : i32 to index
        %get3A_252 = arith.index_cast %scan3A_157 : i32 to index
        %get3A_253 = arith.constant 48 : index
        %get3A_254 = tpu.vector_load %arg12[%get3A_251, %get3A_252, %get3A_253] {strides = array<i32>} : memref<2x80x128xf32, #tpu.memory_space<vmem>>, vector<1x1x16xf32>,
        %get3A_255 = vector.shape_cast %get3A_254 : vector<1x1x16xf32> to vector<16xf32>
        %add3A_256 = arith.addf %add3A_249, %get3A_255 : vector<16xf32>
        %swap3A_257 = arith.constant 0 : i32
        %swap3A_258 = arith.index_cast %swap3A_257 : i32 to index
        %swap3A_259 = arith.index_cast %scan3A_157 : i32 to index
        %swap3A_260 = arith.constant 48 : index
        %swap3A_261 = tpu.vector_load %arg10[%swap3A_258, %swap3A_259, %swap3A_260] {strides = array<i32>} : memref<2x80x128xf32, #tpu.memory_space<vmem>>, vector<1x1x16xf32>,
        %swap3A_262 = vector.shape_cast %swap3A_261 : vector<1x1x16xf32> to vector<16xf32>
        %swap3A_263 = vector.shape_cast %add3A_256 : vector<16xf32> to vector<1x1x16xf32>
        tpu.vector_store %arg10[%swap3A_258, %swap3A_259, %swap3A_260], %swap3A_263 {strides = array<i32>} : memref<2x80x128xf32, #tpu.memory_space<vmem>>, vector<1x1x16xf32>,
        %get3A_264 = arith.constant 0 : i32
        %get3A_265 = arith.index_cast %get3A_264 : i32 to index
        %get3A_266 = arith.index_cast %scan3A_157 : i32 to index
        %get3A_267 = arith.constant 64 : index
        %get3A_268 = tpu.vector_load %arg10[%get3A_265, %get3A_266, %get3A_267] {strides = array<i32>} : memref<2x80x128xf32, #tpu.memory_space<vmem>>, vector<1x1x16xf32>,
        %get3A_269 = vector.shape_cast %get3A_268 : vector<1x1x16xf32> to vector<16xf32>
        %get3A_270 = arith.constant 0 : i32
        %get3A_271 = arith.index_cast %get3A_270 : i32 to index
        %get3A_272 = arith.index_cast %scan3A_157 : i32 to index
        %get3A_273 = arith.constant 64 : index
        %get3A_274 = tpu.vector_load %arg11[%get3A_271, %get3A_272, %get3A_273] {strides = array<i32>} : memref<2x80x128xf32, #tpu.memory_space<vmem>>, vector<1x1x16xf32>,
        %get3A_275 = vector.shape_cast %get3A_274 : vector<1x1x16xf32> to vector<16xf32>
        %add3A_276 = arith.addf %get3A_269, %get3A_275 : vector<16xf32>
        %get3A_277 = arith.constant 0 : i32
        %get3A_278 = arith.index_cast %get3A_277 : i32 to index
        %get3A_279 = arith.index_cast %scan3A_157 : i32 to index
        %get3A_280 = arith.constant 64 : index
        %get3A_281 = tpu.vector_load %arg12[%get3A_278, %get3A_279, %get3A_280] {strides = array<i32>} : memref<2x80x128xf32, #tpu.memory_space<vmem>>, vector<1x1x16xf32>,
        %get3A_282 = vector.shape_cast %get3A_281 : vector<1x1x16xf32> to vector<16xf32>
        %add3A_283 = arith.addf %add3A_276, %get3A_282 : vector<16xf32>
        %swap3A_284 = arith.constant 0 : i32
        %swap3A_285 = arith.index_cast %swap3A_284 : i32 to index
        %swap3A_286 = arith.index_cast %scan3A_157 : i32 to index
        %swap3A_287 = arith.constant 64 : index
        %swap3A_288 = tpu.vector_load %arg10[%swap3A_285, %swap3A_286, %swap3A_287] {strides = array<i32>} : memref<2x80x128xf32, #tpu.memory_space<vmem>>, vector<1x1x16xf32>,
        %swap3A_289 = vector.shape_cast %swap3A_288 : vector<1x1x16xf32> to vector<16xf32>
        %swap3A_290 = vector.shape_cast %add3A_283 : vector<16xf32> to vector<1x1x16xf32>
        tpu.vector_store %arg10[%swap3A_285, %swap3A_286, %swap3A_287], %swap3A_290 {strides = array<i32>} : memref<2x80x128xf32, #tpu.memory_space<vmem>>, vector<1x1x16xf32>,
        %get3A_291 = arith.constant 0 : i32
        %get3A_292 = arith.index_cast %get3A_291 : i32 to index
        %get3A_293 = arith.index_cast %scan3A_157 : i32 to index
        %get3A_294 = arith.constant 80 : index
        %get3A_295 = tpu.vector_load %arg10[%get3A_292, %get3A_293, %get3A_294] {strides = array<i32>} : memref<2x80x128xf32, #tpu.memory_space<vmem>>, vector<1x1x16xf32>,
        %get3A_296 = vector.shape_cast %get3A_295 : vector<1x1x16xf32> to vector<16xf32>
        %get3A_297 = arith.constant 0 : i32
        %get3A_298 = arith.index_cast %get3A_297 : i32 to index
        %get3A_299 = arith.index_cast %scan3A_157 : i32 to index
        %get3A_300 = arith.constant 80 : index
        %get3A_301 = tpu.vector_load %arg11[%get3A_298, %get3A_299, %get3A_300] {strides = array<i32>} : memref<2x80x128xf32, #tpu.memory_space<vmem>>, vector<1x1x16xf32>,
        %get3A_302 = vector.shape_cast %get3A_301 : vector<1x1x16xf32> to vector<16xf32>
        %add3A_303 = arith.addf %get3A_296, %get3A_302 : vector<16xf32>
        %get3A_304 = arith.constant 0 : i32
        %get3A_305 = arith.index_cast %get3A_304 : i32 to index
        %get3A_306 = arith.index_cast %scan3A_157 : i32 to index
        %get3A_307 = arith.constant 80 : index
        %get3A_308 = tpu.vector_load %arg12[%get3A_305, %get3A_306, %get3A_307] {strides = array<i32>} : memref<2x80x128xf32, #tpu.memory_space<vmem>>, vector<1x1x16xf32>,
        %get3A_309 = vector.shape_cast %get3A_308 : vector<1x1x16xf32> to vector<16xf32>
        %add3A_310 = arith.addf %add3A_303, %get3A_309 : vector<16xf32>
        %swap3A_311 = arith.constant 0 : i32
        %swap3A_312 = arith.index_cast %swap3A_311 : i32 to index
        %swap3A_313 = arith.index_cast %scan3A_157 : i32 to index
        %swap3A_314 = arith.constant 80 : index
        %swap3A_315 = tpu.vector_load %arg10[%swap3A_312, %swap3A_313, %swap3A_314] {strides = array<i32>} : memref<2x80x128xf32, #tpu.memory_space<vmem>>, vector<1x1x16xf32>,
        %swap3A_316 = vector.shape_cast %swap3A_315 : vector<1x1x16xf32> to vector<16xf32>
        %swap3A_317 = vector.shape_cast %add3A_310 : vector<16xf32> to vector<1x1x16xf32>
        tpu.vector_store %arg10[%swap3A_312, %swap3A_313, %swap3A_314], %swap3A_317 {strides = array<i32>} : memref<2x80x128xf32, #tpu.memory_space<vmem>>, vector<1x1x16xf32>,
        %get3A_318 = arith.constant 0 : i32
        %get3A_319 = arith.index_cast %get3A_318 : i32 to index
        %get3A_320 = arith.index_cast %scan3A_157 : i32 to index
        %get3A_321 = arith.constant 96 : index
        %get3A_322 = tpu.vector_load %arg10[%get3A_319, %get3A_320, %get3A_321] {strides = array<i32>} : memref<2x80x128xf32, #tpu.memory_space<vmem>>, vector<1x1x16xf32>,
        %get3A_323 = vector.shape_cast %get3A_322 : vector<1x1x16xf32> to vector<16xf32>
        %get3A_324 = arith.constant 0 : i32
        %get3A_325 = arith.index_cast %get3A_324 : i32 to index
        %get3A_326 = arith.index_cast %scan3A_157 : i32 to index
        %get3A_327 = arith.constant 96 : index
        %get3A_328 = tpu.vector_load %arg11[%get3A_325, %get3A_326, %get3A_327] {strides = array<i32>} : memref<2x80x128xf32, #tpu.memory_space<vmem>>, vector<1x1x16xf32>,
        %get3A_329 = vector.shape_cast %get3A_328 : vector<1x1x16xf32> to vector<16xf32>
        %add3A_330 = arith.addf %get3A_323, %get3A_329 : vector<16xf32>
        %get3A_331 = arith.constant 0 : i32
        %get3A_332 = arith.index_cast %get3A_331 : i32 to index
        %get3A_333 = arith.index_cast %scan3A_157 : i32 to index
        %get3A_334 = arith.constant 96 : index
        %get3A_335 = tpu.vector_load %arg12[%get3A_332, %get3A_333, %get3A_334] {strides = array<i32>} : memref<2x80x128xf32, #tpu.memory_space<vmem>>, vector<1x1x16xf32>,
        %get3A_336 = vector.shape_cast %get3A_335 : vector<1x1x16xf32> to vector<16xf32>
        %add3A_337 = arith.addf %add3A_330, %get3A_336 : vector<16xf32>
        %swap3A_338 = arith.constant 0 : i32
        %swap3A_339 = arith.index_cast %swap3A_338 : i32 to index
        %swap3A_340 = arith.index_cast %scan3A_157 : i32 to index
        %swap3A_341 = arith.constant 96 : index
        %swap3A_342 = tpu.vector_load %arg10[%swap3A_339, %swap3A_340, %swap3A_341] {strides = array<i32>} : memref<2x80x128xf32, #tpu.memory_space<vmem>>, vector<1x1x16xf32>,
        %swap3A_343 = vector.shape_cast %swap3A_342 : vector<1x1x16xf32> to vector<16xf32>
        %swap3A_344 = vector.shape_cast %add3A_337 : vector<16xf32> to vector<1x1x16xf32>
        tpu.vector_store %arg10[%swap3A_339, %swap3A_340, %swap3A_341], %swap3A_344 {strides = array<i32>} : memref<2x80x128xf32, #tpu.memory_space<vmem>>, vector<1x1x16xf32>,
        %get3A_345 = arith.constant 0 : i32
        %get3A_346 = arith.index_cast %get3A_345 : i32 to index
        %get3A_347 = arith.index_cast %scan3A_157 : i32 to index
        %get3A_348 = arith.constant 112 : index
        %get3A_349 = tpu.vector_load %arg10[%get3A_346, %get3A_347, %get3A_348] {strides = array<i32>} : memref<2x80x128xf32, #tpu.memory_space<vmem>>, vector<1x1x16xf32>,
        %get3A_350 = vector.shape_cast %get3A_349 : vector<1x1x16xf32> to vector<16xf32>
        %get3A_351 = arith.constant 0 : i32
        %get3A_352 = arith.index_cast %get3A_351 : i32 to index
        %get3A_353 = arith.index_cast %scan3A_157 : i32 to index
        %get3A_354 = arith.constant 112 : index
        %get3A_355 = tpu.vector_load %arg11[%get3A_352, %get3A_353, %get3A_354] {strides = array<i32>} : memref<2x80x128xf32, #tpu.memory_space<vmem>>, vector<1x1x16xf32>,
        %get3A_356 = vector.shape_cast %get3A_355 : vector<1x1x16xf32> to vector<16xf32>
        %add3A_357 = arith.addf %get3A_350, %get3A_356 : vector<16xf32>
        %get3A_358 = arith.constant 0 : i32
        %get3A_359 = arith.index_cast %get3A_358 : i32 to index
        %get3A_360 = arith.index_cast %scan3A_157 : i32 to index
        %get3A_361 = arith.constant 112 : index
        %get3A_362 = tpu.vector_load %arg12[%get3A_359, %get3A_360, %get3A_361] {strides = array<i32>} : memref<2x80x128xf32, #tpu.memory_space<vmem>>, vector<1x1x16xf32>,
        %get3A_363 = vector.shape_cast %get3A_362 : vector<1x1x16xf32> to vector<16xf32>
        %add3A_364 = arith.addf %add3A_357, %get3A_363 : vector<16xf32>
        %swap3A_365 = arith.constant 0 : i32
        %swap3A_366 = arith.index_cast %swap3A_365 : i32 to index
        %swap3A_367 = arith.index_cast %scan3A_157 : i32 to index
        %swap3A_368 = arith.constant 112 : index
        %swap3A_369 = tpu.vector_load %arg10[%swap3A_366, %swap3A_367, %swap3A_368] {strides = array<i32>} : memref<2x80x128xf32, #tpu.memory_space<vmem>>, vector<1x1x16xf32>,
        %swap3A_370 = vector.shape_cast %swap3A_369 : vector<1x1x16xf32> to vector<16xf32>
        %swap3A_371 = vector.shape_cast %add3A_364 : vector<16xf32> to vector<1x1x16xf32>
        tpu.vector_store %arg10[%swap3A_366, %swap3A_367, %swap3A_368], %swap3A_371 {strides = array<i32>} : memref<2x80x128xf32, #tpu.memory_space<vmem>>, vector<1x1x16xf32>,
      }
      %scan3A_144 = arith.constant 80 : i32
      %dma_start3A = arith.constant 0 : i32
      %dma_start3A_145 = arith.constant 0 : i32
      %dma_start3A_146 = arith.constant 0 : i32
      %dma_start3A_147 = tpu.memref_slice %arg10[%dma_start3A, %dma_start3A_145, %dma_start3A_146] : memref<2x80x128xf32, #tpu.memory_space<vmem>> -> memref<1x80x128xf32, #tpu.memory_space<vmem>>
      %dma_start3A_148 = tpu.memref_squeeze %dma_start3A_147 : memref<1x80x128xf32, #tpu.memory_space<vmem>> -> memref<80x128xf32, #tpu.memory_space<vmem>>
      %dma_start3A_149 = arith.constant 0 : i32
      %dma_start3A_150 = tpu.memref_slice %arg7[%mul3A_103, %dma_start3A_149] : memref<10000x128xf32, #tpu.memory_space<hbm>> -> memref<80x128xf32, #tpu.memory_space<hbm>>
      %dma_start3A_151 = arith.constant 0 : i32
      %dma_start3A_152 = tpu.memref_slice %arg7[%mul3A_103, %dma_start3A_151] : memref<10000x128xf32, #tpu.memory_space<hbm>> -> memref<80x128xf32, #tpu.memory_space<hbm>>
      %dma_start3A_153 = arith.constant 0 : i32
      %dma_start3A_154 = arith.constant 0 : i32
      %dma_start3A_155 = tpu.memref_slice %arg10[%dma_start3A, %dma_start3A_153, %dma_start3A_154] : memref<2x80x128xf32, #tpu.memory_space<vmem>> -> memref<1x80x128xf32, #tpu.memory_space<vmem>>
      %dma_start3A_156 = tpu.memref_squeeze %dma_start3A_155 : memref<1x80x128xf32, #tpu.memory_space<vmem>> -> memref<80x128xf32, #tpu.memory_space<vmem>>
      tpu.enqueue_dma source(%dma_start3A_156 : memref<80x128xf32, #tpu.memory_space<vmem>>) target(%dma_start3A_152 : memref<80x128xf32, #tpu.memory_space<hbm>>) target_semaphore(%arg19 : memref<!tpu.dma_semaphore, #tpu.memory_space<semaphore_mem>>)
    } else {
    }
    %add3A_76 = arith.constant 96 : i32
    %add3A_77 = arith.addi %add3A_76, %add3A : i32
    %lt3A_78 = arith.constant 125 : i32
    %lt3A_79 = arith.cmpi slt, %add3A_77, %lt3A_78 : i32
    %convert_element_type3A_80 = arith.extui %lt3A_79 : i1 to i32
    %cond3A_81 = arith.constant 0 : i32
    %cond3A_82 = arith.cmpi ne, %convert_element_type3A_80, %cond3A_81 : i32
    scf.if %cond3A_82 {
      %mul3A_102 = arith.constant 80 : i32
      %mul3A_103 = arith.muli %add3A_77, %mul3A_102 : i32
      %dma_wait3A = arith.constant 1 : i32
      %dma_wait3A_104 = arith.constant 0 : i32
      %dma_wait3A_105 = tpu.memref_slice %arg8[%dma_wait3A, %dma_wait3A_104] : memref<2x80xi32, #tpu.memory_space<vmem>> -> memref<1x80xi32, #tpu.memory_space<vmem>>
      %dma_wait3A_106 = tpu.memref_squeeze %dma_wait3A_105 : memref<1x80xi32, #tpu.memory_space<vmem>> -> memref<80xi32, #tpu.memory_space<vmem>>
      %dma_wait3A_107 = tpu.memref_slice %arg4[%mul3A_103] : memref<10240xi32, #tpu.memory_space<hbm>> -> memref<80xi32, #tpu.memory_space<hbm>>
      %dma_wait3A_108 = arith.constant 0 : i32
      %dma_wait3A_109 = tpu.memref_slice %arg8[%dma_wait3A, %dma_wait3A_108] : memref<2x80xi32, #tpu.memory_space<vmem>> -> memref<1x80xi32, #tpu.memory_space<vmem>>
      %dma_wait3A_110 = tpu.memref_squeeze %dma_wait3A_109 : memref<1x80xi32, #tpu.memory_space<vmem>> -> memref<80xi32, #tpu.memory_space<vmem>>
      %dma_wait3A_111 = tpu.memref_slice %arg4[%mul3A_103] : memref<10240xi32, #tpu.memory_space<hbm>> -> memref<80xi32, #tpu.memory_space<hbm>>
      tpu.wait_dma2 semaphore(%arg14 : memref<!tpu.dma_semaphore, #tpu.memory_space<semaphore_mem>>) src(%dma_wait3A_111 : memref<80xi32, #tpu.memory_space<hbm>>) dst(%dma_wait3A_110 : memref<80xi32, #tpu.memory_space<vmem>>)
      %dma_wait3A_112 = arith.constant 1 : i32
      %dma_wait3A_113 = arith.constant 0 : i32
      %dma_wait3A_114 = tpu.memref_slice %arg9[%dma_wait3A_112, %dma_wait3A_113] : memref<2x80xi32, #tpu.memory_space<vmem>> -> memref<1x80xi32, #tpu.memory_space<vmem>>
      %dma_wait3A_115 = tpu.memref_squeeze %dma_wait3A_114 : memref<1x80xi32, #tpu.memory_space<vmem>> -> memref<80xi32, #tpu.memory_space<vmem>>
      %dma_wait3A_116 = tpu.memref_slice %arg3[%mul3A_103] : memref<10240xi32, #tpu.memory_space<hbm>> -> memref<80xi32, #tpu.memory_space<hbm>>
      %dma_wait3A_117 = arith.constant 0 : i32
      %dma_wait3A_118 = tpu.memref_slice %arg9[%dma_wait3A_112, %dma_wait3A_117] : memref<2x80xi32, #tpu.memory_space<vmem>> -> memref<1x80xi32, #tpu.memory_space<vmem>>
      %dma_wait3A_119 = tpu.memref_squeeze %dma_wait3A_118 : memref<1x80xi32, #tpu.memory_space<vmem>> -> memref<80xi32, #tpu.memory_space<vmem>>
      %dma_wait3A_120 = tpu.memref_slice %arg3[%mul3A_103] : memref<10240xi32, #tpu.memory_space<hbm>> -> memref<80xi32, #tpu.memory_space<hbm>>
      tpu.wait_dma2 semaphore(%arg14 : memref<!tpu.dma_semaphore, #tpu.memory_space<semaphore_mem>>) src(%dma_wait3A_120 : memref<80xi32, #tpu.memory_space<hbm>>) dst(%dma_wait3A_119 : memref<80xi32, #tpu.memory_space<vmem>>)
      %dma_start3A = arith.constant 1 : i32
      %dma_start3A_121 = arith.constant 1 : i32
      %dma_start3A_122 = arith.constant 0 : i32
      %dma_start3A_123 = arith.constant 0 : i32
      %dma_start3A_124 = tpu.memref_slice %arg11[%dma_start3A_121, %dma_start3A_122, %dma_start3A_123] : memref<2x80x128xf32, #tpu.memory_space<vmem>> -> memref<1x80x128xf32, #tpu.memory_space<vmem>>
      %dma_start3A_125 = tpu.memref_squeeze %dma_start3A_124 : memref<1x80x128xf32, #tpu.memory_space<vmem>> -> memref<80x128xf32, #tpu.memory_space<vmem>>
      %dma_start3A_126 = arith.constant 0 : i32
      %dma_start3A_127 = tpu.memref_slice %arg8[%dma_start3A, %dma_start3A_126] : memref<2x80xi32, #tpu.memory_space<vmem>> -> memref<1x80xi32, #tpu.memory_space<vmem>>
      %dma_start3A_128 = tpu.memref_squeeze %dma_start3A_127 : memref<1x80xi32, #tpu.memory_space<vmem>> -> memref<80xi32, #tpu.memory_space<vmem>>
      %dma_start3A_129 = arith.constant 0 : i32
      %dma_start3A_130 = arith.constant 0 : i32
      %dma_start3A_131 = tpu.memref_slice %arg5[%dma_start3A_129, %dma_start3A_130] : memref<512x128xf32, #tpu.memory_space<hbm>> -> memref<512x128xf32, #tpu.memory_space<hbm>>
      tpu.enqueue_indirect_dma source(%dma_start3A_131 : memref<512x128xf32, #tpu.memory_space<hbm>>) target(%dma_start3A_125 : memref<80x128xf32, #tpu.memory_space<vmem>>) offsets(%dma_start3A_128 : memref<80xi32, #tpu.memory_space<vmem>>) semaphore(%arg18 : memref<!tpu.dma_semaphore, #tpu.memory_space<semaphore_mem>>)
      %dma_start3A_132 = arith.constant 1 : i32
      %dma_start3A_133 = arith.constant 1 : i32
      %dma_start3A_134 = arith.constant 0 : i32
      %dma_start3A_135 = arith.constant 0 : i32
      %dma_start3A_136 = tpu.memref_slice %arg12[%dma_start3A_133, %dma_start3A_134, %dma_start3A_135] : memref<2x80x128xf32, #tpu.memory_space<vmem>> -> memref<1x80x128xf32, #tpu.memory_space<vmem>>
      %dma_start3A_137 = tpu.memref_squeeze %dma_start3A_136 : memref<1x80x128xf32, #tpu.memory_space<vmem>> -> memref<80x128xf32, #tpu.memory_space<vmem>>
      %dma_start3A_138 = arith.constant 0 : i32
      %dma_start3A_139 = tpu.memref_slice %arg9[%dma_start3A_132, %dma_start3A_138] : memref<2x80xi32, #tpu.memory_space<vmem>> -> memref<1x80xi32, #tpu.memory_space<vmem>>
      %dma_start3A_140 = tpu.memref_squeeze %dma_start3A_139 : memref<1x80xi32, #tpu.memory_space<vmem>> -> memref<80xi32, #tpu.memory_space<vmem>>
      %dma_start3A_141 = arith.constant 0 : i32
      %dma_start3A_142 = arith.constant 0 : i32
      %dma_start3A_143 = tpu.memref_slice %arg6[%dma_start3A_141, %dma_start3A_142] : memref<512x128xf32, #tpu.memory_space<hbm>> -> memref<512x128xf32, #tpu.memory_space<hbm>>
      tpu.enqueue_indirect_dma source(%dma_start3A_143 : memref<512x128xf32, #tpu.memory_space<hbm>>) target(%dma_start3A_137 : memref<80x128xf32, #tpu.memory_space<vmem>>) offsets(%dma_start3A_140 : memref<80xi32, #tpu.memory_space<vmem>>) semaphore(%arg18 : memref<!tpu.dma_semaphore, #tpu.memory_space<semaphore_mem>>)
    } else {
    }
    %add3A_83 = arith.constant 64 : i32
    %add3A_84 = arith.addi %add3A_83, %add3A : i32
    %lt3A_85 = arith.constant 125 : i32
    %lt3A_86 = arith.cmpi slt, %add3A_84, %lt3A_85 : i32
    %convert_element_type3A_87 = arith.extui %lt3A_86 : i1 to i32
    %cond3A_88 = arith.constant 0 : i32
    %cond3A_89 = arith.cmpi ne, %convert_element_type3A_87, %cond3A_88 : i32
    scf.if %cond3A_89 {
      %mul3A_102 = arith.constant 80 : i32
      %mul3A_103 = arith.muli %add3A_84, %mul3A_102 : i32
      %dma_wait3A = arith.constant 0 : i32
      %dma_wait3A_104 = arith.constant 0 : i32
      %dma_wait3A_105 = arith.constant 0 : i32
      %dma_wait3A_106 = tpu.memref_slice %arg10[%dma_wait3A, %dma_wait3A_104, %dma_wait3A_105] : memref<2x80x128xf32, #tpu.memory_space<vmem>> -> memref<1x80x128xf32, #tpu.memory_space<vmem>>
      %dma_wait3A_107 = tpu.memref_squeeze %dma_wait3A_106 : memref<1x80x128xf32, #tpu.memory_space<vmem>> -> memref<80x128xf32, #tpu.memory_space<vmem>>
      %dma_wait3A_108 = arith.constant 0 : i32
      %dma_wait3A_109 = tpu.memref_slice %arg7[%mul3A_103, %dma_wait3A_108] : memref<10000x128xf32, #tpu.memory_space<hbm>> -> memref<80x128xf32, #tpu.memory_space<hbm>>
      %dma_wait3A_110 = arith.constant 0 : i32
      %dma_wait3A_111 = tpu.memref_slice %arg7[%mul3A_103, %dma_wait3A_110] : memref<10000x128xf32, #tpu.memory_space<hbm>> -> memref<80x128xf32, #tpu.memory_space<hbm>>
      %dma_wait3A_112 = arith.constant 0 : i32
      %dma_wait3A_113 = arith.constant 0 : i32
      %dma_wait3A_114 = tpu.memref_slice %arg10[%dma_wait3A, %dma_wait3A_112, %dma_wait3A_113] : memref<2x80x128xf32, #tpu.memory_space<vmem>> -> memref<1x80x128xf32, #tpu.memory_space<vmem>>
      %dma_wait3A_115 = tpu.memref_squeeze %dma_wait3A_114 : memref<1x80x128xf32, #tpu.memory_space<vmem>> -> memref<80x128xf32, #tpu.memory_space<vmem>>
      tpu.wait_dma2 semaphore(%arg19 : memref<!tpu.dma_semaphore, #tpu.memory_space<semaphore_mem>>) src(%dma_wait3A_115 : memref<80x128xf32, #tpu.memory_space<vmem>>) dst(%dma_wait3A_111 : memref<80x128xf32, #tpu.memory_space<hbm>>)
    } else {
    }
    %lt3A_90 = arith.constant 125 : i32
    %lt3A_91 = arith.cmpi slt, %add3A_77, %lt3A_90 : i32
    %convert_element_type3A_92 = arith.extui %lt3A_91 : i1 to i32
    %cond3A_93 = arith.constant 0 : i32
    %cond3A_94 = arith.cmpi ne, %convert_element_type3A_92, %cond3A_93 : i32
    scf.if %cond3A_94 {
      %mul3A_102 = arith.constant 80 : i32
      %mul3A_103 = arith.muli %add3A_77, %mul3A_102 : i32
      %dma_wait3A = arith.constant 1 : i32
      %dma_wait3A_104 = arith.constant 0 : i32
      %dma_wait3A_105 = arith.constant 0 : i32
      %dma_wait3A_106 = tpu.memref_slice %arg10[%dma_wait3A, %dma_wait3A_104, %dma_wait3A_105] : memref<2x80x128xf32, #tpu.memory_space<vmem>> -> memref<1x80x128xf32, #tpu.memory_space<vmem>>
      %dma_wait3A_107 = tpu.memref_squeeze %dma_wait3A_106 : memref<1x80x128xf32, #tpu.memory_space<vmem>> -> memref<80x128xf32, #tpu.memory_space<vmem>>
      %dma_wait3A_108 = arith.constant 0 : i32
      %dma_wait3A_109 = tpu.memref_slice %arg2[%mul3A_103, %dma_wait3A_108] : memref<10000x128xf32, #tpu.memory_space<hbm>> -> memref<80x128xf32, #tpu.memory_space<hbm>>
      %dma_wait3A_110 = arith.constant 0 : i32
      %dma_wait3A_111 = arith.constant 0 : i32
      %dma_wait3A_112 = tpu.memref_slice %arg10[%dma_wait3A, %dma_wait3A_110, %dma_wait3A_111] : memref<2x80x128xf32, #tpu.memory_space<vmem>> -> memref<1x80x128xf32, #tpu.memory_space<vmem>>
      %dma_wait3A_113 = tpu.memref_squeeze %dma_wait3A_112 : memref<1x80x128xf32, #tpu.memory_space<vmem>> -> memref<80x128xf32, #tpu.memory_space<vmem>>
      %dma_wait3A_114 = arith.constant 0 : i32
      %dma_wait3A_115 = tpu.memref_slice %arg2[%mul3A_103, %dma_wait3A_114] : memref<10000x128xf32, #tpu.memory_space<hbm>> -> memref<80x128xf32, #tpu.memory_space<hbm>>
      tpu.wait_dma2 semaphore(%arg16 : memref<!tpu.dma_semaphore, #tpu.memory_space<semaphore_mem>>) src(%dma_wait3A_115 : memref<80x128xf32, #tpu.memory_space<hbm>>) dst(%dma_wait3A_113 : memref<80x128xf32, #tpu.memory_space<vmem>>)
      %dma_wait3A_116 = arith.constant 1 : i32
      %dma_wait3A_117 = arith.constant 1 : i32
      %dma_wait3A_118 = arith.constant 0 : i32
      %dma_wait3A_119 = arith.constant 0 : i32
      %dma_wait3A_120 = tpu.memref_slice %arg11[%dma_wait3A_117, %dma_wait3A_118, %dma_wait3A_119] : memref<2x80x128xf32, #tpu.memory_space<vmem>> -> memref<1x80x128xf32, #tpu.memory_space<vmem>>
      %dma_wait3A_121 = tpu.memref_squeeze %dma_wait3A_120 : memref<1x80x128xf32, #tpu.memory_space<vmem>> -> memref<80x128xf32, #tpu.memory_space<vmem>>
      %dma_wait3A_122 = arith.constant 0 : i32
      %dma_wait3A_123 = tpu.memref_slice %arg8[%dma_wait3A_116, %dma_wait3A_122] : memref<2x80xi32, #tpu.memory_space<vmem>> -> memref<1x80xi32, #tpu.memory_space<vmem>>
      %dma_wait3A_124 = tpu.memref_squeeze %dma_wait3A_123 : memref<1x80xi32, #tpu.memory_space<vmem>> -> memref<80xi32, #tpu.memory_space<vmem>>
      %dma_wait3A_125 = arith.constant 0 : i32
      %dma_wait3A_126 = arith.constant 0 : i32
      %dma_wait3A_127 = tpu.memref_slice %arg5[%dma_wait3A_125, %dma_wait3A_126] : memref<512x128xf32, #tpu.memory_space<hbm>> -> memref<512x128xf32, #tpu.memory_space<hbm>>
      tpu.wait_indirect_dma semaphore(%arg18 : memref<!tpu.dma_semaphore, #tpu.memory_space<semaphore_mem>>) src(%dma_wait3A_127 : memref<512x128xf32, #tpu.memory_space<hbm>>) dst(%dma_wait3A_121 : memref<80x128xf32, #tpu.memory_space<vmem>>)
      %dma_wait3A_128 = arith.constant 1 : i32
      %dma_wait3A_129 = arith.constant 1 : i32
      %dma_wait3A_130 = arith.constant 0 : i32
      %dma_wait3A_131 = arith.constant 0 : i32
      %dma_wait3A_132 = tpu.memref_slice %arg12[%dma_wait3A_129, %dma_wait3A_130, %dma_wait3A_131] : memref<2x80x128xf32, #tpu.memory_space<vmem>> -> memref<1x80x128xf32, #tpu.memory_space<vmem>>
      %dma_wait3A_133 = tpu.memref_squeeze %dma_wait3A_132 : memref<1x80x128xf32, #tpu.memory_space<vmem>> -> memref<80x128xf32, #tpu.memory_space<vmem>>
      %dma_wait3A_134 = arith.constant 0 : i32
      %dma_wait3A_135 = tpu.memref_slice %arg9[%dma_wait3A_128, %dma_wait3A_134] : memref<2x80xi32, #tpu.memory_space<vmem>> -> memref<1x80xi32, #tpu.memory_space<vmem>>
      %dma_wait3A_136 = tpu.memref_squeeze %dma_wait3A_135 : memref<1x80xi32, #tpu.memory_space<vmem>> -> memref<80xi32, #tpu.memory_space<vmem>>
      %dma_wait3A_137 = arith.constant 0 : i32
      %dma_wait3A_138 = arith.constant 0 : i32
      %dma_wait3A_139 = tpu.memref_slice %arg6[%dma_wait3A_137, %dma_wait3A_138] : memref<512x128xf32, #tpu.memory_space<hbm>> -> memref<512x128xf32, #tpu.memory_space<hbm>>
      tpu.wait_indirect_dma semaphore(%arg18 : memref<!tpu.dma_semaphore, #tpu.memory_space<semaphore_mem>>) src(%dma_wait3A_139 : memref<512x128xf32, #tpu.memory_space<hbm>>) dst(%dma_wait3A_133 : memref<80x128xf32, #tpu.memory_space<vmem>>)
      %scan3A = arith.constant 0 : i32
      %scan3A_140 = arith.constant 0 : i32
      %scan3A_141 = arith.constant 80 : i32
      %scan3A_142 = arith.addi %scan3A_140, %scan3A_141 : i32
      %scan3A_143 = arith.constant 1 : i32
      scf.for %scan3A_157 = %scan3A_140 to %scan3A_142 step %scan3A_143  : i32 {
        %get3A = arith.constant 1 : i32
        %get3A_158 = arith.index_cast %get3A : i32 to index
        %get3A_159 = arith.index_cast %scan3A_157 : i32 to index
        %get3A_160 = arith.constant 0 : index
        %get3A_161 = tpu.vector_load %arg10[%get3A_158, %get3A_159, %get3A_160] {strides = array<i32>} : memref<2x80x128xf32, #tpu.memory_space<vmem>>, vector<1x1x16xf32>,
        %get3A_162 = vector.shape_cast %get3A_161 : vector<1x1x16xf32> to vector<16xf32>
        %get3A_163 = arith.constant 1 : i32
        %get3A_164 = arith.index_cast %get3A_163 : i32 to index
        %get3A_165 = arith.index_cast %scan3A_157 : i32 to index
        %get3A_166 = arith.constant 0 : index
        %get3A_167 = tpu.vector_load %arg11[%get3A_164, %get3A_165, %get3A_166] {strides = array<i32>} : memref<2x80x128xf32, #tpu.memory_space<vmem>>, vector<1x1x16xf32>,
        %get3A_168 = vector.shape_cast %get3A_167 : vector<1x1x16xf32> to vector<16xf32>
        %add3A_169 = arith.addf %get3A_162, %get3A_168 : vector<16xf32>
        %get3A_170 = arith.constant 1 : i32
        %get3A_171 = arith.index_cast %get3A_170 : i32 to index
        %get3A_172 = arith.index_cast %scan3A_157 : i32 to index
        %get3A_173 = arith.constant 0 : index
        %get3A_174 = tpu.vector_load %arg12[%get3A_171, %get3A_172, %get3A_173] {strides = array<i32>} : memref<2x80x128xf32, #tpu.memory_space<vmem>>, vector<1x1x16xf32>,
        %get3A_175 = vector.shape_cast %get3A_174 : vector<1x1x16xf32> to vector<16xf32>
        %add3A_176 = arith.addf %add3A_169, %get3A_175 : vector<16xf32>
        %swap3A = arith.constant 1 : i32
        %swap3A_177 = arith.index_cast %swap3A : i32 to index
        %swap3A_178 = arith.index_cast %scan3A_157 : i32 to index
        %swap3A_179 = arith.constant 0 : index
        %swap3A_180 = tpu.vector_load %arg10[%swap3A_177, %swap3A_178, %swap3A_179] {strides = array<i32>} : memref<2x80x128xf32, #tpu.memory_space<vmem>>, vector<1x1x16xf32>,
        %swap3A_181 = vector.shape_cast %swap3A_180 : vector<1x1x16xf32> to vector<16xf32>
        %swap3A_182 = vector.shape_cast %add3A_176 : vector<16xf32> to vector<1x1x16xf32>
        tpu.vector_store %arg10[%swap3A_177, %swap3A_178, %swap3A_179], %swap3A_182 {strides = array<i32>} : memref<2x80x128xf32, #tpu.memory_space<vmem>>, vector<1x1x16xf32>,
        %get3A_183 = arith.constant 1 : i32
        %get3A_184 = arith.index_cast %get3A_183 : i32 to index
        %get3A_185 = arith.index_cast %scan3A_157 : i32 to index
        %get3A_186 = arith.constant 16 : index
        %get3A_187 = tpu.vector_load %arg10[%get3A_184, %get3A_185, %get3A_186] {strides = array<i32>} : memref<2x80x128xf32, #tpu.memory_space<vmem>>, vector<1x1x16xf32>,
        %get3A_188 = vector.shape_cast %get3A_187 : vector<1x1x16xf32> to vector<16xf32>
        %get3A_189 = arith.constant 1 : i32
        %get3A_190 = arith.index_cast %get3A_189 : i32 to index
        %get3A_191 = arith.index_cast %scan3A_157 : i32 to index
        %get3A_192 = arith.constant 16 : index
        %get3A_193 = tpu.vector_load %arg11[%get3A_190, %get3A_191, %get3A_192] {strides = array<i32>} : memref<2x80x128xf32, #tpu.memory_space<vmem>>, vector<1x1x16xf32>,
        %get3A_194 = vector.shape_cast %get3A_193 : vector<1x1x16xf32> to vector<16xf32>
        %add3A_195 = arith.addf %get3A_188, %get3A_194 : vector<16xf32>
        %get3A_196 = arith.constant 1 : i32
        %get3A_197 = arith.index_cast %get3A_196 : i32 to index
        %get3A_198 = arith.index_cast %scan3A_157 : i32 to index
        %get3A_199 = arith.constant 16 : index
        %get3A_200 = tpu.vector_load %arg12[%get3A_197, %get3A_198, %get3A_199] {strides = array<i32>} : memref<2x80x128xf32, #tpu.memory_space<vmem>>, vector<1x1x16xf32>,
        %get3A_201 = vector.shape_cast %get3A_200 : vector<1x1x16xf32> to vector<16xf32>
        %add3A_202 = arith.addf %add3A_195, %get3A_201 : vector<16xf32>
        %swap3A_203 = arith.constant 1 : i32
        %swap3A_204 = arith.index_cast %swap3A_203 : i32 to index
        %swap3A_205 = arith.index_cast %scan3A_157 : i32 to index
        %swap3A_206 = arith.constant 16 : index
        %swap3A_207 = tpu.vector_load %arg10[%swap3A_204, %swap3A_205, %swap3A_206] {strides = array<i32>} : memref<2x80x128xf32, #tpu.memory_space<vmem>>, vector<1x1x16xf32>,
        %swap3A_208 = vector.shape_cast %swap3A_207 : vector<1x1x16xf32> to vector<16xf32>
        %swap3A_209 = vector.shape_cast %add3A_202 : vector<16xf32> to vector<1x1x16xf32>
        tpu.vector_store %arg10[%swap3A_204, %swap3A_205, %swap3A_206], %swap3A_209 {strides = array<i32>} : memref<2x80x128xf32, #tpu.memory_space<vmem>>, vector<1x1x16xf32>,
        %get3A_210 = arith.constant 1 : i32
        %get3A_211 = arith.index_cast %get3A_210 : i32 to index
        %get3A_212 = arith.index_cast %scan3A_157 : i32 to index
        %get3A_213 = arith.constant 32 : index
        %get3A_214 = tpu.vector_load %arg10[%get3A_211, %get3A_212, %get3A_213] {strides = array<i32>} : memref<2x80x128xf32, #tpu.memory_space<vmem>>, vector<1x1x16xf32>,
        %get3A_215 = vector.shape_cast %get3A_214 : vector<1x1x16xf32> to vector<16xf32>
        %get3A_216 = arith.constant 1 : i32
        %get3A_217 = arith.index_cast %get3A_216 : i32 to index
        %get3A_218 = arith.index_cast %scan3A_157 : i32 to index
        %get3A_219 = arith.constant 32 : index
        %get3A_220 = tpu.vector_load %arg11[%get3A_217, %get3A_218, %get3A_219] {strides = array<i32>} : memref<2x80x128xf32, #tpu.memory_space<vmem>>, vector<1x1x16xf32>,
        %get3A_221 = vector.shape_cast %get3A_220 : vector<1x1x16xf32> to vector<16xf32>
        %add3A_222 = arith.addf %get3A_215, %get3A_221 : vector<16xf32>
        %get3A_223 = arith.constant 1 : i32
        %get3A_224 = arith.index_cast %get3A_223 : i32 to index
        %get3A_225 = arith.index_cast %scan3A_157 : i32 to index
        %get3A_226 = arith.constant 32 : index
        %get3A_227 = tpu.vector_load %arg12[%get3A_224, %get3A_225, %get3A_226] {strides = array<i32>} : memref<2x80x128xf32, #tpu.memory_space<vmem>>, vector<1x1x16xf32>,
        %get3A_228 = vector.shape_cast %get3A_227 : vector<1x1x16xf32> to vector<16xf32>
        %add3A_229 = arith.addf %add3A_222, %get3A_228 : vector<16xf32>
        %swap3A_230 = arith.constant 1 : i32
        %swap3A_231 = arith.index_cast %swap3A_230 : i32 to index
        %swap3A_232 = arith.index_cast %scan3A_157 : i32 to index
        %swap3A_233 = arith.constant 32 : index
        %swap3A_234 = tpu.vector_load %arg10[%swap3A_231, %swap3A_232, %swap3A_233] {strides = array<i32>} : memref<2x80x128xf32, #tpu.memory_space<vmem>>, vector<1x1x16xf32>,
        %swap3A_235 = vector.shape_cast %swap3A_234 : vector<1x1x16xf32> to vector<16xf32>
        %swap3A_236 = vector.shape_cast %add3A_229 : vector<16xf32> to vector<1x1x16xf32>
        tpu.vector_store %arg10[%swap3A_231, %swap3A_232, %swap3A_233], %swap3A_236 {strides = array<i32>} : memref<2x80x128xf32, #tpu.memory_space<vmem>>, vector<1x1x16xf32>,
        %get3A_237 = arith.constant 1 : i32
        %get3A_238 = arith.index_cast %get3A_237 : i32 to index
        %get3A_239 = arith.index_cast %scan3A_157 : i32 to index
        %get3A_240 = arith.constant 48 : index
        %get3A_241 = tpu.vector_load %arg10[%get3A_238, %get3A_239, %get3A_240] {strides = array<i32>} : memref<2x80x128xf32, #tpu.memory_space<vmem>>, vector<1x1x16xf32>,
        %get3A_242 = vector.shape_cast %get3A_241 : vector<1x1x16xf32> to vector<16xf32>
        %get3A_243 = arith.constant 1 : i32
        %get3A_244 = arith.index_cast %get3A_243 : i32 to index
        %get3A_245 = arith.index_cast %scan3A_157 : i32 to index
        %get3A_246 = arith.constant 48 : index
        %get3A_247 = tpu.vector_load %arg11[%get3A_244, %get3A_245, %get3A_246] {strides = array<i32>} : memref<2x80x128xf32, #tpu.memory_space<vmem>>, vector<1x1x16xf32>,
        %get3A_248 = vector.shape_cast %get3A_247 : vector<1x1x16xf32> to vector<16xf32>
        %add3A_249 = arith.addf %get3A_242, %get3A_248 : vector<16xf32>
        %get3A_250 = arith.constant 1 : i32
        %get3A_251 = arith.index_cast %get3A_250 : i32 to index
        %get3A_252 = arith.index_cast %scan3A_157 : i32 to index
        %get3A_253 = arith.constant 48 : index
        %get3A_254 = tpu.vector_load %arg12[%get3A_251, %get3A_252, %get3A_253] {strides = array<i32>} : memref<2x80x128xf32, #tpu.memory_space<vmem>>, vector<1x1x16xf32>,
        %get3A_255 = vector.shape_cast %get3A_254 : vector<1x1x16xf32> to vector<16xf32>
        %add3A_256 = arith.addf %add3A_249, %get3A_255 : vector<16xf32>
        %swap3A_257 = arith.constant 1 : i32
        %swap3A_258 = arith.index_cast %swap3A_257 : i32 to index
        %swap3A_259 = arith.index_cast %scan3A_157 : i32 to index
        %swap3A_260 = arith.constant 48 : index
        %swap3A_261 = tpu.vector_load %arg10[%swap3A_258, %swap3A_259, %swap3A_260] {strides = array<i32>} : memref<2x80x128xf32, #tpu.memory_space<vmem>>, vector<1x1x16xf32>,
        %swap3A_262 = vector.shape_cast %swap3A_261 : vector<1x1x16xf32> to vector<16xf32>
        %swap3A_263 = vector.shape_cast %add3A_256 : vector<16xf32> to vector<1x1x16xf32>
        tpu.vector_store %arg10[%swap3A_258, %swap3A_259, %swap3A_260], %swap3A_263 {strides = array<i32>} : memref<2x80x128xf32, #tpu.memory_space<vmem>>, vector<1x1x16xf32>,
        %get3A_264 = arith.constant 1 : i32
        %get3A_265 = arith.index_cast %get3A_264 : i32 to index
        %get3A_266 = arith.index_cast %scan3A_157 : i32 to index
        %get3A_267 = arith.constant 64 : index
        %get3A_268 = tpu.vector_load %arg10[%get3A_265, %get3A_266, %get3A_267] {strides = array<i32>} : memref<2x80x128xf32, #tpu.memory_space<vmem>>, vector<1x1x16xf32>,
        %get3A_269 = vector.shape_cast %get3A_268 : vector<1x1x16xf32> to vector<16xf32>
        %get3A_270 = arith.constant 1 : i32
        %get3A_271 = arith.index_cast %get3A_270 : i32 to index
        %get3A_272 = arith.index_cast %scan3A_157 : i32 to index
        %get3A_273 = arith.constant 64 : index
        %get3A_274 = tpu.vector_load %arg11[%get3A_271, %get3A_272, %get3A_273] {strides = array<i32>} : memref<2x80x128xf32, #tpu.memory_space<vmem>>, vector<1x1x16xf32>,
        %get3A_275 = vector.shape_cast %get3A_274 : vector<1x1x16xf32> to vector<16xf32>
        %add3A_276 = arith.addf %get3A_269, %get3A_275 : vector<16xf32>
        %get3A_277 = arith.constant 1 : i32
        %get3A_278 = arith.index_cast %get3A_277 : i32 to index
        %get3A_279 = arith.index_cast %scan3A_157 : i32 to index
        %get3A_280 = arith.constant 64 : index
        %get3A_281 = tpu.vector_load %arg12[%get3A_278, %get3A_279, %get3A_280] {strides = array<i32>} : memref<2x80x128xf32, #tpu.memory_space<vmem>>, vector<1x1x16xf32>,
        %get3A_282 = vector.shape_cast %get3A_281 : vector<1x1x16xf32> to vector<16xf32>
        %add3A_283 = arith.addf %add3A_276, %get3A_282 : vector<16xf32>
        %swap3A_284 = arith.constant 1 : i32
        %swap3A_285 = arith.index_cast %swap3A_284 : i32 to index
        %swap3A_286 = arith.index_cast %scan3A_157 : i32 to index
        %swap3A_287 = arith.constant 64 : index
        %swap3A_288 = tpu.vector_load %arg10[%swap3A_285, %swap3A_286, %swap3A_287] {strides = array<i32>} : memref<2x80x128xf32, #tpu.memory_space<vmem>>, vector<1x1x16xf32>,
        %swap3A_289 = vector.shape_cast %swap3A_288 : vector<1x1x16xf32> to vector<16xf32>
        %swap3A_290 = vector.shape_cast %add3A_283 : vector<16xf32> to vector<1x1x16xf32>
        tpu.vector_store %arg10[%swap3A_285, %swap3A_286, %swap3A_287], %swap3A_290 {strides = array<i32>} : memref<2x80x128xf32, #tpu.memory_space<vmem>>, vector<1x1x16xf32>,
        %get3A_291 = arith.constant 1 : i32
        %get3A_292 = arith.index_cast %get3A_291 : i32 to index
        %get3A_293 = arith.index_cast %scan3A_157 : i32 to index
        %get3A_294 = arith.constant 80 : index
        %get3A_295 = tpu.vector_load %arg10[%get3A_292, %get3A_293, %get3A_294] {strides = array<i32>} : memref<2x80x128xf32, #tpu.memory_space<vmem>>, vector<1x1x16xf32>,
        %get3A_296 = vector.shape_cast %get3A_295 : vector<1x1x16xf32> to vector<16xf32>
        %get3A_297 = arith.constant 1 : i32
        %get3A_298 = arith.index_cast %get3A_297 : i32 to index
        %get3A_299 = arith.index_cast %scan3A_157 : i32 to index
        %get3A_300 = arith.constant 80 : index
        %get3A_301 = tpu.vector_load %arg11[%get3A_298, %get3A_299, %get3A_300] {strides = array<i32>} : memref<2x80x128xf32, #tpu.memory_space<vmem>>, vector<1x1x16xf32>,
        %get3A_302 = vector.shape_cast %get3A_301 : vector<1x1x16xf32> to vector<16xf32>
        %add3A_303 = arith.addf %get3A_296, %get3A_302 : vector<16xf32>
        %get3A_304 = arith.constant 1 : i32
        %get3A_305 = arith.index_cast %get3A_304 : i32 to index
        %get3A_306 = arith.index_cast %scan3A_157 : i32 to index
        %get3A_307 = arith.constant 80 : index
        %get3A_308 = tpu.vector_load %arg12[%get3A_305, %get3A_306, %get3A_307] {strides = array<i32>} : memref<2x80x128xf32, #tpu.memory_space<vmem>>, vector<1x1x16xf32>,
        %get3A_309 = vector.shape_cast %get3A_308 : vector<1x1x16xf32> to vector<16xf32>
        %add3A_310 = arith.addf %add3A_303, %get3A_309 : vector<16xf32>
        %swap3A_311 = arith.constant 1 : i32
        %swap3A_312 = arith.index_cast %swap3A_311 : i32 to index
        %swap3A_313 = arith.index_cast %scan3A_157 : i32 to index
        %swap3A_314 = arith.constant 80 : index
        %swap3A_315 = tpu.vector_load %arg10[%swap3A_312, %swap3A_313, %swap3A_314] {strides = array<i32>} : memref<2x80x128xf32, #tpu.memory_space<vmem>>, vector<1x1x16xf32>,
        %swap3A_316 = vector.shape_cast %swap3A_315 : vector<1x1x16xf32> to vector<16xf32>
        %swap3A_317 = vector.shape_cast %add3A_310 : vector<16xf32> to vector<1x1x16xf32>
        tpu.vector_store %arg10[%swap3A_312, %swap3A_313, %swap3A_314], %swap3A_317 {strides = array<i32>} : memref<2x80x128xf32, #tpu.memory_space<vmem>>, vector<1x1x16xf32>,
        %get3A_318 = arith.constant 1 : i32
        %get3A_319 = arith.index_cast %get3A_318 : i32 to index
        %get3A_320 = arith.index_cast %scan3A_157 : i32 to index
        %get3A_321 = arith.constant 96 : index
        %get3A_322 = tpu.vector_load %arg10[%get3A_319, %get3A_320, %get3A_321] {strides = array<i32>} : memref<2x80x128xf32, #tpu.memory_space<vmem>>, vector<1x1x16xf32>,
        %get3A_323 = vector.shape_cast %get3A_322 : vector<1x1x16xf32> to vector<16xf32>
        %get3A_324 = arith.constant 1 : i32
        %get3A_325 = arith.index_cast %get3A_324 : i32 to index
        %get3A_326 = arith.index_cast %scan3A_157 : i32 to index
        %get3A_327 = arith.constant 96 : index
        %get3A_328 = tpu.vector_load %arg11[%get3A_325, %get3A_326, %get3A_327] {strides = array<i32>} : memref<2x80x128xf32, #tpu.memory_space<vmem>>, vector<1x1x16xf32>,
        %get3A_329 = vector.shape_cast %get3A_328 : vector<1x1x16xf32> to vector<16xf32>
        %add3A_330 = arith.addf %get3A_323, %get3A_329 : vector<16xf32>
        %get3A_331 = arith.constant 1 : i32
        %get3A_332 = arith.index_cast %get3A_331 : i32 to index
        %get3A_333 = arith.index_cast %scan3A_157 : i32 to index
        %get3A_334 = arith.constant 96 : index
        %get3A_335 = tpu.vector_load %arg12[%get3A_332, %get3A_333, %get3A_334] {strides = array<i32>} : memref<2x80x128xf32, #tpu.memory_space<vmem>>, vector<1x1x16xf32>,
        %get3A_336 = vector.shape_cast %get3A_335 : vector<1x1x16xf32> to vector<16xf32>
        %add3A_337 = arith.addf %add3A_330, %get3A_336 : vector<16xf32>
        %swap3A_338 = arith.constant 1 : i32
        %swap3A_339 = arith.index_cast %swap3A_338 : i32 to index
        %swap3A_340 = arith.index_cast %scan3A_157 : i32 to index
        %swap3A_341 = arith.constant 96 : index
        %swap3A_342 = tpu.vector_load %arg10[%swap3A_339, %swap3A_340, %swap3A_341] {strides = array<i32>} : memref<2x80x128xf32, #tpu.memory_space<vmem>>, vector<1x1x16xf32>,
        %swap3A_343 = vector.shape_cast %swap3A_342 : vector<1x1x16xf32> to vector<16xf32>
        %swap3A_344 = vector.shape_cast %add3A_337 : vector<16xf32> to vector<1x1x16xf32>
        tpu.vector_store %arg10[%swap3A_339, %swap3A_340, %swap3A_341], %swap3A_344 {strides = array<i32>} : memref<2x80x128xf32, #tpu.memory_space<vmem>>, vector<1x1x16xf32>,
        %get3A_345 = arith.constant 1 : i32
        %get3A_346 = arith.index_cast %get3A_345 : i32 to index
        %get3A_347 = arith.index_cast %scan3A_157 : i32 to index
        %get3A_348 = arith.constant 112 : index
        %get3A_349 = tpu.vector_load %arg10[%get3A_346, %get3A_347, %get3A_348] {strides = array<i32>} : memref<2x80x128xf32, #tpu.memory_space<vmem>>, vector<1x1x16xf32>,
        %get3A_350 = vector.shape_cast %get3A_349 : vector<1x1x16xf32> to vector<16xf32>
        %get3A_351 = arith.constant 1 : i32
        %get3A_352 = arith.index_cast %get3A_351 : i32 to index
        %get3A_353 = arith.index_cast %scan3A_157 : i32 to index
        %get3A_354 = arith.constant 112 : index
        %get3A_355 = tpu.vector_load %arg11[%get3A_352, %get3A_353, %get3A_354] {strides = array<i32>} : memref<2x80x128xf32, #tpu.memory_space<vmem>>, vector<1x1x16xf32>,
        %get3A_356 = vector.shape_cast %get3A_355 : vector<1x1x16xf32> to vector<16xf32>
        %add3A_357 = arith.addf %get3A_350, %get3A_356 : vector<16xf32>
        %get3A_358 = arith.constant 1 : i32
        %get3A_359 = arith.index_cast %get3A_358 : i32 to index
        %get3A_360 = arith.index_cast %scan3A_157 : i32 to index
        %get3A_361 = arith.constant 112 : index
        %get3A_362 = tpu.vector_load %arg12[%get3A_359, %get3A_360, %get3A_361] {strides = array<i32>} : memref<2x80x128xf32, #tpu.memory_space<vmem>>, vector<1x1x16xf32>,
        %get3A_363 = vector.shape_cast %get3A_362 : vector<1x1x16xf32> to vector<16xf32>
        %add3A_364 = arith.addf %add3A_357, %get3A_363 : vector<16xf32>
        %swap3A_365 = arith.constant 1 : i32
        %swap3A_366 = arith.index_cast %swap3A_365 : i32 to index
        %swap3A_367 = arith.index_cast %scan3A_157 : i32 to index
        %swap3A_368 = arith.constant 112 : index
        %swap3A_369 = tpu.vector_load %arg10[%swap3A_366, %swap3A_367, %swap3A_368] {strides = array<i32>} : memref<2x80x128xf32, #tpu.memory_space<vmem>>, vector<1x1x16xf32>,
        %swap3A_370 = vector.shape_cast %swap3A_369 : vector<1x1x16xf32> to vector<16xf32>
        %swap3A_371 = vector.shape_cast %add3A_364 : vector<16xf32> to vector<1x1x16xf32>
        tpu.vector_store %arg10[%swap3A_366, %swap3A_367, %swap3A_368], %swap3A_371 {strides = array<i32>} : memref<2x80x128xf32, #tpu.memory_space<vmem>>, vector<1x1x16xf32>,
      }
      %scan3A_144 = arith.constant 80 : i32
      %dma_start3A = arith.constant 1 : i32
      %dma_start3A_145 = arith.constant 0 : i32
      %dma_start3A_146 = arith.constant 0 : i32
      %dma_start3A_147 = tpu.memref_slice %arg10[%dma_start3A, %dma_start3A_145, %dma_start3A_146] : memref<2x80x128xf32, #tpu.memory_space<vmem>> -> memref<1x80x128xf32, #tpu.memory_space<vmem>>
      %dma_start3A_148 = tpu.memref_squeeze %dma_start3A_147 : memref<1x80x128xf32, #tpu.memory_space<vmem>> -> memref<80x128xf32, #tpu.memory_space<vmem>>
      %dma_start3A_149 = arith.constant 0 : i32
      %dma_start3A_150 = tpu.memref_slice %arg7[%mul3A_103, %dma_start3A_149] : memref<10000x128xf32, #tpu.memory_space<hbm>> -> memref<80x128xf32, #tpu.memory_space<hbm>>
      %dma_start3A_151 = arith.constant 0 : i32
      %dma_start3A_152 = tpu.memref_slice %arg7[%mul3A_103, %dma_start3A_151] : memref<10000x128xf32, #tpu.memory_space<hbm>> -> memref<80x128xf32, #tpu.memory_space<hbm>>
      %dma_start3A_153 = arith.constant 0 : i32
      %dma_start3A_154 = arith.constant 0 : i32
      %dma_start3A_155 = tpu.memref_slice %arg10[%dma_start3A, %dma_start3A_153, %dma_start3A_154] : memref<2x80x128xf32, #tpu.memory_space<vmem>> -> memref<1x80x128xf32, #tpu.memory_space<vmem>>
      %dma_start3A_156 = tpu.memref_squeeze %dma_start3A_155 : memref<1x80x128xf32, #tpu.memory_space<vmem>> -> memref<80x128xf32, #tpu.memory_space<vmem>>
      tpu.enqueue_dma source(%dma_start3A_156 : memref<80x128xf32, #tpu.memory_space<vmem>>) target(%dma_start3A_152 : memref<80x128xf32, #tpu.memory_space<hbm>>) target_semaphore(%arg20 : memref<!tpu.dma_semaphore, #tpu.memory_space<semaphore_mem>>)
    } else {
    }
    %add3A_95 = arith.constant 96 : i32
    %add3A_96 = arith.addi %add3A_95, %add3A : i32
    %lt3A_97 = arith.constant 125 : i32
    %lt3A_98 = arith.cmpi slt, %add3A_96, %lt3A_97 : i32
    %convert_element_type3A_99 = arith.extui %lt3A_98 : i1 to i32
    %cond3A_100 = arith.constant 0 : i32
    %cond3A_101 = arith.cmpi ne, %convert_element_type3A_99, %cond3A_100 : i32
    scf.if %cond3A_101 {
      %mul3A_102 = arith.constant 80 : i32
      %mul3A_103 = arith.muli %add3A_96, %mul3A_102 : i32
      %dma_wait3A = arith.constant 1 : i32
      %dma_wait3A_104 = arith.constant 0 : i32
      %dma_wait3A_105 = arith.constant 0 : i32
      %dma_wait3A_106 = tpu.memref_slice %arg10[%dma_wait3A, %dma_wait3A_104, %dma_wait3A_105] : memref<2x80x128xf32, #tpu.memory_space<vmem>> -> memref<1x80x128xf32, #tpu.memory_space<vmem>>
      %dma_wait3A_107 = tpu.memref_squeeze %dma_wait3A_106 : memref<1x80x128xf32, #tpu.memory_space<vmem>> -> memref<80x128xf32, #tpu.memory_space<vmem>>
      %dma_wait3A_108 = arith.constant 0 : i32
      %dma_wait3A_109 = tpu.memref_slice %arg7[%mul3A_103, %dma_wait3A_108] : memref<10000x128xf32, #tpu.memory_space<hbm>> -> memref<80x128xf32, #tpu.memory_space<hbm>>
      %dma_wait3A_110 = arith.constant 0 : i32
      %dma_wait3A_111 = tpu.memref_slice %arg7[%mul3A_103, %dma_wait3A_110] : memref<10000x128xf32, #tpu.memory_space<hbm>> -> memref<80x128xf32, #tpu.memory_space<hbm>>
      %dma_wait3A_112 = arith.constant 0 : i32
      %dma_wait3A_113 = arith.constant 0 : i32
      %dma_wait3A_114 = tpu.memref_slice %arg10[%dma_wait3A, %dma_wait3A_112, %dma_wait3A_113] : memref<2x80x128xf32, #tpu.memory_space<vmem>> -> memref<1x80x128xf32, #tpu.memory_space<vmem>>
      %dma_wait3A_115 = tpu.memref_squeeze %dma_wait3A_114 : memref<1x80x128xf32, #tpu.memory_space<vmem>> -> memref<80x128xf32, #tpu.memory_space<vmem>>
      tpu.wait_dma2 semaphore(%arg20 : memref<!tpu.dma_semaphore, #tpu.memory_space<semaphore_mem>>) src(%dma_wait3A_115 : memref<80x128xf32, #tpu.memory_space<vmem>>) dst(%dma_wait3A_111 : memref<80x128xf32, #tpu.memory_space<hbm>>)
    } else {
    }
    return
  }
}

</mosaic_0001>

<sc_bundles>
// kernel: kernel.4.cloned.1.call-start
scs
__scs_entry_jumppad:
0x0: {  	(pc) =	sbr.rel $0x88, $3  }
0x1: {  	(tag) =	ssettag $0x0;
	lr =	simm.s32 $0x1  }
0x2: {  	[smem:$0x3F9D] =	sst lr;
	_ =	strace $0xD0000000  }
0x3: {  	_ = 	snop  }
0x4: {  	_ = 	snop  }
0x5: {  	_ = 	snop  }
0x6: {  	_ = 	snop  }
0x7: {  	_ = 	snop  }
__scs_overlays_trampoline_lowered:
0x8: {  	[smem:$0x3FAC] =	sst s0  }
0x9: {  	[smem:$0x3FAD] =	sst s1  }
0xa: {  	[smem:$0x3FAE] =	sst s2  }
0xb: {  	[smem:$0x3FAF] =	sst s3  }
0xc: {  	[smem:$0x3FB0] =	sst s4  }
0xd: {  	[smem:$0x3FB1] =	sst s5  }
0xe: {  	[smem:$0x3FB2] =	sst s6  }
0xf: {  	[smem:$0x3FB3] =	sst s7  }
0x10: {  	[smem:$0x3FB4] =	sst s8  }
0x11: {  	[smem:$0x3FB5] =	sst s9;
	s0 =	simm.s32 @!p0 $0x0  }
0x12: {  	s1 =	sld [smem:$0x3F9B];
	s0 =	simm.s32 @p0 $0x1  }
0x13: {  	[smem:$0x3FB6] =	sst s0;
	s0 =	simm.s32 @!p1 $0x0  }
0x14: {  	s2 =	sld [smem:$0x3F9A];
	s0 =	simm.s32 @p1 $0x1  }
0x15: {  	[smem:$0x3FB7] =	sst s0;
	s0 =	simm.s32 @!p2 $0x0  }
0x16: {  	s3 =	sld [smem:$0x3FDB];
	s0 =	simm.s32 @p2 $0x1  }
0x17: {  	s4 =	simm.s32 $0x1BF5;
	[smem:$0x3FB9] =	sst s0  }
0x18: {  	s0 =	sld [smem:$0x3F9C];
	_ =	swait.ge [sflag:s4], $0x0  }
0x19: {  	s7 =	sld [smem:$0x3F9D]  }
0x1a: {  	s8 =	sadd.s32 $0xFFFFE003, lr  }
0x1b: {  	s9 =	sadd.s32 $0xFFFFFEF7, lr;
	s5 =	simm.s32 $0xFFFFFFFF;
	p2 =	slt.u32 s8, $0xFFFFF086  }
0x1c: {  	p1 =	slt.u32 s9, $0xF7A;
	s5 =	simm.s32 @!p2 $0x0  }
0x1d: {  	s5 =	simm.s32 @p1 $0x1;
	p0 =	seq.s32 s7, s2  }
0x1e: {  	s7 =	smul.u32 @!p0 $0xF7A, s2;
	p2 =	seq.s32 @!p0 s5, $0x0  }
0x1f: {  	s9 =	smul.u32 $0xF7A, s1;
	s8 =	simm.s32 @!p0 $0x1BF5;
	p2 =	por !p2, p0  }
0x20: {  	[sflag:s8] =	ssyncset.s32 @!p0 $0xFFFFF086;
	s6 =	sadd.s32 @!p0 s3, s7;
	s7 =	simm.s32 @!p0 $0x108  }
0x21: {  	s3 =	sadd.s32 s3, s9;
	s6 =	sadd.s32 @!p0 $0x88, s6;
	s7 =	simm.s32 @p2 $0x1082  }
0x22: {  	[simem:s7], [sflag:s8] =	dma.local @!p0 [hbm:s6], $0xF7A  }
0x23: {  	s9 =	sor.u32 $0xD0000000, s2;
	s6 =	simm.s32 $0x108;
	_ =	swait.ge @!p0 [sflag:s8], $0x0  }
0x24: {  	s3 =	sadd.s32 $0x88, s3;
	s6 =	simm.s32 @!p1 $0x1082;
	[sflag:s4] =	ssyncset.s32 $0xFFFFF086  }
0x25: {  	[simem:s6], [sflag:s4] =	dma.local [hbm:s3], $0xF7A  }
0x26: {  	[smem:$0x3F9D] =	sst s1;
	(tag) =	ssettag s2;
	_ =	strace s9  }
0x27: {  	s1 =	sld [smem:$0x3FAD]  }
0x28: {  	s2 =	sld [smem:$0x3FAE]  }
0x29: {  	s4 =	sld [smem:$0x3FB0]  }
0x2a: {  	p0 =	seq.s32 s5, $0x0;
	s5 =	sld [smem:$0x3FB1]  }
0x2b: {  	s6 =	sld [smem:$0x3FB2]  }
0x2c: {  	s7 =	sld [smem:$0x3FB3]  }
0x2d: {  	s3 =	simm.s32 $0x108;
	s8 =	sld [smem:$0x3FB4]  }
0x2e: {  	s3 =	simm.s32 @!p0 $0x1082;
	s9 =	sld [smem:$0x3FB5]  }
0x2f: {  	lr =	sadd.s32 s0, s3;
	s0 =	sld [smem:$0x3FAC]  }
0x30: {  	s3 =	sld [smem:$0x3FAF]  }
0x31: {  	[smem:$0x3FB8] =	sst s10  }
0x32: {  	s10 =	sld [smem:$0x3FB6];
	_ =	sdelay $0x3  }
0x33: {  	p0 =	seq.s32 s10, $0x1;
	s10 =	sld [smem:$0x3FB8];
	_ =	sdelay $0x3  }
0x34: {  	[smem:$0x3FB8] =	sst s10  }
0x35: {  	s10 =	sld [smem:$0x3FB7];
	_ =	sdelay $0x3  }
0x36: {  	p1 =	seq.s32 s10, $0x1;
	s10 =	sld [smem:$0x3FB8];
	_ =	sdelay $0x3  }
0x37: {  	[smem:$0x3FB8] =	sst s10  }
0x38: {  	s10 =	sld [smem:$0x3FB9]  }
0x39: {  	_ = 	snop;
	(pc) =	sbr.ind lr, $3  }
0x3a: {  	_ = 	snop  }
0x3b: {  	_ = 	snop  }
0x3c: {  	p2 =	seq.s32 s10, $0x1;
	s10 =	sld [smem:$0x3FB8]  }
0x3d: {  	_ =	shalt  }
0x3e: {  	_ =	shalt  }
0x3f: {  	_ =	shalt  }
0x40: {  	_ =	shalt  }
0x41: {  	_ =	shalt  }
0x42: {  	_ =	shalt  }
0x43: {  	_ =	shalt  }
0x44: {  	_ =	shalt  }
0x45: {  	_ =	shalt  }
0x46: {  	_ =	shalt  }
0x47: {  	_ =	shalt  }
0x48: {  	_ =	shalt  }
0x49: {  	_ =	shalt  }
0x4a: {  	_ =	shalt  }
0x4b: {  	_ =	shalt  }
0x4c: {  	_ =	shalt  }
0x4d: {  	_ =	shalt  }
0x4e: {  	_ =	shalt  }
0x4f: {  	_ =	shalt  }
0x50: {  	_ =	shalt  }
0x51: {  	_ =	shalt  }
0x52: {  	_ =	shalt  }
0x53: {  	_ =	shalt  }
0x54: {  	_ =	shalt  }
0x55: {  	_ =	shalt  }
0x56: {  	_ =	shalt  }
0x57: {  	_ =	shalt  }
0x58: {  	_ =	shalt  }
0x59: {  	_ =	shalt  }
0x5a: {  	_ =	shalt  }
0x5b: {  	_ =	shalt  }
0x5c: {  	_ =	shalt  }
0x5d: {  	_ =	shalt  }
0x5e: {  	_ =	shalt  }
0x5f: {  	_ =	shalt  }
0x60: {  	_ =	shalt  }
0x61: {  	_ =	shalt  }
0x62: {  	_ =	shalt  }
0x63: {  	_ =	shalt  }
0x64: {  	_ =	shalt  }
0x65: {  	_ =	shalt  }
0x66: {  	_ =	shalt  }
0x67: {  	_ =	shalt  }
0x68: {  	_ =	shalt  }
0x69: {  	_ =	shalt  }
0x6a: {  	_ =	shalt  }
0x6b: {  	_ =	shalt  }
0x6c: {  	_ =	shalt  }
0x6d: {  	_ =	shalt  }
0x6e: {  	_ =	shalt  }
0x6f: {  	_ =	shalt  }
0x70: {  	_ =	shalt  }
0x71: {  	_ =	shalt  }
0x72: {  	_ =	shalt  }
0x73: {  	_ =	shalt  }
0x74: {  	_ =	shalt  }
0x75: {  	_ =	shalt  }
0x76: {  	_ =	shalt  }
0x77: {  	_ =	shalt  }
0x78: {  	_ =	shalt  }
0x79: {  	_ =	shalt  }
0x7a: {  	_ =	shalt  }
0x7b: {  	_ =	shalt  }
0x7c: {  	_ =	shalt  }
0x7d: {  	_ =	shalt  }
0x7e: {  	_ =	shalt  }
0x7f: {  	_ =	shalt  }
0x80: {  	_ =	shalt  }
0x81: {  	_ =	shalt  }
0x82: {  	_ =	shalt  }
0x83: {  	_ =	shalt  }
0x84: {  	_ =	shalt  }
0x85: {  	_ =	shalt  }
0x86: {  	_ =	shalt  }
0x87: {  	_ =	shalt  }
.Lfunc_end0:
.L_simem_size_0:
called_computation_lowered:
.L_overlay_start_0:
0x88: {  	s2 =	sld [smem:$0x3FD9]  }
0x89: {  	s3 =	sld [smem:$0x3FFE];
	_ =	sdelay $0x1  }
0x8a: {  	s1 =	srdreg.scid  }
0x8b: {  	s0 =	sand.u32 $0x1, s1  }
0x8c: {  	s17 =	sshll.u32 s0, $0xA;
	s2 =	sadd.s32 s3, s2  }
0x8d: {  	s2 =	sadd.s32 s2, s17  }
0x8e: {  	[smem:$0x3FC4] =	sst s2  }
0x8f: {  	_ = 	snop  }
0x90: {  	s2 =	sld [smem:$0x3FD0];
	(tm) =	ssettm $0x1  }
0x91: {  	s18 =	sld [smem:$0x3FFB];
	_ =	sdelay $0x3  }
0x92: {  	_ =	strace s18  }
0x93: {  	s3 =	sld [smem:$0x3FFC];
	_ =	sdelay $0x3  }
0x94: {  	_ =	strace s3  }
0x95: {  	s3 =	sld [smem:$0x3FFD];
	_ =	sdelay $0x3  }
0x96: {  	_ =	strace s3  }
0x97: {  	_ =	strace $0x8FFFFFFF  }
0x98: {  	s19 =	sld [smem:$0x3FDB];
	_ =	sdelay $0x1  }
0x99: {  	s4 =	simm.s32 $_scs_section_size  }
0x9a: {  	s5 =	simm.s32 $_size__tile_overlayer_lowered;
	s6 =	simm.s32 $_tile_overlayer_lowered  }
0x9b: {  	s22 =	simm.s32 $0x1BFF;
	s21 =	sshll.u32 s6, $0x1;
	s3 =	sadd.s32 s4, s19  }
0x9c: {  	s7 =	simm.s32 $0x0;
	s20 =	sshll.u32 s5, $0x1;
	s5 =	sadd.s32 s21, s3  }
0x9d: {  	[timem:s7], [sflag:s22] =	dma.local [hbm:s5], s20  }
0x9e: {  	_ =	swait.ge [sflag:s22], s20  }
0x9f: {  	s4 =	ssub.s32 $0x0, s20;
	[sflag:s22] =	ssyncset.done $0x0  }
0xa0: {  	[sflag:s22] =	ssyncadd.s32 s4;
	_ =	sdelay $0x1  }
0xa1: {  	s23 =	simm.s32 $0x1B8B  }
0xa2: {  	_ =	swait.ge [sflag:s23], $0x1  }
0xa3: {  	[sflag:s23] =	ssyncset.done $0x0  }
0xa4: {  	s25 =	simm.s32 $0x1B8E;
	s24 =	sld [smem:$0x3FFE];
	[sflag:s23] =	ssyncadd.s32 $0xFFFFFFFF  }
0xa5: {  	s26 =	simm.s32 $execute0_lowered;
	[smem:$0x3FD2] =	sst s25  }
0xa6: {  	s5 =	sshll.u32 s26, $0x1;
	_ =	strace $0x80000046;
	[dreg:$0x1] =	wrdreg $0xFFFFFFFF  }
0xa7: {  	s28 =	simm.s32 $_size_execute0_lowered;
	s3 =	sadd.s32 s3, s5;
	[dreg:$0x0] =	wrdreg $0x0  }
0xa8: {  	s5 =	sshll.u32 s28, $0x1;
	[dreg:$0x2] =	wrdreg s3  }
0xa9: {  	[dreg:$0x3] =	wrdreg s5  }
0xaa: {  	[dreg:$0x4] =	wrdreg $0xC0  }
0xab: {  	_ =	task [dreg:s7], $0x5FFFF  }
0xac: {  	[dreg:$0x1] =	wrdreg $0xFFFFFFFF  }
0xad: {  	[dreg:$0x0] =	wrdreg $0x60  }
0xae: {  	[dreg:$0x2] =	wrdreg s2  }
0xaf: {  	[dreg:$0x3] =	wrdreg s24  }
0xb0: {  	[dreg:$0x4] =	wrdreg $0x67000  }
0xb1: {  	[dreg:$0x5] =	wrdreg $0x9  }
0xb2: {  	_ =	task.clear_ibuf [dreg:s7], $0x6FFFF;
	_ =	strace $0x90000046  }
0xb3: {  	s29 =	simm.s32 $0x9;
	_ =	strace $0x80000048  }
0xb4: {  	_ =	swait.ge [sflag:s29], $0x1  }
0xb5: {  	[sflag:s29] =	ssyncadd.s32 $0xFFFFFFFF  }
0xb6: {  	_ =	strace $0x90000048  }
0xb7: {  	_ =	sfence  }
0xb8: {  	s30 =	sld [smem:$0x0];
	_ =	sdelay $0x2  }
0xb9: {  	s31 =	sshll.u32 s1, $0xD;
	s1 =	sshrl.u32 s1, $0x2  }
0xba: {  	s3 =	sand.u32 $0x4000, s31;
	s1 =	sadd.s32 s1, s30  }
0xbb: {  	s0 =	sor.u32 s3, s0;
	s1 =	sshll.u32 s1, $0x11  }
0xbc: {  	s0 =	sor.u32 s1, s0  }
0xbd: {  	s0 =	sadd.s32 $0x8F2B, s0  }
0xbe: {  	[sflag:s0] =	ssyncadd.remote.s32 $0x1  }
0xbf: {  	_ =	sfence.sel $0xFFFF  }
0xc0: {  	[dreg:$0x0] =	wrdreg $0xFFFFFFFF;
	(pc) =	sbr.abs _section_cstart, $3  }
0xc1: {  	[dreg:$0x1] =	wrdreg $0xFFFFFFFF  }
0xc2: {  	_ =	task.clear_ibuf [dreg:s7], $0x2FFFF;
	_ =	strace $0x9FFFFFFF  }
0xc3: {  	(tm) =	ssettm $0x7FFFFFFF  }
tec
execute0_lowered:
.L_overlay_start_1:
0x0: {  	(tag) =	ssettag $0x1  }
0x1: {  	s5 =	rddreg [dreg:$0x0]  }
0x2: {  	s6 =	rddreg [dreg:$0x1]  }
0x3: {  	s2 =	rddreg [dreg:$0x2]  }
0x4: {  	s0 =	rddreg [dreg:$0x3]  }
0x5: {  	s4 =	srdreg.scid;
	s1 =	stileid.u32  }
0x6: {  	s3 =	simm.s32 $0x0;
	s12 =	simm.s32 $0x1;
	s7 =	smul.u32 $0x280, s1  }
0x7: {  	s13 =	simm.s32 $0x0;
	s4 =	sand.u32 $0x1, s4;
	s11 =	smul.u32 $0x6400, s1  }
0x8: {  	[smem:$0x7FF] =	sst s3;
	s8 =	ssub.s32 $0x2, s4;
	s9 =	smul.u32 $0x64000, s4  }
0x9: {  	_ =	strace $0x80000047;
	p0 =	seq.s32 s4, $0x1;
	s10 =	sshrl.u32 s8, $0x1  }
0xa: {  	s4 =	sadd.s32 s7, s2;
	s8 =	ssub.s32 s8, s10;
	s10 =	simm.s32 $0x1200  }
0xb: {  	s7 =	sshrl.u32 s7, $0x3;
	s9 =	sadd.s32 s11, s9;
	s10 =	simm.s32 @!p0 $0xC00  }
0xc: {  	s11 =	simm.s32 $0x6400;
	s9 =	sshrl.u32 s9, $0x3;
	s10 =	sadd.s32 s10, s6  }
0xd: {  	s5 =	sadd.s32 s5, s9;
	s6 =	smax.u32 s8, $0x1;
	s8 =	simm.s32 $0x6480  }
0xe: {  	v0 =	vimm.s32 $0x1;
	v1 =	vimm.s32 $0x0;
	s9 =	simm.s32 $0x2;
	s7 =	sadd.s32 s10, s7;
	s10 =	simm.s32 $0x64  }
.LBB2_1:
0xf: {  	[tilespmem:$0x6400] =	vst v0  }
0x10: {  	[tilespmem:$0x6410] =	vst v0  }
0x11: {  	[tilespmem:$0x6420] =	vst v0  }
0x12: {  	[tilespmem:$0x6430] =	vst v0  }
0x13: {  	[tilespmem:$0x6440] =	vst v0  }
0x14: {  	[tilespmem:$0x6450] =	vst v0  }
0x15: {  	[tilespmem:$0x6460] =	vst v0  }
0x16: {  	[tilespmem:$0x6480] =	vst v1  }
0x17: {  	[tilespmem:$0x6490] =	vst v1  }
0x18: {  	[tilespmem:$0x64A0] =	vst v1  }
0x19: {  	[tilespmem:$0x64B0] =	vst v1  }
0x1a: {  	[tilespmem:$0x64C0] =	vst v1  }
0x1b: {  	[tilespmem:$0x64D0] =	vst v1  }
0x1c: {  	[tilespmem:$0x64E0] =	vst v1  }
0x1d: {  	[tilespmem:$0x64F0] =	vst v1  }
0x1e: {  	[tilespmem:$0x6500] =	vst v1  }
0x1f: {  	[tilespmem:$0x6510] =	vst v1  }
0x20: {  	[tilespmem:$0x6520] =	vst v1  }
0x21: {  	[tilespmem:$0x6530] =	vst v1  }
0x22: {  	[tilespmem:$0x6540] =	vst v1  }
0x23: {  	[tilespmem:$0x6550] =	vst v1  }
0x24: {  	[tilespmem:$0x6560] =	vst v1  }
0x25: {  	[tilespmem:$0x6570] =	vst v1  }
0x26: {  	[tilespmem:$0x6580] =	vst v1  }
0x27: {  	[tilespmem:$0x6590] =	vst v1  }
0x28: {  	[tilespmem:$0x65A0] =	vst v1  }
0x29: {  	[tilespmem:$0x65B0] =	vst v1  }
0x2a: {  	[tilespmem:$0x65C0] =	vst v1  }
0x2b: {  	[tilespmem:$0x65D0] =	vst v1  }
0x2c: {  	[tilespmem:$0x65E0] =	vst v1  }
0x2d: {  	[tilespmem:$0x65F0] =	vst v1  }
0x2e: {  	[tilespmem:$0x6600] =	vst v1  }
0x2f: {  	[tilespmem:$0x6610] =	vst v1  }
0x30: {  	[tilespmem:$0x6620] =	vst v1  }
0x31: {  	[tilespmem:$0x6630] =	vst v1  }
0x32: {  	[tilespmem:$0x6640] =	vst v1  }
0x33: {  	[tilespmem:$0x6650] =	vst v1  }
0x34: {  	[tilespmem:$0x6660] =	vst v1  }
0x35: {  	[tilespmem:$0x6670] =	vst v1  }
0x36: {  	[tilespmem:$0x6680] =	vst v1  }
0x37: {  	[tilespmem:$0x6690] =	vst v1  }
0x38: {  	[tilespmem:$0x66A0] =	vst v1  }
0x39: {  	[tilespmem:$0x66B0] =	vst v1  }
0x3a: {  	[tilespmem:$0x66C0] =	vst v1  }
0x3b: {  	[tilespmem:$0x66D0] =	vst v1  }
0x3c: {  	[tilespmem:$0x66E0] =	vst v1  }
0x3d: {  	[tilespmem:$0x66F0] =	vst v1  }
0x3e: {  	[spmem:s4] =	stream.linear.scatter [tilespmem:s8], [sflag:$0x2], $0x280, $0x38;
	[tilespmem:$0x6980] =	vst v63  }
0x3f: {  	_ =	swait.ge [sflag:s9], $0x280  }
0x40: {  	[sflag:s9] =	ssyncset.done $0x0  }
0x41: {  	[sflag:s9] =	ssyncadd.s32 $0xFFFFFD80  }
0x42: {  	[tilespmem:s3], [sflag:$0x2] =	stream.linear.gather [hbm4b:s5+s3], $0x6400, $0x38;
	[tilespmem:$0x6980] =	vst v63  }
0x43: {  	_ =	swait.ge [sflag:s9], $0x6400  }
0x44: {  	[sflag:s9] =	ssyncset.done $0x0  }
0x45: {  	[sflag:s9] =	ssyncadd.s32 $0xFFFF9C00  }
0x46: {  	s14 =	simm.s32 $0x0;
	[bflag:$0x0] =	sbarrier.arrive $0xFFFF  }
0x47: {  	[spmem:s2] =	stream.indirect.scatter.add.s32 [tilespmem:s11], [sflag:$0x1], $0x1, s14, s10, $0xb8;
	[tilespmem:$0x6980] =	vst v63  }
0x48: {  	s22 =	simm.s32 $0x80  }
0x49: {  	[spmem:s2] =	stream.indirect.scatter.add.s32 [tilespmem:s11], [sflag:$0x1], $0x1, s22, s10, $0xb8;
	[tilespmem:$0x6980] =	vst v63  }
0x4a: {  	s23 =	simm.s32 $0x100  }
0x4b: {  	[spmem:s2] =	stream.indirect.scatter.add.s32 [tilespmem:s11], [sflag:$0x1], $0x1, s23, s10, $0xb8;
	[tilespmem:$0x6980] =	vst v63  }
0x4c: {  	s24 =	simm.s32 $0x180  }
0x4d: {  	[spmem:s2] =	stream.indirect.scatter.add.s32 [tilespmem:s11], [sflag:$0x1], $0x1, s24, s10, $0xb8;
	[tilespmem:$0x6980] =	vst v63  }
0x4e: {  	s25 =	simm.s32 $0x200  }
0x4f: {  	[spmem:s2] =	stream.indirect.scatter.add.s32 [tilespmem:s11], [sflag:$0x1], $0x1, s25, s10, $0xb8;
	[tilespmem:$0x6980] =	vst v63  }
0x50: {  	s26 =	simm.s32 $0x280  }
0x51: {  	[spmem:s2] =	stream.indirect.scatter.add.s32 [tilespmem:s11], [sflag:$0x1], $0x1, s26, s10, $0xb8;
	[tilespmem:$0x6980] =	vst v63  }
0x52: {  	s28 =	simm.s32 $0x300  }
0x53: {  	[spmem:s2] =	stream.indirect.scatter.add.s32 [tilespmem:s11], [sflag:$0x1], $0x1, s28, s10, $0xb8;
	[tilespmem:$0x6980] =	vst v63  }
0x54: {  	s29 =	simm.s32 $0x380  }
0x55: {  	[spmem:s2] =	stream.indirect.scatter.add.s32 [tilespmem:s11], [sflag:$0x1], $0x1, s29, s10, $0xb8;
	[tilespmem:$0x6980] =	vst v63  }
0x56: {  	s30 =	simm.s32 $0x400  }
0x57: {  	[spmem:s2] =	stream.indirect.scatter.add.s32 [tilespmem:s11], [sflag:$0x1], $0x1, s30, s10, $0xb8;
	[tilespmem:$0x6980] =	vst v63  }
0x58: {  	s31 =	simm.s32 $0x480  }
0x59: {  	[spmem:s2] =	stream.indirect.scatter.add.s32 [tilespmem:s11], [sflag:$0x1], $0x1, s31, s10, $0xb8;
	[tilespmem:$0x6980] =	vst v63  }
0x5a: {  	_ =	swait.ge [sflag:s12], $0x64  }
0x5b: {  	[sflag:s12] =	ssyncset.done $0x0  }
0x5c: {  	[sflag:s12] =	ssyncadd.s32 $0xFFFFFF9C  }
0x5d: {  	_ =	swait.ge [sflag:s12], $0x64  }
0x5e: {  	[sflag:s12] =	ssyncset.done $0x0  }
0x5f: {  	[sflag:s12] =	ssyncadd.s32 $0xFFFFFF9C  }
0x60: {  	_ =	swait.ge [sflag:s12], $0x64  }
0x61: {  	[sflag:s12] =	ssyncset.done $0x0  }
0x62: {  	[sflag:s12] =	ssyncadd.s32 $0xFFFFFF9C  }
0x63: {  	_ =	swait.ge [sflag:s12], $0x64  }
0x64: {  	[sflag:s12] =	ssyncset.done $0x0  }
0x65: {  	[sflag:s12] =	ssyncadd.s32 $0xFFFFFF9C  }
0x66: {  	_ =	swait.ge [sflag:s12], $0x64  }
0x67: {  	[sflag:s12] =	ssyncset.done $0x0  }
0x68: {  	[sflag:s12] =	ssyncadd.s32 $0xFFFFFF9C  }
0x69: {  	_ =	swait.ge [sflag:s12], $0x64  }
0x6a: {  	[sflag:s12] =	ssyncset.done $0x0  }
0x6b: {  	[sflag:s12] =	ssyncadd.s32 $0xFFFFFF9C  }
0x6c: {  	_ =	swait.ge [sflag:s12], $0x64  }
0x6d: {  	[sflag:s12] =	ssyncset.done $0x0  }
0x6e: {  	[sflag:s12] =	ssyncadd.s32 $0xFFFFFF9C  }
0x6f: {  	_ =	swait.ge [sflag:s12], $0x64  }
0x70: {  	[sflag:s12] =	ssyncset.done $0x0  }
0x71: {  	[sflag:s12] =	ssyncadd.s32 $0xFFFFFF9C  }
0x72: {  	_ =	swait.ge [sflag:s12], $0x64  }
0x73: {  	[sflag:s12] =	ssyncset.done $0x0  }
0x74: {  	[sflag:s12] =	ssyncadd.s32 $0xFFFFFF9C  }
0x75: {  	_ =	swait.ge [sflag:s12], $0x64  }
0x76: {  	s16 =	simm.s32 $0x2800;
	s14 =	simm.s32 $0x1400;
	[sflag:s12] =	ssyncset.done $0x0  }
.LBB2_2:
0x77: {  	s17 =	sshra.s32 s14, $0x2  }
0x78: {  	[sflag:s12] =	ssyncadd.s32 $0xFFFFFF9C;
	s14 =	smov.u32 s16;
	s15 =	sadd.s32 $0x1400, s16  }
0x79: {  	[spmem:s2] =	stream.indirect.scatter.add.s32 [tilespmem:s11], [sflag:$0x1], $0x1, s17, s10, $0xb8;
	[tilespmem:$0x6980] =	vst v63  }
0x7a: {  	p0 =	sne.s32 s16, $0x17C00;
	s16 =	sadd.s32 $0x80, s17  }
0x7b: {  	[spmem:s2] =	stream.indirect.scatter.add.s32 [tilespmem:s11], [sflag:$0x1], $0x1, s16, s10, $0xb8;
	[tilespmem:$0x6980] =	vst v63  }
0x7c: {  	s16 =	sadd.s32 $0x100, s17  }
0x7d: {  	[spmem:s2] =	stream.indirect.scatter.add.s32 [tilespmem:s11], [sflag:$0x1], $0x1, s16, s10, $0xb8;
	[tilespmem:$0x6980] =	vst v63  }
0x7e: {  	s16 =	sadd.s32 $0x180, s17  }
0x7f: {  	[spmem:s2] =	stream.indirect.scatter.add.s32 [tilespmem:s11], [sflag:$0x1], $0x1, s16, s10, $0xb8;
	[tilespmem:$0x6980] =	vst v63  }
0x80: {  	s16 =	sadd.s32 $0x200, s17  }
0x81: {  	[spmem:s2] =	stream.indirect.scatter.add.s32 [tilespmem:s11], [sflag:$0x1], $0x1, s16, s10, $0xb8;
	[tilespmem:$0x6980] =	vst v63  }
0x82: {  	s16 =	sadd.s32 $0x280, s17  }
0x83: {  	[spmem:s2] =	stream.indirect.scatter.add.s32 [tilespmem:s11], [sflag:$0x1], $0x1, s16, s10, $0xb8;
	[tilespmem:$0x6980] =	vst v63  }
0x84: {  	s16 =	sadd.s32 $0x300, s17  }
0x85: {  	[spmem:s2] =	stream.indirect.scatter.add.s32 [tilespmem:s11], [sflag:$0x1], $0x1, s16, s10, $0xb8;
	[tilespmem:$0x6980] =	vst v63  }
0x86: {  	s16 =	sadd.s32 $0x380, s17  }
0x87: {  	[spmem:s2] =	stream.indirect.scatter.add.s32 [tilespmem:s11], [sflag:$0x1], $0x1, s16, s10, $0xb8;
	[tilespmem:$0x6980] =	vst v63  }
0x88: {  	s16 =	sadd.s32 $0x400, s17  }
0x89: {  	[spmem:s2] =	stream.indirect.scatter.add.s32 [tilespmem:s11], [sflag:$0x1], $0x1, s16, s10, $0xb8;
	[tilespmem:$0x6980] =	vst v63  }
0x8a: {  	s16 =	sadd.s32 $0x480, s17  }
0x8b: {  	[spmem:s2] =	stream.indirect.scatter.add.s32 [tilespmem:s11], [sflag:$0x1], $0x1, s16, s10, $0xb8;
	[tilespmem:$0x6980] =	vst v63  }
0x8c: {  	_ =	swait.ge [sflag:s12], $0x64  }
0x8d: {  	[sflag:s12] =	ssyncset.done $0x0  }
0x8e: {  	[sflag:s12] =	ssyncadd.s32 $0xFFFFFF9C  }
0x8f: {  	_ =	swait.ge [sflag:s12], $0x64  }
0x90: {  	[sflag:s12] =	ssyncset.done $0x0  }
0x91: {  	[sflag:s12] =	ssyncadd.s32 $0xFFFFFF9C  }
0x92: {  	_ =	swait.ge [sflag:s12], $0x64  }
0x93: {  	[sflag:s12] =	ssyncset.done $0x0  }
0x94: {  	[sflag:s12] =	ssyncadd.s32 $0xFFFFFF9C  }
0x95: {  	_ =	swait.ge [sflag:s12], $0x64  }
0x96: {  	[sflag:s12] =	ssyncset.done $0x0  }
0x97: {  	[sflag:s12] =	ssyncadd.s32 $0xFFFFFF9C  }
0x98: {  	_ =	swait.ge [sflag:s12], $0x64  }
0x99: {  	[sflag:s12] =	ssyncset.done $0x0  }
0x9a: {  	[sflag:s12] =	ssyncadd.s32 $0xFFFFFF9C  }
0x9b: {  	_ =	swait.ge [sflag:s12], $0x64  }
0x9c: {  	[sflag:s12] =	ssyncset.done $0x0  }
0x9d: {  	[sflag:s12] =	ssyncadd.s32 $0xFFFFFF9C  }
0x9e: {  	_ =	swait.ge [sflag:s12], $0x64  }
0x9f: {  	[sflag:s12] =	ssyncset.done $0x0  }
0xa0: {  	[sflag:s12] =	ssyncadd.s32 $0xFFFFFF9C  }
0xa1: {  	_ =	swait.ge [sflag:s12], $0x64  }
0xa2: {  	[sflag:s12] =	ssyncset.done $0x0  }
0xa3: {  	[sflag:s12] =	ssyncadd.s32 $0xFFFFFF9C  }
.Ltmp0:
0xa4: {  	_ =	swait.ge [sflag:s12], $0x64;
	(pc) =	sbr.rel @p0 .LBB2_2-.Ltmp0, $4  }
0xa5: {  	[sflag:s12] =	ssyncset.done $0x0  }
0xa6: {  	[sflag:s12] =	ssyncadd.s32 $0xFFFFFF9C  }
0xa7: {  	_ =	swait.ge [sflag:s12], $0x64  }
0xa8: {  	s16 =	smov.u32 s15;
	[sflag:s12] =	ssyncset.done $0x0  }
0xa9: {  	s14 =	sshra.s32 s14, $0x2;
	[sflag:s12] =	ssyncadd.s32 $0xFFFFFF9C  }
0xaa: {  	[spmem:s2] =	stream.indirect.scatter.add.s32 [tilespmem:s11], [sflag:$0x1], $0x1, s14, s10, $0xb8;
	[tilespmem:$0x6980] =	vst v63  }
0xab: {  	s15 =	sadd.s32 $0x80, s14  }
0xac: {  	[spmem:s2] =	stream.indirect.scatter.add.s32 [tilespmem:s11], [sflag:$0x1], $0x1, s15, s10, $0xb8;
	[tilespmem:$0x6980] =	vst v63  }
0xad: {  	s24 =	sadd.s32 $0x100, s14  }
0xae: {  	[spmem:s2] =	stream.indirect.scatter.add.s32 [tilespmem:s11], [sflag:$0x1], $0x1, s24, s10, $0xb8;
	[tilespmem:$0x6980] =	vst v63  }
0xaf: {  	s25 =	sadd.s32 $0x180, s14  }
0xb0: {  	[spmem:s2] =	stream.indirect.scatter.add.s32 [tilespmem:s11], [sflag:$0x1], $0x1, s25, s10, $0xb8;
	[tilespmem:$0x6980] =	vst v63  }
0xb1: {  	s26 =	sadd.s32 $0x200, s14  }
0xb2: {  	[spmem:s2] =	stream.indirect.scatter.add.s32 [tilespmem:s11], [sflag:$0x1], $0x1, s26, s10, $0xb8;
	[tilespmem:$0x6980] =	vst v63  }
0xb3: {  	s28 =	sadd.s32 $0x280, s14  }
0xb4: {  	[spmem:s2] =	stream.indirect.scatter.add.s32 [tilespmem:s11], [sflag:$0x1], $0x1, s28, s10, $0xb8;
	[tilespmem:$0x6980] =	vst v63  }
0xb5: {  	s29 =	sadd.s32 $0x300, s14  }
0xb6: {  	[spmem:s2] =	stream.indirect.scatter.add.s32 [tilespmem:s11], [sflag:$0x1], $0x1, s29, s10, $0xb8;
	[tilespmem:$0x6980] =	vst v63  }
0xb7: {  	s30 =	sadd.s32 $0x380, s14  }
0xb8: {  	[spmem:s2] =	stream.indirect.scatter.add.s32 [tilespmem:s11], [sflag:$0x1], $0x1, s30, s10, $0xb8;
	[tilespmem:$0x6980] =	vst v63  }
0xb9: {  	s31 =	sadd.s32 $0x400, s14  }
0xba: {  	[spmem:s2] =	stream.indirect.scatter.add.s32 [tilespmem:s11], [sflag:$0x1], $0x1, s31, s10, $0xb8;
	[tilespmem:$0x6980] =	vst v63  }
0xbb: {  	s14 =	sadd.s32 $0x480, s14  }
0xbc: {  	[spmem:s2] =	stream.indirect.scatter.add.s32 [tilespmem:s11], [sflag:$0x1], $0x1, s14, s10, $0xb8;
	[tilespmem:$0x6980] =	vst v63  }
0xbd: {  	_ =	swait.ge [sflag:s12], $0x64  }
0xbe: {  	[sflag:s12] =	ssyncset.done $0x0  }
0xbf: {  	[sflag:s12] =	ssyncadd.s32 $0xFFFFFF9C  }
0xc0: {  	_ =	swait.ge [sflag:s12], $0x64  }
0xc1: {  	[sflag:s12] =	ssyncset.done $0x0  }
0xc2: {  	[sflag:s12] =	ssyncadd.s32 $0xFFFFFF9C  }
0xc3: {  	_ =	swait.ge [sflag:s12], $0x64  }
0xc4: {  	[sflag:s12] =	ssyncset.done $0x0  }
0xc5: {  	[sflag:s12] =	ssyncadd.s32 $0xFFFFFF9C  }
0xc6: {  	_ =	swait.ge [sflag:s12], $0x64  }
0xc7: {  	[sflag:s12] =	ssyncset.done $0x0  }
0xc8: {  	[sflag:s12] =	ssyncadd.s32 $0xFFFFFF9C  }
0xc9: {  	_ =	swait.ge [sflag:s12], $0x64  }
0xca: {  	[sflag:s12] =	ssyncset.done $0x0  }
0xcb: {  	[sflag:s12] =	ssyncadd.s32 $0xFFFFFF9C  }
0xcc: {  	_ =	swait.ge [sflag:s12], $0x64  }
0xcd: {  	[sflag:s12] =	ssyncset.done $0x0  }
0xce: {  	[sflag:s12] =	ssyncadd.s32 $0xFFFFFF9C  }
0xcf: {  	_ =	swait.ge [sflag:s12], $0x64  }
0xd0: {  	[sflag:s12] =	ssyncset.done $0x0  }
0xd1: {  	[sflag:s12] =	ssyncadd.s32 $0xFFFFFF9C  }
0xd2: {  	_ =	swait.ge [sflag:s12], $0x64  }
0xd3: {  	[sflag:s12] =	ssyncset.done $0x0  }
0xd4: {  	[sflag:s12] =	ssyncadd.s32 $0xFFFFFF9C  }
0xd5: {  	_ =	swait.ge [sflag:s12], $0x64  }
0xd6: {  	[sflag:s12] =	ssyncset.done $0x0  }
0xd7: {  	[sflag:s12] =	ssyncadd.s32 $0xFFFFFF9C  }
0xd8: {  	_ =	swait.ge [sflag:s12], $0x64  }
0xd9: {  	[sflag:s12] =	ssyncset.done $0x0  }
0xda: {  	[sflag:s12] =	ssyncadd.s32 $0xFFFFFF9C  }
0xdb: {  	[bflag:$0x0] =	sbarrier.arrive $0xFFFF  }
0xdc: {  	[tilespmem:s8], [sflag:$0x2] =	stream.linear.gather [spmem:s4], $0x280, $0x38;
	[tilespmem:$0x6980] =	vst v63  }
0xdd: {  	_ =	swait.ge [sflag:s9], $0x280  }
0xde: {  	[sflag:s9] =	ssyncset.done $0x0  }
0xdf: {  	[sflag:s9] =	ssyncadd.s32 $0xFFFFFD80  }
0xe0: {  	v2 =	vld [tilespmem:$0x6480]  }
0xe1: {  	v3 =	vld [tilespmem:$0x6490]  }
0xe2: {  	v4 =	vld [tilespmem:$0x64A0]  }
0xe3: {  	v5 =	vld [tilespmem:$0x64B0]  }
0xe4: {  	v6 =	vld [tilespmem:$0x64C0]  }
0xe5: {  	v7 =	vld [tilespmem:$0x64D0];
	vm0 =	vlt.s32 v2, $0x1FF  }
0xe6: {  	v8 =	vld [tilespmem:$0x64E0];
	vm13 =	vlt.s32 v3, $0x1FF;
	v2 =	vnsel vm0, $0x1FF, v2  }
0xe7: {  	vm14 =	vlt.s32 v4, $0x1FF;
	[tilespmem:$0x6480] =	vst v2;
	v2 =	vnsel vm13, $0x1FF, v3;
	v3 =	vld [tilespmem:$0x64F0]  }
0xe8: {  	v37 =	vld [tilespmem:$0x6500];
	vm15 =	vlt.s32 v5, $0x1FF;
	[tilespmem:$0x6490] =	vst v2;
	v2 =	vnsel vm14, $0x1FF, v4  }
0xe9: {  	v38 =	vld [tilespmem:$0x6510];
	vm4 =	vlt.s32 v6, $0x1FF;
	[tilespmem:$0x64A0] =	vst v2;
	v2 =	vnsel vm15, $0x1FF, v5  }
0xea: {  	v39 =	vld [tilespmem:$0x6520];
	vm5 =	vlt.s32 v7, $0x1FF;
	[tilespmem:$0x64B0] =	vst v2;
	v2 =	vnsel vm4, $0x1FF, v6  }
0xeb: {  	v40 =	vld [tilespmem:$0x6530];
	vm6 =	vlt.s32 v8, $0x1FF;
	[tilespmem:$0x64C0] =	vst v2;
	v2 =	vnsel vm5, $0x1FF, v7  }
0xec: {  	v41 =	vld [tilespmem:$0x6540];
	[tilespmem:$0x64D0] =	vst v2;
	v2 =	vnsel vm6, $0x1FF, v8;
	vm7 =	vlt.s32 v3, $0x1FF  }
0xed: {  	vm8 =	vlt.s32 v37, $0x1FF;
	[tilespmem:$0x64E0] =	vst v2;
	v2 =	vnsel vm7, $0x1FF, v3;
	v3 =	vld [tilespmem:$0x6550]  }
0xee: {  	v42 =	vld [tilespmem:$0x6560];
	vm9 =	vlt.s32 v38, $0x1FF;
	[tilespmem:$0x64F0] =	vst v2;
	v2 =	vnsel vm8, $0x1FF, v37  }
0xef: {  	v43 =	vld [tilespmem:$0x6570];
	vm10 =	vlt.s32 v39, $0x1FF;
	[tilespmem:$0x6500] =	vst v2;
	v2 =	vnsel vm9, $0x1FF, v38  }
0xf0: {  	v44 =	vld [tilespmem:$0x6580];
	vm11 =	vlt.s32 v40, $0x1FF;
	[tilespmem:$0x6510] =	vst v2;
	v2 =	vnsel vm10, $0x1FF, v39  }
0xf1: {  	v45 =	vld [tilespmem:$0x6590];
	vm12 =	vlt.s32 v41, $0x1FF;
	[tilespmem:$0x6520] =	vst v2;
	v2 =	vnsel vm11, $0x1FF, v40  }
0xf2: {  	v46 =	vld [tilespmem:$0x65A0];
	[tilespmem:$0x6530] =	vst v2;
	v2 =	vnsel vm12, $0x1FF, v41;
	vm13 =	vlt.s32 v3, $0x1FF  }
0xf3: {  	vm14 =	vlt.s32 v42, $0x1FF;
	[tilespmem:$0x6540] =	vst v2;
	v2 =	vnsel vm13, $0x1FF, v3;
	v3 =	vld [tilespmem:$0x65B0]  }
0xf4: {  	v47 =	vld [tilespmem:$0x65C0];
	vm15 =	vlt.s32 v43, $0x1FF;
	[tilespmem:$0x6550] =	vst v2;
	v2 =	vnsel vm14, $0x1FF, v42  }
0xf5: {  	v48 =	vld [tilespmem:$0x65D0];
	vm4 =	vlt.s32 v44, $0x1FF;
	[tilespmem:$0x6560] =	vst v2;
	v2 =	vnsel vm15, $0x1FF, v43  }
0xf6: {  	v49 =	vld [tilespmem:$0x65E0];
	vm5 =	vlt.s32 v45, $0x1FF;
	[tilespmem:$0x6570] =	vst v2;
	v2 =	vnsel vm4, $0x1FF, v44  }
0xf7: {  	v50 =	vld [tilespmem:$0x65F0];
	vm6 =	vlt.s32 v46, $0x1FF;
	[tilespmem:$0x6580] =	vst v2;
	v2 =	vnsel vm5, $0x1FF, v45  }
0xf8: {  	v51 =	vld [tilespmem:$0x6600];
	[tilespmem:$0x6590] =	vst v2;
	v2 =	vnsel vm6, $0x1FF, v46;
	vm7 =	vlt.s32 v3, $0x1FF  }
0xf9: {  	vm8 =	vlt.s32 v47, $0x1FF;
	[tilespmem:$0x65A0] =	vst v2;
	v2 =	vnsel vm7, $0x1FF, v3;
	v3 =	vld [tilespmem:$0x6610]  }
0xfa: {  	v52 =	vld [tilespmem:$0x6620];
	vm9 =	vlt.s32 v48, $0x1FF;
	[tilespmem:$0x65B0] =	vst v2;
	v2 =	vnsel vm8, $0x1FF, v47  }
0xfb: {  	v53 =	vld [tilespmem:$0x6630];
	vm10 =	vlt.s32 v49, $0x1FF;
	[tilespmem:$0x65C0] =	vst v2;
	v2 =	vnsel vm9, $0x1FF, v48  }
0xfc: {  	v54 =	vld [tilespmem:$0x6640];
	vm11 =	vlt.s32 v50, $0x1FF;
	[tilespmem:$0x65D0] =	vst v2;
	v2 =	vnsel vm10, $0x1FF, v49  }
0xfd: {  	v55 =	vld [tilespmem:$0x6650];
	vm12 =	vlt.s32 v51, $0x1FF;
	[tilespmem:$0x65E0] =	vst v2;
	v2 =	vnsel vm11, $0x1FF, v50  }
0xfe: {  	v56 =	vld [tilespmem:$0x6660];
	[tilespmem:$0x65F0] =	vst v2;
	v2 =	vnsel vm12, $0x1FF, v51;
	vm13 =	vlt.s32 v3, $0x1FF  }
0xff: {  	vm14 =	vlt.s32 v52, $0x1FF;
	[tilespmem:$0x6600] =	vst v2;
	v2 =	vnsel vm13, $0x1FF, v3;
	v3 =	vld [tilespmem:$0x6670]  }
0x100: {  	v57 =	vld [tilespmem:$0x6680];
	vm15 =	vlt.s32 v53, $0x1FF;
	[tilespmem:$0x6610] =	vst v2;
	v2 =	vnsel vm14, $0x1FF, v52  }
0x101: {  	v58 =	vld [tilespmem:$0x6690];
	vm4 =	vlt.s32 v54, $0x1FF;
	[tilespmem:$0x6620] =	vst v2;
	v2 =	vnsel vm15, $0x1FF, v53  }
0x102: {  	v59 =	vld [tilespmem:$0x66A0];
	vm5 =	vlt.s32 v55, $0x1FF;
	[tilespmem:$0x6630] =	vst v2;
	v2 =	vnsel vm4, $0x1FF, v54  }
0x103: {  	v60 =	vld [tilespmem:$0x66B0];
	vm6 =	vlt.s32 v56, $0x1FF;
	[tilespmem:$0x6640] =	vst v2;
	v2 =	vnsel vm5, $0x1FF, v55  }
0x104: {  	v61 =	vld [tilespmem:$0x66C0];
	[tilespmem:$0x6650] =	vst v2;
	v2 =	vnsel vm6, $0x1FF, v56;
	vm7 =	vlt.s32 v3, $0x1FF  }
0x105: {  	vm8 =	vlt.s32 v57, $0x1FF;
	[tilespmem:$0x6660] =	vst v2;
	v2 =	vnsel vm7, $0x1FF, v3;
	v3 =	vld [tilespmem:$0x66D0]  }
0x106: {  	v62 =	vld [tilespmem:$0x66E0];
	vm9 =	vlt.s32 v58, $0x1FF;
	[tilespmem:$0x6670] =	vst v2;
	v2 =	vnsel vm8, $0x1FF, v57  }
0x107: {  	v63 =	vld [tilespmem:$0x66F0];
	vm10 =	vlt.s32 v59, $0x1FF;
	[tilespmem:$0x6680] =	vst v2;
	v2 =	vnsel vm9, $0x1FF, v58  }
0x108: {  	vm11 =	vlt.s32 v60, $0x1FF;
	[tilespmem:$0x6690] =	vst v2;
	v2 =	vnsel vm10, $0x1FF, v59  }
0x109: {  	vm12 =	vlt.s32 v61, $0x1FF;
	[tilespmem:$0x66A0] =	vst v2;
	v2 =	vnsel vm11, $0x1FF, v60  }
0x10a: {  	[tilespmem:$0x66B0] =	vst v2;
	v2 =	vnsel vm12, $0x1FF, v61;
	vm13 =	vlt.s32 v3, $0x1FF  }
0x10b: {  	vm14 =	vlt.s32 v62, $0x1FF;
	[tilespmem:$0x66C0] =	vst v2;
	v2 =	vnsel vm13, $0x1FF, v3  }
0x10c: {  	s13 =	sadd.s32 $0x1, s13;
	vm15 =	vlt.s32 v63, $0x1FF;
	[tilespmem:$0x66D0] =	vst v2;
	v2 =	vnsel vm14, $0x1FF, v62  }
0x10d: {  	p0 =	sne.s32 s13, s6;
	[tilespmem:$0x66E0] =	vst v2;
	v2 =	vnsel vm15, $0x1FF, v63  }
.Ltmp1:
0x10e: {  	[tilespmem:$0x66F0] =	vst v2;
	(pc) =	sbr.rel @p0 .LBB2_1-.Ltmp1, $4  }
0x10f: {  	[hbm4b:s7+s3] =	stream.linear.scatter [tilespmem:s8], [sflag:$0x2], $0x280, $0x38;
	[tilespmem:$0x6980] =	vst v63  }
0x110: {  	_ =	swait.ge [sflag:s9], $0x280  }
0x111: {  	[sflag:s9] =	ssyncset.done $0x0  }
0x112: {  	[sflag:s9] =	ssyncadd.s32 $0xFFFFFD80  }
0x113: {  	_ =	sfence.sel $0x180000  }
0x114: {  	[bflag:$0x0] =	sbarrier.arrive $0xFFFF  }
0x115: {  	p0 =	sne.s32 s1, $0x0;
	_ =	strace $0x90000047  }
0x116: {  	s0 =	sadd.s32 @!p0 $0x100000, s0;
	[bflag:$0x2] =	sbarrier.arrive $0xFFFF  }
0x117: {  	[sflag:s0] =	ssyncadd.tile.s32 @!p0 $0x1;
	_ =	shalt  }
.Lfunc_end2:
_tile_overlayer_lowered:
.L_overlay_start_2:
0x118: {  	(tag) =	ssettag $0x2  }
0x119: {  	s0 =	rddreg [dreg:$0x0];
	s2 =	stileid.u32  }
0x11a: {  	s1 =	rddreg [dreg:$0x1];
	p0 =	sne.s32 s2, $0x0  }
0x11b: {  	s3 =	rddreg [dreg:$0x2];
	[bflag:$0x3] =	sbarrier.arrive $0xFFFF;
	s2 =	simm.s32 @!p0 $0x1C02  }
0x11c: {  	[timem:s3], [sflag:s2] =	dma.local @!p0 [hbm:s0], s1  }
0x11d: {  	s0 =	simm.s32 @!p0 $0x2  }
0x11e: {  	_ =	swait.ge @!p0 [sflag:s0], s1  }
0x11f: {  	s1 =	ssub.s32 @!p0 $0x0, s1;
	[sflag:s0] =	ssyncset.done @!p0 $0x0  }
0x120: {  	[sflag:s0] =	ssyncadd.s32 @!p0 s1  }
0x121: {  	[bflag:$0x3] =	sbarrier.arrive $0xFFFF  }
0x122: {  	_ =	shalt  }

// kernel: kernel.7.cloned.1.call-start
scs
__scs_entry_jumppad:
0x0: {  	(pc) =	sbr.rel $0x88, $3  }
0x1: {  	(tag) =	ssettag $0x0;
	lr =	simm.s32 $0x1  }
0x2: {  	[smem:$0x3F9D] =	sst lr;
	_ =	strace $0xD0000000  }
0x3: {  	_ = 	snop  }
0x4: {  	_ = 	snop  }
0x5: {  	_ = 	snop  }
0x6: {  	_ = 	snop  }
0x7: {  	_ = 	snop  }
__scs_overlays_trampoline_lowered:
0x8: {  	[smem:$0x3FAC] =	sst s0  }
0x9: {  	[smem:$0x3FAD] =	sst s1  }
0xa: {  	[smem:$0x3FAE] =	sst s2  }
0xb: {  	[smem:$0x3FAF] =	sst s3  }
0xc: {  	[smem:$0x3FB0] =	sst s4  }
0xd: {  	[smem:$0x3FB1] =	sst s5  }
0xe: {  	[smem:$0x3FB2] =	sst s6  }
0xf: {  	[smem:$0x3FB3] =	sst s7  }
0x10: {  	[smem:$0x3FB4] =	sst s8  }
0x11: {  	[smem:$0x3FB5] =	sst s9;
	s0 =	simm.s32 @!p0 $0x0  }
0x12: {  	s1 =	sld [smem:$0x3F9B];
	s0 =	simm.s32 @p0 $0x1  }
0x13: {  	[smem:$0x3FB6] =	sst s0;
	s0 =	simm.s32 @!p1 $0x0  }
0x14: {  	s2 =	sld [smem:$0x3F9A];
	s0 =	simm.s32 @p1 $0x1  }
0x15: {  	[smem:$0x3FB7] =	sst s0;
	s0 =	simm.s32 @!p2 $0x0  }
0x16: {  	s3 =	sld [smem:$0x3FDB];
	s0 =	simm.s32 @p2 $0x1  }
0x17: {  	s4 =	simm.s32 $0x1BF5;
	[smem:$0x3FB9] =	sst s0  }
0x18: {  	s0 =	sld [smem:$0x3F9C];
	_ =	swait.ge [sflag:s4], $0x0  }
0x19: {  	s7 =	sld [smem:$0x3F9D]  }
0x1a: {  	s8 =	sadd.s32 $0xFFFFE003, lr  }
0x1b: {  	s9 =	sadd.s32 $0xFFFFFEF7, lr;
	s5 =	simm.s32 $0xFFFFFFFF;
	p2 =	slt.u32 s8, $0xFFFFF086  }
0x1c: {  	p1 =	slt.u32 s9, $0xF7A;
	s5 =	simm.s32 @!p2 $0x0  }
0x1d: {  	s5 =	simm.s32 @p1 $0x1;
	p0 =	seq.s32 s7, s2  }
0x1e: {  	s7 =	smul.u32 @!p0 $0xF7A, s2;
	p2 =	seq.s32 @!p0 s5, $0x0  }
0x1f: {  	s9 =	smul.u32 $0xF7A, s1;
	s8 =	simm.s32 @!p0 $0x1BF5;
	p2 =	por !p2, p0  }
0x20: {  	[sflag:s8] =	ssyncset.s32 @!p0 $0xFFFFF086;
	s6 =	sadd.s32 @!p0 s3, s7;
	s7 =	simm.s32 @!p0 $0x108  }
0x21: {  	s3 =	sadd.s32 s3, s9;
	s6 =	sadd.s32 @!p0 $0x88, s6;
	s7 =	simm.s32 @p2 $0x1082  }
0x22: {  	[simem:s7], [sflag:s8] =	dma.local @!p0 [hbm:s6], $0xF7A  }
0x23: {  	s9 =	sor.u32 $0xD0000000, s2;
	s6 =	simm.s32 $0x108;
	_ =	swait.ge @!p0 [sflag:s8], $0x0  }
0x24: {  	s3 =	sadd.s32 $0x88, s3;
	s6 =	simm.s32 @!p1 $0x1082;
	[sflag:s4] =	ssyncset.s32 $0xFFFFF086  }
0x25: {  	[simem:s6], [sflag:s4] =	dma.local [hbm:s3], $0xF7A  }
0x26: {  	[smem:$0x3F9D] =	sst s1;
	(tag) =	ssettag s2;
	_ =	strace s9  }
0x27: {  	s1 =	sld [smem:$0x3FAD]  }
0x28: {  	s2 =	sld [smem:$0x3FAE]  }
0x29: {  	s4 =	sld [smem:$0x3FB0]  }
0x2a: {  	p0 =	seq.s32 s5, $0x0;
	s5 =	sld [smem:$0x3FB1]  }
0x2b: {  	s6 =	sld [smem:$0x3FB2]  }
0x2c: {  	s7 =	sld [smem:$0x3FB3]  }
0x2d: {  	s3 =	simm.s32 $0x108;
	s8 =	sld [smem:$0x3FB4]  }
0x2e: {  	s3 =	simm.s32 @!p0 $0x1082;
	s9 =	sld [smem:$0x3FB5]  }
0x2f: {  	lr =	sadd.s32 s0, s3;
	s0 =	sld [smem:$0x3FAC]  }
0x30: {  	s3 =	sld [smem:$0x3FAF]  }
0x31: {  	[smem:$0x3FB8] =	sst s10  }
0x32: {  	s10 =	sld [smem:$0x3FB6];
	_ =	sdelay $0x3  }
0x33: {  	p0 =	seq.s32 s10, $0x1;
	s10 =	sld [smem:$0x3FB8];
	_ =	sdelay $0x3  }
0x34: {  	[smem:$0x3FB8] =	sst s10  }
0x35: {  	s10 =	sld [smem:$0x3FB7];
	_ =	sdelay $0x3  }
0x36: {  	p1 =	seq.s32 s10, $0x1;
	s10 =	sld [smem:$0x3FB8];
	_ =	sdelay $0x3  }
0x37: {  	[smem:$0x3FB8] =	sst s10  }
0x38: {  	s10 =	sld [smem:$0x3FB9]  }
0x39: {  	_ = 	snop;
	(pc) =	sbr.ind lr, $3  }
0x3a: {  	_ = 	snop  }
0x3b: {  	_ = 	snop  }
0x3c: {  	p2 =	seq.s32 s10, $0x1;
	s10 =	sld [smem:$0x3FB8]  }
0x3d: {  	_ =	shalt  }
0x3e: {  	_ =	shalt  }
0x3f: {  	_ =	shalt  }
0x40: {  	_ =	shalt  }
0x41: {  	_ =	shalt  }
0x42: {  	_ =	shalt  }
0x43: {  	_ =	shalt  }
0x44: {  	_ =	shalt  }
0x45: {  	_ =	shalt  }
0x46: {  	_ =	shalt  }
0x47: {  	_ =	shalt  }
0x48: {  	_ =	shalt  }
0x49: {  	_ =	shalt  }
0x4a: {  	_ =	shalt  }
0x4b: {  	_ =	shalt  }
0x4c: {  	_ =	shalt  }
0x4d: {  	_ =	shalt  }
0x4e: {  	_ =	shalt  }
0x4f: {  	_ =	shalt  }
0x50: {  	_ =	shalt  }
0x51: {  	_ =	shalt  }
0x52: {  	_ =	shalt  }
0x53: {  	_ =	shalt  }
0x54: {  	_ =	shalt  }
0x55: {  	_ =	shalt  }
0x56: {  	_ =	shalt  }
0x57: {  	_ =	shalt  }
0x58: {  	_ =	shalt  }
0x59: {  	_ =	shalt  }
0x5a: {  	_ =	shalt  }
0x5b: {  	_ =	shalt  }
0x5c: {  	_ =	shalt  }
0x5d: {  	_ =	shalt  }
0x5e: {  	_ =	shalt  }
0x5f: {  	_ =	shalt  }
0x60: {  	_ =	shalt  }
0x61: {  	_ =	shalt  }
0x62: {  	_ =	shalt  }
0x63: {  	_ =	shalt  }
0x64: {  	_ =	shalt  }
0x65: {  	_ =	shalt  }
0x66: {  	_ =	shalt  }
0x67: {  	_ =	shalt  }
0x68: {  	_ =	shalt  }
0x69: {  	_ =	shalt  }
0x6a: {  	_ =	shalt  }
0x6b: {  	_ =	shalt  }
0x6c: {  	_ =	shalt  }
0x6d: {  	_ =	shalt  }
0x6e: {  	_ =	shalt  }
0x6f: {  	_ =	shalt  }
0x70: {  	_ =	shalt  }
0x71: {  	_ =	shalt  }
0x72: {  	_ =	shalt  }
0x73: {  	_ =	shalt  }
0x74: {  	_ =	shalt  }
0x75: {  	_ =	shalt  }
0x76: {  	_ =	shalt  }
0x77: {  	_ =	shalt  }
0x78: {  	_ =	shalt  }
0x79: {  	_ =	shalt  }
0x7a: {  	_ =	shalt  }
0x7b: {  	_ =	shalt  }
0x7c: {  	_ =	shalt  }
0x7d: {  	_ =	shalt  }
0x7e: {  	_ =	shalt  }
0x7f: {  	_ =	shalt  }
0x80: {  	_ =	shalt  }
0x81: {  	_ =	shalt  }
0x82: {  	_ =	shalt  }
0x83: {  	_ =	shalt  }
0x84: {  	_ =	shalt  }
0x85: {  	_ =	shalt  }
0x86: {  	_ =	shalt  }
0x87: {  	_ =	shalt  }
.Lfunc_end0:
.L_simem_size_0:
called_computation.1_lowered:
.L_overlay_start_0:
0x88: {  	s2 =	sld [smem:$0x3FD9]  }
0x89: {  	s3 =	sld [smem:$0x3FFE];
	_ =	sdelay $0x1  }
0x8a: {  	s1 =	srdreg.scid  }
0x8b: {  	s0 =	sand.u32 $0x1, s1  }
0x8c: {  	s17 =	sshll.u32 s0, $0xA;
	s2 =	sadd.s32 s3, s2  }
0x8d: {  	s2 =	sadd.s32 s2, s17  }
0x8e: {  	[smem:$0x3FC4] =	sst s2  }
0x8f: {  	_ = 	snop  }
0x90: {  	s2 =	sld [smem:$0x3FC9]  }
0x91: {  	s18 =	sld [smem:$0x3FC7]  }
0x92: {  	s4 =	sld [smem:$0x3FC6]  }
0x93: {  	s5 =	sld [smem:$0x3FD0];
	(tm) =	ssettm $0x1  }
0x94: {  	s6 =	sld [smem:$0x3FFB];
	_ =	sdelay $0x3  }
0x95: {  	_ =	strace s6  }
0x96: {  	s6 =	sld [smem:$0x3FFC];
	_ =	sdelay $0x3  }
0x97: {  	_ =	strace s6  }
0x98: {  	s6 =	sld [smem:$0x3FFD];
	_ =	sdelay $0x3  }
0x99: {  	_ =	strace s6  }
0x9a: {  	_ =	strace $0x8FFFFFFF  }
0x9b: {  	s19 =	sld [smem:$0x3FDB];
	_ =	sdelay $0x1  }
0x9c: {  	s7 =	simm.s32 $_scs_section_size  }
0x9d: {  	s8 =	simm.s32 $_size__tile_overlayer_lowered;
	s9 =	simm.s32 $_tile_overlayer_lowered  }
0x9e: {  	s22 =	simm.s32 $0x1BFF;
	s21 =	sshll.u32 s9, $0x1;
	s6 =	sadd.s32 s7, s19  }
0x9f: {  	s10 =	simm.s32 $0x0;
	s20 =	sshll.u32 s8, $0x1;
	s8 =	sadd.s32 s21, s6  }
0xa0: {  	[timem:s10], [sflag:s22] =	dma.local [hbm:s8], s20  }
0xa1: {  	_ =	swait.ge [sflag:s22], s20  }
0xa2: {  	s7 =	ssub.s32 $0x0, s20;
	[sflag:s22] =	ssyncset.done $0x0  }
0xa3: {  	[sflag:s22] =	ssyncadd.s32 s7;
	_ =	sdelay $0x1  }
0xa4: {  	s23 =	simm.s32 $0x1B8B  }
0xa5: {  	_ =	swait.ge [sflag:s23], $0x1  }
0xa6: {  	[sflag:s23] =	ssyncset.done $0x0  }
0xa7: {  	s25 =	simm.s32 $0x1B8E;
	s24 =	sld [smem:$0x3FFE];
	[sflag:s23] =	ssyncadd.s32 $0xFFFFFFFF  }
0xa8: {  	s26 =	simm.s32 $execute0_lowered;
	[smem:$0x3FD2] =	sst s25  }
0xa9: {  	s8 =	sshll.u32 s26, $0x1;
	_ =	strace $0x80000049;
	[dreg:$0x1] =	wrdreg $0xFFFFFFFF  }
0xaa: {  	s28 =	simm.s32 $_size_execute0_lowered;
	s6 =	sadd.s32 s6, s8;
	[dreg:$0x0] =	wrdreg $0x0  }
0xab: {  	s8 =	sshll.u32 s28, $0x1;
	[dreg:$0x2] =	wrdreg s6  }
0xac: {  	[dreg:$0x3] =	wrdreg s8  }
0xad: {  	[dreg:$0x4] =	wrdreg $0xC0  }
0xae: {  	_ =	task [dreg:s10], $0x5FFFF  }
0xaf: {  	[dreg:$0x1] =	wrdreg $0xFFFFFFFF  }
0xb0: {  	[dreg:$0x0] =	wrdreg $0x60  }
0xb1: {  	[dreg:$0x2] =	wrdreg s2  }
0xb2: {  	[dreg:$0x3] =	wrdreg s24  }
0xb3: {  	[dreg:$0x4] =	wrdreg s18  }
0xb4: {  	[dreg:$0x5] =	wrdreg s4  }
0xb5: {  	[dreg:$0x6] =	wrdreg s5  }
0xb6: {  	[dreg:$0x7] =	wrdreg $0x9  }
0xb7: {  	_ =	task.clear_ibuf [dreg:s10], $0x8FFFF;
	_ =	strace $0x90000049  }
0xb8: {  	s29 =	simm.s32 $0x9;
	_ =	strace $0x8000004B  }
0xb9: {  	_ =	swait.ge [sflag:s29], $0x1  }
0xba: {  	[sflag:s29] =	ssyncadd.s32 $0xFFFFFFFF  }
0xbb: {  	_ =	strace $0x9000004B  }
0xbc: {  	_ =	sfence  }
0xbd: {  	s30 =	sld [smem:$0x0];
	_ =	sdelay $0x2  }
0xbe: {  	s31 =	sshll.u32 s1, $0xD;
	s1 =	sshrl.u32 s1, $0x2  }
0xbf: {  	s3 =	sand.u32 $0x4000, s31;
	s1 =	sadd.s32 s1, s30  }
0xc0: {  	s0 =	sor.u32 s3, s0;
	s1 =	sshll.u32 s1, $0x11  }
0xc1: {  	s0 =	sor.u32 s1, s0  }
0xc2: {  	s0 =	sadd.s32 $0x8F2B, s0  }
0xc3: {  	[sflag:s0] =	ssyncadd.remote.s32 $0x1  }
0xc4: {  	_ =	sfence.sel $0xFFFF  }
0xc5: {  	[dreg:$0x0] =	wrdreg $0xFFFFFFFF;
	(pc) =	sbr.abs _section_cstart, $3  }
0xc6: {  	[dreg:$0x1] =	wrdreg $0xFFFFFFFF  }
0xc7: {  	_ =	task.clear_ibuf [dreg:s10], $0x2FFFF;
	_ =	strace $0x9FFFFFFF  }
0xc8: {  	(tm) =	ssettm $0x7FFFFFFF  }
0xc9: {  	_ =	shalt  }
tec
execute0_lowered:
.L_overlay_start_1:
0x0: {  	(tag) =	ssettag $0x1  }
0x1: {  	s0 =	rddreg [dreg:$0x0]  }
0x2: {  	s3 =	rddreg [dreg:$0x1]  }
0x3: {  	s1 =	rddreg [dreg:$0x2]  }
0x4: {  	s2 =	rddreg [dreg:$0x3]  }
0x5: {  	s5 =	rddreg [dreg:$0x4]  }
0x6: {  	s4 =	simm.s32 $0x0;
	s6 =	srdreg.scid;
	s7 =	stileid.u32  }
0x7: {  	s28 =	simm.s32 $0xA200;
	s29 =	simm.s32 $0x80;
	s30 =	simm.s32 $0x180  }
0x8: {  	s31 =	simm.s32 $0x2A00;
	s6 =	sand.u32 $0x1, s6;
	s7 =	sshll.u32 s7, $0x1  }
0x9: {  	[smem:$0x7FF] =	sst s4;
	s9 =	ssub.s32 $0x2, s6;
	s6 =	sor.u32 s6, s7  }
0xa: {  	s8 =	sadd.s32 $0xC00, s3;
	s3 =	sadd.s32 $0x1200, s3;
	s10 =	smul.u32 $0xA, s6  }
0xb: {  	_ =	strace $0x8000004A;
	s16 =	sshrl.u32 s9, $0x1;
	s17 =	smul.u32 $0x500, s6  }
0xc: {  	s11 =	sor.u32 $0x20, s6;
	s20 =	sor.u32 $0x40, s6;
	s15 =	sor.u32 $0x60, s6  }
0xd: {  	p0 =	sgt.u32 s6, $0x1C;
	s6 =	simm.s32 $0x4;
	s18 =	smul.u32 $0xA, s11  }
0xe: {  	s7 =	ssub.s32 s9, s16;
	s11 =	smul.u32 $0x500, s11;
	s12 =	sadd.s32 s3, s10  }
0xf: {  	s21 =	smul.u32 $0xA, s20;
	s10 =	sadd.s32 s8, s10;
	[dreg:$0x6] =	wrdreg s12  }
0x10: {  	s24 =	smul.u32 $0xA, s15;
	s19 =	sadd.s32 s0, s17;
	[dreg:$0x7] =	wrdreg s10  }
0x11: {  	s25 =	smul.u32 $0x500, s15;
	s9 =	sadd.s32 s5, s17;
	[dreg:$0x8] =	wrdreg s19  }
0x12: {  	s13 =	sadd.s32 s3, s18;
	s10 =	sadd.s32 s8, s18;
	s22 =	sadd.s32 s0, s11  }
0x13: {  	s19 =	smul.u32 $0x500, s20;
	[dreg:$0xc] =	wrdreg s9;
	s23 =	sadd.s32 s3, s21  }
0x14: {  	s15 =	sadd.s32 s5, s11;
	s16 =	sadd.s32 s3, s24;
	s17 =	sadd.s32 s8, s24  }
0x15: {  	s18 =	sadd.s32 s0, s25;
	s26 =	sadd.s32 s5, s25;
	[dreg:$0x9] =	wrdreg s13  }
0x16: {  	s24 =	simm.s32 $0x1;
	s25 =	simm.s32 $0x50;
	[dreg:$0xa] =	wrdreg s10  }
0x17: {  	s3 =	simm.s32 $0x5;
	s20 =	simm.s32 $0x2;
	[dreg:$0xb] =	wrdreg s22  }
.Ltmp0:
0x18: {  	s9 =	simm.s32 $0x0;
	[dreg:$0xd] =	wrdreg s23;
	(pc) =	sbr.rel .LBB2_1-.Ltmp0, $4  }
0x19: {  	s13 =	sadd.s32 s8, s21;
	[dreg:$0xe] =	wrdreg s26;
	s21 =	smax.u32 s7, $0x1  }
0x1a: {  	s22 =	simm.s32 $0x100;
	s23 =	simm.s32 $0x200;
	s26 =	simm.s32 $0x5200  }
0x1b: {  	s7 =	simm.s32 $0x6;
	s8 =	simm.s32 $0x8;
	s14 =	sadd.s32 s0, s19  }
0x1c: {  	s19 =	sadd.s32 s5, s19;
	s0 =	simm.s32 $0x3;
	s5 =	simm.s32 $0x7  }
.LBB2_10:
0x1d: {  	v5 =	vadd.f32 v5, v18;
	v55 =	vld [tilespmem:s10+$0x2A70];
	v11 =	vadd.f32 v11, v16  }
0x1e: {  	v56 =	vld [tilespmem:s10+$0xCA60];
	v4 =	vadd.f32 v4, v17;
	v10 =	vadd.f32 v10, v15  }
0x1f: {  	v57 =	vadd.f32 v9, v14;
	v58 =	vld [tilespmem:s10+$0xCA70];
	[tilespmem:s10+$0x2A00] =	vst v5;
	v3 =	vadd.f32 v3, v11  }
0x20: {  	v59 =	vadd.f32 v8, v13;
	[tilespmem:s10+$0x2A10] =	vst v4;
	v2 =	vadd.f32 v2, v10  }
0x21: {  	v60 =	vadd.f32 v7, v12;
	v1 =	vadd.f32 v1, v57;
	[tilespmem:s10+$0x2A20] =	vst v3  }
0x22: {  	v0 =	vadd.f32 v0, v59;
	[tilespmem:s10+$0x2A30] =	vst v2;
	v61 =	vadd.f32 v6, v55  }
0x23: {  	[tilespmem:s10+$0x2A40] =	vst v1;
	v62 =	vadd.f32 v56, v60  }
0x24: {  	[tilespmem:s10+$0x2A50] =	vst v0;
	v63 =	vadd.f32 v58, v61  }
0x25: {  	[tilespmem:s10+$0x2A60] =	vst v62  }
0x26: {  	s12 =	rddreg [dreg:$0xe];
	[tilespmem:s10+$0x2A70] =	vst v63;
	s10 =	simm.s32 $0x8  }
0x27: {  	[hbm4b:s12+s4] =	stream.linear.scatter [tilespmem:s31], [sflag:$0x8], $0x2800, $0x38;
	[tilespmem:$0xF200] =	vst v63  }
.LBB2_11:
0x28: {  	s9 =	sadd.s32 $0x1, s9  }
0x29: {  	p1 =	sne.s32 s9, s21  }
.Ltmp1:
0x2a: {  	_ = 	snop;
	(pc) =	sbr.rel @!p1 .LBB2_12-.Ltmp1, $4  }
0x2b: {  	_ = 	snop  }
0x2c: {  	_ =	swait.ge [sflag:s10], $0x2800  }
0x2d: {  	[sflag:s10] =	ssyncset.done $0x0  }
0x2e: {  	[sflag:s10] =	ssyncadd.s32 $0xFFFFD800  }
.LBB2_1:
0x2f: {  	s10 =	rddreg [dreg:$0x6]  }
0x30: {  	[tilespmem:s4], [sflag:$0x1] =	stream.linear.gather [hbm4b:s10+s4], $0x50, $0x38;
	[tilespmem:$0xF200] =	vst v63  }
0x31: {  	s12 =	rddreg [dreg:$0x7]  }
0x32: {  	[tilespmem:s22], [sflag:$0x1] =	stream.linear.gather [hbm4b:s12+s4], $0x50, $0x38;
	[tilespmem:$0xF200] =	vst v63  }
0x33: {  	s11 =	rddreg [dreg:$0x8]  }
0x34: {  	[tilespmem:s23], [sflag:$0x3] =	stream.linear.gather [hbm4b:s11+s4], $0x2800, $0x38;
	[tilespmem:$0xF200] =	vst v63  }
0x35: {  	_ =	swait.ge [sflag:s24], $0x50  }
0x36: {  	[sflag:s24] =	ssyncset.done $0x0  }
0x37: {  	[sflag:s24] =	ssyncadd.s32 $0xFFFFFFB0  }
0x38: {  	_ =	swait.ge [sflag:s24], $0x50  }
0x39: {  	[sflag:s24] =	ssyncset.done $0x0  }
0x3a: {  	[sflag:s24] =	ssyncadd.s32 $0xFFFFFFB0  }
0x3b: {  	[tilespmem:s26], [sflag:$0x5] =	stream.indirect.gather [hbm4b:s1+s25], $0x80, s4, s25, $0xb8;
	[tilespmem:$0xF200] =	vst v63  }
0x3c: {  	_ = 	snop  }
0x3d: {  	[tilespmem:s28], [sflag:$0x5] =	stream.indirect.gather [hbm4b:s2+s25], $0x80, s22, s25, $0xb8;
	[tilespmem:$0xF200] =	vst v63  }
0x3e: {  	s12 =	rddreg [dreg:$0x9]  }
0x3f: {  	[tilespmem:s29], [sflag:$0x2] =	stream.linear.gather [hbm4b:s12+s4], $0x50, $0x38;
	[tilespmem:$0xF200] =	vst v63  }
0x40: {  	s11 =	rddreg [dreg:$0xa]  }
0x41: {  	[tilespmem:s30], [sflag:$0x2] =	stream.linear.gather [hbm4b:s11+s4], $0x50, $0x38;
	[tilespmem:$0xF200] =	vst v63  }
0x42: {  	s12 =	rddreg [dreg:$0xb]  }
0x43: {  	[tilespmem:s31], [sflag:$0x4] =	stream.linear.gather [hbm4b:s12+s4], $0x2800, $0x38;
	[tilespmem:$0xF200] =	vst v63  }
0x44: {  	_ =	swait.ge [sflag:s0], $0x2800  }
0x45: {  	[sflag:s0] =	ssyncset.done $0x0  }
0x46: {  	[sflag:s0] =	ssyncadd.s32 $0xFFFFD800  }
0x47: {  	_ =	swait.ge [sflag:s3], $0x2800  }
0x48: {  	[sflag:s3] =	ssyncset.done $0x0  }
0x49: {  	[sflag:s3] =	ssyncadd.s32 $0xFFFFD800  }
0x4a: {  	_ =	swait.ge [sflag:s3], $0x2800  }
0x4b: {  	[sflag:s3] =	ssyncset.done $0x0  }
0x4c: {  	s10 =	simm.s32 $0x0;
	[sflag:s3] =	ssyncadd.s32 $0xFFFFD800  }
0x4d: {  	v5 =	vld [tilespmem:s10+$0xA200]  }
0x4e: {  	v4 =	vld [tilespmem:s10+$0xA210]  }
0x4f: {  	v3 =	vld [tilespmem:s10+$0xA220]  }
0x50: {  	v2 =	vld [tilespmem:s10+$0xA230]  }
0x51: {  	v1 =	vld [tilespmem:s10+$0xA240]  }
0x52: {  	v0 =	vld [tilespmem:s10+$0xA250]  }
0x53: {  	v12 =	vld [tilespmem:s10+$0x5200]  }
0x54: {  	v17 =	vld [tilespmem:s10+$0x5210]  }
0x55: {  	v11 =	vld [tilespmem:s10+$0x5220]  }
0x56: {  	v10 =	vld [tilespmem:s10+$0x5230]  }
0x57: {  	v9 =	vld [tilespmem:s10+$0x5240]  }
0x58: {  	v8 =	vld [tilespmem:s10+$0x5250]  }
0x59: {  	v7 =	vld [tilespmem:s10+$0x5260]  }
0x5a: {  	v6 =	vld [tilespmem:s10+$0x5270]  }
0x5b: {  	v18 =	vld [tilespmem:s10+$0x200]  }
0x5c: {  	v19 =	vld [tilespmem:s10+$0x210]  }
0x5d: {  	v16 =	vld [tilespmem:s10+$0x220]  }
0x5e: {  	v15 =	vld [tilespmem:s10+$0x230]  }
0x5f: {  	v14 =	vld [tilespmem:s10+$0x240]  }
0x60: {  	v13 =	vld [tilespmem:s10+$0x250];
	v18 =	vadd.f32 v12, v18  }
0x61: {  	s11 =	simm.s32 $0x200;
	v17 =	vadd.f32 v17, v19;
	v12 =	vld [tilespmem:s10+$0x260]  }
.LBB2_2:
0x62: {  	p1 =	sne.s32 s11, $0x9E00;
	v5 =	vadd.f32 v5, v18;
	v11 =	vadd.f32 v11, v16;
	v16 =	vld [tilespmem:s10+$0x270]  }
0x63: {  	v4 =	vadd.f32 v4, v17;
	v10 =	vadd.f32 v10, v15;
	v15 =	vld [tilespmem:s10+$0xA260]  }
0x64: {  	s12 =	sshra.s32 s11, $0x2;
	[tilespmem:s10+$0x200] =	vst v5;
	v3 =	vadd.f32 v3, v11;
	v9 =	vadd.f32 v9, v14;
	v11 =	vld [tilespmem:s10+$0xA270]  }
0x65: {  	v5 =	vld [tilespmem:s12+$0xA200];
	[tilespmem:s10+$0x210] =	vst v4;
	v2 =	vadd.f32 v2, v10;
	v8 =	vadd.f32 v8, v13  }
0x66: {  	v4 =	vld [tilespmem:s12+$0xA210];
	[tilespmem:s10+$0x220] =	vst v3;
	v1 =	vadd.f32 v1, v9;
	v7 =	vadd.f32 v7, v12  }
0x67: {  	v3 =	vld [tilespmem:s12+$0xA220];
	[tilespmem:s10+$0x230] =	vst v2;
	v0 =	vadd.f32 v0, v8;
	v6 =	vadd.f32 v6, v16  }
0x68: {  	v2 =	vld [tilespmem:s12+$0xA230];
	[tilespmem:s10+$0x240] =	vst v1;
	v7 =	vadd.f32 v15, v7  }
0x69: {  	v1 =	vld [tilespmem:s12+$0xA240];
	[tilespmem:s10+$0x250] =	vst v0;
	v6 =	vadd.f32 v11, v6  }
0x6a: {  	v0 =	vld [tilespmem:s12+$0xA250];
	[tilespmem:s10+$0x260] =	vst v7  }
0x6b: {  	v12 =	vld [tilespmem:s12+$0x5200];
	[tilespmem:s10+$0x270] =	vst v6;
	s10 =	smov.u32 s12  }
0x6c: {  	v17 =	vld [tilespmem:s10+$0x5210]  }
0x6d: {  	v11 =	vld [tilespmem:s10+$0x5220]  }
0x6e: {  	v10 =	vld [tilespmem:s10+$0x5230]  }
0x6f: {  	v9 =	vld [tilespmem:s10+$0x5240]  }
0x70: {  	v8 =	vld [tilespmem:s10+$0x5250]  }
0x71: {  	v7 =	vld [tilespmem:s10+$0x5260]  }
0x72: {  	v6 =	vld [tilespmem:s10+$0x5270]  }
0x73: {  	v13 =	vld [tilespmem:s10+$0x200]  }
0x74: {  	v19 =	vld [tilespmem:s10+$0x210]  }
.Ltmp2:
0x75: {  	v16 =	vld [tilespmem:s10+$0x220];
	(pc) =	sbr.rel @p1 .LBB2_2-.Ltmp2, $4  }
0x76: {  	v15 =	vld [tilespmem:s10+$0x230]  }
0x77: {  	v14 =	vld [tilespmem:s10+$0x240]  }
0x78: {  	v18 =	vadd.f32 v12, v13;
	v13 =	vld [tilespmem:s10+$0x250]  }
0x79: {  	s11 =	sadd.s32 $0x200, s11;
	v17 =	vadd.f32 v17, v19;
	v12 =	vld [tilespmem:s10+$0x260]  }
0x7a: {  	v5 =	vadd.f32 v5, v18;
	v18 =	vld [tilespmem:s10+$0x270];
	v11 =	vadd.f32 v11, v16  }
0x7b: {  	v16 =	vld [tilespmem:s10+$0xA260];
	v4 =	vadd.f32 v4, v17;
	v10 =	vadd.f32 v10, v15  }
0x7c: {  	[tilespmem:s10+$0x200] =	vst v5;
	v3 =	vadd.f32 v3, v11;
	v5 =	vadd.f32 v9, v14;
	v9 =	vld [tilespmem:s10+$0xA270]  }
0x7d: {  	[tilespmem:s10+$0x210] =	vst v4;
	v2 =	vadd.f32 v2, v10;
	v4 =	vadd.f32 v8, v13  }
0x7e: {  	[tilespmem:s10+$0x220] =	vst v3;
	v1 =	vadd.f32 v1, v5;
	v3 =	vadd.f32 v7, v12  }
0x7f: {  	[tilespmem:s10+$0x230] =	vst v2;
	v0 =	vadd.f32 v0, v4;
	v2 =	vadd.f32 v6, v18  }
0x80: {  	[tilespmem:s10+$0x240] =	vst v1;
	v1 =	vadd.f32 v16, v3  }
0x81: {  	[tilespmem:s10+$0x250] =	vst v0;
	v0 =	vadd.f32 v9, v2  }
0x82: {  	[tilespmem:s10+$0x260] =	vst v1  }
0x83: {  	s11 =	rddreg [dreg:$0xc];
	[tilespmem:s10+$0x270] =	vst v0;
	s10 =	simm.s32 $0x0  }
0x84: {  	[hbm4b:s11+s10] =	stream.linear.scatter [tilespmem:s23], [sflag:$0x7], $0x2800, $0x38;
	[tilespmem:$0xF200] =	vst v63  }
0x85: {  	_ =	swait.ge [sflag:s20], $0x50  }
0x86: {  	[sflag:s20] =	ssyncset.done $0x0  }
0x87: {  	[sflag:s20] =	ssyncadd.s32 $0xFFFFFFB0  }
0x88: {  	_ =	swait.ge [sflag:s20], $0x50  }
0x89: {  	[sflag:s20] =	ssyncset.done $0x0  }
0x8a: {  	s12 =	simm.s32 $0x7A00;
	[sflag:s20] =	ssyncadd.s32 $0xFFFFFFB0  }
0x8b: {  	[tilespmem:s12], [sflag:$0x6] =	stream.indirect.gather [hbm4b:s1+s25], $0x80, s29, s25, $0xb8;
	[tilespmem:$0xF200] =	vst v63  }
0x8c: {  	s12 =	simm.s32 $0xCA00  }
0x8d: {  	[tilespmem:s12], [sflag:$0x6] =	stream.indirect.gather [hbm4b:s2+s25], $0x80, s30, s25, $0xb8;
	[tilespmem:$0xF200] =	vst v63  }
0x8e: {  	_ =	swait.ge [sflag:s5], $0x2800  }
0x8f: {  	[sflag:s5] =	ssyncset.done $0x0  }
0x90: {  	s12 =	rddreg [dreg:$0xd];
	[sflag:s5] =	ssyncadd.s32 $0xFFFFD800  }
0x91: {  	[tilespmem:s10], [sflag:$0x1] =	stream.linear.gather [hbm4b:s12+s10], $0x50, $0x38;
	[tilespmem:$0xF200] =	vst v63  }
0x92: {  	_ = 	snop  }
0x93: {  	[tilespmem:s22], [sflag:$0x1] =	stream.linear.gather [hbm4b:s13+s10], $0x50, $0x38;
	[tilespmem:$0xF200] =	vst v63  }
0x94: {  	_ = 	snop  }
0x95: {  	[tilespmem:s23], [sflag:$0x3] =	stream.linear.gather [hbm4b:s14+s10], $0x2800, $0x38;
	[tilespmem:$0xF200] =	vst v63  }
0x96: {  	_ =	swait.ge [sflag:s6], $0x2800  }
0x97: {  	[sflag:s6] =	ssyncset.done $0x0  }
0x98: {  	[sflag:s6] =	ssyncadd.s32 $0xFFFFD800  }
0x99: {  	_ =	swait.ge [sflag:s7], $0x2800  }
0x9a: {  	[sflag:s7] =	ssyncset.done $0x0  }
0x9b: {  	[sflag:s7] =	ssyncadd.s32 $0xFFFFD800  }
0x9c: {  	_ =	swait.ge [sflag:s7], $0x2800  }
0x9d: {  	[sflag:s7] =	ssyncset.done $0x0  }
0x9e: {  	s10 =	simm.s32 $0x0;
	[sflag:s7] =	ssyncadd.s32 $0xFFFFD800  }
0x9f: {  	v5 =	vld [tilespmem:s10+$0xCA00]  }
0xa0: {  	v4 =	vld [tilespmem:s10+$0xCA10]  }
0xa1: {  	v3 =	vld [tilespmem:s10+$0xCA20]  }
0xa2: {  	v2 =	vld [tilespmem:s10+$0xCA30]  }
0xa3: {  	v1 =	vld [tilespmem:s10+$0xCA40]  }
0xa4: {  	v0 =	vld [tilespmem:s10+$0xCA50]  }
0xa5: {  	v12 =	vld [tilespmem:s10+$0x7A00]  }
0xa6: {  	v17 =	vld [tilespmem:s10+$0x7A10]  }
0xa7: {  	v11 =	vld [tilespmem:s10+$0x7A20]  }
0xa8: {  	v10 =	vld [tilespmem:s10+$0x7A30]  }
0xa9: {  	v9 =	vld [tilespmem:s10+$0x7A40]  }
0xaa: {  	v8 =	vld [tilespmem:s10+$0x7A50]  }
0xab: {  	v7 =	vld [tilespmem:s10+$0x7A60]  }
0xac: {  	v6 =	vld [tilespmem:s10+$0x7A70]  }
0xad: {  	v18 =	vld [tilespmem:s10+$0x2A00]  }
0xae: {  	v19 =	vld [tilespmem:s10+$0x2A10]  }
0xaf: {  	v16 =	vld [tilespmem:s10+$0x2A20]  }
0xb0: {  	v15 =	vld [tilespmem:s10+$0x2A30]  }
0xb1: {  	v14 =	vld [tilespmem:s10+$0x2A40]  }
0xb2: {  	v13 =	vld [tilespmem:s10+$0x2A50];
	v18 =	vadd.f32 v12, v18  }
0xb3: {  	s11 =	simm.s32 $0x200;
	v17 =	vadd.f32 v17, v19;
	v12 =	vld [tilespmem:s10+$0x2A60]  }
.LBB2_4:
0xb4: {  	p1 =	sne.s32 s11, $0x9E00;
	v5 =	vadd.f32 v5, v18;
	v11 =	vadd.f32 v11, v16;
	v16 =	vld [tilespmem:s10+$0x2A70]  }
0xb5: {  	v4 =	vadd.f32 v4, v17;
	v10 =	vadd.f32 v10, v15;
	v15 =	vld [tilespmem:s10+$0xCA60]  }
0xb6: {  	s12 =	sshra.s32 s11, $0x2;
	[tilespmem:s10+$0x2A00] =	vst v5;
	v3 =	vadd.f32 v3, v11;
	v9 =	vadd.f32 v9, v14;
	v11 =	vld [tilespmem:s10+$0xCA70]  }
0xb7: {  	v5 =	vld [tilespmem:s12+$0xCA00];
	[tilespmem:s10+$0x2A10] =	vst v4;
	v2 =	vadd.f32 v2, v10;
	v8 =	vadd.f32 v8, v13  }
0xb8: {  	v4 =	vld [tilespmem:s12+$0xCA10];
	[tilespmem:s10+$0x2A20] =	vst v3;
	v1 =	vadd.f32 v1, v9;
	v7 =	vadd.f32 v7, v12  }
0xb9: {  	v3 =	vld [tilespmem:s12+$0xCA20];
	[tilespmem:s10+$0x2A30] =	vst v2;
	v0 =	vadd.f32 v0, v8;
	v6 =	vadd.f32 v6, v16  }
0xba: {  	v2 =	vld [tilespmem:s12+$0xCA30];
	[tilespmem:s10+$0x2A40] =	vst v1;
	v7 =	vadd.f32 v15, v7  }
0xbb: {  	v1 =	vld [tilespmem:s12+$0xCA40];
	[tilespmem:s10+$0x2A50] =	vst v0;
	v6 =	vadd.f32 v11, v6  }
0xbc: {  	v0 =	vld [tilespmem:s12+$0xCA50];
	[tilespmem:s10+$0x2A60] =	vst v7  }
0xbd: {  	v12 =	vld [tilespmem:s12+$0x7A00];
	[tilespmem:s10+$0x2A70] =	vst v6;
	s10 =	smov.u32 s12  }
0xbe: {  	v17 =	vld [tilespmem:s10+$0x7A10]  }
0xbf: {  	v11 =	vld [tilespmem:s10+$0x7A20]  }
0xc0: {  	v10 =	vld [tilespmem:s10+$0x7A30]  }
0xc1: {  	v9 =	vld [tilespmem:s10+$0x7A40]  }
0xc2: {  	v8 =	vld [tilespmem:s10+$0x7A50]  }
0xc3: {  	v7 =	vld [tilespmem:s10+$0x7A60]  }
0xc4: {  	v6 =	vld [tilespmem:s10+$0x7A70]  }
0xc5: {  	v13 =	vld [tilespmem:s10+$0x2A00]  }
0xc6: {  	v19 =	vld [tilespmem:s10+$0x2A10]  }
.Ltmp3:
0xc7: {  	v16 =	vld [tilespmem:s10+$0x2A20];
	(pc) =	sbr.rel @p1 .LBB2_4-.Ltmp3, $4  }
0xc8: {  	v15 =	vld [tilespmem:s10+$0x2A30]  }
0xc9: {  	v14 =	vld [tilespmem:s10+$0x2A40]  }
0xca: {  	v18 =	vadd.f32 v12, v13;
	v13 =	vld [tilespmem:s10+$0x2A50]  }
0xcb: {  	s11 =	sadd.s32 $0x200, s11;
	v17 =	vadd.f32 v17, v19;
	v12 =	vld [tilespmem:s10+$0x2A60]  }
0xcc: {  	v5 =	vadd.f32 v5, v18;
	v18 =	vld [tilespmem:s10+$0x2A70];
	v11 =	vadd.f32 v11, v16  }
0xcd: {  	v16 =	vld [tilespmem:s10+$0xCA60];
	v4 =	vadd.f32 v4, v17;
	v10 =	vadd.f32 v10, v15  }
0xce: {  	[tilespmem:s10+$0x2A00] =	vst v5;
	v3 =	vadd.f32 v3, v11;
	v5 =	vadd.f32 v9, v14;
	v9 =	vld [tilespmem:s10+$0xCA70]  }
0xcf: {  	[tilespmem:s10+$0x2A10] =	vst v4;
	v2 =	vadd.f32 v2, v10;
	v4 =	vadd.f32 v8, v13  }
0xd0: {  	[tilespmem:s10+$0x2A20] =	vst v3;
	v1 =	vadd.f32 v1, v5;
	v3 =	vadd.f32 v7, v12  }
0xd1: {  	[tilespmem:s10+$0x2A30] =	vst v2;
	v0 =	vadd.f32 v0, v4;
	v2 =	vadd.f32 v6, v18  }
0xd2: {  	[tilespmem:s10+$0x2A40] =	vst v1;
	v1 =	vadd.f32 v16, v3  }
0xd3: {  	[tilespmem:s10+$0x2A50] =	vst v0;
	v0 =	vadd.f32 v9, v2  }
0xd4: {  	[tilespmem:s10+$0x2A60] =	vst v1  }
0xd5: {  	[tilespmem:s10+$0x2A70] =	vst v0  }
0xd6: {  	[hbm4b:s15+s4] =	stream.linear.scatter [tilespmem:s31], [sflag:$0x8], $0x2800, $0x38;
	[tilespmem:$0xF200] =	vst v63  }
0xd7: {  	_ =	swait.ge [sflag:s24], $0x50  }
0xd8: {  	[sflag:s24] =	ssyncset.done $0x0  }
0xd9: {  	[sflag:s24] =	ssyncadd.s32 $0xFFFFFFB0  }
0xda: {  	_ =	swait.ge [sflag:s24], $0x50  }
0xdb: {  	[sflag:s24] =	ssyncset.done $0x0  }
0xdc: {  	[sflag:s24] =	ssyncadd.s32 $0xFFFFFFB0  }
0xdd: {  	[tilespmem:s26], [sflag:$0x5] =	stream.indirect.gather [hbm4b:s1+s25], $0x80, s4, s25, $0xb8;
	[tilespmem:$0xF200] =	vst v63  }
0xde: {  	_ = 	snop  }
0xdf: {  	[tilespmem:s28], [sflag:$0x5] =	stream.indirect.gather [hbm4b:s2+s25], $0x80, s22, s25, $0xb8;
	[tilespmem:$0xF200] =	vst v63  }
0xe0: {  	_ =	swait.ge [sflag:s8], $0x2800  }
0xe1: {  	[sflag:s8] =	ssyncset.done $0x0  }
0xe2: {  	s11 =	simm.s32 @!p0 $0x80;
	s10 =	simm.s32 @!p0 $0x0;
	[sflag:s8] =	ssyncadd.s32 $0xFFFFD800  }
0xe3: {  	[tilespmem:s11], [sflag:$0x2] =	stream.linear.gather @!p0 [hbm4b:s16+s10], $0x50, $0x38;
	[tilespmem:$0xF200] =	vst v63  }
0xe4: {  	s11 =	simm.s32 @!p0 $0x180  }
0xe5: {  	[tilespmem:s11], [sflag:$0x2] =	stream.linear.gather @!p0 [hbm4b:s17+s10], $0x50, $0x38;
	[tilespmem:$0xF200] =	vst v63  }
0xe6: {  	s11 =	simm.s32 @!p0 $0x2A00  }
0xe7: {  	[tilespmem:s11], [sflag:$0x4] =	stream.linear.gather @!p0 [hbm4b:s18+s10], $0x2800, $0x38;
	[tilespmem:$0xF200] =	vst v63  }
0xe8: {  	_ =	swait.ge [sflag:s0], $0x2800  }
0xe9: {  	[sflag:s0] =	ssyncset.done $0x0  }
0xea: {  	[sflag:s0] =	ssyncadd.s32 $0xFFFFD800  }
0xeb: {  	_ =	swait.ge [sflag:s3], $0x2800  }
0xec: {  	[sflag:s3] =	ssyncset.done $0x0  }
0xed: {  	[sflag:s3] =	ssyncadd.s32 $0xFFFFD800  }
0xee: {  	_ =	swait.ge [sflag:s3], $0x2800  }
0xef: {  	[sflag:s3] =	ssyncset.done $0x0  }
0xf0: {  	s10 =	simm.s32 $0x0;
	[sflag:s3] =	ssyncadd.s32 $0xFFFFD800  }
0xf1: {  	v5 =	vld [tilespmem:s10+$0xA200]  }
0xf2: {  	v4 =	vld [tilespmem:s10+$0xA210]  }
0xf3: {  	v3 =	vld [tilespmem:s10+$0xA220]  }
0xf4: {  	v2 =	vld [tilespmem:s10+$0xA230]  }
0xf5: {  	v1 =	vld [tilespmem:s10+$0xA240]  }
0xf6: {  	v0 =	vld [tilespmem:s10+$0xA250]  }
0xf7: {  	v12 =	vld [tilespmem:s10+$0x5200]  }
0xf8: {  	v17 =	vld [tilespmem:s10+$0x5210]  }
0xf9: {  	v11 =	vld [tilespmem:s10+$0x5220]  }
0xfa: {  	v10 =	vld [tilespmem:s10+$0x5230]  }
0xfb: {  	v9 =	vld [tilespmem:s10+$0x5240]  }
0xfc: {  	v8 =	vld [tilespmem:s10+$0x5250]  }
0xfd: {  	v7 =	vld [tilespmem:s10+$0x5260]  }
0xfe: {  	v6 =	vld [tilespmem:s10+$0x5270]  }
0xff: {  	v18 =	vld [tilespmem:s10+$0x200]  }
0x100: {  	v19 =	vld [tilespmem:s10+$0x210]  }
0x101: {  	v16 =	vld [tilespmem:s10+$0x220]  }
0x102: {  	v15 =	vld [tilespmem:s10+$0x230]  }
0x103: {  	v14 =	vld [tilespmem:s10+$0x240]  }
0x104: {  	v13 =	vld [tilespmem:s10+$0x250];
	v18 =	vadd.f32 v12, v18  }
0x105: {  	s11 =	simm.s32 $0x200;
	v17 =	vadd.f32 v17, v19;
	v12 =	vld [tilespmem:s10+$0x260]  }
.LBB2_6:
0x106: {  	p1 =	sne.s32 s11, $0x9E00;
	v5 =	vadd.f32 v5, v18;
	v11 =	vadd.f32 v11, v16;
	v16 =	vld [tilespmem:s10+$0x270]  }
0x107: {  	v4 =	vadd.f32 v4, v17;
	v10 =	vadd.f32 v10, v15;
	v15 =	vld [tilespmem:s10+$0xA260]  }
0x108: {  	s12 =	sshra.s32 s11, $0x2;
	[tilespmem:s10+$0x200] =	vst v5;
	v3 =	vadd.f32 v3, v11;
	v9 =	vadd.f32 v9, v14;
	v11 =	vld [tilespmem:s10+$0xA270]  }
0x109: {  	v5 =	vld [tilespmem:s12+$0xA200];
	[tilespmem:s10+$0x210] =	vst v4;
	v2 =	vadd.f32 v2, v10;
	v8 =	vadd.f32 v8, v13  }
0x10a: {  	v4 =	vld [tilespmem:s12+$0xA210];
	[tilespmem:s10+$0x220] =	vst v3;
	v1 =	vadd.f32 v1, v9;
	v7 =	vadd.f32 v7, v12  }
0x10b: {  	v3 =	vld [tilespmem:s12+$0xA220];
	[tilespmem:s10+$0x230] =	vst v2;
	v0 =	vadd.f32 v0, v8;
	v6 =	vadd.f32 v6, v16  }
0x10c: {  	v2 =	vld [tilespmem:s12+$0xA230];
	[tilespmem:s10+$0x240] =	vst v1;
	v7 =	vadd.f32 v15, v7  }
0x10d: {  	v1 =	vld [tilespmem:s12+$0xA240];
	[tilespmem:s10+$0x250] =	vst v0;
	v6 =	vadd.f32 v11, v6  }
0x10e: {  	v0 =	vld [tilespmem:s12+$0xA250];
	[tilespmem:s10+$0x260] =	vst v7  }
0x10f: {  	v12 =	vld [tilespmem:s12+$0x5200];
	[tilespmem:s10+$0x270] =	vst v6;
	s10 =	smov.u32 s12  }
0x110: {  	v17 =	vld [tilespmem:s10+$0x5210]  }
0x111: {  	v11 =	vld [tilespmem:s10+$0x5220]  }
0x112: {  	v10 =	vld [tilespmem:s10+$0x5230]  }
0x113: {  	v9 =	vld [tilespmem:s10+$0x5240]  }
0x114: {  	v8 =	vld [tilespmem:s10+$0x5250]  }
0x115: {  	v7 =	vld [tilespmem:s10+$0x5260]  }
0x116: {  	v6 =	vld [tilespmem:s10+$0x5270]  }
0x117: {  	v13 =	vld [tilespmem:s10+$0x200]  }
0x118: {  	v19 =	vld [tilespmem:s10+$0x210]  }
.Ltmp4:
0x119: {  	v16 =	vld [tilespmem:s10+$0x220];
	(pc) =	sbr.rel @p1 .LBB2_6-.Ltmp4, $4  }
0x11a: {  	v15 =	vld [tilespmem:s10+$0x230]  }
0x11b: {  	v14 =	vld [tilespmem:s10+$0x240]  }
0x11c: {  	v18 =	vadd.f32 v12, v13;
	v13 =	vld [tilespmem:s10+$0x250]  }
0x11d: {  	s11 =	sadd.s32 $0x200, s11;
	v17 =	vadd.f32 v17, v19;
	v12 =	vld [tilespmem:s10+$0x260]  }
0x11e: {  	v5 =	vadd.f32 v5, v18;
	v55 =	vld [tilespmem:s10+$0x270];
	v11 =	vadd.f32 v11, v16  }
0x11f: {  	v56 =	vld [tilespmem:s10+$0xA260];
	v4 =	vadd.f32 v4, v17;
	v10 =	vadd.f32 v10, v15  }
0x120: {  	v58 =	vld [tilespmem:s10+$0xA270];
	[tilespmem:s10+$0x200] =	vst v5;
	v3 =	vadd.f32 v3, v11;
	v57 =	vadd.f32 v9, v14  }
0x121: {  	[tilespmem:s10+$0x210] =	vst v4;
	v2 =	vadd.f32 v2, v10;
	v59 =	vadd.f32 v8, v13  }
0x122: {  	[tilespmem:s10+$0x220] =	vst v3;
	v1 =	vadd.f32 v1, v57;
	v60 =	vadd.f32 v7, v12  }
0x123: {  	[tilespmem:s10+$0x230] =	vst v2;
	v0 =	vadd.f32 v0, v59;
	v61 =	vadd.f32 v6, v55  }
.Ltmp5:
0x124: {  	[tilespmem:s10+$0x240] =	vst v1;
	v62 =	vadd.f32 v56, v60;
	(pc) =	sbr.rel @p0 .LBB2_11-.Ltmp5, $4  }
0x125: {  	[tilespmem:s10+$0x250] =	vst v0;
	v63 =	vadd.f32 v58, v61  }
0x126: {  	[tilespmem:s10+$0x260] =	vst v62  }
0x127: {  	[tilespmem:s10+$0x270] =	vst v63;
	s10 =	simm.s32 $0x7  }
0x128: {  	[hbm4b:s19+s4] =	stream.linear.scatter [tilespmem:s23], [sflag:$0x7], $0x2800, $0x38;
	[tilespmem:$0xF200] =	vst v63  }
0x129: {  	_ =	swait.ge [sflag:s20], $0x50  }
0x12a: {  	[sflag:s20] =	ssyncset.done $0x0  }
0x12b: {  	[sflag:s20] =	ssyncadd.s32 $0xFFFFFFB0  }
0x12c: {  	_ =	swait.ge [sflag:s20], $0x50  }
0x12d: {  	[sflag:s20] =	ssyncset.done $0x0  }
0x12e: {  	s10 =	simm.s32 $0x7A00;
	[sflag:s20] =	ssyncadd.s32 $0xFFFFFFB0  }
0x12f: {  	[tilespmem:s10], [sflag:$0x6] =	stream.indirect.gather [hbm4b:s1+s25], $0x80, s29, s25, $0xb8;
	[tilespmem:$0xF200] =	vst v63  }
0x130: {  	s12 =	simm.s32 $0xCA00  }
0x131: {  	[tilespmem:s12], [sflag:$0x6] =	stream.indirect.gather [hbm4b:s2+s25], $0x80, s30, s25, $0xb8;
	[tilespmem:$0xF200] =	vst v63  }
0x132: {  	_ =	swait.ge [sflag:s5], $0x2800  }
0x133: {  	[sflag:s5] =	ssyncset.done $0x0  }
0x134: {  	[sflag:s5] =	ssyncadd.s32 $0xFFFFD800  }
0x135: {  	_ =	swait.ge [sflag:s6], $0x2800  }
0x136: {  	[sflag:s6] =	ssyncset.done $0x0  }
0x137: {  	[sflag:s6] =	ssyncadd.s32 $0xFFFFD800  }
0x138: {  	_ =	swait.ge [sflag:s7], $0x2800  }
0x139: {  	[sflag:s7] =	ssyncset.done $0x0  }
0x13a: {  	[sflag:s7] =	ssyncadd.s32 $0xFFFFD800  }
0x13b: {  	_ =	swait.ge [sflag:s7], $0x2800  }
0x13c: {  	[sflag:s7] =	ssyncset.done $0x0  }
0x13d: {  	s10 =	simm.s32 $0x0;
	[sflag:s7] =	ssyncadd.s32 $0xFFFFD800  }
0x13e: {  	v5 =	vld [tilespmem:s10+$0xCA00]  }
0x13f: {  	v4 =	vld [tilespmem:s10+$0xCA10]  }
0x140: {  	v3 =	vld [tilespmem:s10+$0xCA20]  }
0x141: {  	v2 =	vld [tilespmem:s10+$0xCA30]  }
0x142: {  	v1 =	vld [tilespmem:s10+$0xCA40]  }
0x143: {  	v0 =	vld [tilespmem:s10+$0xCA50]  }
0x144: {  	v12 =	vld [tilespmem:s10+$0x7A00]  }
0x145: {  	v17 =	vld [tilespmem:s10+$0x7A10]  }
0x146: {  	v11 =	vld [tilespmem:s10+$0x7A20]  }
0x147: {  	v10 =	vld [tilespmem:s10+$0x7A30]  }
0x148: {  	v9 =	vld [tilespmem:s10+$0x7A40]  }
0x149: {  	v8 =	vld [tilespmem:s10+$0x7A50]  }
0x14a: {  	v7 =	vld [tilespmem:s10+$0x7A60]  }
0x14b: {  	v6 =	vld [tilespmem:s10+$0x7A70]  }
0x14c: {  	v18 =	vld [tilespmem:s10+$0x2A00]  }
0x14d: {  	v19 =	vld [tilespmem:s10+$0x2A10]  }
0x14e: {  	v16 =	vld [tilespmem:s10+$0x2A20]  }
0x14f: {  	v15 =	vld [tilespmem:s10+$0x2A30]  }
0x150: {  	v14 =	vld [tilespmem:s10+$0x2A40]  }
0x151: {  	v13 =	vld [tilespmem:s10+$0x2A50];
	v18 =	vadd.f32 v12, v18  }
0x152: {  	s11 =	simm.s32 $0x200;
	v17 =	vadd.f32 v17, v19;
	v12 =	vld [tilespmem:s10+$0x2A60]  }
.LBB2_9:
0x153: {  	p1 =	sne.s32 s11, $0x9E00;
	v5 =	vadd.f32 v5, v18;
	v11 =	vadd.f32 v11, v16;
	v16 =	vld [tilespmem:s10+$0x2A70]  }
0x154: {  	v4 =	vadd.f32 v4, v17;
	v10 =	vadd.f32 v10, v15;
	v15 =	vld [tilespmem:s10+$0xCA60]  }
0x155: {  	s12 =	sshra.s32 s11, $0x2;
	v9 =	vadd.f32 v9, v14;
	[tilespmem:s10+$0x2A00] =	vst v5;
	v3 =	vadd.f32 v3, v11;
	v11 =	vld [tilespmem:s10+$0xCA70]  }
0x156: {  	v8 =	vadd.f32 v8, v13;
	v2 =	vadd.f32 v2, v10;
	v5 =	vld [tilespmem:s12+$0xCA00];
	[tilespmem:s10+$0x2A10] =	vst v4  }
0x157: {  	v7 =	vadd.f32 v7, v12;
	v1 =	vadd.f32 v1, v9;
	v4 =	vld [tilespmem:s12+$0xCA10];
	[tilespmem:s10+$0x2A20] =	vst v3  }
0x158: {  	v0 =	vadd.f32 v0, v8;
	v3 =	vld [tilespmem:s12+$0xCA20];
	[tilespmem:s10+$0x2A30] =	vst v2;
	v6 =	vadd.f32 v6, v16  }
0x159: {  	v2 =	vld [tilespmem:s12+$0xCA30];
	[tilespmem:s10+$0x2A40] =	vst v1;
	v7 =	vadd.f32 v15, v7  }
0x15a: {  	v1 =	vld [tilespmem:s12+$0xCA40];
	[tilespmem:s10+$0x2A50] =	vst v0;
	v6 =	vadd.f32 v11, v6  }
0x15b: {  	v0 =	vld [tilespmem:s12+$0xCA50];
	[tilespmem:s10+$0x2A60] =	vst v7  }
0x15c: {  	v12 =	vld [tilespmem:s12+$0x7A00];
	[tilespmem:s10+$0x2A70] =	vst v6;
	s10 =	smov.u32 s12  }
0x15d: {  	v17 =	vld [tilespmem:s10+$0x7A10]  }
0x15e: {  	v11 =	vld [tilespmem:s10+$0x7A20]  }
0x15f: {  	v10 =	vld [tilespmem:s10+$0x7A30]  }
0x160: {  	v9 =	vld [tilespmem:s10+$0x7A40]  }
0x161: {  	v8 =	vld [tilespmem:s10+$0x7A50]  }
0x162: {  	v7 =	vld [tilespmem:s10+$0x7A60]  }
0x163: {  	v6 =	vld [tilespmem:s10+$0x7A70]  }
0x164: {  	v13 =	vld [tilespmem:s10+$0x2A00]  }
0x165: {  	v19 =	vld [tilespmem:s10+$0x2A10]  }
.Ltmp6:
0x166: {  	v16 =	vld [tilespmem:s10+$0x2A20];
	(pc) =	sbr.rel @p1 .LBB2_9-.Ltmp6, $4  }
0x167: {  	v15 =	vld [tilespmem:s10+$0x2A30]  }
0x168: {  	v14 =	vld [tilespmem:s10+$0x2A40]  }
0x169: {  	v18 =	vadd.f32 v12, v13;
	v13 =	vld [tilespmem:s10+$0x2A50]  }
0x16a: {  	s11 =	sadd.s32 $0x200, s11;
	v17 =	vadd.f32 v17, v19;
	v12 =	vld [tilespmem:s10+$0x2A60]  }
.Ltmp7:
0x16b: {  	_ = 	snop;
	(pc) =	sbr.rel .LBB2_10-.Ltmp7, $1  }
0x16c: {  	_ =	sdelay $0x3  }
.LBB2_12:
0x16d: {  	_ =	sfence.sel $0x180000  }
0x16e: {  	[bflag:$0x0] =	sbarrier.arrive $0xFFFF  }
0x16f: {  	_ =	strace $0x9000004A  }
0x170: {  	s0 =	stileid.u32;
	[bflag:$0x2] =	sbarrier.arrive $0xFFFF  }
0x171: {  	p0 =	sne.s32 s0, $0x0;
	s0 =	rddreg [dreg:$0x5]  }
0x172: {  	s0 =	sadd.s32 @!p0 $0x100000, s0  }
0x173: {  	[sflag:s0] =	ssyncadd.tile.s32 @!p0 $0x1;
	_ =	shalt  }
.Lfunc_end2:
_tile_overlayer_lowered:
.L_overlay_start_2:
0x174: {  	(tag) =	ssettag $0x2  }
0x175: {  	s0 =	rddreg [dreg:$0x0];
	s2 =	stileid.u32  }
0x176: {  	s1 =	rddreg [dreg:$0x1];
	p0 =	sne.s32 s2, $0x0  }
0x177: {  	s3 =	rddreg [dreg:$0x2];
	[bflag:$0x3] =	sbarrier.arrive $0xFFFF;
	s2 =	simm.s32 @!p0 $0x1C09  }
0x178: {  	[timem:s3], [sflag:s2] =	dma.local @!p0 [hbm:s0], s1  }
0x179: {  	s0 =	simm.s32 @!p0 $0x9  }
0x17a: {  	_ =	swait.ge @!p0 [sflag:s0], s1  }
0x17b: {  	s1 =	ssub.s32 @!p0 $0x0, s1;
	[sflag:s0] =	ssyncset.done @!p0 $0x0  }
0x17c: {  	[sflag:s0] =	ssyncadd.s32 @!p0 s1  }
0x17d: {  	[bflag:$0x3] =	sbarrier.arrive $0xFFFF  }
0x17e: {  	_ =	shalt  }

</sc_bundles>
